<compile_context>
chip_gen: v7x
topology: tpu7x:2x2x1
jax: 0.10.2.dev20260603
libtpu: 0.0.44.dev20260713+nightly
codegen_flags: <defaults>
</compile_context>

<pallas_src>
import functools

import jax
import jax.numpy as jnp
from jax import lax
from jax.experimental import pallas as pl
from jax.experimental.pallas import tpu as pltpu
from jax.experimental.pallas import tpu_sc as plsc

N = 10000
D = 128
NE = 320000
S = 4096
P = 8192
NEG = 10
TEMP = 0.07
AUG_W = 1e-05
INS_W = 1e-05

NC, NS, L = 2, 16, 16
NW = NC * NS
K = 128
EK = 64
ECH = 160
EW = ECH * EK
PAD_E = NW * EW
ACC_ROWS = 10240
ROWS_PER_TILE = ACC_ROWS // NS
TRASH = N

def _mesh():
    return plsc.VectorSubcoreMesh(
        core_axis_name="c", subcore_axis_name="s", num_cores=NC, num_subcores=NS)


def _spmm_body(pre, src_i, dst_i, out, sbuf, dbuf, rb0, rb1, rb2, rb3, acc,
               rsem0, rsem1, rsem2, rsem3, isem0, isem1, isem2, isem3,
               ssem0, ssem1, ssem2, ssem3, dsem0, dsem1, dsem2, dsem3):
    cid = lax.axis_index("c")
    sid = lax.axis_index("s")
    wid = cid * NS + sid
    rbufs = (rb0, rb1, rb2, rb3)
    rsems = (rsem0, rsem1, rsem2, rsem3)
    isems = (isem0, isem1, isem2, isem3)
    ssems = (ssem0, ssem1, ssem2, ssem3)
    dsems = (dsem0, dsem1, dsem2, dsem3)

    def issue_idx(cur, s):
        pltpu.async_copy(src_i.at[wid, cur], sbuf.at[s], isems[s])

    def wait_idx(s):
        pltpu.make_async_copy(src_i.at[wid, 0], sbuf.at[s], isems[s]).wait()

    def issue_didx(cur, s):
        pltpu.async_copy(dst_i.at[wid, cur], dbuf.at[s], dsems[s])

    def wait_didx(s):
        pltpu.make_async_copy(dst_i.at[wid, 0], dbuf.at[s], dsems[s]).wait()

    def issue_rows(s, b):
        pltpu.async_copy(pre.at[sbuf.at[s]], rbufs[b], rsems[b])

    def wait_rows(b):
        pltpu.make_async_copy(pre.at[sbuf.at[b]], rbufs[b], rsems[b]).wait()

    def issue_scat(b):
        pltpu.async_copy(rbufs[b], acc.at[dbuf.at[b]], ssems[b], add=True)

    def wait_scat(b):
        pltpu.make_async_copy(rbufs[b], acc.at[dbuf.at[b]], ssems[b]).wait()

    for c in range(4):
        issue_idx(c, c)
        issue_didx(c, c)
    for c in range(2):
        wait_idx(c)
        issue_rows(c, c)

    @pl.loop(0, EK)
    def _(r):
        for c in range(D // L):
            rb3[r, pl.ds(c * L, L)] = jnp.zeros((L,), jnp.float32)

    for c in range(ROWS_PER_TILE // EK):
        pltpu.sync_copy(rb3, acc.at[pl.ds(sid * ROWS_PER_TILE + c * EK, EK)])
    plsc.subcore_barrier()

    @pl.loop(0, ECH, step=4)
    def _(j):
        for t in range(4):
            cur = j + t
            wait_rows(t)

            @pl.when(cur + 4 < ECH)
            def _(cur=cur, t=t):
                issue_idx(cur + 4, t)

            wait_didx(t)
            issue_scat(t)
            t2 = (t + 2) % 4

            @pl.when(cur + 2 < ECH)
            def _(cur=cur, t2=t2):
                @pl.when(cur >= 2)
                def _(cur=cur, t2=t2):
                    wait_scat(t2)
                    issue_didx(cur + 2, t2)

                wait_idx(t2)
                issue_rows(t2, t2)

    for c in range(ECH - 4, ECH):
        wait_scat(c % 4)
    plsc.subcore_barrier()
    pltpu.sync_copy(acc.at[pl.ds(sid * ROWS_PER_TILE, ROWS_PER_TILE)],
                    out.at[cid, pl.ds(sid * ROWS_PER_TILE, ROWS_PER_TILE)])


def _spmm(pre, src_i, dst_i):
    return pl.kernel(
        _spmm_body,
        out_type=jax.ShapeDtypeStruct((NC, ACC_ROWS, D), jnp.float32),
        mesh=_mesh(),
        scratch_types=[
            pltpu.VMEM((4, EK), jnp.int32),
            pltpu.VMEM((4, EK), jnp.int32),
            pltpu.VMEM((EK, D), jnp.float32),
            pltpu.VMEM((EK, D), jnp.float32),
            pltpu.VMEM((EK, D), jnp.float32),
            pltpu.VMEM((EK, D), jnp.float32),
            pltpu.VMEM_SHARED((ACC_ROWS, D), jnp.float32),
        ] + [pltpu.SemaphoreType.DMA] * 16,
    )(pre, src_i, dst_i)

SEG_CH = (1, 2, 2, 20, 10)
GD_CH = 2


def _seg_ring(table, idx_v, off, nch, seg_o, wid, rbufs, rsems, wsems):

    def issue(cur, b):
        pltpu.async_copy(table.at[idx_v.at[off + cur]], rbufs[b], rsems[b])

    def wait_r(b):
        pltpu.make_async_copy(table.at[idx_v.at[off]], rbufs[b],
                              rsems[b]).wait()

    def write(cur, b):
        pltpu.async_copy(rbufs[b],
                         seg_o.at[pl.ds(wid * nch * K + cur * K, K)],
                         wsems[b])

    def wait_w(b):
        pltpu.make_async_copy(rbufs[b], seg_o.at[pl.ds(0, K)],
                              wsems[b]).wait()

    for c in range(min(2, nch)):
        issue(c, c)
    nfull = (nch // 4) * 4
    if nfull:
        @pl.loop(0, nfull, step=4)
        def _(j):
            for t in range(4):
                cur = j + t
                wait_r(t)
                write(cur, t)
                t2 = (t + 2) % 4

                @pl.when(cur + 2 < nch)
                def _(cur=cur, t2=t2):
                    @pl.when(cur >= 2)
                    def _():
                        wait_w(t2)

                    issue(cur + 2, t2)

    for cur in range(nfull, nch):
        b = cur % 4
        wait_r(b)
        write(cur, b)
        if cur + 2 < nch:
            if cur >= 2:
                wait_w((cur + 2) % 4)
            issue(cur + 2, (cur + 2) % 4)
    for c in range(max(0, nch - 4), nch):
        wait_w(c % 4)


def _gather1_body(h, sel_i, idn_i, o_sel, o_idn,
                  idx_v, rb0, rb1, rb2, rb3,
                  rsem0, rsem1, rsem2, rsem3, wsem0, wsem1, wsem2, wsem3):
    cid = lax.axis_index("c")
    sid = lax.axis_index("s")
    wid = cid * NS + sid
    rbufs = (rb0, rb1, rb2, rb3)
    rsems = (rsem0, rsem1, rsem2, rsem3)
    wsems = (wsem0, wsem1, wsem2, wsem3)

    pltpu.sync_copy(sel_i.at[wid], idx_v.at[pl.ds(0, 1)])
    pltpu.sync_copy(idn_i.at[wid], idx_v.at[pl.ds(1, SEG_CH[4])])
    _seg_ring(h, idx_v, 0, 1, o_sel, wid, rbufs, rsems, wsems)
    _seg_ring(h, idx_v, 1, SEG_CH[4], o_idn, wid, rbufs, rsems, wsems)


def _gather1(h, sel_i, idn_i):
    return pl.kernel(
        _gather1_body,
        out_type=[
            jax.ShapeDtypeStruct((S, D), jnp.float32),
            jax.ShapeDtypeStruct((S * NEG, D), jnp.float32),
        ],
        mesh=_mesh(),
        scratch_types=[
            pltpu.VMEM((1 + SEG_CH[4], K), jnp.int32),
            pltpu.VMEM((K, D), jnp.float32),
            pltpu.VMEM((K, D), jnp.float32),
            pltpu.VMEM((K, D), jnp.float32),
            pltpu.VMEM((K, D), jnp.float32),
        ] + [pltpu.SemaphoreType.DMA] * 8,
    )(h, sel_i, idn_i)


def _gather2_body(h, gdir, osel, col_i, neg_i, gd_i,
                  o_row, o_col, o_neg, o_gd,
                  idx_v, rb0, rb1, rb2, rb3,
                  rsem0, rsem1, rsem2, rsem3, wsem0, wsem1, wsem2, wsem3):
    cid = lax.axis_index("c")
    sid = lax.axis_index("s")
    wid = cid * NS + sid
    rbufs = (rb0, rb1, rb2, rb3)
    rsems = (rsem0, rsem1, rsem2, rsem3)
    wsems = (wsem0, wsem1, wsem2, wsem3)

    pltpu.sync_copy(col_i.at[wid], idx_v.at[pl.ds(0, SEG_CH[2])])
    pltpu.sync_copy(neg_i.at[wid], idx_v.at[pl.ds(2, SEG_CH[3])])
    pltpu.sync_copy(gd_i.at[wid], idx_v.at[pl.ds(22, GD_CH)])
    _seg_ring(h, idx_v, 0, SEG_CH[2], o_col, wid, rbufs, rsems, wsems)
    _seg_ring(h, idx_v, 2, SEG_CH[3], o_neg, wid, rbufs, rsems, wsems)
    _seg_ring(gdir, idx_v, 22, GD_CH, o_gd, wid, rbufs, rsems, wsems)
    _seg_ring(osel, idx_v, 22, SEG_CH[1], o_row, wid, rbufs, rsems, wsems)


def _gather2(h, gdir, osel, col_i, neg_i, gd_i):
    return pl.kernel(
        _gather2_body,
        out_type=[
            jax.ShapeDtypeStruct((P, D), jnp.float32),
            jax.ShapeDtypeStruct((P, D), jnp.float32),
            jax.ShapeDtypeStruct((P * NEG, D), jnp.float32),
            jax.ShapeDtypeStruct((P, D), jnp.float32),
        ],
        mesh=_mesh(),
        scratch_types=[
            pltpu.VMEM((22 + GD_CH, K), jnp.int32),
            pltpu.VMEM((K, D), jnp.float32),
            pltpu.VMEM((K, D), jnp.float32),
            pltpu.VMEM((K, D), jnp.float32),
            pltpu.VMEM((K, D), jnp.float32),
        ] + [pltpu.SemaphoreType.DMA] * 8,
    )(h, gdir, osel, col_i, neg_i, gd_i)



_MM_B = 2000


def _mm_body(x_ref, w_ref, o_ref):
    o_ref[...] = jnp.dot(x_ref[...], w_ref[...],
                         preferred_element_type=jnp.float32)


def _mm(x, w):
    return pl.pallas_call(
        _mm_body,
        grid=(N // _MM_B,),
        in_specs=[pl.BlockSpec((_MM_B, D), lambda i: (i, 0)),
                  pl.BlockSpec((D, D), lambda i: (0, 0))],
        out_specs=pl.BlockSpec((_MM_B, D), lambda i: (i, 0)),
        out_shape=jax.ShapeDtypeStruct((N, D), jnp.float32),
    )(x, w)


def _relu_mm_body(p_ref, w_ref, o_ref):
    s = jnp.maximum(p_ref[0] + p_ref[1], 0.0)
    o_ref[...] = jnp.dot(s, w_ref[...], preferred_element_type=jnp.float32)


def _relu_mm(parts, w):
    return pl.pallas_call(
        _relu_mm_body,
        grid=(N // _MM_B,),
        in_specs=[pl.BlockSpec((NC, _MM_B, D), lambda i: (0, i, 0)),
                  pl.BlockSpec((D, D), lambda i: (0, 0))],
        out_specs=pl.BlockSpec((_MM_B, D), lambda i: (i, 0)),
        out_shape=jax.ShapeDtypeStruct((N, D), jnp.float32),
    )(parts, w)


def _relu_add_body(p_ref, o_ref):
    o_ref[...] = jnp.maximum(p_ref[0] + p_ref[1], 0.0)


def _relu_add(parts):
    return pl.pallas_call(
        _relu_add_body,
        grid=(N // _MM_B,),
        in_specs=[pl.BlockSpec((NC, _MM_B, D), lambda i: (0, i, 0))],
        out_specs=pl.BlockSpec((_MM_B, D), lambda i: (i, 0)),
        out_shape=jax.ShapeDtypeStruct((N, D), jnp.float32),
    )(parts)


def _softplus(x):
    return jnp.maximum(x, 0.0) + jnp.log1p(jnp.exp(-jnp.abs(x)))


_LB = 2048


def _lane_consts():
    lane = lax.broadcasted_iota(jnp.int32, (1, 128), 1)
    w = jnp.where(lane == 0, 10.0, jnp.where(lane < 11, 1.0, 0.0))
    sgn = jnp.where(lane == 0, -1.0, jnp.where(lane < 11, 1.0, 0.0))
    return w, sgn


def _packed_logits(a, other, neg_ref, extra, bd):
    prods = [a * other] + [a * neg_ref[j] for j in range(NEG)] + [a * extra]
    x = jnp.concatenate(prods, axis=1)
    return jnp.dot(x, bd, preferred_element_type=jnp.float32)


def _loss_edges_body(row_ref, col_ref, neg_ref, gd_ref, w_ref, bd_ref,
                     og_ref, oa_ref):
    row = row_ref[...]
    col = col_ref[...]
    gdir = gd_ref[...]
    wstd = jnp.broadcast_to(w_ref[...], row.shape)
    bd = bd_ref[...]
    w, sgn = _lane_consts()

    p1 = _packed_logits(row, col, neg_ref, wstd, bd)
    p2 = _packed_logits(gdir, col, neg_ref, gdir, bd)
    std = jax.nn.sigmoid(p1[:, 11:12])
    c = std / jnp.maximum(jnp.sqrt(p2[:, 11:12]), 1e-12)
    base = p1 * sgn
    aug = (p1 + c * p2) * sgn
    gae_sum = jnp.sum(w * _softplus(base))
    aug_sum = jnp.sum(w * _softplus(aug))

    @pl.when(pl.program_id(0) == 0)
    def _():
        og_ref[...] = jnp.zeros_like(og_ref)
        oa_ref[...] = jnp.zeros_like(oa_ref)

    og_ref[...] = og_ref[...] + gae_sum
    oa_ref[...] = oa_ref[...] + aug_sum


def _loss_edges(row_h, col_h, neg3, gdir_rows, wstd_t, bd):
    return pl.pallas_call(
        _loss_edges_body,
        grid=(P // _LB,),
        in_specs=[pl.BlockSpec((_LB, D), lambda i: (i, 0)),
                  pl.BlockSpec((_LB, D), lambda i: (i, 0)),
                  pl.BlockSpec((NEG, _LB, D), lambda i: (0, i, 0)),
                  pl.BlockSpec((_LB, D), lambda i: (i, 0)),
                  pl.BlockSpec((1, D), lambda i: (0, 0)),
                  pl.BlockSpec((12 * D, 128), lambda i: (0, 0))],
        out_specs=[pl.BlockSpec((1, 1), lambda i: (0, 0)),
                   pl.BlockSpec((1, 1), lambda i: (0, 0))],
        out_shape=[jax.ShapeDtypeStruct((1, 1), jnp.float32),
                   jax.ShapeDtypeStruct((1, 1), jnp.float32)],
    )(row_h, col_h, neg3, gdir_rows, wstd_t, bd)


def _loss_inst_body(gae_ref, gdir_ref, neg_ref, w_ref, bd_ref, o_ref):
    gae_h = gae_ref[...]
    gdir = gdir_ref[...]
    wstd = jnp.broadcast_to(w_ref[...], gae_h.shape)
    bd = bd_ref[...]
    w, sgn = _lane_consts()
    w = jnp.where(w > 0.0, 1.0, 0.0)

    p1 = _packed_logits(gae_h, gae_h, neg_ref, wstd, bd)
    p2 = _packed_logits(gdir, gae_h, neg_ref, gdir, bd)
    std = jax.nn.sigmoid(p1[:, 11:12])
    c = std / jnp.maximum(jnp.sqrt(p2[:, 11:12]), 1e-12)
    logits = ((p1 + c * p2) * (1.0 / TEMP)) * sgn
    acc = jnp.sum(w * _softplus(logits))

    @pl.when(pl.program_id(0) == 0)
    def _():
        o_ref[...] = jnp.zeros_like(o_ref)

    o_ref[...] = o_ref[...] + acc


def _loss_inst(gae_h, gdir, idn3, wstd_t, bd):
    return pl.pallas_call(
        _loss_inst_body,
        grid=(S // _LB,),
        in_specs=[pl.BlockSpec((_LB, D), lambda i: (i, 0)),
                  pl.BlockSpec((_LB, D), lambda i: (i, 0)),
                  pl.BlockSpec((NEG, _LB, D), lambda i: (0, i, 0)),
                  pl.BlockSpec((1, D), lambda i: (0, 0)),
                  pl.BlockSpec((12 * D, 128), lambda i: (0, 0))],
        out_specs=pl.BlockSpec((1, 1), lambda i: (0, 0)),
        out_shape=jax.ShapeDtypeStruct((1, 1), jnp.float32),
    )(gae_h, gdir, idn3, wstd_t, bd)


def kernel(x, edge_index, gradint_dir, select_index, id2id, new_rows, cols,
           negs, id_negs, W1, W2, W_std):
    src = edge_index[0]
    dst = edge_index[1]
    pad = PAD_E - NE
    pad_i = jnp.arange(pad, dtype=jnp.int32)
    src_p = jnp.concatenate([src, pad_i % N]).reshape(NW, ECH, EK)
    dst_p = jnp.concatenate([dst, TRASH + pad_i % (ACC_ROWS - N)]).reshape(NW, ECH, EK)

    pre1 = _mm(x, W1)
    parts1 = _spmm(pre1, src_p, dst_p)
    pre2 = _relu_mm(parts1, W2)
    parts2 = _spmm(pre2, src_p, dst_p)
    h = _relu_add(parts2)

    sel_i = select_index.reshape(NW, 1, K)
    col_i = cols.reshape(NW, SEG_CH[2], K)
    neg_i = negs.T.reshape(NW, SEG_CH[3], K)
    idn_i = id_negs.T.reshape(NW, SEG_CH[4], K)
    gd_i = new_rows.reshape(NW, GD_CH, K)

    wstd_t = W_std.reshape(1, D)
    bd = jnp.repeat(jnp.eye(12, 128, dtype=jnp.float32), D, axis=0)

    gae_h, idn_f = _gather1(h, sel_i, idn_i)
    idn3 = idn_f.reshape(NEG, S, D)
    l2 = _loss_inst(gae_h, gradint_dir, idn3, wstd_t, bd)

    row_h, col_h, neg_f, gdir_rows = _gather2(
        h, gradint_dir, gae_h, col_i, neg_i, gd_i)
    neg3 = neg_f.reshape(NEG, P, D)
    lg, la = _loss_edges(row_h, col_h, neg3, gdir_rows, wstd_t, bd)

    gae_loss = lg[0, 0] / P
    aug_loss = la[0, 0] / P
    inst_loss = l2[0, 0] / S
    return gae_loss + AUG_W * aug_loss + INS_W * inst_loss

# --- scband reference (transcript-rebuilt; emitter-appended) ---
"""Pipeline reference for scband-foward-r-79190607004097 (READ-ONLY COPY).

The authoritative reference and input builder live on the scoring server;
editing this copy changes nothing except your own understanding.
"""

import jax, jax.numpy as jnp
import numpy as np

N_NODES = 10000
D_FEAT = 128
EMB = 128
S_SEL = 4096
N_EDGES = 320000
P_EDGES = 8192
NEG = 10
TEMP = 0.07
AUG_W = 1e-05
INS_W = 1e-05


def _weighted_ce(labels, logits, pos_weight):
    log_w = 1.0 + (pos_weight - 1.0) * labels
    return (1.0 - labels) * logits + log_w * (jnp.log1p(jnp.exp(-jnp.abs(logits))) + jnp.maximum(-logits, 0.0))


def _sigmoid_ce(labels, logits):
    return jnp.maximum(logits, 0.0) - logits * labels + jnp.log1p(jnp.exp(-jnp.abs(logits)))


def _gcn_layer(x, src, dst, W, n):
    pre = x @ W
    msg = jnp.take(pre, src, axis=0)
    agg = jax.ops.segment_sum(msg, dst, num_segments=n)
    return jax.nn.relu(agg)


def _l2_normalize(v):
    nrm = jnp.sqrt(jnp.sum(jnp.square(v), axis=-1, keepdims=True))
    return v / jnp.maximum(nrm, 1e-12)


def _gae_loss_large(gae_h, h, row, col, negs):
    row_h = jnp.take(gae_h, row, axis=0)
    col_h = jnp.take(h, col, axis=0)
    pos_logits = jnp.sum(row_h * col_h, axis=-1, keepdims=True)
    neg_h = jnp.take(h, negs.reshape(-1), axis=0).reshape(negs.shape[0], negs.shape[1], -1)
    aug = jnp.broadcast_to(row_h[:, None, :], neg_h.shape)
    neg_logits = jnp.sum(aug * neg_h, axis=2)
    logits = jnp.concatenate([pos_logits, neg_logits], axis=1)
    labels = jnp.concatenate([jnp.ones((row_h.shape[0], 1), jnp.float32), jnp.zeros((row_h.shape[0], negs.shape[1]), jnp.float32)], axis=1)
    return jnp.mean(jnp.sum(_weighted_ce(labels, logits, float(negs.shape[1])), axis=1))


def _instance_loss(aug_h, h, neg_h):
    pos = jnp.sum(aug_h * h, axis=1, keepdims=True) / TEMP
    aug = jnp.broadcast_to(aug_h[:, None, :], neg_h.shape)
    neg = jnp.sum(aug * neg_h, axis=2) / TEMP
    logits = jnp.concatenate([pos, neg], axis=1)
    labels = jnp.concatenate([jnp.ones((h.shape[0], 1), jnp.float32), jnp.zeros((h.shape[0], neg_h.shape[1]), jnp.float32)], axis=1)
    return jnp.mean(jnp.sum(_sigmoid_ce(labels, logits), axis=1))


def setup_inputs(seed: int = 0):
    key = jax.random.key(seed)
    ks = jax.random.split(key, 12)
    x = jax.random.normal(ks[0], (N_NODES, D_FEAT), dtype=jnp.float32)
    edge_index = jax.random.randint(ks[1], (2, N_EDGES), 0, N_NODES, dtype=jnp.int32)
    gradint_dir = jax.random.normal(ks[2], (S_SEL, EMB), dtype=jnp.float32)
    select_index = jax.random.randint(ks[3], (S_SEL,), 0, N_NODES, dtype=jnp.int32)
    id2id = jax.random.randint(ks[4], (S_SEL,), 0, N_NODES, dtype=jnp.int32)
    new_rows = jax.random.randint(ks[5], (P_EDGES,), 0, S_SEL, dtype=jnp.int32)
    cols = jax.random.randint(ks[6], (P_EDGES,), 0, N_NODES, dtype=jnp.int32)
    negs = jax.random.randint(ks[7], (P_EDGES, NEG), 0, N_NODES, dtype=jnp.int32)
    id_negs = jax.random.randint(ks[8], (S_SEL, NEG), 0, N_NODES, dtype=jnp.int32)
    sc1 = float(np.sqrt(6.0 / (D_FEAT + EMB)))
    W1 = jax.random.uniform(ks[9], (D_FEAT, EMB), dtype=jnp.float32, minval=-sc1, maxval=sc1)
    W2 = jax.random.uniform(ks[10], (EMB, EMB), dtype=jnp.float32, minval=-sc1, maxval=sc1)
    sc2 = float(np.sqrt(6.0 / (EMB + 1)))
    W_std = jax.random.uniform(ks[11], (EMB, 1), dtype=jnp.float32, minval=-sc2, maxval=sc2)
    return {"x": x, "edge_index": edge_index, "gradint_dir": gradint_dir, "select_index": select_index, "id2id": id2id, "new_rows": new_rows, "cols": cols, "negs": negs, "id_negs": id_negs, "W1": W1, "W2": W2, "W_std": W_std}


def reference(x, edge_index, gradint_dir, select_index, id2id, new_rows, cols, negs, id_negs, W1, W2, W_std):
    src, dst = edge_index[0], edge_index[1]
    n = x.shape[0]
    h1 = _gcn_layer(x, src, dst, W1, n)
    h = _gcn_layer(h1, src, dst, W2, n)
    g = _l2_normalize(gradint_dir)
    gae_h = jnp.take(h, select_index, axis=0)
    gae_loss = _gae_loss_large(gae_h, h, new_rows, cols, negs)
    std = jax.nn.sigmoid(gae_h @ W_std)
    gd = g * std
    aug_h = gae_h + gd
    aug_gae_loss = _gae_loss_large(aug_h, h, new_rows, cols, negs)
    neg_h = jnp.take(h, id_negs.reshape(-1), axis=0).reshape(S_SEL, NEG, EMB)
    instance_loss = _instance_loss(aug_h, gae_h, neg_h)
    total = gae_loss + AUG_W * aug_gae_loss + INS_W * instance_loss
    return total

if __name__ == "__main__":
    import jax
    _d = setup_inputs()
    print(jax.jit(kernel)(*tuple(_d.values())))

</pallas_src>

<mosaic_0001>
#map = affine_map<(d0, d1) -> (0, 0)>
#map1 = affine_map<(d0, d1) -> (0, 0, 0)>
module attributes {stable_mosaic.version = 14 : i64} {
  func.func @_gather1_body(%arg0: i32, %arg1: i32, %arg2: memref<10000x128xf32, #tpu.memory_space<hbm>>, %arg3: memref<32x1x128xi32, #tpu.memory_space<hbm>>, %arg4: memref<32x10x128xi32, #tpu.memory_space<hbm>>, %arg5: memref<4096x128xf32, #tpu.memory_space<hbm>>, %arg6: memref<40960x128xf32, #tpu.memory_space<hbm>>, %arg7: memref<11x128xi32, #tpu.memory_space<vmem>>, %arg8: memref<128x128xf32, #tpu.memory_space<vmem>>, %arg9: memref<128x128xf32, #tpu.memory_space<vmem>>, %arg10: memref<128x128xf32, #tpu.memory_space<vmem>>, %arg11: memref<128x128xf32, #tpu.memory_space<vmem>>, %arg12: memref<!tpu.dma_semaphore, #tpu.memory_space<semaphore_mem>>, %arg13: memref<!tpu.dma_semaphore, #tpu.memory_space<semaphore_mem>>, %arg14: memref<!tpu.dma_semaphore, #tpu.memory_space<semaphore_mem>>, %arg15: memref<!tpu.dma_semaphore, #tpu.memory_space<semaphore_mem>>, %arg16: memref<!tpu.dma_semaphore, #tpu.memory_space<semaphore_mem>>, %arg17: memref<!tpu.dma_semaphore, #tpu.memory_space<semaphore_mem>>, %arg18: memref<!tpu.dma_semaphore, #tpu.memory_space<semaphore_mem>>, %arg19: memref<!tpu.dma_semaphore, #tpu.memory_space<semaphore_mem>>) attributes {dimension_semantics = [#tpu.dimension_semantics<core_parallel>, #tpu.dimension_semantics<subcore_parallel>], iteration_bounds = array<i64: 2, 16>, scalar_prefetch = 0 : i64, scratch_operands = 13 : i64, tpu.core_type = #tpu.core_type<sc_vector_subcore>, window_params = [{transform_indices = #map}, {transform_indices = #map1}, {transform_indices = #map1}, {transform_indices = #map}, {transform_indices = #map}]} {
    %mul3A = arith.constant 16 : i32
    %mul3A_0 = arith.muli %arg0, %mul3A : i32
    %add3A = arith.addi %mul3A_0, %arg1 : i32
    "tpu.region"() ({
      %run_scoped3A = tpu.sem_alloc : memref<!tpu.dma_semaphore, #tpu.memory_space<semaphore_mem>>
      %dma_start3A_105 = arith.constant 0 : i32
      %dma_start3A_106 = arith.constant 0 : i32
      %dma_start3A_107 = tpu.memref_slice %arg7[%dma_start3A_105, %dma_start3A_106] : memref<11x128xi32, #tpu.memory_space<vmem>> -> memref<1x128xi32, #tpu.memory_space<vmem>>
      %dma_start3A_108 = arith.constant 0 : i32
      %dma_start3A_109 = arith.constant 0 : i32
      %dma_start3A_110 = tpu.memref_slice %arg3[%add3A, %dma_start3A_108, %dma_start3A_109] : memref<32x1x128xi32, #tpu.memory_space<hbm>> -> memref<1x1x128xi32, #tpu.memory_space<hbm>>
      %dma_start3A_111 = tpu.memref_squeeze %dma_start3A_110 : memref<1x1x128xi32, #tpu.memory_space<hbm>> -> memref<1x128xi32, #tpu.memory_space<hbm>>
      %dma_start3A_112 = arith.constant 0 : i32
      %dma_start3A_113 = arith.constant 0 : i32
      %dma_start3A_114 = tpu.memref_slice %arg7[%dma_start3A_112, %dma_start3A_113] : memref<11x128xi32, #tpu.memory_space<vmem>> -> memref<1x128xi32, #tpu.memory_space<vmem>>
      %dma_start3A_115 = arith.constant 0 : i32
      %dma_start3A_116 = arith.constant 0 : i32
      %dma_start3A_117 = tpu.memref_slice %arg3[%add3A, %dma_start3A_115, %dma_start3A_116] : memref<32x1x128xi32, #tpu.memory_space<hbm>> -> memref<1x1x128xi32, #tpu.memory_space<hbm>>
      %dma_start3A_118 = tpu.memref_squeeze %dma_start3A_117 : memref<1x1x128xi32, #tpu.memory_space<hbm>> -> memref<1x128xi32, #tpu.memory_space<hbm>>
      tpu.enqueue_dma source(%dma_start3A_118 : memref<1x128xi32, #tpu.memory_space<hbm>>) target(%dma_start3A_114 : memref<1x128xi32, #tpu.memory_space<vmem>>) target_semaphore(%run_scoped3A : memref<!tpu.dma_semaphore, #tpu.memory_space<semaphore_mem>>)
      %dma_wait3A_119 = arith.constant 0 : i32
      %dma_wait3A_120 = arith.constant 0 : i32
      %dma_wait3A_121 = tpu.memref_slice %arg7[%dma_wait3A_119, %dma_wait3A_120] : memref<11x128xi32, #tpu.memory_space<vmem>> -> memref<1x128xi32, #tpu.memory_space<vmem>>
      %dma_wait3A_122 = arith.constant 0 : i32
      %dma_wait3A_123 = arith.constant 0 : i32
      %dma_wait3A_124 = tpu.memref_slice %arg3[%add3A, %dma_wait3A_122, %dma_wait3A_123] : memref<32x1x128xi32, #tpu.memory_space<hbm>> -> memref<1x1x128xi32, #tpu.memory_space<hbm>>
      %dma_wait3A_125 = tpu.memref_squeeze %dma_wait3A_124 : memref<1x1x128xi32, #tpu.memory_space<hbm>> -> memref<1x128xi32, #tpu.memory_space<hbm>>
      %dma_wait3A_126 = arith.constant 0 : i32
      %dma_wait3A_127 = arith.constant 0 : i32
      %dma_wait3A_128 = tpu.memref_slice %arg7[%dma_wait3A_126, %dma_wait3A_127] : memref<11x128xi32, #tpu.memory_space<vmem>> -> memref<1x128xi32, #tpu.memory_space<vmem>>
      %dma_wait3A_129 = arith.constant 0 : i32
      %dma_wait3A_130 = arith.constant 0 : i32
      %dma_wait3A_131 = tpu.memref_slice %arg3[%add3A, %dma_wait3A_129, %dma_wait3A_130] : memref<32x1x128xi32, #tpu.memory_space<hbm>> -> memref<1x1x128xi32, #tpu.memory_space<hbm>>
      %dma_wait3A_132 = tpu.memref_squeeze %dma_wait3A_131 : memref<1x1x128xi32, #tpu.memory_space<hbm>> -> memref<1x128xi32, #tpu.memory_space<hbm>>
      tpu.wait_dma2 semaphore(%run_scoped3A : memref<!tpu.dma_semaphore, #tpu.memory_space<semaphore_mem>>) src(%dma_wait3A_132 : memref<1x128xi32, #tpu.memory_space<hbm>>) dst(%dma_wait3A_128 : memref<1x128xi32, #tpu.memory_space<vmem>>)
      tpu.yield
    }) : () -> ()
    "tpu.region"() ({
      %run_scoped3A = tpu.sem_alloc : memref<!tpu.dma_semaphore, #tpu.memory_space<semaphore_mem>>
      %dma_start3A_105 = arith.constant 1 : i32
      %dma_start3A_106 = arith.constant 0 : i32
      %dma_start3A_107 = tpu.memref_slice %arg7[%dma_start3A_105, %dma_start3A_106] : memref<11x128xi32, #tpu.memory_space<vmem>> -> memref<10x128xi32, #tpu.memory_space<vmem>>
      %dma_start3A_108 = arith.constant 0 : i32
      %dma_start3A_109 = arith.constant 0 : i32
      %dma_start3A_110 = tpu.memref_slice %arg4[%add3A, %dma_start3A_108, %dma_start3A_109] : memref<32x10x128xi32, #tpu.memory_space<hbm>> -> memref<1x10x128xi32, #tpu.memory_space<hbm>>
      %dma_start3A_111 = tpu.memref_squeeze %dma_start3A_110 : memref<1x10x128xi32, #tpu.memory_space<hbm>> -> memref<10x128xi32, #tpu.memory_space<hbm>>
      %dma_start3A_112 = arith.constant 1 : i32
      %dma_start3A_113 = arith.constant 0 : i32
      %dma_start3A_114 = tpu.memref_slice %arg7[%dma_start3A_112, %dma_start3A_113] : memref<11x128xi32, #tpu.memory_space<vmem>> -> memref<10x128xi32, #tpu.memory_space<vmem>>
      %dma_start3A_115 = arith.constant 0 : i32
      %dma_start3A_116 = arith.constant 0 : i32
      %dma_start3A_117 = tpu.memref_slice %arg4[%add3A, %dma_start3A_115, %dma_start3A_116] : memref<32x10x128xi32, #tpu.memory_space<hbm>> -> memref<1x10x128xi32, #tpu.memory_space<hbm>>
      %dma_start3A_118 = tpu.memref_squeeze %dma_start3A_117 : memref<1x10x128xi32, #tpu.memory_space<hbm>> -> memref<10x128xi32, #tpu.memory_space<hbm>>
      tpu.enqueue_dma source(%dma_start3A_118 : memref<10x128xi32, #tpu.memory_space<hbm>>) target(%dma_start3A_114 : memref<10x128xi32, #tpu.memory_space<vmem>>) target_semaphore(%run_scoped3A : memref<!tpu.dma_semaphore, #tpu.memory_space<semaphore_mem>>)
      %dma_wait3A_119 = arith.constant 1 : i32
      %dma_wait3A_120 = arith.constant 0 : i32
      %dma_wait3A_121 = tpu.memref_slice %arg7[%dma_wait3A_119, %dma_wait3A_120] : memref<11x128xi32, #tpu.memory_space<vmem>> -> memref<10x128xi32, #tpu.memory_space<vmem>>
      %dma_wait3A_122 = arith.constant 0 : i32
      %dma_wait3A_123 = arith.constant 0 : i32
      %dma_wait3A_124 = tpu.memref_slice %arg4[%add3A, %dma_wait3A_122, %dma_wait3A_123] : memref<32x10x128xi32, #tpu.memory_space<hbm>> -> memref<1x10x128xi32, #tpu.memory_space<hbm>>
      %dma_wait3A_125 = tpu.memref_squeeze %dma_wait3A_124 : memref<1x10x128xi32, #tpu.memory_space<hbm>> -> memref<10x128xi32, #tpu.memory_space<hbm>>
      %dma_wait3A_126 = arith.constant 1 : i32
      %dma_wait3A_127 = arith.constant 0 : i32
      %dma_wait3A_128 = tpu.memref_slice %arg7[%dma_wait3A_126, %dma_wait3A_127] : memref<11x128xi32, #tpu.memory_space<vmem>> -> memref<10x128xi32, #tpu.memory_space<vmem>>
      %dma_wait3A_129 = arith.constant 0 : i32
      %dma_wait3A_130 = arith.constant 0 : i32
      %dma_wait3A_131 = tpu.memref_slice %arg4[%add3A, %dma_wait3A_129, %dma_wait3A_130] : memref<32x10x128xi32, #tpu.memory_space<hbm>> -> memref<1x10x128xi32, #tpu.memory_space<hbm>>
      %dma_wait3A_132 = tpu.memref_squeeze %dma_wait3A_131 : memref<1x10x128xi32, #tpu.memory_space<hbm>> -> memref<10x128xi32, #tpu.memory_space<hbm>>
      tpu.wait_dma2 semaphore(%run_scoped3A : memref<!tpu.dma_semaphore, #tpu.memory_space<semaphore_mem>>) src(%dma_wait3A_132 : memref<10x128xi32, #tpu.memory_space<hbm>>) dst(%dma_wait3A_128 : memref<10x128xi32, #tpu.memory_space<vmem>>)
      tpu.yield
    }) : () -> ()
    %dma_start3A = arith.constant 0 : i32
    %dma_start3A_1 = arith.constant 0 : i32
    %dma_start3A_2 = tpu.memref_slice %arg7[%dma_start3A, %dma_start3A_1] : memref<11x128xi32, #tpu.memory_space<vmem>> -> memref<1x128xi32, #tpu.memory_space<vmem>>
    %dma_start3A_3 = tpu.memref_squeeze %dma_start3A_2 : memref<1x128xi32, #tpu.memory_space<vmem>> -> memref<128xi32, #tpu.memory_space<vmem>>
    %dma_start3A_4 = arith.constant 0 : i32
    %dma_start3A_5 = arith.constant 0 : i32
    %dma_start3A_6 = tpu.memref_slice %arg2[%dma_start3A_4, %dma_start3A_5] : memref<10000x128xf32, #tpu.memory_space<hbm>> -> memref<10000x128xf32, #tpu.memory_space<hbm>>
    tpu.enqueue_indirect_dma source(%dma_start3A_6 : memref<10000x128xf32, #tpu.memory_space<hbm>>) target(%arg8 : memref<128x128xf32, #tpu.memory_space<vmem>>) offsets(%dma_start3A_3 : memref<128xi32, #tpu.memory_space<vmem>>) semaphore(%arg12 : memref<!tpu.dma_semaphore, #tpu.memory_space<semaphore_mem>>)
    %dma_wait3A = arith.constant 0 : i32
    %dma_wait3A_7 = arith.constant 0 : i32
    %dma_wait3A_8 = tpu.memref_slice %arg7[%dma_wait3A, %dma_wait3A_7] : memref<11x128xi32, #tpu.memory_space<vmem>> -> memref<1x128xi32, #tpu.memory_space<vmem>>
    %dma_wait3A_9 = tpu.memref_squeeze %dma_wait3A_8 : memref<1x128xi32, #tpu.memory_space<vmem>> -> memref<128xi32, #tpu.memory_space<vmem>>
    %dma_wait3A_10 = arith.constant 0 : i32
    %dma_wait3A_11 = arith.constant 0 : i32
    %dma_wait3A_12 = tpu.memref_slice %arg2[%dma_wait3A_10, %dma_wait3A_11] : memref<10000x128xf32, #tpu.memory_space<hbm>> -> memref<10000x128xf32, #tpu.memory_space<hbm>>
    tpu.wait_indirect_dma semaphore(%arg12 : memref<!tpu.dma_semaphore, #tpu.memory_space<semaphore_mem>>) src(%dma_wait3A_12 : memref<10000x128xf32, #tpu.memory_space<hbm>>) dst(%arg8 : memref<128x128xf32, #tpu.memory_space<vmem>>)
    %mul3A_13 = arith.constant 1 : i32
    %mul3A_14 = arith.muli %add3A, %mul3A_13 : i32
    %mul3A_15 = arith.constant 128 : i32
    %mul3A_16 = arith.muli %mul3A_14, %mul3A_15 : i32
    %add3A_17 = arith.constant 0 : i32
    %add3A_18 = arith.addi %mul3A_16, %add3A_17 : i32
    %dma_start3A_19 = arith.constant 0 : i32
    %dma_start3A_20 = tpu.memref_slice %arg5[%add3A_18, %dma_start3A_19] : memref<4096x128xf32, #tpu.memory_space<hbm>> -> memref<128x128xf32, #tpu.memory_space<hbm>>
    %dma_start3A_21 = arith.constant 0 : i32
    %dma_start3A_22 = tpu.memref_slice %arg5[%add3A_18, %dma_start3A_21] : memref<4096x128xf32, #tpu.memory_space<hbm>> -> memref<128x128xf32, #tpu.memory_space<hbm>>
    tpu.enqueue_dma source(%arg8 : memref<128x128xf32, #tpu.memory_space<vmem>>) target(%dma_start3A_22 : memref<128x128xf32, #tpu.memory_space<hbm>>) target_semaphore(%arg16 : memref<!tpu.dma_semaphore, #tpu.memory_space<semaphore_mem>>)
    %dma_wait3A_23 = arith.constant 0 : i32
    %dma_wait3A_24 = arith.constant 0 : i32
    %dma_wait3A_25 = tpu.memref_slice %arg5[%dma_wait3A_23, %dma_wait3A_24] : memref<4096x128xf32, #tpu.memory_space<hbm>> -> memref<128x128xf32, #tpu.memory_space<hbm>>
    %dma_wait3A_26 = arith.constant 0 : i32
    %dma_wait3A_27 = arith.constant 0 : i32
    %dma_wait3A_28 = tpu.memref_slice %arg5[%dma_wait3A_26, %dma_wait3A_27] : memref<4096x128xf32, #tpu.memory_space<hbm>> -> memref<128x128xf32, #tpu.memory_space<hbm>>
    tpu.wait_dma2 semaphore(%arg16 : memref<!tpu.dma_semaphore, #tpu.memory_space<semaphore_mem>>) src(%arg8 : memref<128x128xf32, #tpu.memory_space<vmem>>) dst(%dma_wait3A_28 : memref<128x128xf32, #tpu.memory_space<hbm>>)
    %dma_start3A_29 = arith.constant 1 : i32
    %dma_start3A_30 = arith.constant 0 : i32
    %dma_start3A_31 = tpu.memref_slice %arg7[%dma_start3A_29, %dma_start3A_30] : memref<11x128xi32, #tpu.memory_space<vmem>> -> memref<1x128xi32, #tpu.memory_space<vmem>>
    %dma_start3A_32 = tpu.memref_squeeze %dma_start3A_31 : memref<1x128xi32, #tpu.memory_space<vmem>> -> memref<128xi32, #tpu.memory_space<vmem>>
    %dma_start3A_33 = arith.constant 0 : i32
    %dma_start3A_34 = arith.constant 0 : i32
    %dma_start3A_35 = tpu.memref_slice %arg2[%dma_start3A_33, %dma_start3A_34] : memref<10000x128xf32, #tpu.memory_space<hbm>> -> memref<10000x128xf32, #tpu.memory_space<hbm>>
    tpu.enqueue_indirect_dma source(%dma_start3A_35 : memref<10000x128xf32, #tpu.memory_space<hbm>>) target(%arg8 : memref<128x128xf32, #tpu.memory_space<vmem>>) offsets(%dma_start3A_32 : memref<128xi32, #tpu.memory_space<vmem>>) semaphore(%arg12 : memref<!tpu.dma_semaphore, #tpu.memory_space<semaphore_mem>>)
    %dma_start3A_36 = arith.constant 2 : i32
    %dma_start3A_37 = arith.constant 0 : i32
    %dma_start3A_38 = tpu.memref_slice %arg7[%dma_start3A_36, %dma_start3A_37] : memref<11x128xi32, #tpu.memory_space<vmem>> -> memref<1x128xi32, #tpu.memory_space<vmem>>
    %dma_start3A_39 = tpu.memref_squeeze %dma_start3A_38 : memref<1x128xi32, #tpu.memory_space<vmem>> -> memref<128xi32, #tpu.memory_space<vmem>>
    %dma_start3A_40 = arith.constant 0 : i32
    %dma_start3A_41 = arith.constant 0 : i32
    %dma_start3A_42 = tpu.memref_slice %arg2[%dma_start3A_40, %dma_start3A_41] : memref<10000x128xf32, #tpu.memory_space<hbm>> -> memref<10000x128xf32, #tpu.memory_space<hbm>>
    tpu.enqueue_indirect_dma source(%dma_start3A_42 : memref<10000x128xf32, #tpu.memory_space<hbm>>) target(%arg9 : memref<128x128xf32, #tpu.memory_space<vmem>>) offsets(%dma_start3A_39 : memref<128xi32, #tpu.memory_space<vmem>>) semaphore(%arg13 : memref<!tpu.dma_semaphore, #tpu.memory_space<semaphore_mem>>)
    %scan3A = arith.constant 0 : i32
    %scan3A_43 = arith.constant 2 : i32
    %scan3A_44 = arith.addi %scan3A, %scan3A_43 : i32
    %scan3A_45 = arith.constant 1 : i32
    scf.for %scan3A_105 = %scan3A to %scan3A_44 step %scan3A_45  : i32 {
      %mul3A_106 = arith.constant 4 : i32
      %mul3A_107 = arith.muli %scan3A_105, %mul3A_106 : i32
      %add3A_108 = arith.constant 0 : i32
      %add3A_109 = arith.addi %add3A_108, %mul3A_107 : i32
      %add3A_110 = arith.constant 0 : i32
      %add3A_111 = arith.addi %add3A_109, %add3A_110 : i32
      %dma_wait3A_112 = arith.constant 1 : i32
      %dma_wait3A_113 = arith.constant 0 : i32
      %dma_wait3A_114 = tpu.memref_slice %arg7[%dma_wait3A_112, %dma_wait3A_113] : memref<11x128xi32, #tpu.memory_space<vmem>> -> memref<1x128xi32, #tpu.memory_space<vmem>>
      %dma_wait3A_115 = tpu.memref_squeeze %dma_wait3A_114 : memref<1x128xi32, #tpu.memory_space<vmem>> -> memref<128xi32, #tpu.memory_space<vmem>>
      %dma_wait3A_116 = arith.constant 0 : i32
      %dma_wait3A_117 = arith.constant 0 : i32
      %dma_wait3A_118 = tpu.memref_slice %arg2[%dma_wait3A_116, %dma_wait3A_117] : memref<10000x128xf32, #tpu.memory_space<hbm>> -> memref<10000x128xf32, #tpu.memory_space<hbm>>
      tpu.wait_indirect_dma semaphore(%arg12 : memref<!tpu.dma_semaphore, #tpu.memory_space<semaphore_mem>>) src(%dma_wait3A_118 : memref<10000x128xf32, #tpu.memory_space<hbm>>) dst(%arg8 : memref<128x128xf32, #tpu.memory_space<vmem>>)
      %mul3A_119 = arith.constant 10 : i32
      %mul3A_120 = arith.muli %add3A, %mul3A_119 : i32
      %mul3A_121 = arith.constant 128 : i32
      %mul3A_122 = arith.muli %mul3A_120, %mul3A_121 : i32
      %mul3A_123 = arith.constant 128 : i32
      %mul3A_124 = arith.muli %add3A_111, %mul3A_123 : i32
      %add3A_125 = arith.addi %mul3A_122, %mul3A_124 : i32
      %dma_start3A_126 = arith.constant 0 : i32
      %dma_start3A_127 = tpu.memref_slice %arg6[%add3A_125, %dma_start3A_126] : memref<40960x128xf32, #tpu.memory_space<hbm>> -> memref<128x128xf32, #tpu.memory_space<hbm>>
      %dma_start3A_128 = arith.constant 0 : i32
      %dma_start3A_129 = tpu.memref_slice %arg6[%add3A_125, %dma_start3A_128] : memref<40960x128xf32, #tpu.memory_space<hbm>> -> memref<128x128xf32, #tpu.memory_space<hbm>>
      tpu.enqueue_dma source(%arg8 : memref<128x128xf32, #tpu.memory_space<vmem>>) target(%dma_start3A_129 : memref<128x128xf32, #tpu.memory_space<hbm>>) target_semaphore(%arg16 : memref<!tpu.dma_semaphore, #tpu.memory_space<semaphore_mem>>)
      %add3A_130 = arith.constant 2 : i32
      %add3A_131 = arith.addi %add3A_111, %add3A_130 : i32
      %lt3A = arith.constant 10 : i32
      %lt3A_132 = arith.cmpi slt, %add3A_131, %lt3A : i32
      %convert_element_type3A = arith.extui %lt3A_132 : i1 to i32
      %cond3A = arith.constant 0 : i32
      %cond3A_133 = arith.cmpi ne, %convert_element_type3A, %cond3A : i32
      scf.if %cond3A_133 {
        %ge3A = arith.constant 2 : i32
        %ge3A_215 = arith.cmpi sge, %add3A_111, %ge3A : i32
        %convert_element_type3A_216 = arith.extui %ge3A_215 : i1 to i32
        %cond3A_217 = arith.constant 0 : i32
        %cond3A_218 = arith.cmpi ne, %convert_element_type3A_216, %cond3A_217 : i32
        scf.if %cond3A_218 {
          %dma_wait3A_229 = arith.constant 0 : i32
          %dma_wait3A_230 = arith.constant 0 : i32
          %dma_wait3A_231 = tpu.memref_slice %arg6[%dma_wait3A_229, %dma_wait3A_230] : memref<40960x128xf32, #tpu.memory_space<hbm>> -> memref<128x128xf32, #tpu.memory_space<hbm>>
          %dma_wait3A_232 = arith.constant 0 : i32
          %dma_wait3A_233 = arith.constant 0 : i32
          %dma_wait3A_234 = tpu.memref_slice %arg6[%dma_wait3A_232, %dma_wait3A_233] : memref<40960x128xf32, #tpu.memory_space<hbm>> -> memref<128x128xf32, #tpu.memory_space<hbm>>
          tpu.wait_dma2 semaphore(%arg18 : memref<!tpu.dma_semaphore, #tpu.memory_space<semaphore_mem>>) src(%arg10 : memref<128x128xf32, #tpu.memory_space<vmem>>) dst(%dma_wait3A_234 : memref<128x128xf32, #tpu.memory_space<hbm>>)
        } else {
        }
        %add3A_219 = arith.constant 2 : i32
        %add3A_220 = arith.addi %add3A_111, %add3A_219 : i32
        %add3A_221 = arith.constant 1 : i32
        %add3A_222 = arith.addi %add3A_221, %add3A_220 : i32
        %dma_start3A_223 = arith.constant 0 : i32
        %dma_start3A_224 = tpu.memref_slice %arg7[%add3A_222, %dma_start3A_223] : memref<11x128xi32, #tpu.memory_space<vmem>> -> memref<1x128xi32, #tpu.memory_space<vmem>>
        %dma_start3A_225 = tpu.memref_squeeze %dma_start3A_224 : memref<1x128xi32, #tpu.memory_space<vmem>> -> memref<128xi32, #tpu.memory_space<vmem>>
        %dma_start3A_226 = arith.constant 0 : i32
        %dma_start3A_227 = arith.constant 0 : i32
        %dma_start3A_228 = tpu.memref_slice %arg2[%dma_start3A_226, %dma_start3A_227] : memref<10000x128xf32, #tpu.memory_space<hbm>> -> memref<10000x128xf32, #tpu.memory_space<hbm>>
        tpu.enqueue_indirect_dma source(%dma_start3A_228 : memref<10000x128xf32, #tpu.memory_space<hbm>>) target(%arg10 : memref<128x128xf32, #tpu.memory_space<vmem>>) offsets(%dma_start3A_225 : memref<128xi32, #tpu.memory_space<vmem>>) semaphore(%arg14 : memref<!tpu.dma_semaphore, #tpu.memory_space<semaphore_mem>>)
      } else {
      }
      %add3A_134 = arith.constant 1 : i32
      %add3A_135 = arith.addi %add3A_109, %add3A_134 : i32
      %dma_wait3A_136 = arith.constant 1 : i32
      %dma_wait3A_137 = arith.constant 0 : i32
      %dma_wait3A_138 = tpu.memref_slice %arg7[%dma_wait3A_136, %dma_wait3A_137] : memref<11x128xi32, #tpu.memory_space<vmem>> -> memref<1x128xi32, #tpu.memory_space<vmem>>
      %dma_wait3A_139 = tpu.memref_squeeze %dma_wait3A_138 : memref<1x128xi32, #tpu.memory_space<vmem>> -> memref<128xi32, #tpu.memory_space<vmem>>
      %dma_wait3A_140 = arith.constant 0 : i32
      %dma_wait3A_141 = arith.constant 0 : i32
      %dma_wait3A_142 = tpu.memref_slice %arg2[%dma_wait3A_140, %dma_wait3A_141] : memref<10000x128xf32, #tpu.memory_space<hbm>> -> memref<10000x128xf32, #tpu.memory_space<hbm>>
      tpu.wait_indirect_dma semaphore(%arg13 : memref<!tpu.dma_semaphore, #tpu.memory_space<semaphore_mem>>) src(%dma_wait3A_142 : memref<10000x128xf32, #tpu.memory_space<hbm>>) dst(%arg9 : memref<128x128xf32, #tpu.memory_space<vmem>>)
      %mul3A_143 = arith.constant 10 : i32
      %mul3A_144 = arith.muli %add3A, %mul3A_143 : i32
      %mul3A_145 = arith.constant 128 : i32
      %mul3A_146 = arith.muli %mul3A_144, %mul3A_145 : i32
      %mul3A_147 = arith.constant 128 : i32
      %mul3A_148 = arith.muli %add3A_135, %mul3A_147 : i32
      %add3A_149 = arith.addi %mul3A_146, %mul3A_148 : i32
      %dma_start3A_150 = arith.constant 0 : i32
      %dma_start3A_151 = tpu.memref_slice %arg6[%add3A_149, %dma_start3A_150] : memref<40960x128xf32, #tpu.memory_space<hbm>> -> memref<128x128xf32, #tpu.memory_space<hbm>>
      %dma_start3A_152 = arith.constant 0 : i32
      %dma_start3A_153 = tpu.memref_slice %arg6[%add3A_149, %dma_start3A_152] : memref<40960x128xf32, #tpu.memory_space<hbm>> -> memref<128x128xf32, #tpu.memory_space<hbm>>
      tpu.enqueue_dma source(%arg9 : memref<128x128xf32, #tpu.memory_space<vmem>>) target(%dma_start3A_153 : memref<128x128xf32, #tpu.memory_space<hbm>>) target_semaphore(%arg17 : memref<!tpu.dma_semaphore, #tpu.memory_space<semaphore_mem>>)
      %add3A_154 = arith.constant 2 : i32
      %add3A_155 = arith.addi %add3A_135, %add3A_154 : i32
      %lt3A_156 = arith.constant 10 : i32
      %lt3A_157 = arith.cmpi slt, %add3A_155, %lt3A_156 : i32
      %convert_element_type3A_158 = arith.extui %lt3A_157 : i1 to i32
      %cond3A_159 = arith.constant 0 : i32
      %cond3A_160 = arith.cmpi ne, %convert_element_type3A_158, %cond3A_159 : i32
      scf.if %cond3A_160 {
        %ge3A = arith.constant 2 : i32
        %ge3A_215 = arith.cmpi sge, %add3A_135, %ge3A : i32
        %convert_element_type3A_216 = arith.extui %ge3A_215 : i1 to i32
        %cond3A_217 = arith.constant 0 : i32
        %cond3A_218 = arith.cmpi ne, %convert_element_type3A_216, %cond3A_217 : i32
        scf.if %cond3A_218 {
          %dma_wait3A_229 = arith.constant 0 : i32
          %dma_wait3A_230 = arith.constant 0 : i32
          %dma_wait3A_231 = tpu.memref_slice %arg6[%dma_wait3A_229, %dma_wait3A_230] : memref<40960x128xf32, #tpu.memory_space<hbm>> -> memref<128x128xf32, #tpu.memory_space<hbm>>
          %dma_wait3A_232 = arith.constant 0 : i32
          %dma_wait3A_233 = arith.constant 0 : i32
          %dma_wait3A_234 = tpu.memref_slice %arg6[%dma_wait3A_232, %dma_wait3A_233] : memref<40960x128xf32, #tpu.memory_space<hbm>> -> memref<128x128xf32, #tpu.memory_space<hbm>>
          tpu.wait_dma2 semaphore(%arg19 : memref<!tpu.dma_semaphore, #tpu.memory_space<semaphore_mem>>) src(%arg11 : memref<128x128xf32, #tpu.memory_space<vmem>>) dst(%dma_wait3A_234 : memref<128x128xf32, #tpu.memory_space<hbm>>)
        } else {
        }
        %add3A_219 = arith.constant 2 : i32
        %add3A_220 = arith.addi %add3A_135, %add3A_219 : i32
        %add3A_221 = arith.constant 1 : i32
        %add3A_222 = arith.addi %add3A_221, %add3A_220 : i32
        %dma_start3A_223 = arith.constant 0 : i32
        %dma_start3A_224 = tpu.memref_slice %arg7[%add3A_222, %dma_start3A_223] : memref<11x128xi32, #tpu.memory_space<vmem>> -> memref<1x128xi32, #tpu.memory_space<vmem>>
        %dma_start3A_225 = tpu.memref_squeeze %dma_start3A_224 : memref<1x128xi32, #tpu.memory_space<vmem>> -> memref<128xi32, #tpu.memory_space<vmem>>
        %dma_start3A_226 = arith.constant 0 : i32
        %dma_start3A_227 = arith.constant 0 : i32
        %dma_start3A_228 = tpu.memref_slice %arg2[%dma_start3A_226, %dma_start3A_227] : memref<10000x128xf32, #tpu.memory_space<hbm>> -> memref<10000x128xf32, #tpu.memory_space<hbm>>
        tpu.enqueue_indirect_dma source(%dma_start3A_228 : memref<10000x128xf32, #tpu.memory_space<hbm>>) target(%arg11 : memref<128x128xf32, #tpu.memory_space<vmem>>) offsets(%dma_start3A_225 : memref<128xi32, #tpu.memory_space<vmem>>) semaphore(%arg15 : memref<!tpu.dma_semaphore, #tpu.memory_space<semaphore_mem>>)
      } else {
      }
      %add3A_161 = arith.constant 2 : i32
      %add3A_162 = arith.addi %add3A_109, %add3A_161 : i32
      %dma_wait3A_163 = arith.constant 1 : i32
      %dma_wait3A_164 = arith.constant 0 : i32
      %dma_wait3A_165 = tpu.memref_slice %arg7[%dma_wait3A_163, %dma_wait3A_164] : memref<11x128xi32, #tpu.memory_space<vmem>> -> memref<1x128xi32, #tpu.memory_space<vmem>>
      %dma_wait3A_166 = tpu.memref_squeeze %dma_wait3A_165 : memref<1x128xi32, #tpu.memory_space<vmem>> -> memref<128xi32, #tpu.memory_space<vmem>>
      %dma_wait3A_167 = arith.constant 0 : i32
      %dma_wait3A_168 = arith.constant 0 : i32
      %dma_wait3A_169 = tpu.memref_slice %arg2[%dma_wait3A_167, %dma_wait3A_168] : memref<10000x128xf32, #tpu.memory_space<hbm>> -> memref<10000x128xf32, #tpu.memory_space<hbm>>
      tpu.wait_indirect_dma semaphore(%arg14 : memref<!tpu.dma_semaphore, #tpu.memory_space<semaphore_mem>>) src(%dma_wait3A_169 : memref<10000x128xf32, #tpu.memory_space<hbm>>) dst(%arg10 : memref<128x128xf32, #tpu.memory_space<vmem>>)
      %mul3A_170 = arith.constant 10 : i32
      %mul3A_171 = arith.muli %add3A, %mul3A_170 : i32
      %mul3A_172 = arith.constant 128 : i32
      %mul3A_173 = arith.muli %mul3A_171, %mul3A_172 : i32
      %mul3A_174 = arith.constant 128 : i32
      %mul3A_175 = arith.muli %add3A_162, %mul3A_174 : i32
      %add3A_176 = arith.addi %mul3A_173, %mul3A_175 : i32
      %dma_start3A_177 = arith.constant 0 : i32
      %dma_start3A_178 = tpu.memref_slice %arg6[%add3A_176, %dma_start3A_177] : memref<40960x128xf32, #tpu.memory_space<hbm>> -> memref<128x128xf32, #tpu.memory_space<hbm>>
      %dma_start3A_179 = arith.constant 0 : i32
      %dma_start3A_180 = tpu.memref_slice %arg6[%add3A_176, %dma_start3A_179] : memref<40960x128xf32, #tpu.memory_space<hbm>> -> memref<128x128xf32, #tpu.memory_space<hbm>>
      tpu.enqueue_dma source(%arg10 : memref<128x128xf32, #tpu.memory_space<vmem>>) target(%dma_start3A_180 : memref<128x128xf32, #tpu.memory_space<hbm>>) target_semaphore(%arg18 : memref<!tpu.dma_semaphore, #tpu.memory_space<semaphore_mem>>)
      %add3A_181 = arith.constant 2 : i32
      %add3A_182 = arith.addi %add3A_162, %add3A_181 : i32
      %lt3A_183 = arith.constant 10 : i32
      %lt3A_184 = arith.cmpi slt, %add3A_182, %lt3A_183 : i32
      %convert_element_type3A_185 = arith.extui %lt3A_184 : i1 to i32
      %cond3A_186 = arith.constant 0 : i32
      %cond3A_187 = arith.cmpi ne, %convert_element_type3A_185, %cond3A_186 : i32
      scf.if %cond3A_187 {
        %ge3A = arith.constant 2 : i32
        %ge3A_215 = arith.cmpi sge, %add3A_162, %ge3A : i32
        %convert_element_type3A_216 = arith.extui %ge3A_215 : i1 to i32
        %cond3A_217 = arith.constant 0 : i32
        %cond3A_218 = arith.cmpi ne, %convert_element_type3A_216, %cond3A_217 : i32
        scf.if %cond3A_218 {
          %dma_wait3A_229 = arith.constant 0 : i32
          %dma_wait3A_230 = arith.constant 0 : i32
          %dma_wait3A_231 = tpu.memref_slice %arg6[%dma_wait3A_229, %dma_wait3A_230] : memref<40960x128xf32, #tpu.memory_space<hbm>> -> memref<128x128xf32, #tpu.memory_space<hbm>>
          %dma_wait3A_232 = arith.constant 0 : i32
          %dma_wait3A_233 = arith.constant 0 : i32
          %dma_wait3A_234 = tpu.memref_slice %arg6[%dma_wait3A_232, %dma_wait3A_233] : memref<40960x128xf32, #tpu.memory_space<hbm>> -> memref<128x128xf32, #tpu.memory_space<hbm>>
          tpu.wait_dma2 semaphore(%arg16 : memref<!tpu.dma_semaphore, #tpu.memory_space<semaphore_mem>>) src(%arg8 : memref<128x128xf32, #tpu.memory_space<vmem>>) dst(%dma_wait3A_234 : memref<128x128xf32, #tpu.memory_space<hbm>>)
        } else {
        }
        %add3A_219 = arith.constant 2 : i32
        %add3A_220 = arith.addi %add3A_162, %add3A_219 : i32
        %add3A_221 = arith.constant 1 : i32
        %add3A_222 = arith.addi %add3A_221, %add3A_220 : i32
        %dma_start3A_223 = arith.constant 0 : i32
        %dma_start3A_224 = tpu.memref_slice %arg7[%add3A_222, %dma_start3A_223] : memref<11x128xi32, #tpu.memory_space<vmem>> -> memref<1x128xi32, #tpu.memory_space<vmem>>
        %dma_start3A_225 = tpu.memref_squeeze %dma_start3A_224 : memref<1x128xi32, #tpu.memory_space<vmem>> -> memref<128xi32, #tpu.memory_space<vmem>>
        %dma_start3A_226 = arith.constant 0 : i32
        %dma_start3A_227 = arith.constant 0 : i32
        %dma_start3A_228 = tpu.memref_slice %arg2[%dma_start3A_226, %dma_start3A_227] : memref<10000x128xf32, #tpu.memory_space<hbm>> -> memref<10000x128xf32, #tpu.memory_space<hbm>>
        tpu.enqueue_indirect_dma source(%dma_start3A_228 : memref<10000x128xf32, #tpu.memory_space<hbm>>) target(%arg8 : memref<128x128xf32, #tpu.memory_space<vmem>>) offsets(%dma_start3A_225 : memref<128xi32, #tpu.memory_space<vmem>>) semaphore(%arg12 : memref<!tpu.dma_semaphore, #tpu.memory_space<semaphore_mem>>)
      } else {
      }
      %add3A_188 = arith.constant 3 : i32
      %add3A_189 = arith.addi %add3A_109, %add3A_188 : i32
      %dma_wait3A_190 = arith.constant 1 : i32
      %dma_wait3A_191 = arith.constant 0 : i32
      %dma_wait3A_192 = tpu.memref_slice %arg7[%dma_wait3A_190, %dma_wait3A_191] : memref<11x128xi32, #tpu.memory_space<vmem>> -> memref<1x128xi32, #tpu.memory_space<vmem>>
      %dma_wait3A_193 = tpu.memref_squeeze %dma_wait3A_192 : memref<1x128xi32, #tpu.memory_space<vmem>> -> memref<128xi32, #tpu.memory_space<vmem>>
      %dma_wait3A_194 = arith.constant 0 : i32
      %dma_wait3A_195 = arith.constant 0 : i32
      %dma_wait3A_196 = tpu.memref_slice %arg2[%dma_wait3A_194, %dma_wait3A_195] : memref<10000x128xf32, #tpu.memory_space<hbm>> -> memref<10000x128xf32, #tpu.memory_space<hbm>>
      tpu.wait_indirect_dma semaphore(%arg15 : memref<!tpu.dma_semaphore, #tpu.memory_space<semaphore_mem>>) src(%dma_wait3A_196 : memref<10000x128xf32, #tpu.memory_space<hbm>>) dst(%arg11 : memref<128x128xf32, #tpu.memory_space<vmem>>)
      %mul3A_197 = arith.constant 10 : i32
      %mul3A_198 = arith.muli %add3A, %mul3A_197 : i32
      %mul3A_199 = arith.constant 128 : i32
      %mul3A_200 = arith.muli %mul3A_198, %mul3A_199 : i32
      %mul3A_201 = arith.constant 128 : i32
      %mul3A_202 = arith.muli %add3A_189, %mul3A_201 : i32
      %add3A_203 = arith.addi %mul3A_200, %mul3A_202 : i32
      %dma_start3A_204 = arith.constant 0 : i32
      %dma_start3A_205 = tpu.memref_slice %arg6[%add3A_203, %dma_start3A_204] : memref<40960x128xf32, #tpu.memory_space<hbm>> -> memref<128x128xf32, #tpu.memory_space<hbm>>
      %dma_start3A_206 = arith.constant 0 : i32
      %dma_start3A_207 = tpu.memref_slice %arg6[%add3A_203, %dma_start3A_206] : memref<40960x128xf32, #tpu.memory_space<hbm>> -> memref<128x128xf32, #tpu.memory_space<hbm>>
      tpu.enqueue_dma source(%arg11 : memref<128x128xf32, #tpu.memory_space<vmem>>) target(%dma_start3A_207 : memref<128x128xf32, #tpu.memory_space<hbm>>) target_semaphore(%arg19 : memref<!tpu.dma_semaphore, #tpu.memory_space<semaphore_mem>>)
      %add3A_208 = arith.constant 2 : i32
      %add3A_209 = arith.addi %add3A_189, %add3A_208 : i32
      %lt3A_210 = arith.constant 10 : i32
      %lt3A_211 = arith.cmpi slt, %add3A_209, %lt3A_210 : i32
      %convert_element_type3A_212 = arith.extui %lt3A_211 : i1 to i32
      %cond3A_213 = arith.constant 0 : i32
      %cond3A_214 = arith.cmpi ne, %convert_element_type3A_212, %cond3A_213 : i32
      scf.if %cond3A_214 {
        %ge3A = arith.constant 2 : i32
        %ge3A_215 = arith.cmpi sge, %add3A_189, %ge3A : i32
        %convert_element_type3A_216 = arith.extui %ge3A_215 : i1 to i32
        %cond3A_217 = arith.constant 0 : i32
        %cond3A_218 = arith.cmpi ne, %convert_element_type3A_216, %cond3A_217 : i32
        scf.if %cond3A_218 {
          %dma_wait3A_229 = arith.constant 0 : i32
          %dma_wait3A_230 = arith.constant 0 : i32
          %dma_wait3A_231 = tpu.memref_slice %arg6[%dma_wait3A_229, %dma_wait3A_230] : memref<40960x128xf32, #tpu.memory_space<hbm>> -> memref<128x128xf32, #tpu.memory_space<hbm>>
          %dma_wait3A_232 = arith.constant 0 : i32
          %dma_wait3A_233 = arith.constant 0 : i32
          %dma_wait3A_234 = tpu.memref_slice %arg6[%dma_wait3A_232, %dma_wait3A_233] : memref<40960x128xf32, #tpu.memory_space<hbm>> -> memref<128x128xf32, #tpu.memory_space<hbm>>
          tpu.wait_dma2 semaphore(%arg17 : memref<!tpu.dma_semaphore, #tpu.memory_space<semaphore_mem>>) src(%arg9 : memref<128x128xf32, #tpu.memory_space<vmem>>) dst(%dma_wait3A_234 : memref<128x128xf32, #tpu.memory_space<hbm>>)
        } else {
        }
        %add3A_219 = arith.constant 2 : i32
        %add3A_220 = arith.addi %add3A_189, %add3A_219 : i32
        %add3A_221 = arith.constant 1 : i32
        %add3A_222 = arith.addi %add3A_221, %add3A_220 : i32
        %dma_start3A_223 = arith.constant 0 : i32
        %dma_start3A_224 = tpu.memref_slice %arg7[%add3A_222, %dma_start3A_223] : memref<11x128xi32, #tpu.memory_space<vmem>> -> memref<1x128xi32, #tpu.memory_space<vmem>>
        %dma_start3A_225 = tpu.memref_squeeze %dma_start3A_224 : memref<1x128xi32, #tpu.memory_space<vmem>> -> memref<128xi32, #tpu.memory_space<vmem>>
        %dma_start3A_226 = arith.constant 0 : i32
        %dma_start3A_227 = arith.constant 0 : i32
        %dma_start3A_228 = tpu.memref_slice %arg2[%dma_start3A_226, %dma_start3A_227] : memref<10000x128xf32, #tpu.memory_space<hbm>> -> memref<10000x128xf32, #tpu.memory_space<hbm>>
        tpu.enqueue_indirect_dma source(%dma_start3A_228 : memref<10000x128xf32, #tpu.memory_space<hbm>>) target(%arg9 : memref<128x128xf32, #tpu.memory_space<vmem>>) offsets(%dma_start3A_225 : memref<128xi32, #tpu.memory_space<vmem>>) semaphore(%arg13 : memref<!tpu.dma_semaphore, #tpu.memory_space<semaphore_mem>>)
      } else {
      }
    }
    %scan3A_46 = arith.constant 2 : i32
    %dma_wait3A_47 = arith.constant 1 : i32
    %dma_wait3A_48 = arith.constant 0 : i32
    %dma_wait3A_49 = tpu.memref_slice %arg7[%dma_wait3A_47, %dma_wait3A_48] : memref<11x128xi32, #tpu.memory_space<vmem>> -> memref<1x128xi32, #tpu.memory_space<vmem>>
    %dma_wait3A_50 = tpu.memref_squeeze %dma_wait3A_49 : memref<1x128xi32, #tpu.memory_space<vmem>> -> memref<128xi32, #tpu.memory_space<vmem>>
    %dma_wait3A_51 = arith.constant 0 : i32
    %dma_wait3A_52 = arith.constant 0 : i32
    %dma_wait3A_53 = tpu.memref_slice %arg2[%dma_wait3A_51, %dma_wait3A_52] : memref<10000x128xf32, #tpu.memory_space<hbm>> -> memref<10000x128xf32, #tpu.memory_space<hbm>>
    tpu.wait_indirect_dma semaphore(%arg12 : memref<!tpu.dma_semaphore, #tpu.memory_space<semaphore_mem>>) src(%dma_wait3A_53 : memref<10000x128xf32, #tpu.memory_space<hbm>>) dst(%arg8 : memref<128x128xf32, #tpu.memory_space<vmem>>)
    %mul3A_54 = arith.constant 10 : i32
    %mul3A_55 = arith.muli %add3A, %mul3A_54 : i32
    %mul3A_56 = arith.constant 128 : i32
    %mul3A_57 = arith.muli %mul3A_55, %mul3A_56 : i32
    %add3A_58 = arith.constant 1024 : i32
    %add3A_59 = arith.addi %mul3A_57, %add3A_58 : i32
    %dma_start3A_60 = arith.constant 0 : i32
    %dma_start3A_61 = tpu.memref_slice %arg6[%add3A_59, %dma_start3A_60] : memref<40960x128xf32, #tpu.memory_space<hbm>> -> memref<128x128xf32, #tpu.memory_space<hbm>>
    %dma_start3A_62 = arith.constant 0 : i32
    %dma_start3A_63 = tpu.memref_slice %arg6[%add3A_59, %dma_start3A_62] : memref<40960x128xf32, #tpu.memory_space<hbm>> -> memref<128x128xf32, #tpu.memory_space<hbm>>
    tpu.enqueue_dma source(%arg8 : memref<128x128xf32, #tpu.memory_space<vmem>>) target(%dma_start3A_63 : memref<128x128xf32, #tpu.memory_space<hbm>>) target_semaphore(%arg16 : memref<!tpu.dma_semaphore, #tpu.memory_space<semaphore_mem>>)
    %dma_wait3A_64 = arith.constant 1 : i32
    %dma_wait3A_65 = arith.constant 0 : i32
    %dma_wait3A_66 = tpu.memref_slice %arg7[%dma_wait3A_64, %dma_wait3A_65] : memref<11x128xi32, #tpu.memory_space<vmem>> -> memref<1x128xi32, #tpu.memory_space<vmem>>
    %dma_wait3A_67 = tpu.memref_squeeze %dma_wait3A_66 : memref<1x128xi32, #tpu.memory_space<vmem>> -> memref<128xi32, #tpu.memory_space<vmem>>
    %dma_wait3A_68 = arith.constant 0 : i32
    %dma_wait3A_69 = arith.constant 0 : i32
    %dma_wait3A_70 = tpu.memref_slice %arg2[%dma_wait3A_68, %dma_wait3A_69] : memref<10000x128xf32, #tpu.memory_space<hbm>> -> memref<10000x128xf32, #tpu.memory_space<hbm>>
    tpu.wait_indirect_dma semaphore(%arg13 : memref<!tpu.dma_semaphore, #tpu.memory_space<semaphore_mem>>) src(%dma_wait3A_70 : memref<10000x128xf32, #tpu.memory_space<hbm>>) dst(%arg9 : memref<128x128xf32, #tpu.memory_space<vmem>>)
    %mul3A_71 = arith.constant 10 : i32
    %mul3A_72 = arith.muli %add3A, %mul3A_71 : i32
    %mul3A_73 = arith.constant 128 : i32
    %mul3A_74 = arith.muli %mul3A_72, %mul3A_73 : i32
    %add3A_75 = arith.constant 1152 : i32
    %add3A_76 = arith.addi %mul3A_74, %add3A_75 : i32
    %dma_start3A_77 = arith.constant 0 : i32
    %dma_start3A_78 = tpu.memref_slice %arg6[%add3A_76, %dma_start3A_77] : memref<40960x128xf32, #tpu.memory_space<hbm>> -> memref<128x128xf32, #tpu.memory_space<hbm>>
    %dma_start3A_79 = arith.constant 0 : i32
    %dma_start3A_80 = tpu.memref_slice %arg6[%add3A_76, %dma_start3A_79] : memref<40960x128xf32, #tpu.memory_space<hbm>> -> memref<128x128xf32, #tpu.memory_space<hbm>>
    tpu.enqueue_dma source(%arg9 : memref<128x128xf32, #tpu.memory_space<vmem>>) target(%dma_start3A_80 : memref<128x128xf32, #tpu.memory_space<hbm>>) target_semaphore(%arg17 : memref<!tpu.dma_semaphore, #tpu.memory_space<semaphore_mem>>)
    %dma_wait3A_81 = arith.constant 0 : i32
    %dma_wait3A_82 = arith.constant 0 : i32
    %dma_wait3A_83 = tpu.memref_slice %arg6[%dma_wait3A_81, %dma_wait3A_82] : memref<40960x128xf32, #tpu.memory_space<hbm>> -> memref<128x128xf32, #tpu.memory_space<hbm>>
    %dma_wait3A_84 = arith.constant 0 : i32
    %dma_wait3A_85 = arith.constant 0 : i32
    %dma_wait3A_86 = tpu.memref_slice %arg6[%dma_wait3A_84, %dma_wait3A_85] : memref<40960x128xf32, #tpu.memory_space<hbm>> -> memref<128x128xf32, #tpu.memory_space<hbm>>
    tpu.wait_dma2 semaphore(%arg18 : memref<!tpu.dma_semaphore, #tpu.memory_space<semaphore_mem>>) src(%arg10 : memref<128x128xf32, #tpu.memory_space<vmem>>) dst(%dma_wait3A_86 : memref<128x128xf32, #tpu.memory_space<hbm>>)
    %dma_wait3A_87 = arith.constant 0 : i32
    %dma_wait3A_88 = arith.constant 0 : i32
    %dma_wait3A_89 = tpu.memref_slice %arg6[%dma_wait3A_87, %dma_wait3A_88] : memref<40960x128xf32, #tpu.memory_space<hbm>> -> memref<128x128xf32, #tpu.memory_space<hbm>>
    %dma_wait3A_90 = arith.constant 0 : i32
    %dma_wait3A_91 = arith.constant 0 : i32
    %dma_wait3A_92 = tpu.memref_slice %arg6[%dma_wait3A_90, %dma_wait3A_91] : memref<40960x128xf32, #tpu.memory_space<hbm>> -> memref<128x128xf32, #tpu.memory_space<hbm>>
    tpu.wait_dma2 semaphore(%arg19 : memref<!tpu.dma_semaphore, #tpu.memory_space<semaphore_mem>>) src(%arg11 : memref<128x128xf32, #tpu.memory_space<vmem>>) dst(%dma_wait3A_92 : memref<128x128xf32, #tpu.memory_space<hbm>>)
    %dma_wait3A_93 = arith.constant 0 : i32
    %dma_wait3A_94 = arith.constant 0 : i32
    %dma_wait3A_95 = tpu.memref_slice %arg6[%dma_wait3A_93, %dma_wait3A_94] : memref<40960x128xf32, #tpu.memory_space<hbm>> -> memref<128x128xf32, #tpu.memory_space<hbm>>
    %dma_wait3A_96 = arith.constant 0 : i32
    %dma_wait3A_97 = arith.constant 0 : i32
    %dma_wait3A_98 = tpu.memref_slice %arg6[%dma_wait3A_96, %dma_wait3A_97] : memref<40960x128xf32, #tpu.memory_space<hbm>> -> memref<128x128xf32, #tpu.memory_space<hbm>>
    tpu.wait_dma2 semaphore(%arg16 : memref<!tpu.dma_semaphore, #tpu.memory_space<semaphore_mem>>) src(%arg8 : memref<128x128xf32, #tpu.memory_space<vmem>>) dst(%dma_wait3A_98 : memref<128x128xf32, #tpu.memory_space<hbm>>)
    %dma_wait3A_99 = arith.constant 0 : i32
    %dma_wait3A_100 = arith.constant 0 : i32
    %dma_wait3A_101 = tpu.memref_slice %arg6[%dma_wait3A_99, %dma_wait3A_100] : memref<40960x128xf32, #tpu.memory_space<hbm>> -> memref<128x128xf32, #tpu.memory_space<hbm>>
    %dma_wait3A_102 = arith.constant 0 : i32
    %dma_wait3A_103 = arith.constant 0 : i32
    %dma_wait3A_104 = tpu.memref_slice %arg6[%dma_wait3A_102, %dma_wait3A_103] : memref<40960x128xf32, #tpu.memory_space<hbm>> -> memref<128x128xf32, #tpu.memory_space<hbm>>
    tpu.wait_dma2 semaphore(%arg17 : memref<!tpu.dma_semaphore, #tpu.memory_space<semaphore_mem>>) src(%arg9 : memref<128x128xf32, #tpu.memory_space<vmem>>) dst(%dma_wait3A_104 : memref<128x128xf32, #tpu.memory_space<hbm>>)
    return
  }
}

#map = affine_map<(d0, d1) -> (0, 0)>
#map1 = affine_map<(d0, d1) -> (0, 0, 0)>
module attributes {stable_mosaic.version = 14 : i64} {
  func.func @_spmm_body(%arg0: i32, %arg1: i32, %arg2: memref<10000x128xf32, #tpu.memory_space<hbm>>, %arg3: memref<32x160x64xi32, #tpu.memory_space<hbm>>, %arg4: memref<32x160x64xi32, #tpu.memory_space<hbm>>, %arg5: memref<2x10240x128xf32, #tpu.memory_space<hbm>>, %arg6: memref<4x64xi32, #tpu.memory_space<vmem>>, %arg7: memref<4x64xi32, #tpu.memory_space<vmem>>, %arg8: memref<64x128xf32, #tpu.memory_space<vmem>>, %arg9: memref<64x128xf32, #tpu.memory_space<vmem>>, %arg10: memref<64x128xf32, #tpu.memory_space<vmem>>, %arg11: memref<64x128xf32, #tpu.memory_space<vmem>>, %arg12: memref<10240x128xf32, #tpu.memory_space<vmem_shared>>, %arg13: memref<!tpu.dma_semaphore, #tpu.memory_space<semaphore_mem>>, %arg14: memref<!tpu.dma_semaphore, #tpu.memory_space<semaphore_mem>>, %arg15: memref<!tpu.dma_semaphore, #tpu.memory_space<semaphore_mem>>, %arg16: memref<!tpu.dma_semaphore, #tpu.memory_space<semaphore_mem>>, %arg17: memref<!tpu.dma_semaphore, #tpu.memory_space<semaphore_mem>>, %arg18: memref<!tpu.dma_semaphore, #tpu.memory_space<semaphore_mem>>, %arg19: memref<!tpu.dma_semaphore, #tpu.memory_space<semaphore_mem>>, %arg20: memref<!tpu.dma_semaphore, #tpu.memory_space<semaphore_mem>>, %arg21: memref<!tpu.dma_semaphore, #tpu.memory_space<semaphore_mem>>, %arg22: memref<!tpu.dma_semaphore, #tpu.memory_space<semaphore_mem>>, %arg23: memref<!tpu.dma_semaphore, #tpu.memory_space<semaphore_mem>>, %arg24: memref<!tpu.dma_semaphore, #tpu.memory_space<semaphore_mem>>, %arg25: memref<!tpu.dma_semaphore, #tpu.memory_space<semaphore_mem>>, %arg26: memref<!tpu.dma_semaphore, #tpu.memory_space<semaphore_mem>>, %arg27: memref<!tpu.dma_semaphore, #tpu.memory_space<semaphore_mem>>, %arg28: memref<!tpu.dma_semaphore, #tpu.memory_space<semaphore_mem>>) attributes {dimension_semantics = [#tpu.dimension_semantics<core_parallel>, #tpu.dimension_semantics<subcore_parallel>], iteration_bounds = array<i64: 2, 16>, scalar_prefetch = 0 : i64, scratch_operands = 23 : i64, tpu.core_type = #tpu.core_type<sc_vector_subcore>, window_params = [{transform_indices = #map}, {transform_indices = #map1}, {transform_indices = #map1}, {transform_indices = #map1}]} {
    %mul3A = arith.constant 16 : i32
    %mul3A_0 = arith.muli %arg0, %mul3A : i32
    %add3A = arith.addi %mul3A_0, %arg1 : i32
    %dma_start3A = arith.constant 0 : i32
    %dma_start3A_1 = arith.constant 0 : i32
    %dma_start3A_2 = arith.constant 0 : i32
    %dma_start3A_3 = tpu.memref_slice %arg6[%dma_start3A_1, %dma_start3A_2] : memref<4x64xi32, #tpu.memory_space<vmem>> -> memref<1x64xi32, #tpu.memory_space<vmem>>
    %dma_start3A_4 = tpu.memref_squeeze %dma_start3A_3 : memref<1x64xi32, #tpu.memory_space<vmem>> -> memref<64xi32, #tpu.memory_space<vmem>>
    %dma_start3A_5 = arith.constant 0 : i32
    %dma_start3A_6 = tpu.memref_slice %arg3[%add3A, %dma_start3A, %dma_start3A_5] : memref<32x160x64xi32, #tpu.memory_space<hbm>> -> memref<1x1x64xi32, #tpu.memory_space<hbm>>
    %dma_start3A_7 = tpu.memref_squeeze %dma_start3A_6 : memref<1x1x64xi32, #tpu.memory_space<hbm>> -> memref<64xi32, #tpu.memory_space<hbm>>
    %dma_start3A_8 = arith.constant 0 : i32
    %dma_start3A_9 = tpu.memref_slice %arg6[%dma_start3A_1, %dma_start3A_8] : memref<4x64xi32, #tpu.memory_space<vmem>> -> memref<1x64xi32, #tpu.memory_space<vmem>>
    %dma_start3A_10 = tpu.memref_squeeze %dma_start3A_9 : memref<1x64xi32, #tpu.memory_space<vmem>> -> memref<64xi32, #tpu.memory_space<vmem>>
    %dma_start3A_11 = arith.constant 0 : i32
    %dma_start3A_12 = tpu.memref_slice %arg3[%add3A, %dma_start3A, %dma_start3A_11] : memref<32x160x64xi32, #tpu.memory_space<hbm>> -> memref<1x1x64xi32, #tpu.memory_space<hbm>>
    %dma_start3A_13 = tpu.memref_squeeze %dma_start3A_12 : memref<1x1x64xi32, #tpu.memory_space<hbm>> -> memref<64xi32, #tpu.memory_space<hbm>>
    tpu.enqueue_dma source(%dma_start3A_13 : memref<64xi32, #tpu.memory_space<hbm>>) target(%dma_start3A_10 : memref<64xi32, #tpu.memory_space<vmem>>) target_semaphore(%arg17 : memref<!tpu.dma_semaphore, #tpu.memory_space<semaphore_mem>>)
    %dma_start3A_14 = arith.constant 0 : i32
    %dma_start3A_15 = arith.constant 0 : i32
    %dma_start3A_16 = arith.constant 0 : i32
    %dma_start3A_17 = tpu.memref_slice %arg7[%dma_start3A_15, %dma_start3A_16] : memref<4x64xi32, #tpu.memory_space<vmem>> -> memref<1x64xi32, #tpu.memory_space<vmem>>
    %dma_start3A_18 = tpu.memref_squeeze %dma_start3A_17 : memref<1x64xi32, #tpu.memory_space<vmem>> -> memref<64xi32, #tpu.memory_space<vmem>>
    %dma_start3A_19 = arith.constant 0 : i32
    %dma_start3A_20 = tpu.memref_slice %arg4[%add3A, %dma_start3A_14, %dma_start3A_19] : memref<32x160x64xi32, #tpu.memory_space<hbm>> -> memref<1x1x64xi32, #tpu.memory_space<hbm>>
    %dma_start3A_21 = tpu.memref_squeeze %dma_start3A_20 : memref<1x1x64xi32, #tpu.memory_space<hbm>> -> memref<64xi32, #tpu.memory_space<hbm>>
    %dma_start3A_22 = arith.constant 0 : i32
    %dma_start3A_23 = tpu.memref_slice %arg7[%dma_start3A_15, %dma_start3A_22] : memref<4x64xi32, #tpu.memory_space<vmem>> -> memref<1x64xi32, #tpu.memory_space<vmem>>
    %dma_start3A_24 = tpu.memref_squeeze %dma_start3A_23 : memref<1x64xi32, #tpu.memory_space<vmem>> -> memref<64xi32, #tpu.memory_space<vmem>>
    %dma_start3A_25 = arith.constant 0 : i32
    %dma_start3A_26 = tpu.memref_slice %arg4[%add3A, %dma_start3A_14, %dma_start3A_25] : memref<32x160x64xi32, #tpu.memory_space<hbm>> -> memref<1x1x64xi32, #tpu.memory_space<hbm>>
    %dma_start3A_27 = tpu.memref_squeeze %dma_start3A_26 : memref<1x1x64xi32, #tpu.memory_space<hbm>> -> memref<64xi32, #tpu.memory_space<hbm>>
    tpu.enqueue_dma source(%dma_start3A_27 : memref<64xi32, #tpu.memory_space<hbm>>) target(%dma_start3A_24 : memref<64xi32, #tpu.memory_space<vmem>>) target_semaphore(%arg25 : memref<!tpu.dma_semaphore, #tpu.memory_space<semaphore_mem>>)
    %dma_start3A_28 = arith.constant 1 : i32
    %dma_start3A_29 = arith.constant 1 : i32
    %dma_start3A_30 = arith.constant 0 : i32
    %dma_start3A_31 = tpu.memref_slice %arg6[%dma_start3A_29, %dma_start3A_30] : memref<4x64xi32, #tpu.memory_space<vmem>> -> memref<1x64xi32, #tpu.memory_space<vmem>>
    %dma_start3A_32 = tpu.memref_squeeze %dma_start3A_31 : memref<1x64xi32, #tpu.memory_space<vmem>> -> memref<64xi32, #tpu.memory_space<vmem>>
    %dma_start3A_33 = arith.constant 0 : i32
    %dma_start3A_34 = tpu.memref_slice %arg3[%add3A, %dma_start3A_28, %dma_start3A_33] : memref<32x160x64xi32, #tpu.memory_space<hbm>> -> memref<1x1x64xi32, #tpu.memory_space<hbm>>
    %dma_start3A_35 = tpu.memref_squeeze %dma_start3A_34 : memref<1x1x64xi32, #tpu.memory_space<hbm>> -> memref<64xi32, #tpu.memory_space<hbm>>
    %dma_start3A_36 = arith.constant 0 : i32
    %dma_start3A_37 = tpu.memref_slice %arg6[%dma_start3A_29, %dma_start3A_36] : memref<4x64xi32, #tpu.memory_space<vmem>> -> memref<1x64xi32, #tpu.memory_space<vmem>>
    %dma_start3A_38 = tpu.memref_squeeze %dma_start3A_37 : memref<1x64xi32, #tpu.memory_space<vmem>> -> memref<64xi32, #tpu.memory_space<vmem>>
    %dma_start3A_39 = arith.constant 0 : i32
    %dma_start3A_40 = tpu.memref_slice %arg3[%add3A, %dma_start3A_28, %dma_start3A_39] : memref<32x160x64xi32, #tpu.memory_space<hbm>> -> memref<1x1x64xi32, #tpu.memory_space<hbm>>
    %dma_start3A_41 = tpu.memref_squeeze %dma_start3A_40 : memref<1x1x64xi32, #tpu.memory_space<hbm>> -> memref<64xi32, #tpu.memory_space<hbm>>
    tpu.enqueue_dma source(%dma_start3A_41 : memref<64xi32, #tpu.memory_space<hbm>>) target(%dma_start3A_38 : memref<64xi32, #tpu.memory_space<vmem>>) target_semaphore(%arg18 : memref<!tpu.dma_semaphore, #tpu.memory_space<semaphore_mem>>)
    %dma_start3A_42 = arith.constant 1 : i32
    %dma_start3A_43 = arith.constant 1 : i32
    %dma_start3A_44 = arith.constant 0 : i32
    %dma_start3A_45 = tpu.memref_slice %arg7[%dma_start3A_43, %dma_start3A_44] : memref<4x64xi32, #tpu.memory_space<vmem>> -> memref<1x64xi32, #tpu.memory_space<vmem>>
    %dma_start3A_46 = tpu.memref_squeeze %dma_start3A_45 : memref<1x64xi32, #tpu.memory_space<vmem>> -> memref<64xi32, #tpu.memory_space<vmem>>
    %dma_start3A_47 = arith.constant 0 : i32
    %dma_start3A_48 = tpu.memref_slice %arg4[%add3A, %dma_start3A_42, %dma_start3A_47] : memref<32x160x64xi32, #tpu.memory_space<hbm>> -> memref<1x1x64xi32, #tpu.memory_space<hbm>>
    %dma_start3A_49 = tpu.memref_squeeze %dma_start3A_48 : memref<1x1x64xi32, #tpu.memory_space<hbm>> -> memref<64xi32, #tpu.memory_space<hbm>>
    %dma_start3A_50 = arith.constant 0 : i32
    %dma_start3A_51 = tpu.memref_slice %arg7[%dma_start3A_43, %dma_start3A_50] : memref<4x64xi32, #tpu.memory_space<vmem>> -> memref<1x64xi32, #tpu.memory_space<vmem>>
    %dma_start3A_52 = tpu.memref_squeeze %dma_start3A_51 : memref<1x64xi32, #tpu.memory_space<vmem>> -> memref<64xi32, #tpu.memory_space<vmem>>
    %dma_start3A_53 = arith.constant 0 : i32
    %dma_start3A_54 = tpu.memref_slice %arg4[%add3A, %dma_start3A_42, %dma_start3A_53] : memref<32x160x64xi32, #tpu.memory_space<hbm>> -> memref<1x1x64xi32, #tpu.memory_space<hbm>>
    %dma_start3A_55 = tpu.memref_squeeze %dma_start3A_54 : memref<1x1x64xi32, #tpu.memory_space<hbm>> -> memref<64xi32, #tpu.memory_space<hbm>>
    tpu.enqueue_dma source(%dma_start3A_55 : memref<64xi32, #tpu.memory_space<hbm>>) target(%dma_start3A_52 : memref<64xi32, #tpu.memory_space<vmem>>) target_semaphore(%arg26 : memref<!tpu.dma_semaphore, #tpu.memory_space<semaphore_mem>>)
    %dma_start3A_56 = arith.constant 2 : i32
    %dma_start3A_57 = arith.constant 2 : i32
    %dma_start3A_58 = arith.constant 0 : i32
    %dma_start3A_59 = tpu.memref_slice %arg6[%dma_start3A_57, %dma_start3A_58] : memref<4x64xi32, #tpu.memory_space<vmem>> -> memref<1x64xi32, #tpu.memory_space<vmem>>
    %dma_start3A_60 = tpu.memref_squeeze %dma_start3A_59 : memref<1x64xi32, #tpu.memory_space<vmem>> -> memref<64xi32, #tpu.memory_space<vmem>>
    %dma_start3A_61 = arith.constant 0 : i32
    %dma_start3A_62 = tpu.memref_slice %arg3[%add3A, %dma_start3A_56, %dma_start3A_61] : memref<32x160x64xi32, #tpu.memory_space<hbm>> -> memref<1x1x64xi32, #tpu.memory_space<hbm>>
    %dma_start3A_63 = tpu.memref_squeeze %dma_start3A_62 : memref<1x1x64xi32, #tpu.memory_space<hbm>> -> memref<64xi32, #tpu.memory_space<hbm>>
    %dma_start3A_64 = arith.constant 0 : i32
    %dma_start3A_65 = tpu.memref_slice %arg6[%dma_start3A_57, %dma_start3A_64] : memref<4x64xi32, #tpu.memory_space<vmem>> -> memref<1x64xi32, #tpu.memory_space<vmem>>
    %dma_start3A_66 = tpu.memref_squeeze %dma_start3A_65 : memref<1x64xi32, #tpu.memory_space<vmem>> -> memref<64xi32, #tpu.memory_space<vmem>>
    %dma_start3A_67 = arith.constant 0 : i32
    %dma_start3A_68 = tpu.memref_slice %arg3[%add3A, %dma_start3A_56, %dma_start3A_67] : memref<32x160x64xi32, #tpu.memory_space<hbm>> -> memref<1x1x64xi32, #tpu.memory_space<hbm>>
    %dma_start3A_69 = tpu.memref_squeeze %dma_start3A_68 : memref<1x1x64xi32, #tpu.memory_space<hbm>> -> memref<64xi32, #tpu.memory_space<hbm>>
    tpu.enqueue_dma source(%dma_start3A_69 : memref<64xi32, #tpu.memory_space<hbm>>) target(%dma_start3A_66 : memref<64xi32, #tpu.memory_space<vmem>>) target_semaphore(%arg19 : memref<!tpu.dma_semaphore, #tpu.memory_space<semaphore_mem>>)
    %dma_start3A_70 = arith.constant 2 : i32
    %dma_start3A_71 = arith.constant 2 : i32
    %dma_start3A_72 = arith.constant 0 : i32
    %dma_start3A_73 = tpu.memref_slice %arg7[%dma_start3A_71, %dma_start3A_72] : memref<4x64xi32, #tpu.memory_space<vmem>> -> memref<1x64xi32, #tpu.memory_space<vmem>>
    %dma_start3A_74 = tpu.memref_squeeze %dma_start3A_73 : memref<1x64xi32, #tpu.memory_space<vmem>> -> memref<64xi32, #tpu.memory_space<vmem>>
    %dma_start3A_75 = arith.constant 0 : i32
    %dma_start3A_76 = tpu.memref_slice %arg4[%add3A, %dma_start3A_70, %dma_start3A_75] : memref<32x160x64xi32, #tpu.memory_space<hbm>> -> memref<1x1x64xi32, #tpu.memory_space<hbm>>
    %dma_start3A_77 = tpu.memref_squeeze %dma_start3A_76 : memref<1x1x64xi32, #tpu.memory_space<hbm>> -> memref<64xi32, #tpu.memory_space<hbm>>
    %dma_start3A_78 = arith.constant 0 : i32
    %dma_start3A_79 = tpu.memref_slice %arg7[%dma_start3A_71, %dma_start3A_78] : memref<4x64xi32, #tpu.memory_space<vmem>> -> memref<1x64xi32, #tpu.memory_space<vmem>>
    %dma_start3A_80 = tpu.memref_squeeze %dma_start3A_79 : memref<1x64xi32, #tpu.memory_space<vmem>> -> memref<64xi32, #tpu.memory_space<vmem>>
    %dma_start3A_81 = arith.constant 0 : i32
    %dma_start3A_82 = tpu.memref_slice %arg4[%add3A, %dma_start3A_70, %dma_start3A_81] : memref<32x160x64xi32, #tpu.memory_space<hbm>> -> memref<1x1x64xi32, #tpu.memory_space<hbm>>
    %dma_start3A_83 = tpu.memref_squeeze %dma_start3A_82 : memref<1x1x64xi32, #tpu.memory_space<hbm>> -> memref<64xi32, #tpu.memory_space<hbm>>
    tpu.enqueue_dma source(%dma_start3A_83 : memref<64xi32, #tpu.memory_space<hbm>>) target(%dma_start3A_80 : memref<64xi32, #tpu.memory_space<vmem>>) target_semaphore(%arg27 : memref<!tpu.dma_semaphore, #tpu.memory_space<semaphore_mem>>)
    %dma_start3A_84 = arith.constant 3 : i32
    %dma_start3A_85 = arith.constant 3 : i32
    %dma_start3A_86 = arith.constant 0 : i32
    %dma_start3A_87 = tpu.memref_slice %arg6[%dma_start3A_85, %dma_start3A_86] : memref<4x64xi32, #tpu.memory_space<vmem>> -> memref<1x64xi32, #tpu.memory_space<vmem>>
    %dma_start3A_88 = tpu.memref_squeeze %dma_start3A_87 : memref<1x64xi32, #tpu.memory_space<vmem>> -> memref<64xi32, #tpu.memory_space<vmem>>
    %dma_start3A_89 = arith.constant 0 : i32
    %dma_start3A_90 = tpu.memref_slice %arg3[%add3A, %dma_start3A_84, %dma_start3A_89] : memref<32x160x64xi32, #tpu.memory_space<hbm>> -> memref<1x1x64xi32, #tpu.memory_space<hbm>>
    %dma_start3A_91 = tpu.memref_squeeze %dma_start3A_90 : memref<1x1x64xi32, #tpu.memory_space<hbm>> -> memref<64xi32, #tpu.memory_space<hbm>>
    %dma_start3A_92 = arith.constant 0 : i32
    %dma_start3A_93 = tpu.memref_slice %arg6[%dma_start3A_85, %dma_start3A_92] : memref<4x64xi32, #tpu.memory_space<vmem>> -> memref<1x64xi32, #tpu.memory_space<vmem>>
    %dma_start3A_94 = tpu.memref_squeeze %dma_start3A_93 : memref<1x64xi32, #tpu.memory_space<vmem>> -> memref<64xi32, #tpu.memory_space<vmem>>
    %dma_start3A_95 = arith.constant 0 : i32
    %dma_start3A_96 = tpu.memref_slice %arg3[%add3A, %dma_start3A_84, %dma_start3A_95] : memref<32x160x64xi32, #tpu.memory_space<hbm>> -> memref<1x1x64xi32, #tpu.memory_space<hbm>>
    %dma_start3A_97 = tpu.memref_squeeze %dma_start3A_96 : memref<1x1x64xi32, #tpu.memory_space<hbm>> -> memref<64xi32, #tpu.memory_space<hbm>>
    tpu.enqueue_dma source(%dma_start3A_97 : memref<64xi32, #tpu.memory_space<hbm>>) target(%dma_start3A_94 : memref<64xi32, #tpu.memory_space<vmem>>) target_semaphore(%arg20 : memref<!tpu.dma_semaphore, #tpu.memory_space<semaphore_mem>>)
    %dma_start3A_98 = arith.constant 3 : i32
    %dma_start3A_99 = arith.constant 3 : i32
    %dma_start3A_100 = arith.constant 0 : i32
    %dma_start3A_101 = tpu.memref_slice %arg7[%dma_start3A_99, %dma_start3A_100] : memref<4x64xi32, #tpu.memory_space<vmem>> -> memref<1x64xi32, #tpu.memory_space<vmem>>
    %dma_start3A_102 = tpu.memref_squeeze %dma_start3A_101 : memref<1x64xi32, #tpu.memory_space<vmem>> -> memref<64xi32, #tpu.memory_space<vmem>>
    %dma_start3A_103 = arith.constant 0 : i32
    %dma_start3A_104 = tpu.memref_slice %arg4[%add3A, %dma_start3A_98, %dma_start3A_103] : memref<32x160x64xi32, #tpu.memory_space<hbm>> -> memref<1x1x64xi32, #tpu.memory_space<hbm>>
    %dma_start3A_105 = tpu.memref_squeeze %dma_start3A_104 : memref<1x1x64xi32, #tpu.memory_space<hbm>> -> memref<64xi32, #tpu.memory_space<hbm>>
    %dma_start3A_106 = arith.constant 0 : i32
    %dma_start3A_107 = tpu.memref_slice %arg7[%dma_start3A_99, %dma_start3A_106] : memref<4x64xi32, #tpu.memory_space<vmem>> -> memref<1x64xi32, #tpu.memory_space<vmem>>
    %dma_start3A_108 = tpu.memref_squeeze %dma_start3A_107 : memref<1x64xi32, #tpu.memory_space<vmem>> -> memref<64xi32, #tpu.memory_space<vmem>>
    %dma_start3A_109 = arith.constant 0 : i32
    %dma_start3A_110 = tpu.memref_slice %arg4[%add3A, %dma_start3A_98, %dma_start3A_109] : memref<32x160x64xi32, #tpu.memory_space<hbm>> -> memref<1x1x64xi32, #tpu.memory_space<hbm>>
    %dma_start3A_111 = tpu.memref_squeeze %dma_start3A_110 : memref<1x1x64xi32, #tpu.memory_space<hbm>> -> memref<64xi32, #tpu.memory_space<hbm>>
    tpu.enqueue_dma source(%dma_start3A_111 : memref<64xi32, #tpu.memory_space<hbm>>) target(%dma_start3A_108 : memref<64xi32, #tpu.memory_space<vmem>>) target_semaphore(%arg28 : memref<!tpu.dma_semaphore, #tpu.memory_space<semaphore_mem>>)
    %dma_wait3A = arith.constant 0 : i32
    %dma_wait3A_112 = arith.constant 0 : i32
    %dma_wait3A_113 = arith.constant 0 : i32
    %dma_wait3A_114 = tpu.memref_slice %arg6[%dma_wait3A_112, %dma_wait3A_113] : memref<4x64xi32, #tpu.memory_space<vmem>> -> memref<1x64xi32, #tpu.memory_space<vmem>>
    %dma_wait3A_115 = tpu.memref_squeeze %dma_wait3A_114 : memref<1x64xi32, #tpu.memory_space<vmem>> -> memref<64xi32, #tpu.memory_space<vmem>>
    %dma_wait3A_116 = arith.constant 0 : i32
    %dma_wait3A_117 = tpu.memref_slice %arg3[%add3A, %dma_wait3A, %dma_wait3A_116] : memref<32x160x64xi32, #tpu.memory_space<hbm>> -> memref<1x1x64xi32, #tpu.memory_space<hbm>>
    %dma_wait3A_118 = tpu.memref_squeeze %dma_wait3A_117 : memref<1x1x64xi32, #tpu.memory_space<hbm>> -> memref<64xi32, #tpu.memory_space<hbm>>
    %dma_wait3A_119 = arith.constant 0 : i32
    %dma_wait3A_120 = tpu.memref_slice %arg6[%dma_wait3A_112, %dma_wait3A_119] : memref<4x64xi32, #tpu.memory_space<vmem>> -> memref<1x64xi32, #tpu.memory_space<vmem>>
    %dma_wait3A_121 = tpu.memref_squeeze %dma_wait3A_120 : memref<1x64xi32, #tpu.memory_space<vmem>> -> memref<64xi32, #tpu.memory_space<vmem>>
    %dma_wait3A_122 = arith.constant 0 : i32
    %dma_wait3A_123 = tpu.memref_slice %arg3[%add3A, %dma_wait3A, %dma_wait3A_122] : memref<32x160x64xi32, #tpu.memory_space<hbm>> -> memref<1x1x64xi32, #tpu.memory_space<hbm>>
    %dma_wait3A_124 = tpu.memref_squeeze %dma_wait3A_123 : memref<1x1x64xi32, #tpu.memory_space<hbm>> -> memref<64xi32, #tpu.memory_space<hbm>>
    tpu.wait_dma2 semaphore(%arg17 : memref<!tpu.dma_semaphore, #tpu.memory_space<semaphore_mem>>) src(%dma_wait3A_124 : memref<64xi32, #tpu.memory_space<hbm>>) dst(%dma_wait3A_121 : memref<64xi32, #tpu.memory_space<vmem>>)
    %dma_start3A_125 = arith.constant 0 : i32
    %dma_start3A_126 = arith.constant 0 : i32
    %dma_start3A_127 = tpu.memref_slice %arg6[%dma_start3A_125, %dma_start3A_126] : memref<4x64xi32, #tpu.memory_space<vmem>> -> memref<1x64xi32, #tpu.memory_space<vmem>>
    %dma_start3A_128 = tpu.memref_squeeze %dma_start3A_127 : memref<1x64xi32, #tpu.memory_space<vmem>> -> memref<64xi32, #tpu.memory_space<vmem>>
    %dma_start3A_129 = arith.constant 0 : i32
    %dma_start3A_130 = arith.constant 0 : i32
    %dma_start3A_131 = tpu.memref_slice %arg2[%dma_start3A_129, %dma_start3A_130] : memref<10000x128xf32, #tpu.memory_space<hbm>> -> memref<10000x128xf32, #tpu.memory_space<hbm>>
    tpu.enqueue_indirect_dma source(%dma_start3A_131 : memref<10000x128xf32, #tpu.memory_space<hbm>>) target(%arg8 : memref<64x128xf32, #tpu.memory_space<vmem>>) offsets(%dma_start3A_128 : memref<64xi32, #tpu.memory_space<vmem>>) semaphore(%arg13 : memref<!tpu.dma_semaphore, #tpu.memory_space<semaphore_mem>>)
    %dma_wait3A_132 = arith.constant 0 : i32
    %dma_wait3A_133 = arith.constant 1 : i32
    %dma_wait3A_134 = arith.constant 0 : i32
    %dma_wait3A_135 = tpu.memref_slice %arg6[%dma_wait3A_133, %dma_wait3A_134] : memref<4x64xi32, #tpu.memory_space<vmem>> -> memref<1x64xi32, #tpu.memory_space<vmem>>
    %dma_wait3A_136 = tpu.memref_squeeze %dma_wait3A_135 : memref<1x64xi32, #tpu.memory_space<vmem>> -> memref<64xi32, #tpu.memory_space<vmem>>
    %dma_wait3A_137 = arith.constant 0 : i32
    %dma_wait3A_138 = tpu.memref_slice %arg3[%add3A, %dma_wait3A_132, %dma_wait3A_137] : memref<32x160x64xi32, #tpu.memory_space<hbm>> -> memref<1x1x64xi32, #tpu.memory_space<hbm>>
    %dma_wait3A_139 = tpu.memref_squeeze %dma_wait3A_138 : memref<1x1x64xi32, #tpu.memory_space<hbm>> -> memref<64xi32, #tpu.memory_space<hbm>>
    %dma_wait3A_140 = arith.constant 0 : i32
    %dma_wait3A_141 = tpu.memref_slice %arg6[%dma_wait3A_133, %dma_wait3A_140] : memref<4x64xi32, #tpu.memory_space<vmem>> -> memref<1x64xi32, #tpu.memory_space<vmem>>
    %dma_wait3A_142 = tpu.memref_squeeze %dma_wait3A_141 : memref<1x64xi32, #tpu.memory_space<vmem>> -> memref<64xi32, #tpu.memory_space<vmem>>
    %dma_wait3A_143 = arith.constant 0 : i32
    %dma_wait3A_144 = tpu.memref_slice %arg3[%add3A, %dma_wait3A_132, %dma_wait3A_143] : memref<32x160x64xi32, #tpu.memory_space<hbm>> -> memref<1x1x64xi32, #tpu.memory_space<hbm>>
    %dma_wait3A_145 = tpu.memref_squeeze %dma_wait3A_144 : memref<1x1x64xi32, #tpu.memory_space<hbm>> -> memref<64xi32, #tpu.memory_space<hbm>>
    tpu.wait_dma2 semaphore(%arg18 : memref<!tpu.dma_semaphore, #tpu.memory_space<semaphore_mem>>) src(%dma_wait3A_145 : memref<64xi32, #tpu.memory_space<hbm>>) dst(%dma_wait3A_142 : memref<64xi32, #tpu.memory_space<vmem>>)
    %dma_start3A_146 = arith.constant 1 : i32
    %dma_start3A_147 = arith.constant 0 : i32
    %dma_start3A_148 = tpu.memref_slice %arg6[%dma_start3A_146, %dma_start3A_147] : memref<4x64xi32, #tpu.memory_space<vmem>> -> memref<1x64xi32, #tpu.memory_space<vmem>>
    %dma_start3A_149 = tpu.memref_squeeze %dma_start3A_148 : memref<1x64xi32, #tpu.memory_space<vmem>> -> memref<64xi32, #tpu.memory_space<vmem>>
    %dma_start3A_150 = arith.constant 0 : i32
    %dma_start3A_151 = arith.constant 0 : i32
    %dma_start3A_152 = tpu.memref_slice %arg2[%dma_start3A_150, %dma_start3A_151] : memref<10000x128xf32, #tpu.memory_space<hbm>> -> memref<10000x128xf32, #tpu.memory_space<hbm>>
    tpu.enqueue_indirect_dma source(%dma_start3A_152 : memref<10000x128xf32, #tpu.memory_space<hbm>>) target(%arg9 : memref<64x128xf32, #tpu.memory_space<vmem>>) offsets(%dma_start3A_149 : memref<64xi32, #tpu.memory_space<vmem>>) semaphore(%arg14 : memref<!tpu.dma_semaphore, #tpu.memory_space<semaphore_mem>>)
    %scan3A = arith.constant 0 : i32
    %scan3A_153 = arith.constant 64 : i32
    %scan3A_154 = arith.addi %scan3A, %scan3A_153 : i32
    %scan3A_155 = arith.constant 1 : i32
    scf.for %scan3A_235 = %scan3A to %scan3A_154 step %scan3A_155  : i32 {
      %mul3A_236 = arith.constant 1 : i32
      %mul3A_237 = arith.muli %scan3A_235, %mul3A_236 : i32
      %add3A_238 = arith.constant 0 : i32
      %add3A_239 = arith.addi %add3A_238, %mul3A_237 : i32
      %broadcast_in_dim3A = arith.constant 0.000000e+00 : f32
      %broadcast_in_dim3A_240 = vector.broadcast %broadcast_in_dim3A : f32 to vector<16xf32>
      %swap3A = arith.index_cast %add3A_239 : i32 to index
      %swap3A_241 = arith.constant 0 : index
      %swap3A_242 = tpu.vector_load %arg11[%swap3A, %swap3A_241] {strides = array<i32>} : memref<64x128xf32, #tpu.memory_space<vmem>>, vector<1x16xf32>,
      %swap3A_243 = vector.shape_cast %swap3A_242 : vector<1x16xf32> to vector<16xf32>
      %swap3A_244 = vector.shape_cast %broadcast_in_dim3A_240 : vector<16xf32> to vector<1x16xf32>
      tpu.vector_store %arg11[%swap3A, %swap3A_241], %swap3A_244 {strides = array<i32>} : memref<64x128xf32, #tpu.memory_space<vmem>>, vector<1x16xf32>,
      %broadcast_in_dim3A_245 = arith.constant 0.000000e+00 : f32
      %broadcast_in_dim3A_246 = vector.broadcast %broadcast_in_dim3A_245 : f32 to vector<16xf32>
      %swap3A_247 = arith.index_cast %add3A_239 : i32 to index
      %swap3A_248 = arith.constant 16 : index
      %swap3A_249 = tpu.vector_load %arg11[%swap3A_247, %swap3A_248] {strides = array<i32>} : memref<64x128xf32, #tpu.memory_space<vmem>>, vector<1x16xf32>,
      %swap3A_250 = vector.shape_cast %swap3A_249 : vector<1x16xf32> to vector<16xf32>
      %swap3A_251 = vector.shape_cast %broadcast_in_dim3A_246 : vector<16xf32> to vector<1x16xf32>
      tpu.vector_store %arg11[%swap3A_247, %swap3A_248], %swap3A_251 {strides = array<i32>} : memref<64x128xf32, #tpu.memory_space<vmem>>, vector<1x16xf32>,
      %broadcast_in_dim3A_252 = arith.constant 0.000000e+00 : f32
      %broadcast_in_dim3A_253 = vector.broadcast %broadcast_in_dim3A_252 : f32 to vector<16xf32>
      %swap3A_254 = arith.index_cast %add3A_239 : i32 to index
      %swap3A_255 = arith.constant 32 : index
      %swap3A_256 = tpu.vector_load %arg11[%swap3A_254, %swap3A_255] {strides = array<i32>} : memref<64x128xf32, #tpu.memory_space<vmem>>, vector<1x16xf32>,
      %swap3A_257 = vector.shape_cast %swap3A_256 : vector<1x16xf32> to vector<16xf32>
      %swap3A_258 = vector.shape_cast %broadcast_in_dim3A_253 : vector<16xf32> to vector<1x16xf32>
      tpu.vector_store %arg11[%swap3A_254, %swap3A_255], %swap3A_258 {strides = array<i32>} : memref<64x128xf32, #tpu.memory_space<vmem>>, vector<1x16xf32>,
      %broadcast_in_dim3A_259 = arith.constant 0.000000e+00 : f32
      %broadcast_in_dim3A_260 = vector.broadcast %broadcast_in_dim3A_259 : f32 to vector<16xf32>
      %swap3A_261 = arith.index_cast %add3A_239 : i32 to index
      %swap3A_262 = arith.constant 48 : index
      %swap3A_263 = tpu.vector_load %arg11[%swap3A_261, %swap3A_262] {strides = array<i32>} : memref<64x128xf32, #tpu.memory_space<vmem>>, vector<1x16xf32>,
      %swap3A_264 = vector.shape_cast %swap3A_263 : vector<1x16xf32> to vector<16xf32>
      %swap3A_265 = vector.shape_cast %broadcast_in_dim3A_260 : vector<16xf32> to vector<1x16xf32>
      tpu.vector_store %arg11[%swap3A_261, %swap3A_262], %swap3A_265 {strides = array<i32>} : memref<64x128xf32, #tpu.memory_space<vmem>>, vector<1x16xf32>,
      %broadcast_in_dim3A_266 = arith.constant 0.000000e+00 : f32
      %broadcast_in_dim3A_267 = vector.broadcast %broadcast_in_dim3A_266 : f32 to vector<16xf32>
      %swap3A_268 = arith.index_cast %add3A_239 : i32 to index
      %swap3A_269 = arith.constant 64 : index
      %swap3A_270 = tpu.vector_load %arg11[%swap3A_268, %swap3A_269] {strides = array<i32>} : memref<64x128xf32, #tpu.memory_space<vmem>>, vector<1x16xf32>,
      %swap3A_271 = vector.shape_cast %swap3A_270 : vector<1x16xf32> to vector<16xf32>
      %swap3A_272 = vector.shape_cast %broadcast_in_dim3A_267 : vector<16xf32> to vector<1x16xf32>
      tpu.vector_store %arg11[%swap3A_268, %swap3A_269], %swap3A_272 {strides = array<i32>} : memref<64x128xf32, #tpu.memory_space<vmem>>, vector<1x16xf32>,
      %broadcast_in_dim3A_273 = arith.constant 0.000000e+00 : f32
      %broadcast_in_dim3A_274 = vector.broadcast %broadcast_in_dim3A_273 : f32 to vector<16xf32>
      %swap3A_275 = arith.index_cast %add3A_239 : i32 to index
      %swap3A_276 = arith.constant 80 : index
      %swap3A_277 = tpu.vector_load %arg11[%swap3A_275, %swap3A_276] {strides = array<i32>} : memref<64x128xf32, #tpu.memory_space<vmem>>, vector<1x16xf32>,
      %swap3A_278 = vector.shape_cast %swap3A_277 : vector<1x16xf32> to vector<16xf32>
      %swap3A_279 = vector.shape_cast %broadcast_in_dim3A_274 : vector<16xf32> to vector<1x16xf32>
      tpu.vector_store %arg11[%swap3A_275, %swap3A_276], %swap3A_279 {strides = array<i32>} : memref<64x128xf32, #tpu.memory_space<vmem>>, vector<1x16xf32>,
      %broadcast_in_dim3A_280 = arith.constant 0.000000e+00 : f32
      %broadcast_in_dim3A_281 = vector.broadcast %broadcast_in_dim3A_280 : f32 to vector<16xf32>
      %swap3A_282 = arith.index_cast %add3A_239 : i32 to index
      %swap3A_283 = arith.constant 96 : index
      %swap3A_284 = tpu.vector_load %arg11[%swap3A_282, %swap3A_283] {strides = array<i32>} : memref<64x128xf32, #tpu.memory_space<vmem>>, vector<1x16xf32>,
      %swap3A_285 = vector.shape_cast %swap3A_284 : vector<1x16xf32> to vector<16xf32>
      %swap3A_286 = vector.shape_cast %broadcast_in_dim3A_281 : vector<16xf32> to vector<1x16xf32>
      tpu.vector_store %arg11[%swap3A_282, %swap3A_283], %swap3A_286 {strides = array<i32>} : memref<64x128xf32, #tpu.memory_space<vmem>>, vector<1x16xf32>,
      %broadcast_in_dim3A_287 = arith.constant 0.000000e+00 : f32
      %broadcast_in_dim3A_288 = vector.broadcast %broadcast_in_dim3A_287 : f32 to vector<16xf32>
      %swap3A_289 = arith.index_cast %add3A_239 : i32 to index
      %swap3A_290 = arith.constant 112 : index
      %swap3A_291 = tpu.vector_load %arg11[%swap3A_289, %swap3A_290] {strides = array<i32>} : memref<64x128xf32, #tpu.memory_space<vmem>>, vector<1x16xf32>,
      %swap3A_292 = vector.shape_cast %swap3A_291 : vector<1x16xf32> to vector<16xf32>
      %swap3A_293 = vector.shape_cast %broadcast_in_dim3A_288 : vector<16xf32> to vector<1x16xf32>
      tpu.vector_store %arg11[%swap3A_289, %swap3A_290], %swap3A_293 {strides = array<i32>} : memref<64x128xf32, #tpu.memory_space<vmem>>, vector<1x16xf32>,
    }
    %scan3A_156 = arith.constant 64 : i32
    %mul3A_157 = arith.constant 640 : i32
    %mul3A_158 = arith.muli %arg1, %mul3A_157 : i32
    %add3A_159 = arith.constant 0 : i32
    %add3A_160 = arith.addi %mul3A_158, %add3A_159 : i32
    "tpu.region"() ({
      %run_scoped3A = tpu.sem_alloc : memref<!tpu.dma_semaphore, #tpu.memory_space<semaphore_mem>>
      %dma_start3A_235 = arith.constant 0 : i32
      %dma_start3A_236 = tpu.memref_slice %arg12[%add3A_160, %dma_start3A_235] : memref<10240x128xf32, #tpu.memory_space<vmem_shared>> -> memref<64x128xf32, #tpu.memory_space<vmem_shared>>
      %dma_start3A_237 = arith.constant 0 : i32
      %dma_start3A_238 = tpu.memref_slice %arg12[%add3A_160, %dma_start3A_237] : memref<10240x128xf32, #tpu.memory_space<vmem_shared>> -> memref<64x128xf32, #tpu.memory_space<vmem_shared>>
      tpu.enqueue_dma source(%arg11 : memref<64x128xf32, #tpu.memory_space<vmem>>) target(%dma_start3A_238 : memref<64x128xf32, #tpu.memory_space<vmem_shared>>) target_semaphore(%run_scoped3A : memref<!tpu.dma_semaphore, #tpu.memory_space<semaphore_mem>>)
      %dma_wait3A_239 = arith.constant 0 : i32
      %dma_wait3A_240 = tpu.memref_slice %arg12[%add3A_160, %dma_wait3A_239] : memref<10240x128xf32, #tpu.memory_space<vmem_shared>> -> memref<64x128xf32, #tpu.memory_space<vmem_shared>>
      %dma_wait3A_241 = arith.constant 0 : i32
      %dma_wait3A_242 = tpu.memref_slice %arg12[%add3A_160, %dma_wait3A_241] : memref<10240x128xf32, #tpu.memory_space<vmem_shared>> -> memref<64x128xf32, #tpu.memory_space<vmem_shared>>
      tpu.wait_dma2 semaphore(%run_scoped3A : memref<!tpu.dma_semaphore, #tpu.memory_space<semaphore_mem>>) src(%arg11 : memref<64x128xf32, #tpu.memory_space<vmem>>) dst(%dma_wait3A_242 : memref<64x128xf32, #tpu.memory_space<vmem_shared>>)
      tpu.yield
    }) : () -> ()
    %mul3A_161 = arith.constant 640 : i32
    %mul3A_162 = arith.muli %arg1, %mul3A_161 : i32
    %add3A_163 = arith.constant 64 : i32
    %add3A_164 = arith.addi %mul3A_162, %add3A_163 : i32
    "tpu.region"() ({
      %run_scoped3A = tpu.sem_alloc : memref<!tpu.dma_semaphore, #tpu.memory_space<semaphore_mem>>
      %dma_start3A_235 = arith.constant 0 : i32
      %dma_start3A_236 = tpu.memref_slice %arg12[%add3A_164, %dma_start3A_235] : memref<10240x128xf32, #tpu.memory_space<vmem_shared>> -> memref<64x128xf32, #tpu.memory_space<vmem_shared>>
      %dma_start3A_237 = arith.constant 0 : i32
      %dma_start3A_238 = tpu.memref_slice %arg12[%add3A_164, %dma_start3A_237] : memref<10240x128xf32, #tpu.memory_space<vmem_shared>> -> memref<64x128xf32, #tpu.memory_space<vmem_shared>>
      tpu.enqueue_dma source(%arg11 : memref<64x128xf32, #tpu.memory_space<vmem>>) target(%dma_start3A_238 : memref<64x128xf32, #tpu.memory_space<vmem_shared>>) target_semaphore(%run_scoped3A : memref<!tpu.dma_semaphore, #tpu.memory_space<semaphore_mem>>)
      %dma_wait3A_239 = arith.constant 0 : i32
      %dma_wait3A_240 = tpu.memref_slice %arg12[%add3A_164, %dma_wait3A_239] : memref<10240x128xf32, #tpu.memory_space<vmem_shared>> -> memref<64x128xf32, #tpu.memory_space<vmem_shared>>
      %dma_wait3A_241 = arith.constant 0 : i32
      %dma_wait3A_242 = tpu.memref_slice %arg12[%add3A_164, %dma_wait3A_241] : memref<10240x128xf32, #tpu.memory_space<vmem_shared>> -> memref<64x128xf32, #tpu.memory_space<vmem_shared>>
      tpu.wait_dma2 semaphore(%run_scoped3A : memref<!tpu.dma_semaphore, #tpu.memory_space<semaphore_mem>>) src(%arg11 : memref<64x128xf32, #tpu.memory_space<vmem>>) dst(%dma_wait3A_242 : memref<64x128xf32, #tpu.memory_space<vmem_shared>>)
      tpu.yield
    }) : () -> ()
    %mul3A_165 = arith.constant 640 : i32
    %mul3A_166 = arith.muli %arg1, %mul3A_165 : i32
    %add3A_167 = arith.constant 128 : i32
    %add3A_168 = arith.addi %mul3A_166, %add3A_167 : i32
    "tpu.region"() ({
      %run_scoped3A = tpu.sem_alloc : memref<!tpu.dma_semaphore, #tpu.memory_space<semaphore_mem>>
      %dma_start3A_235 = arith.constant 0 : i32
      %dma_start3A_236 = tpu.memref_slice %arg12[%add3A_168, %dma_start3A_235] : memref<10240x128xf32, #tpu.memory_space<vmem_shared>> -> memref<64x128xf32, #tpu.memory_space<vmem_shared>>
      %dma_start3A_237 = arith.constant 0 : i32
      %dma_start3A_238 = tpu.memref_slice %arg12[%add3A_168, %dma_start3A_237] : memref<10240x128xf32, #tpu.memory_space<vmem_shared>> -> memref<64x128xf32, #tpu.memory_space<vmem_shared>>
      tpu.enqueue_dma source(%arg11 : memref<64x128xf32, #tpu.memory_space<vmem>>) target(%dma_start3A_238 : memref<64x128xf32, #tpu.memory_space<vmem_shared>>) target_semaphore(%run_scoped3A : memref<!tpu.dma_semaphore, #tpu.memory_space<semaphore_mem>>)
      %dma_wait3A_239 = arith.constant 0 : i32
      %dma_wait3A_240 = tpu.memref_slice %arg12[%add3A_168, %dma_wait3A_239] : memref<10240x128xf32, #tpu.memory_space<vmem_shared>> -> memref<64x128xf32, #tpu.memory_space<vmem_shared>>
      %dma_wait3A_241 = arith.constant 0 : i32
      %dma_wait3A_242 = tpu.memref_slice %arg12[%add3A_168, %dma_wait3A_241] : memref<10240x128xf32, #tpu.memory_space<vmem_shared>> -> memref<64x128xf32, #tpu.memory_space<vmem_shared>>
      tpu.wait_dma2 semaphore(%run_scoped3A : memref<!tpu.dma_semaphore, #tpu.memory_space<semaphore_mem>>) src(%arg11 : memref<64x128xf32, #tpu.memory_space<vmem>>) dst(%dma_wait3A_242 : memref<64x128xf32, #tpu.memory_space<vmem_shared>>)
      tpu.yield
    }) : () -> ()
    %mul3A_169 = arith.constant 640 : i32
    %mul3A_170 = arith.muli %arg1, %mul3A_169 : i32
    %add3A_171 = arith.constant 192 : i32
    %add3A_172 = arith.addi %mul3A_170, %add3A_171 : i32
    "tpu.region"() ({
      %run_scoped3A = tpu.sem_alloc : memref<!tpu.dma_semaphore, #tpu.memory_space<semaphore_mem>>
      %dma_start3A_235 = arith.constant 0 : i32
      %dma_start3A_236 = tpu.memref_slice %arg12[%add3A_172, %dma_start3A_235] : memref<10240x128xf32, #tpu.memory_space<vmem_shared>> -> memref<64x128xf32, #tpu.memory_space<vmem_shared>>
      %dma_start3A_237 = arith.constant 0 : i32
      %dma_start3A_238 = tpu.memref_slice %arg12[%add3A_172, %dma_start3A_237] : memref<10240x128xf32, #tpu.memory_space<vmem_shared>> -> memref<64x128xf32, #tpu.memory_space<vmem_shared>>
      tpu.enqueue_dma source(%arg11 : memref<64x128xf32, #tpu.memory_space<vmem>>) target(%dma_start3A_238 : memref<64x128xf32, #tpu.memory_space<vmem_shared>>) target_semaphore(%run_scoped3A : memref<!tpu.dma_semaphore, #tpu.memory_space<semaphore_mem>>)
      %dma_wait3A_239 = arith.constant 0 : i32
      %dma_wait3A_240 = tpu.memref_slice %arg12[%add3A_172, %dma_wait3A_239] : memref<10240x128xf32, #tpu.memory_space<vmem_shared>> -> memref<64x128xf32, #tpu.memory_space<vmem_shared>>
      %dma_wait3A_241 = arith.constant 0 : i32
      %dma_wait3A_242 = tpu.memref_slice %arg12[%add3A_172, %dma_wait3A_241] : memref<10240x128xf32, #tpu.memory_space<vmem_shared>> -> memref<64x128xf32, #tpu.memory_space<vmem_shared>>
      tpu.wait_dma2 semaphore(%run_scoped3A : memref<!tpu.dma_semaphore, #tpu.memory_space<semaphore_mem>>) src(%arg11 : memref<64x128xf32, #tpu.memory_space<vmem>>) dst(%dma_wait3A_242 : memref<64x128xf32, #tpu.memory_space<vmem_shared>>)
      tpu.yield
    }) : () -> ()
    %mul3A_173 = arith.constant 640 : i32
    %mul3A_174 = arith.muli %arg1, %mul3A_173 : i32
    %add3A_175 = arith.constant 256 : i32
    %add3A_176 = arith.addi %mul3A_174, %add3A_175 : i32
    "tpu.region"() ({
      %run_scoped3A = tpu.sem_alloc : memref<!tpu.dma_semaphore, #tpu.memory_space<semaphore_mem>>
      %dma_start3A_235 = arith.constant 0 : i32
      %dma_start3A_236 = tpu.memref_slice %arg12[%add3A_176, %dma_start3A_235] : memref<10240x128xf32, #tpu.memory_space<vmem_shared>> -> memref<64x128xf32, #tpu.memory_space<vmem_shared>>
      %dma_start3A_237 = arith.constant 0 : i32
      %dma_start3A_238 = tpu.memref_slice %arg12[%add3A_176, %dma_start3A_237] : memref<10240x128xf32, #tpu.memory_space<vmem_shared>> -> memref<64x128xf32, #tpu.memory_space<vmem_shared>>
      tpu.enqueue_dma source(%arg11 : memref<64x128xf32, #tpu.memory_space<vmem>>) target(%dma_start3A_238 : memref<64x128xf32, #tpu.memory_space<vmem_shared>>) target_semaphore(%run_scoped3A : memref<!tpu.dma_semaphore, #tpu.memory_space<semaphore_mem>>)
      %dma_wait3A_239 = arith.constant 0 : i32
      %dma_wait3A_240 = tpu.memref_slice %arg12[%add3A_176, %dma_wait3A_239] : memref<10240x128xf32, #tpu.memory_space<vmem_shared>> -> memref<64x128xf32, #tpu.memory_space<vmem_shared>>
      %dma_wait3A_241 = arith.constant 0 : i32
      %dma_wait3A_242 = tpu.memref_slice %arg12[%add3A_176, %dma_wait3A_241] : memref<10240x128xf32, #tpu.memory_space<vmem_shared>> -> memref<64x128xf32, #tpu.memory_space<vmem_shared>>
      tpu.wait_dma2 semaphore(%run_scoped3A : memref<!tpu.dma_semaphore, #tpu.memory_space<semaphore_mem>>) src(%arg11 : memref<64x128xf32, #tpu.memory_space<vmem>>) dst(%dma_wait3A_242 : memref<64x128xf32, #tpu.memory_space<vmem_shared>>)
      tpu.yield
    }) : () -> ()
    %mul3A_177 = arith.constant 640 : i32
    %mul3A_178 = arith.muli %arg1, %mul3A_177 : i32
    %add3A_179 = arith.constant 320 : i32
    %add3A_180 = arith.addi %mul3A_178, %add3A_179 : i32
    "tpu.region"() ({
      %run_scoped3A = tpu.sem_alloc : memref<!tpu.dma_semaphore, #tpu.memory_space<semaphore_mem>>
      %dma_start3A_235 = arith.constant 0 : i32
      %dma_start3A_236 = tpu.memref_slice %arg12[%add3A_180, %dma_start3A_235] : memref<10240x128xf32, #tpu.memory_space<vmem_shared>> -> memref<64x128xf32, #tpu.memory_space<vmem_shared>>
      %dma_start3A_237 = arith.constant 0 : i32
      %dma_start3A_238 = tpu.memref_slice %arg12[%add3A_180, %dma_start3A_237] : memref<10240x128xf32, #tpu.memory_space<vmem_shared>> -> memref<64x128xf32, #tpu.memory_space<vmem_shared>>
      tpu.enqueue_dma source(%arg11 : memref<64x128xf32, #tpu.memory_space<vmem>>) target(%dma_start3A_238 : memref<64x128xf32, #tpu.memory_space<vmem_shared>>) target_semaphore(%run_scoped3A : memref<!tpu.dma_semaphore, #tpu.memory_space<semaphore_mem>>)
      %dma_wait3A_239 = arith.constant 0 : i32
      %dma_wait3A_240 = tpu.memref_slice %arg12[%add3A_180, %dma_wait3A_239] : memref<10240x128xf32, #tpu.memory_space<vmem_shared>> -> memref<64x128xf32, #tpu.memory_space<vmem_shared>>
      %dma_wait3A_241 = arith.constant 0 : i32
      %dma_wait3A_242 = tpu.memref_slice %arg12[%add3A_180, %dma_wait3A_241] : memref<10240x128xf32, #tpu.memory_space<vmem_shared>> -> memref<64x128xf32, #tpu.memory_space<vmem_shared>>
      tpu.wait_dma2 semaphore(%run_scoped3A : memref<!tpu.dma_semaphore, #tpu.memory_space<semaphore_mem>>) src(%arg11 : memref<64x128xf32, #tpu.memory_space<vmem>>) dst(%dma_wait3A_242 : memref<64x128xf32, #tpu.memory_space<vmem_shared>>)
      tpu.yield
    }) : () -> ()
    %mul3A_181 = arith.constant 640 : i32
    %mul3A_182 = arith.muli %arg1, %mul3A_181 : i32
    %add3A_183 = arith.constant 384 : i32
    %add3A_184 = arith.addi %mul3A_182, %add3A_183 : i32
    "tpu.region"() ({
      %run_scoped3A = tpu.sem_alloc : memref<!tpu.dma_semaphore, #tpu.memory_space<semaphore_mem>>
      %dma_start3A_235 = arith.constant 0 : i32
      %dma_start3A_236 = tpu.memref_slice %arg12[%add3A_184, %dma_start3A_235] : memref<10240x128xf32, #tpu.memory_space<vmem_shared>> -> memref<64x128xf32, #tpu.memory_space<vmem_shared>>
      %dma_start3A_237 = arith.constant 0 : i32
      %dma_start3A_238 = tpu.memref_slice %arg12[%add3A_184, %dma_start3A_237] : memref<10240x128xf32, #tpu.memory_space<vmem_shared>> -> memref<64x128xf32, #tpu.memory_space<vmem_shared>>
      tpu.enqueue_dma source(%arg11 : memref<64x128xf32, #tpu.memory_space<vmem>>) target(%dma_start3A_238 : memref<64x128xf32, #tpu.memory_space<vmem_shared>>) target_semaphore(%run_scoped3A : memref<!tpu.dma_semaphore, #tpu.memory_space<semaphore_mem>>)
      %dma_wait3A_239 = arith.constant 0 : i32
      %dma_wait3A_240 = tpu.memref_slice %arg12[%add3A_184, %dma_wait3A_239] : memref<10240x128xf32, #tpu.memory_space<vmem_shared>> -> memref<64x128xf32, #tpu.memory_space<vmem_shared>>
      %dma_wait3A_241 = arith.constant 0 : i32
      %dma_wait3A_242 = tpu.memref_slice %arg12[%add3A_184, %dma_wait3A_241] : memref<10240x128xf32, #tpu.memory_space<vmem_shared>> -> memref<64x128xf32, #tpu.memory_space<vmem_shared>>
      tpu.wait_dma2 semaphore(%run_scoped3A : memref<!tpu.dma_semaphore, #tpu.memory_space<semaphore_mem>>) src(%arg11 : memref<64x128xf32, #tpu.memory_space<vmem>>) dst(%dma_wait3A_242 : memref<64x128xf32, #tpu.memory_space<vmem_shared>>)
      tpu.yield
    }) : () -> ()
    %mul3A_185 = arith.constant 640 : i32
    %mul3A_186 = arith.muli %arg1, %mul3A_185 : i32
    %add3A_187 = arith.constant 448 : i32
    %add3A_188 = arith.addi %mul3A_186, %add3A_187 : i32
    "tpu.region"() ({
      %run_scoped3A = tpu.sem_alloc : memref<!tpu.dma_semaphore, #tpu.memory_space<semaphore_mem>>
      %dma_start3A_235 = arith.constant 0 : i32
      %dma_start3A_236 = tpu.memref_slice %arg12[%add3A_188, %dma_start3A_235] : memref<10240x128xf32, #tpu.memory_space<vmem_shared>> -> memref<64x128xf32, #tpu.memory_space<vmem_shared>>
      %dma_start3A_237 = arith.constant 0 : i32
      %dma_start3A_238 = tpu.memref_slice %arg12[%add3A_188, %dma_start3A_237] : memref<10240x128xf32, #tpu.memory_space<vmem_shared>> -> memref<64x128xf32, #tpu.memory_space<vmem_shared>>
      tpu.enqueue_dma source(%arg11 : memref<64x128xf32, #tpu.memory_space<vmem>>) target(%dma_start3A_238 : memref<64x128xf32, #tpu.memory_space<vmem_shared>>) target_semaphore(%run_scoped3A : memref<!tpu.dma_semaphore, #tpu.memory_space<semaphore_mem>>)
      %dma_wait3A_239 = arith.constant 0 : i32
      %dma_wait3A_240 = tpu.memref_slice %arg12[%add3A_188, %dma_wait3A_239] : memref<10240x128xf32, #tpu.memory_space<vmem_shared>> -> memref<64x128xf32, #tpu.memory_space<vmem_shared>>
      %dma_wait3A_241 = arith.constant 0 : i32
      %dma_wait3A_242 = tpu.memref_slice %arg12[%add3A_188, %dma_wait3A_241] : memref<10240x128xf32, #tpu.memory_space<vmem_shared>> -> memref<64x128xf32, #tpu.memory_space<vmem_shared>>
      tpu.wait_dma2 semaphore(%run_scoped3A : memref<!tpu.dma_semaphore, #tpu.memory_space<semaphore_mem>>) src(%arg11 : memref<64x128xf32, #tpu.memory_space<vmem>>) dst(%dma_wait3A_242 : memref<64x128xf32, #tpu.memory_space<vmem_shared>>)
      tpu.yield
    }) : () -> ()
    %mul3A_189 = arith.constant 640 : i32
    %mul3A_190 = arith.muli %arg1, %mul3A_189 : i32
    %add3A_191 = arith.constant 512 : i32
    %add3A_192 = arith.addi %mul3A_190, %add3A_191 : i32
    "tpu.region"() ({
      %run_scoped3A = tpu.sem_alloc : memref<!tpu.dma_semaphore, #tpu.memory_space<semaphore_mem>>
      %dma_start3A_235 = arith.constant 0 : i32
      %dma_start3A_236 = tpu.memref_slice %arg12[%add3A_192, %dma_start3A_235] : memref<10240x128xf32, #tpu.memory_space<vmem_shared>> -> memref<64x128xf32, #tpu.memory_space<vmem_shared>>
      %dma_start3A_237 = arith.constant 0 : i32
      %dma_start3A_238 = tpu.memref_slice %arg12[%add3A_192, %dma_start3A_237] : memref<10240x128xf32, #tpu.memory_space<vmem_shared>> -> memref<64x128xf32, #tpu.memory_space<vmem_shared>>
      tpu.enqueue_dma source(%arg11 : memref<64x128xf32, #tpu.memory_space<vmem>>) target(%dma_start3A_238 : memref<64x128xf32, #tpu.memory_space<vmem_shared>>) target_semaphore(%run_scoped3A : memref<!tpu.dma_semaphore, #tpu.memory_space<semaphore_mem>>)
      %dma_wait3A_239 = arith.constant 0 : i32
      %dma_wait3A_240 = tpu.memref_slice %arg12[%add3A_192, %dma_wait3A_239] : memref<10240x128xf32, #tpu.memory_space<vmem_shared>> -> memref<64x128xf32, #tpu.memory_space<vmem_shared>>
      %dma_wait3A_241 = arith.constant 0 : i32
      %dma_wait3A_242 = tpu.memref_slice %arg12[%add3A_192, %dma_wait3A_241] : memref<10240x128xf32, #tpu.memory_space<vmem_shared>> -> memref<64x128xf32, #tpu.memory_space<vmem_shared>>
      tpu.wait_dma2 semaphore(%run_scoped3A : memref<!tpu.dma_semaphore, #tpu.memory_space<semaphore_mem>>) src(%arg11 : memref<64x128xf32, #tpu.memory_space<vmem>>) dst(%dma_wait3A_242 : memref<64x128xf32, #tpu.memory_space<vmem_shared>>)
      tpu.yield
    }) : () -> ()
    %mul3A_193 = arith.constant 640 : i32
    %mul3A_194 = arith.muli %arg1, %mul3A_193 : i32
    %add3A_195 = arith.constant 576 : i32
    %add3A_196 = arith.addi %mul3A_194, %add3A_195 : i32
    "tpu.region"() ({
      %run_scoped3A = tpu.sem_alloc : memref<!tpu.dma_semaphore, #tpu.memory_space<semaphore_mem>>
      %dma_start3A_235 = arith.constant 0 : i32
      %dma_start3A_236 = tpu.memref_slice %arg12[%add3A_196, %dma_start3A_235] : memref<10240x128xf32, #tpu.memory_space<vmem_shared>> -> memref<64x128xf32, #tpu.memory_space<vmem_shared>>
      %dma_start3A_237 = arith.constant 0 : i32
      %dma_start3A_238 = tpu.memref_slice %arg12[%add3A_196, %dma_start3A_237] : memref<10240x128xf32, #tpu.memory_space<vmem_shared>> -> memref<64x128xf32, #tpu.memory_space<vmem_shared>>
      tpu.enqueue_dma source(%arg11 : memref<64x128xf32, #tpu.memory_space<vmem>>) target(%dma_start3A_238 : memref<64x128xf32, #tpu.memory_space<vmem_shared>>) target_semaphore(%run_scoped3A : memref<!tpu.dma_semaphore, #tpu.memory_space<semaphore_mem>>)
      %dma_wait3A_239 = arith.constant 0 : i32
      %dma_wait3A_240 = tpu.memref_slice %arg12[%add3A_196, %dma_wait3A_239] : memref<10240x128xf32, #tpu.memory_space<vmem_shared>> -> memref<64x128xf32, #tpu.memory_space<vmem_shared>>
      %dma_wait3A_241 = arith.constant 0 : i32
      %dma_wait3A_242 = tpu.memref_slice %arg12[%add3A_196, %dma_wait3A_241] : memref<10240x128xf32, #tpu.memory_space<vmem_shared>> -> memref<64x128xf32, #tpu.memory_space<vmem_shared>>
      tpu.wait_dma2 semaphore(%run_scoped3A : memref<!tpu.dma_semaphore, #tpu.memory_space<semaphore_mem>>) src(%arg11 : memref<64x128xf32, #tpu.memory_space<vmem>>) dst(%dma_wait3A_242 : memref<64x128xf32, #tpu.memory_space<vmem_shared>>)
      tpu.yield
    }) : () -> ()
    %barrier3A = arith.constant 0 : index
    tpu.barrier barrier_id(%barrier3A)
    %scan3A_197 = arith.constant 0 : i32
    %scan3A_198 = arith.constant 40 : i32
    %scan3A_199 = arith.addi %scan3A_197, %scan3A_198 : i32
    %scan3A_200 = arith.constant 1 : i32
    scf.for %scan3A_235 = %scan3A_197 to %scan3A_199 step %scan3A_200  : i32 {
      %mul3A_236 = arith.constant 4 : i32
      %mul3A_237 = arith.muli %scan3A_235, %mul3A_236 : i32
      %add3A_238 = arith.constant 0 : i32
      %add3A_239 = arith.addi %add3A_238, %mul3A_237 : i32
      %add3A_240 = arith.constant 0 : i32
      %add3A_241 = arith.addi %add3A_239, %add3A_240 : i32
      %dma_wait3A_242 = arith.constant 0 : i32
      %dma_wait3A_243 = arith.constant 0 : i32
      %dma_wait3A_244 = tpu.memref_slice %arg6[%dma_wait3A_242, %dma_wait3A_243] : memref<4x64xi32, #tpu.memory_space<vmem>> -> memref<1x64xi32, #tpu.memory_space<vmem>>
      %dma_wait3A_245 = tpu.memref_squeeze %dma_wait3A_244 : memref<1x64xi32, #tpu.memory_space<vmem>> -> memref<64xi32, #tpu.memory_space<vmem>>
      %dma_wait3A_246 = arith.constant 0 : i32
      %dma_wait3A_247 = arith.constant 0 : i32
      %dma_wait3A_248 = tpu.memref_slice %arg2[%dma_wait3A_246, %dma_wait3A_247] : memref<10000x128xf32, #tpu.memory_space<hbm>> -> memref<10000x128xf32, #tpu.memory_space<hbm>>
      tpu.wait_indirect_dma semaphore(%arg13 : memref<!tpu.dma_semaphore, #tpu.memory_space<semaphore_mem>>) src(%dma_wait3A_248 : memref<10000x128xf32, #tpu.memory_space<hbm>>) dst(%arg8 : memref<64x128xf32, #tpu.memory_space<vmem>>)
      %add3A_249 = arith.constant 4 : i32
      %add3A_250 = arith.addi %add3A_241, %add3A_249 : i32
      %lt3A = arith.constant 160 : i32
      %lt3A_251 = arith.cmpi slt, %add3A_250, %lt3A : i32
      %convert_element_type3A = arith.extui %lt3A_251 : i1 to i32
      %cond3A = arith.constant 0 : i32
      %cond3A_252 = arith.cmpi ne, %convert_element_type3A, %cond3A : i32
      scf.if %cond3A_252 {
        %add3A_413 = arith.constant 4 : i32
        %add3A_414 = arith.addi %add3A_241, %add3A_413 : i32
        %dma_start3A_415 = arith.constant 0 : i32
        %dma_start3A_416 = arith.constant 0 : i32
        %dma_start3A_417 = tpu.memref_slice %arg6[%dma_start3A_415, %dma_start3A_416] : memref<4x64xi32, #tpu.memory_space<vmem>> -> memref<1x64xi32, #tpu.memory_space<vmem>>
        %dma_start3A_418 = tpu.memref_squeeze %dma_start3A_417 : memref<1x64xi32, #tpu.memory_space<vmem>> -> memref<64xi32, #tpu.memory_space<vmem>>
        %dma_start3A_419 = arith.constant 0 : i32
        %dma_start3A_420 = tpu.memref_slice %arg3[%add3A, %add3A_414, %dma_start3A_419] : memref<32x160x64xi32, #tpu.memory_space<hbm>> -> memref<1x1x64xi32, #tpu.memory_space<hbm>>
        %dma_start3A_421 = tpu.memref_squeeze %dma_start3A_420 : memref<1x1x64xi32, #tpu.memory_space<hbm>> -> memref<64xi32, #tpu.memory_space<hbm>>
        %dma_start3A_422 = arith.constant 0 : i32
        %dma_start3A_423 = tpu.memref_slice %arg6[%dma_start3A_415, %dma_start3A_422] : memref<4x64xi32, #tpu.memory_space<vmem>> -> memref<1x64xi32, #tpu.memory_space<vmem>>
        %dma_start3A_424 = tpu.memref_squeeze %dma_start3A_423 : memref<1x64xi32, #tpu.memory_space<vmem>> -> memref<64xi32, #tpu.memory_space<vmem>>
        %dma_start3A_425 = arith.constant 0 : i32
        %dma_start3A_426 = tpu.memref_slice %arg3[%add3A, %add3A_414, %dma_start3A_425] : memref<32x160x64xi32, #tpu.memory_space<hbm>> -> memref<1x1x64xi32, #tpu.memory_space<hbm>>
        %dma_start3A_427 = tpu.memref_squeeze %dma_start3A_426 : memref<1x1x64xi32, #tpu.memory_space<hbm>> -> memref<64xi32, #tpu.memory_space<hbm>>
        tpu.enqueue_dma source(%dma_start3A_427 : memref<64xi32, #tpu.memory_space<hbm>>) target(%dma_start3A_424 : memref<64xi32, #tpu.memory_space<vmem>>) target_semaphore(%arg17 : memref<!tpu.dma_semaphore, #tpu.memory_space<semaphore_mem>>)
      } else {
      }
      %dma_wait3A_253 = arith.constant 0 : i32
      %dma_wait3A_254 = arith.constant 0 : i32
      %dma_wait3A_255 = arith.constant 0 : i32
      %dma_wait3A_256 = tpu.memref_slice %arg7[%dma_wait3A_254, %dma_wait3A_255] : memref<4x64xi32, #tpu.memory_space<vmem>> -> memref<1x64xi32, #tpu.memory_space<vmem>>
      %dma_wait3A_257 = tpu.memref_squeeze %dma_wait3A_256 : memref<1x64xi32, #tpu.memory_space<vmem>> -> memref<64xi32, #tpu.memory_space<vmem>>
      %dma_wait3A_258 = arith.constant 0 : i32
      %dma_wait3A_259 = tpu.memref_slice %arg4[%add3A, %dma_wait3A_253, %dma_wait3A_258] : memref<32x160x64xi32, #tpu.memory_space<hbm>> -> memref<1x1x64xi32, #tpu.memory_space<hbm>>
      %dma_wait3A_260 = tpu.memref_squeeze %dma_wait3A_259 : memref<1x1x64xi32, #tpu.memory_space<hbm>> -> memref<64xi32, #tpu.memory_space<hbm>>
      %dma_wait3A_261 = arith.constant 0 : i32
      %dma_wait3A_262 = tpu.memref_slice %arg7[%dma_wait3A_254, %dma_wait3A_261] : memref<4x64xi32, #tpu.memory_space<vmem>> -> memref<1x64xi32, #tpu.memory_space<vmem>>
      %dma_wait3A_263 = tpu.memref_squeeze %dma_wait3A_262 : memref<1x64xi32, #tpu.memory_space<vmem>> -> memref<64xi32, #tpu.memory_space<vmem>>
      %dma_wait3A_264 = arith.constant 0 : i32
      %dma_wait3A_265 = tpu.memref_slice %arg4[%add3A, %dma_wait3A_253, %dma_wait3A_264] : memref<32x160x64xi32, #tpu.memory_space<hbm>> -> memref<1x1x64xi32, #tpu.memory_space<hbm>>
      %dma_wait3A_266 = tpu.memref_squeeze %dma_wait3A_265 : memref<1x1x64xi32, #tpu.memory_space<hbm>> -> memref<64xi32, #tpu.memory_space<hbm>>
      tpu.wait_dma2 semaphore(%arg25 : memref<!tpu.dma_semaphore, #tpu.memory_space<semaphore_mem>>) src(%dma_wait3A_266 : memref<64xi32, #tpu.memory_space<hbm>>) dst(%dma_wait3A_263 : memref<64xi32, #tpu.memory_space<vmem>>)
      %dma_start3A_267 = arith.constant 0 : i32
      %dma_start3A_268 = arith.constant 0 : i32
      %dma_start3A_269 = tpu.memref_slice %arg7[%dma_start3A_267, %dma_start3A_268] : memref<4x64xi32, #tpu.memory_space<vmem>> -> memref<1x64xi32, #tpu.memory_space<vmem>>
      %dma_start3A_270 = tpu.memref_squeeze %dma_start3A_269 : memref<1x64xi32, #tpu.memory_space<vmem>> -> memref<64xi32, #tpu.memory_space<vmem>>
      %dma_start3A_271 = arith.constant 0 : i32
      %dma_start3A_272 = arith.constant 0 : i32
      %dma_start3A_273 = tpu.memref_slice %arg12[%dma_start3A_271, %dma_start3A_272] : memref<10240x128xf32, #tpu.memory_space<vmem_shared>> -> memref<10240x128xf32, #tpu.memory_space<vmem_shared>>
      tpu.enqueue_indirect_dma source(%arg8 : memref<64x128xf32, #tpu.memory_space<vmem>>) target(%dma_start3A_273 : memref<10240x128xf32, #tpu.memory_space<vmem_shared>>) offsets(%dma_start3A_270 : memref<64xi32, #tpu.memory_space<vmem>>) semaphore(%arg21 : memref<!tpu.dma_semaphore, #tpu.memory_space<semaphore_mem>>) {add = true}
      %add3A_274 = arith.constant 2 : i32
      %add3A_275 = arith.addi %add3A_241, %add3A_274 : i32
      %lt3A_276 = arith.constant 160 : i32
      %lt3A_277 = arith.cmpi slt, %add3A_275, %lt3A_276 : i32
      %convert_element_type3A_278 = arith.extui %lt3A_277 : i1 to i32
      %cond3A_279 = arith.constant 0 : i32
      %cond3A_280 = arith.cmpi ne, %convert_element_type3A_278, %cond3A_279 : i32
      scf.if %cond3A_280 {
        %ge3A = arith.constant 2 : i32
        %ge3A_413 = arith.cmpi sge, %add3A_241, %ge3A : i32
        %convert_element_type3A_414 = arith.extui %ge3A_413 : i1 to i32
        %cond3A_415 = arith.constant 0 : i32
        %cond3A_416 = arith.cmpi ne, %convert_element_type3A_414, %cond3A_415 : i32
        scf.if %cond3A_416 {
          %dma_wait3A_438 = arith.constant 2 : i32
          %dma_wait3A_439 = arith.constant 0 : i32
          %dma_wait3A_440 = tpu.memref_slice %arg7[%dma_wait3A_438, %dma_wait3A_439] : memref<4x64xi32, #tpu.memory_space<vmem>> -> memref<1x64xi32, #tpu.memory_space<vmem>>
          %dma_wait3A_441 = tpu.memref_squeeze %dma_wait3A_440 : memref<1x64xi32, #tpu.memory_space<vmem>> -> memref<64xi32, #tpu.memory_space<vmem>>
          %dma_wait3A_442 = arith.constant 0 : i32
          %dma_wait3A_443 = arith.constant 0 : i32
          %dma_wait3A_444 = tpu.memref_slice %arg12[%dma_wait3A_442, %dma_wait3A_443] : memref<10240x128xf32, #tpu.memory_space<vmem_shared>> -> memref<10240x128xf32, #tpu.memory_space<vmem_shared>>
          tpu.wait_indirect_dma semaphore(%arg23 : memref<!tpu.dma_semaphore, #tpu.memory_space<semaphore_mem>>) src(%arg10 : memref<64x128xf32, #tpu.memory_space<vmem>>) dst(%dma_wait3A_444 : memref<10240x128xf32, #tpu.memory_space<vmem_shared>>)
          %add3A_445 = arith.constant 2 : i32
          %add3A_446 = arith.addi %add3A_241, %add3A_445 : i32
          %dma_start3A_447 = arith.constant 2 : i32
          %dma_start3A_448 = arith.constant 0 : i32
          %dma_start3A_449 = tpu.memref_slice %arg7[%dma_start3A_447, %dma_start3A_448] : memref<4x64xi32, #tpu.memory_space<vmem>> -> memref<1x64xi32, #tpu.memory_space<vmem>>
          %dma_start3A_450 = tpu.memref_squeeze %dma_start3A_449 : memref<1x64xi32, #tpu.memory_space<vmem>> -> memref<64xi32, #tpu.memory_space<vmem>>
          %dma_start3A_451 = arith.constant 0 : i32
          %dma_start3A_452 = tpu.memref_slice %arg4[%add3A, %add3A_446, %dma_start3A_451] : memref<32x160x64xi32, #tpu.memory_space<hbm>> -> memref<1x1x64xi32, #tpu.memory_space<hbm>>
          %dma_start3A_453 = tpu.memref_squeeze %dma_start3A_452 : memref<1x1x64xi32, #tpu.memory_space<hbm>> -> memref<64xi32, #tpu.memory_space<hbm>>
          %dma_start3A_454 = arith.constant 0 : i32
          %dma_start3A_455 = tpu.memref_slice %arg7[%dma_start3A_447, %dma_start3A_454] : memref<4x64xi32, #tpu.memory_space<vmem>> -> memref<1x64xi32, #tpu.memory_space<vmem>>
          %dma_start3A_456 = tpu.memref_squeeze %dma_start3A_455 : memref<1x64xi32, #tpu.memory_space<vmem>> -> memref<64xi32, #tpu.memory_space<vmem>>
          %dma_start3A_457 = arith.constant 0 : i32
          %dma_start3A_458 = tpu.memref_slice %arg4[%add3A, %add3A_446, %dma_start3A_457] : memref<32x160x64xi32, #tpu.memory_space<hbm>> -> memref<1x1x64xi32, #tpu.memory_space<hbm>>
          %dma_start3A_459 = tpu.memref_squeeze %dma_start3A_458 : memref<1x1x64xi32, #tpu.memory_space<hbm>> -> memref<64xi32, #tpu.memory_space<hbm>>
          tpu.enqueue_dma source(%dma_start3A_459 : memref<64xi32, #tpu.memory_space<hbm>>) target(%dma_start3A_456 : memref<64xi32, #tpu.memory_space<vmem>>) target_semaphore(%arg27 : memref<!tpu.dma_semaphore, #tpu.memory_space<semaphore_mem>>)
        } else {
        }
        %dma_wait3A_417 = arith.constant 0 : i32
        %dma_wait3A_418 = arith.constant 2 : i32
        %dma_wait3A_419 = arith.constant 0 : i32
        %dma_wait3A_420 = tpu.memref_slice %arg6[%dma_wait3A_418, %dma_wait3A_419] : memref<4x64xi32, #tpu.memory_space<vmem>> -> memref<1x64xi32, #tpu.memory_space<vmem>>
        %dma_wait3A_421 = tpu.memref_squeeze %dma_wait3A_420 : memref<1x64xi32, #tpu.memory_space<vmem>> -> memref<64xi32, #tpu.memory_space<vmem>>
        %dma_wait3A_422 = arith.constant 0 : i32
        %dma_wait3A_423 = tpu.memref_slice %arg3[%add3A, %dma_wait3A_417, %dma_wait3A_422] : memref<32x160x64xi32, #tpu.memory_space<hbm>> -> memref<1x1x64xi32, #tpu.memory_space<hbm>>
        %dma_wait3A_424 = tpu.memref_squeeze %dma_wait3A_423 : memref<1x1x64xi32, #tpu.memory_space<hbm>> -> memref<64xi32, #tpu.memory_space<hbm>>
        %dma_wait3A_425 = arith.constant 0 : i32
        %dma_wait3A_426 = tpu.memref_slice %arg6[%dma_wait3A_418, %dma_wait3A_425] : memref<4x64xi32, #tpu.memory_space<vmem>> -> memref<1x64xi32, #tpu.memory_space<vmem>>
        %dma_wait3A_427 = tpu.memref_squeeze %dma_wait3A_426 : memref<1x64xi32, #tpu.memory_space<vmem>> -> memref<64xi32, #tpu.memory_space<vmem>>
        %dma_wait3A_428 = arith.constant 0 : i32
        %dma_wait3A_429 = tpu.memref_slice %arg3[%add3A, %dma_wait3A_417, %dma_wait3A_428] : memref<32x160x64xi32, #tpu.memory_space<hbm>> -> memref<1x1x64xi32, #tpu.memory_space<hbm>>
        %dma_wait3A_430 = tpu.memref_squeeze %dma_wait3A_429 : memref<1x1x64xi32, #tpu.memory_space<hbm>> -> memref<64xi32, #tpu.memory_space<hbm>>
        tpu.wait_dma2 semaphore(%arg19 : memref<!tpu.dma_semaphore, #tpu.memory_space<semaphore_mem>>) src(%dma_wait3A_430 : memref<64xi32, #tpu.memory_space<hbm>>) dst(%dma_wait3A_427 : memref<64xi32, #tpu.memory_space<vmem>>)
        %dma_start3A_431 = arith.constant 2 : i32
        %dma_start3A_432 = arith.constant 0 : i32
        %dma_start3A_433 = tpu.memref_slice %arg6[%dma_start3A_431, %dma_start3A_432] : memref<4x64xi32, #tpu.memory_space<vmem>> -> memref<1x64xi32, #tpu.memory_space<vmem>>
        %dma_start3A_434 = tpu.memref_squeeze %dma_start3A_433 : memref<1x64xi32, #tpu.memory_space<vmem>> -> memref<64xi32, #tpu.memory_space<vmem>>
        %dma_start3A_435 = arith.constant 0 : i32
        %dma_start3A_436 = arith.constant 0 : i32
        %dma_start3A_437 = tpu.memref_slice %arg2[%dma_start3A_435, %dma_start3A_436] : memref<10000x128xf32, #tpu.memory_space<hbm>> -> memref<10000x128xf32, #tpu.memory_space<hbm>>
        tpu.enqueue_indirect_dma source(%dma_start3A_437 : memref<10000x128xf32, #tpu.memory_space<hbm>>) target(%arg10 : memref<64x128xf32, #tpu.memory_space<vmem>>) offsets(%dma_start3A_434 : memref<64xi32, #tpu.memory_space<vmem>>) semaphore(%arg15 : memref<!tpu.dma_semaphore, #tpu.memory_space<semaphore_mem>>)
      } else {
      }
      %add3A_281 = arith.constant 1 : i32
      %add3A_282 = arith.addi %add3A_239, %add3A_281 : i32
      %dma_wait3A_283 = arith.constant 1 : i32
      %dma_wait3A_284 = arith.constant 0 : i32
      %dma_wait3A_285 = tpu.memref_slice %arg6[%dma_wait3A_283, %dma_wait3A_284] : memref<4x64xi32, #tpu.memory_space<vmem>> -> memref<1x64xi32, #tpu.memory_space<vmem>>
      %dma_wait3A_286 = tpu.memref_squeeze %dma_wait3A_285 : memref<1x64xi32, #tpu.memory_space<vmem>> -> memref<64xi32, #tpu.memory_space<vmem>>
      %dma_wait3A_287 = arith.constant 0 : i32
      %dma_wait3A_288 = arith.constant 0 : i32
      %dma_wait3A_289 = tpu.memref_slice %arg2[%dma_wait3A_287, %dma_wait3A_288] : memref<10000x128xf32, #tpu.memory_space<hbm>> -> memref<10000x128xf32, #tpu.memory_space<hbm>>
      tpu.wait_indirect_dma semaphore(%arg14 : memref<!tpu.dma_semaphore, #tpu.memory_space<semaphore_mem>>) src(%dma_wait3A_289 : memref<10000x128xf32, #tpu.memory_space<hbm>>) dst(%arg9 : memref<64x128xf32, #tpu.memory_space<vmem>>)
      %add3A_290 = arith.constant 4 : i32
      %add3A_291 = arith.addi %add3A_282, %add3A_290 : i32
      %lt3A_292 = arith.constant 160 : i32
      %lt3A_293 = arith.cmpi slt, %add3A_291, %lt3A_292 : i32
      %convert_element_type3A_294 = arith.extui %lt3A_293 : i1 to i32
      %cond3A_295 = arith.constant 0 : i32
      %cond3A_296 = arith.cmpi ne, %convert_element_type3A_294, %cond3A_295 : i32
      scf.if %cond3A_296 {
        %add3A_413 = arith.constant 4 : i32
        %add3A_414 = arith.addi %add3A_282, %add3A_413 : i32
        %dma_start3A_415 = arith.constant 1 : i32
        %dma_start3A_416 = arith.constant 0 : i32
        %dma_start3A_417 = tpu.memref_slice %arg6[%dma_start3A_415, %dma_start3A_416] : memref<4x64xi32, #tpu.memory_space<vmem>> -> memref<1x64xi32, #tpu.memory_space<vmem>>
        %dma_start3A_418 = tpu.memref_squeeze %dma_start3A_417 : memref<1x64xi32, #tpu.memory_space<vmem>> -> memref<64xi32, #tpu.memory_space<vmem>>
        %dma_start3A_419 = arith.constant 0 : i32
        %dma_start3A_420 = tpu.memref_slice %arg3[%add3A, %add3A_414, %dma_start3A_419] : memref<32x160x64xi32, #tpu.memory_space<hbm>> -> memref<1x1x64xi32, #tpu.memory_space<hbm>>
        %dma_start3A_421 = tpu.memref_squeeze %dma_start3A_420 : memref<1x1x64xi32, #tpu.memory_space<hbm>> -> memref<64xi32, #tpu.memory_space<hbm>>
        %dma_start3A_422 = arith.constant 0 : i32
        %dma_start3A_423 = tpu.memref_slice %arg6[%dma_start3A_415, %dma_start3A_422] : memref<4x64xi32, #tpu.memory_space<vmem>> -> memref<1x64xi32, #tpu.memory_space<vmem>>
        %dma_start3A_424 = tpu.memref_squeeze %dma_start3A_423 : memref<1x64xi32, #tpu.memory_space<vmem>> -> memref<64xi32, #tpu.memory_space<vmem>>
        %dma_start3A_425 = arith.constant 0 : i32
        %dma_start3A_426 = tpu.memref_slice %arg3[%add3A, %add3A_414, %dma_start3A_425] : memref<32x160x64xi32, #tpu.memory_space<hbm>> -> memref<1x1x64xi32, #tpu.memory_space<hbm>>
        %dma_start3A_427 = tpu.memref_squeeze %dma_start3A_426 : memref<1x1x64xi32, #tpu.memory_space<hbm>> -> memref<64xi32, #tpu.memory_space<hbm>>
        tpu.enqueue_dma source(%dma_start3A_427 : memref<64xi32, #tpu.memory_space<hbm>>) target(%dma_start3A_424 : memref<64xi32, #tpu.memory_space<vmem>>) target_semaphore(%arg18 : memref<!tpu.dma_semaphore, #tpu.memory_space<semaphore_mem>>)
      } else {
      }
      %dma_wait3A_297 = arith.constant 0 : i32
      %dma_wait3A_298 = arith.constant 1 : i32
      %dma_wait3A_299 = arith.constant 0 : i32
      %dma_wait3A_300 = tpu.memref_slice %arg7[%dma_wait3A_298, %dma_wait3A_299] : memref<4x64xi32, #tpu.memory_space<vmem>> -> memref<1x64xi32, #tpu.memory_space<vmem>>
      %dma_wait3A_301 = tpu.memref_squeeze %dma_wait3A_300 : memref<1x64xi32, #tpu.memory_space<vmem>> -> memref<64xi32, #tpu.memory_space<vmem>>
      %dma_wait3A_302 = arith.constant 0 : i32
      %dma_wait3A_303 = tpu.memref_slice %arg4[%add3A, %dma_wait3A_297, %dma_wait3A_302] : memref<32x160x64xi32, #tpu.memory_space<hbm>> -> memref<1x1x64xi32, #tpu.memory_space<hbm>>
      %dma_wait3A_304 = tpu.memref_squeeze %dma_wait3A_303 : memref<1x1x64xi32, #tpu.memory_space<hbm>> -> memref<64xi32, #tpu.memory_space<hbm>>
      %dma_wait3A_305 = arith.constant 0 : i32
      %dma_wait3A_306 = tpu.memref_slice %arg7[%dma_wait3A_298, %dma_wait3A_305] : memref<4x64xi32, #tpu.memory_space<vmem>> -> memref<1x64xi32, #tpu.memory_space<vmem>>
      %dma_wait3A_307 = tpu.memref_squeeze %dma_wait3A_306 : memref<1x64xi32, #tpu.memory_space<vmem>> -> memref<64xi32, #tpu.memory_space<vmem>>
      %dma_wait3A_308 = arith.constant 0 : i32
      %dma_wait3A_309 = tpu.memref_slice %arg4[%add3A, %dma_wait3A_297, %dma_wait3A_308] : memref<32x160x64xi32, #tpu.memory_space<hbm>> -> memref<1x1x64xi32, #tpu.memory_space<hbm>>
      %dma_wait3A_310 = tpu.memref_squeeze %dma_wait3A_309 : memref<1x1x64xi32, #tpu.memory_space<hbm>> -> memref<64xi32, #tpu.memory_space<hbm>>
      tpu.wait_dma2 semaphore(%arg26 : memref<!tpu.dma_semaphore, #tpu.memory_space<semaphore_mem>>) src(%dma_wait3A_310 : memref<64xi32, #tpu.memory_space<hbm>>) dst(%dma_wait3A_307 : memref<64xi32, #tpu.memory_space<vmem>>)
      %dma_start3A_311 = arith.constant 1 : i32
      %dma_start3A_312 = arith.constant 0 : i32
      %dma_start3A_313 = tpu.memref_slice %arg7[%dma_start3A_311, %dma_start3A_312] : memref<4x64xi32, #tpu.memory_space<vmem>> -> memref<1x64xi32, #tpu.memory_space<vmem>>
      %dma_start3A_314 = tpu.memref_squeeze %dma_start3A_313 : memref<1x64xi32, #tpu.memory_space<vmem>> -> memref<64xi32, #tpu.memory_space<vmem>>
      %dma_start3A_315 = arith.constant 0 : i32
      %dma_start3A_316 = arith.constant 0 : i32
      %dma_start3A_317 = tpu.memref_slice %arg12[%dma_start3A_315, %dma_start3A_316] : memref<10240x128xf32, #tpu.memory_space<vmem_shared>> -> memref<10240x128xf32, #tpu.memory_space<vmem_shared>>
      tpu.enqueue_indirect_dma source(%arg9 : memref<64x128xf32, #tpu.memory_space<vmem>>) target(%dma_start3A_317 : memref<10240x128xf32, #tpu.memory_space<vmem_shared>>) offsets(%dma_start3A_314 : memref<64xi32, #tpu.memory_space<vmem>>) semaphore(%arg22 : memref<!tpu.dma_semaphore, #tpu.memory_space<semaphore_mem>>) {add = true}
      %add3A_318 = arith.constant 2 : i32
      %add3A_319 = arith.addi %add3A_282, %add3A_318 : i32
      %lt3A_320 = arith.constant 160 : i32
      %lt3A_321 = arith.cmpi slt, %add3A_319, %lt3A_320 : i32
      %convert_element_type3A_322 = arith.extui %lt3A_321 : i1 to i32
      %cond3A_323 = arith.constant 0 : i32
      %cond3A_324 = arith.cmpi ne, %convert_element_type3A_322, %cond3A_323 : i32
      scf.if %cond3A_324 {
        %ge3A = arith.constant 2 : i32
        %ge3A_413 = arith.cmpi sge, %add3A_282, %ge3A : i32
        %convert_element_type3A_414 = arith.extui %ge3A_413 : i1 to i32
        %cond3A_415 = arith.constant 0 : i32
        %cond3A_416 = arith.cmpi ne, %convert_element_type3A_414, %cond3A_415 : i32
        scf.if %cond3A_416 {
          %dma_wait3A_438 = arith.constant 3 : i32
          %dma_wait3A_439 = arith.constant 0 : i32
          %dma_wait3A_440 = tpu.memref_slice %arg7[%dma_wait3A_438, %dma_wait3A_439] : memref<4x64xi32, #tpu.memory_space<vmem>> -> memref<1x64xi32, #tpu.memory_space<vmem>>
          %dma_wait3A_441 = tpu.memref_squeeze %dma_wait3A_440 : memref<1x64xi32, #tpu.memory_space<vmem>> -> memref<64xi32, #tpu.memory_space<vmem>>
          %dma_wait3A_442 = arith.constant 0 : i32
          %dma_wait3A_443 = arith.constant 0 : i32
          %dma_wait3A_444 = tpu.memref_slice %arg12[%dma_wait3A_442, %dma_wait3A_443] : memref<10240x128xf32, #tpu.memory_space<vmem_shared>> -> memref<10240x128xf32, #tpu.memory_space<vmem_shared>>
          tpu.wait_indirect_dma semaphore(%arg24 : memref<!tpu.dma_semaphore, #tpu.memory_space<semaphore_mem>>) src(%arg11 : memref<64x128xf32, #tpu.memory_space<vmem>>) dst(%dma_wait3A_444 : memref<10240x128xf32, #tpu.memory_space<vmem_shared>>)
          %add3A_445 = arith.constant 2 : i32
          %add3A_446 = arith.addi %add3A_282, %add3A_445 : i32
          %dma_start3A_447 = arith.constant 3 : i32
          %dma_start3A_448 = arith.constant 0 : i32
          %dma_start3A_449 = tpu.memref_slice %arg7[%dma_start3A_447, %dma_start3A_448] : memref<4x64xi32, #tpu.memory_space<vmem>> -> memref<1x64xi32, #tpu.memory_space<vmem>>
          %dma_start3A_450 = tpu.memref_squeeze %dma_start3A_449 : memref<1x64xi32, #tpu.memory_space<vmem>> -> memref<64xi32, #tpu.memory_space<vmem>>
          %dma_start3A_451 = arith.constant 0 : i32
          %dma_start3A_452 = tpu.memref_slice %arg4[%add3A, %add3A_446, %dma_start3A_451] : memref<32x160x64xi32, #tpu.memory_space<hbm>> -> memref<1x1x64xi32, #tpu.memory_space<hbm>>
          %dma_start3A_453 = tpu.memref_squeeze %dma_start3A_452 : memref<1x1x64xi32, #tpu.memory_space<hbm>> -> memref<64xi32, #tpu.memory_space<hbm>>
          %dma_start3A_454 = arith.constant 0 : i32
          %dma_start3A_455 = tpu.memref_slice %arg7[%dma_start3A_447, %dma_start3A_454] : memref<4x64xi32, #tpu.memory_space<vmem>> -> memref<1x64xi32, #tpu.memory_space<vmem>>
          %dma_start3A_456 = tpu.memref_squeeze %dma_start3A_455 : memref<1x64xi32, #tpu.memory_space<vmem>> -> memref<64xi32, #tpu.memory_space<vmem>>
          %dma_start3A_457 = arith.constant 0 : i32
          %dma_start3A_458 = tpu.memref_slice %arg4[%add3A, %add3A_446, %dma_start3A_457] : memref<32x160x64xi32, #tpu.memory_space<hbm>> -> memref<1x1x64xi32, #tpu.memory_space<hbm>>
          %dma_start3A_459 = tpu.memref_squeeze %dma_start3A_458 : memref<1x1x64xi32, #tpu.memory_space<hbm>> -> memref<64xi32, #tpu.memory_space<hbm>>
          tpu.enqueue_dma source(%dma_start3A_459 : memref<64xi32, #tpu.memory_space<hbm>>) target(%dma_start3A_456 : memref<64xi32, #tpu.memory_space<vmem>>) target_semaphore(%arg28 : memref<!tpu.dma_semaphore, #tpu.memory_space<semaphore_mem>>)
        } else {
        }
        %dma_wait3A_417 = arith.constant 0 : i32
        %dma_wait3A_418 = arith.constant 3 : i32
        %dma_wait3A_419 = arith.constant 0 : i32
        %dma_wait3A_420 = tpu.memref_slice %arg6[%dma_wait3A_418, %dma_wait3A_419] : memref<4x64xi32, #tpu.memory_space<vmem>> -> memref<1x64xi32, #tpu.memory_space<vmem>>
        %dma_wait3A_421 = tpu.memref_squeeze %dma_wait3A_420 : memref<1x64xi32, #tpu.memory_space<vmem>> -> memref<64xi32, #tpu.memory_space<vmem>>
        %dma_wait3A_422 = arith.constant 0 : i32
        %dma_wait3A_423 = tpu.memref_slice %arg3[%add3A, %dma_wait3A_417, %dma_wait3A_422] : memref<32x160x64xi32, #tpu.memory_space<hbm>> -> memref<1x1x64xi32, #tpu.memory_space<hbm>>
        %dma_wait3A_424 = tpu.memref_squeeze %dma_wait3A_423 : memref<1x1x64xi32, #tpu.memory_space<hbm>> -> memref<64xi32, #tpu.memory_space<hbm>>
        %dma_wait3A_425 = arith.constant 0 : i32
        %dma_wait3A_426 = tpu.memref_slice %arg6[%dma_wait3A_418, %dma_wait3A_425] : memref<4x64xi32, #tpu.memory_space<vmem>> -> memref<1x64xi32, #tpu.memory_space<vmem>>
        %dma_wait3A_427 = tpu.memref_squeeze %dma_wait3A_426 : memref<1x64xi32, #tpu.memory_space<vmem>> -> memref<64xi32, #tpu.memory_space<vmem>>
        %dma_wait3A_428 = arith.constant 0 : i32
        %dma_wait3A_429 = tpu.memref_slice %arg3[%add3A, %dma_wait3A_417, %dma_wait3A_428] : memref<32x160x64xi32, #tpu.memory_space<hbm>> -> memref<1x1x64xi32, #tpu.memory_space<hbm>>
        %dma_wait3A_430 = tpu.memref_squeeze %dma_wait3A_429 : memref<1x1x64xi32, #tpu.memory_space<hbm>> -> memref<64xi32, #tpu.memory_space<hbm>>
        tpu.wait_dma2 semaphore(%arg20 : memref<!tpu.dma_semaphore, #tpu.memory_space<semaphore_mem>>) src(%dma_wait3A_430 : memref<64xi32, #tpu.memory_space<hbm>>) dst(%dma_wait3A_427 : memref<64xi32, #tpu.memory_space<vmem>>)
        %dma_start3A_431 = arith.constant 3 : i32
        %dma_start3A_432 = arith.constant 0 : i32
        %dma_start3A_433 = tpu.memref_slice %arg6[%dma_start3A_431, %dma_start3A_432] : memref<4x64xi32, #tpu.memory_space<vmem>> -> memref<1x64xi32, #tpu.memory_space<vmem>>
        %dma_start3A_434 = tpu.memref_squeeze %dma_start3A_433 : memref<1x64xi32, #tpu.memory_space<vmem>> -> memref<64xi32, #tpu.memory_space<vmem>>
        %dma_start3A_435 = arith.constant 0 : i32
        %dma_start3A_436 = arith.constant 0 : i32
        %dma_start3A_437 = tpu.memref_slice %arg2[%dma_start3A_435, %dma_start3A_436] : memref<10000x128xf32, #tpu.memory_space<hbm>> -> memref<10000x128xf32, #tpu.memory_space<hbm>>
        tpu.enqueue_indirect_dma source(%dma_start3A_437 : memref<10000x128xf32, #tpu.memory_space<hbm>>) target(%arg11 : memref<64x128xf32, #tpu.memory_space<vmem>>) offsets(%dma_start3A_434 : memref<64xi32, #tpu.memory_space<vmem>>) semaphore(%arg16 : memref<!tpu.dma_semaphore, #tpu.memory_space<semaphore_mem>>)
      } else {
      }
      %add3A_325 = arith.constant 2 : i32
      %add3A_326 = arith.addi %add3A_239, %add3A_325 : i32
      %dma_wait3A_327 = arith.constant 2 : i32
      %dma_wait3A_328 = arith.constant 0 : i32
      %dma_wait3A_329 = tpu.memref_slice %arg6[%dma_wait3A_327, %dma_wait3A_328] : memref<4x64xi32, #tpu.memory_space<vmem>> -> memref<1x64xi32, #tpu.memory_space<vmem>>
      %dma_wait3A_330 = tpu.memref_squeeze %dma_wait3A_329 : memref<1x64xi32, #tpu.memory_space<vmem>> -> memref<64xi32, #tpu.memory_space<vmem>>
      %dma_wait3A_331 = arith.constant 0 : i32
      %dma_wait3A_332 = arith.constant 0 : i32
      %dma_wait3A_333 = tpu.memref_slice %arg2[%dma_wait3A_331, %dma_wait3A_332] : memref<10000x128xf32, #tpu.memory_space<hbm>> -> memref<10000x128xf32, #tpu.memory_space<hbm>>
      tpu.wait_indirect_dma semaphore(%arg15 : memref<!tpu.dma_semaphore, #tpu.memory_space<semaphore_mem>>) src(%dma_wait3A_333 : memref<10000x128xf32, #tpu.memory_space<hbm>>) dst(%arg10 : memref<64x128xf32, #tpu.memory_space<vmem>>)
      %add3A_334 = arith.constant 4 : i32
      %add3A_335 = arith.addi %add3A_326, %add3A_334 : i32
      %lt3A_336 = arith.constant 160 : i32
      %lt3A_337 = arith.cmpi slt, %add3A_335, %lt3A_336 : i32
      %convert_element_type3A_338 = arith.extui %lt3A_337 : i1 to i32
      %cond3A_339 = arith.constant 0 : i32
      %cond3A_340 = arith.cmpi ne, %convert_element_type3A_338, %cond3A_339 : i32
      scf.if %cond3A_340 {
        %add3A_413 = arith.constant 4 : i32
        %add3A_414 = arith.addi %add3A_326, %add3A_413 : i32
        %dma_start3A_415 = arith.constant 2 : i32
        %dma_start3A_416 = arith.constant 0 : i32
        %dma_start3A_417 = tpu.memref_slice %arg6[%dma_start3A_415, %dma_start3A_416] : memref<4x64xi32, #tpu.memory_space<vmem>> -> memref<1x64xi32, #tpu.memory_space<vmem>>
        %dma_start3A_418 = tpu.memref_squeeze %dma_start3A_417 : memref<1x64xi32, #tpu.memory_space<vmem>> -> memref<64xi32, #tpu.memory_space<vmem>>
        %dma_start3A_419 = arith.constant 0 : i32
        %dma_start3A_420 = tpu.memref_slice %arg3[%add3A, %add3A_414, %dma_start3A_419] : memref<32x160x64xi32, #tpu.memory_space<hbm>> -> memref<1x1x64xi32, #tpu.memory_space<hbm>>
        %dma_start3A_421 = tpu.memref_squeeze %dma_start3A_420 : memref<1x1x64xi32, #tpu.memory_space<hbm>> -> memref<64xi32, #tpu.memory_space<hbm>>
        %dma_start3A_422 = arith.constant 0 : i32
        %dma_start3A_423 = tpu.memref_slice %arg6[%dma_start3A_415, %dma_start3A_422] : memref<4x64xi32, #tpu.memory_space<vmem>> -> memref<1x64xi32, #tpu.memory_space<vmem>>
        %dma_start3A_424 = tpu.memref_squeeze %dma_start3A_423 : memref<1x64xi32, #tpu.memory_space<vmem>> -> memref<64xi32, #tpu.memory_space<vmem>>
        %dma_start3A_425 = arith.constant 0 : i32
        %dma_start3A_426 = tpu.memref_slice %arg3[%add3A, %add3A_414, %dma_start3A_425] : memref<32x160x64xi32, #tpu.memory_space<hbm>> -> memref<1x1x64xi32, #tpu.memory_space<hbm>>
        %dma_start3A_427 = tpu.memref_squeeze %dma_start3A_426 : memref<1x1x64xi32, #tpu.memory_space<hbm>> -> memref<64xi32, #tpu.memory_space<hbm>>
        tpu.enqueue_dma source(%dma_start3A_427 : memref<64xi32, #tpu.memory_space<hbm>>) target(%dma_start3A_424 : memref<64xi32, #tpu.memory_space<vmem>>) target_semaphore(%arg19 : memref<!tpu.dma_semaphore, #tpu.memory_space<semaphore_mem>>)
      } else {
      }
      %dma_wait3A_341 = arith.constant 0 : i32
      %dma_wait3A_342 = arith.constant 2 : i32
      %dma_wait3A_343 = arith.constant 0 : i32
      %dma_wait3A_344 = tpu.memref_slice %arg7[%dma_wait3A_342, %dma_wait3A_343] : memref<4x64xi32, #tpu.memory_space<vmem>> -> memref<1x64xi32, #tpu.memory_space<vmem>>
      %dma_wait3A_345 = tpu.memref_squeeze %dma_wait3A_344 : memref<1x64xi32, #tpu.memory_space<vmem>> -> memref<64xi32, #tpu.memory_space<vmem>>
      %dma_wait3A_346 = arith.constant 0 : i32
      %dma_wait3A_347 = tpu.memref_slice %arg4[%add3A, %dma_wait3A_341, %dma_wait3A_346] : memref<32x160x64xi32, #tpu.memory_space<hbm>> -> memref<1x1x64xi32, #tpu.memory_space<hbm>>
      %dma_wait3A_348 = tpu.memref_squeeze %dma_wait3A_347 : memref<1x1x64xi32, #tpu.memory_space<hbm>> -> memref<64xi32, #tpu.memory_space<hbm>>
      %dma_wait3A_349 = arith.constant 0 : i32
      %dma_wait3A_350 = tpu.memref_slice %arg7[%dma_wait3A_342, %dma_wait3A_349] : memref<4x64xi32, #tpu.memory_space<vmem>> -> memref<1x64xi32, #tpu.memory_space<vmem>>
      %dma_wait3A_351 = tpu.memref_squeeze %dma_wait3A_350 : memref<1x64xi32, #tpu.memory_space<vmem>> -> memref<64xi32, #tpu.memory_space<vmem>>
      %dma_wait3A_352 = arith.constant 0 : i32
      %dma_wait3A_353 = tpu.memref_slice %arg4[%add3A, %dma_wait3A_341, %dma_wait3A_352] : memref<32x160x64xi32, #tpu.memory_space<hbm>> -> memref<1x1x64xi32, #tpu.memory_space<hbm>>
      %dma_wait3A_354 = tpu.memref_squeeze %dma_wait3A_353 : memref<1x1x64xi32, #tpu.memory_space<hbm>> -> memref<64xi32, #tpu.memory_space<hbm>>
      tpu.wait_dma2 semaphore(%arg27 : memref<!tpu.dma_semaphore, #tpu.memory_space<semaphore_mem>>) src(%dma_wait3A_354 : memref<64xi32, #tpu.memory_space<hbm>>) dst(%dma_wait3A_351 : memref<64xi32, #tpu.memory_space<vmem>>)
      %dma_start3A_355 = arith.constant 2 : i32
      %dma_start3A_356 = arith.constant 0 : i32
      %dma_start3A_357 = tpu.memref_slice %arg7[%dma_start3A_355, %dma_start3A_356] : memref<4x64xi32, #tpu.memory_space<vmem>> -> memref<1x64xi32, #tpu.memory_space<vmem>>
      %dma_start3A_358 = tpu.memref_squeeze %dma_start3A_357 : memref<1x64xi32, #tpu.memory_space<vmem>> -> memref<64xi32, #tpu.memory_space<vmem>>
      %dma_start3A_359 = arith.constant 0 : i32
      %dma_start3A_360 = arith.constant 0 : i32
      %dma_start3A_361 = tpu.memref_slice %arg12[%dma_start3A_359, %dma_start3A_360] : memref<10240x128xf32, #tpu.memory_space<vmem_shared>> -> memref<10240x128xf32, #tpu.memory_space<vmem_shared>>
      tpu.enqueue_indirect_dma source(%arg10 : memref<64x128xf32, #tpu.memory_space<vmem>>) target(%dma_start3A_361 : memref<10240x128xf32, #tpu.memory_space<vmem_shared>>) offsets(%dma_start3A_358 : memref<64xi32, #tpu.memory_space<vmem>>) semaphore(%arg23 : memref<!tpu.dma_semaphore, #tpu.memory_space<semaphore_mem>>) {add = true}
      %add3A_362 = arith.constant 2 : i32
      %add3A_363 = arith.addi %add3A_326, %add3A_362 : i32
      %lt3A_364 = arith.constant 160 : i32
      %lt3A_365 = arith.cmpi slt, %add3A_363, %lt3A_364 : i32
      %convert_element_type3A_366 = arith.extui %lt3A_365 : i1 to i32
      %cond3A_367 = arith.constant 0 : i32
      %cond3A_368 = arith.cmpi ne, %convert_element_type3A_366, %cond3A_367 : i32
      scf.if %cond3A_368 {
        %ge3A = arith.constant 2 : i32
        %ge3A_413 = arith.cmpi sge, %add3A_326, %ge3A : i32
        %convert_element_type3A_414 = arith.extui %ge3A_413 : i1 to i32
        %cond3A_415 = arith.constant 0 : i32
        %cond3A_416 = arith.cmpi ne, %convert_element_type3A_414, %cond3A_415 : i32
        scf.if %cond3A_416 {
          %dma_wait3A_438 = arith.constant 0 : i32
          %dma_wait3A_439 = arith.constant 0 : i32
          %dma_wait3A_440 = tpu.memref_slice %arg7[%dma_wait3A_438, %dma_wait3A_439] : memref<4x64xi32, #tpu.memory_space<vmem>> -> memref<1x64xi32, #tpu.memory_space<vmem>>
          %dma_wait3A_441 = tpu.memref_squeeze %dma_wait3A_440 : memref<1x64xi32, #tpu.memory_space<vmem>> -> memref<64xi32, #tpu.memory_space<vmem>>
          %dma_wait3A_442 = arith.constant 0 : i32
          %dma_wait3A_443 = arith.constant 0 : i32
          %dma_wait3A_444 = tpu.memref_slice %arg12[%dma_wait3A_442, %dma_wait3A_443] : memref<10240x128xf32, #tpu.memory_space<vmem_shared>> -> memref<10240x128xf32, #tpu.memory_space<vmem_shared>>
          tpu.wait_indirect_dma semaphore(%arg21 : memref<!tpu.dma_semaphore, #tpu.memory_space<semaphore_mem>>) src(%arg8 : memref<64x128xf32, #tpu.memory_space<vmem>>) dst(%dma_wait3A_444 : memref<10240x128xf32, #tpu.memory_space<vmem_shared>>)
          %add3A_445 = arith.constant 2 : i32
          %add3A_446 = arith.addi %add3A_326, %add3A_445 : i32
          %dma_start3A_447 = arith.constant 0 : i32
          %dma_start3A_448 = arith.constant 0 : i32
          %dma_start3A_449 = tpu.memref_slice %arg7[%dma_start3A_447, %dma_start3A_448] : memref<4x64xi32, #tpu.memory_space<vmem>> -> memref<1x64xi32, #tpu.memory_space<vmem>>
          %dma_start3A_450 = tpu.memref_squeeze %dma_start3A_449 : memref<1x64xi32, #tpu.memory_space<vmem>> -> memref<64xi32, #tpu.memory_space<vmem>>
          %dma_start3A_451 = arith.constant 0 : i32
          %dma_start3A_452 = tpu.memref_slice %arg4[%add3A, %add3A_446, %dma_start3A_451] : memref<32x160x64xi32, #tpu.memory_space<hbm>> -> memref<1x1x64xi32, #tpu.memory_space<hbm>>
          %dma_start3A_453 = tpu.memref_squeeze %dma_start3A_452 : memref<1x1x64xi32, #tpu.memory_space<hbm>> -> memref<64xi32, #tpu.memory_space<hbm>>
          %dma_start3A_454 = arith.constant 0 : i32
          %dma_start3A_455 = tpu.memref_slice %arg7[%dma_start3A_447, %dma_start3A_454] : memref<4x64xi32, #tpu.memory_space<vmem>> -> memref<1x64xi32, #tpu.memory_space<vmem>>
          %dma_start3A_456 = tpu.memref_squeeze %dma_start3A_455 : memref<1x64xi32, #tpu.memory_space<vmem>> -> memref<64xi32, #tpu.memory_space<vmem>>
          %dma_start3A_457 = arith.constant 0 : i32
          %dma_start3A_458 = tpu.memref_slice %arg4[%add3A, %add3A_446, %dma_start3A_457] : memref<32x160x64xi32, #tpu.memory_space<hbm>> -> memref<1x1x64xi32, #tpu.memory_space<hbm>>
          %dma_start3A_459 = tpu.memref_squeeze %dma_start3A_458 : memref<1x1x64xi32, #tpu.memory_space<hbm>> -> memref<64xi32, #tpu.memory_space<hbm>>
          tpu.enqueue_dma source(%dma_start3A_459 : memref<64xi32, #tpu.memory_space<hbm>>) target(%dma_start3A_456 : memref<64xi32, #tpu.memory_space<vmem>>) target_semaphore(%arg25 : memref<!tpu.dma_semaphore, #tpu.memory_space<semaphore_mem>>)
        } else {
        }
        %dma_wait3A_417 = arith.constant 0 : i32
        %dma_wait3A_418 = arith.constant 0 : i32
        %dma_wait3A_419 = arith.constant 0 : i32
        %dma_wait3A_420 = tpu.memref_slice %arg6[%dma_wait3A_418, %dma_wait3A_419] : memref<4x64xi32, #tpu.memory_space<vmem>> -> memref<1x64xi32, #tpu.memory_space<vmem>>
        %dma_wait3A_421 = tpu.memref_squeeze %dma_wait3A_420 : memref<1x64xi32, #tpu.memory_space<vmem>> -> memref<64xi32, #tpu.memory_space<vmem>>
        %dma_wait3A_422 = arith.constant 0 : i32
        %dma_wait3A_423 = tpu.memref_slice %arg3[%add3A, %dma_wait3A_417, %dma_wait3A_422] : memref<32x160x64xi32, #tpu.memory_space<hbm>> -> memref<1x1x64xi32, #tpu.memory_space<hbm>>
        %dma_wait3A_424 = tpu.memref_squeeze %dma_wait3A_423 : memref<1x1x64xi32, #tpu.memory_space<hbm>> -> memref<64xi32, #tpu.memory_space<hbm>>
        %dma_wait3A_425 = arith.constant 0 : i32
        %dma_wait3A_426 = tpu.memref_slice %arg6[%dma_wait3A_418, %dma_wait3A_425] : memref<4x64xi32, #tpu.memory_space<vmem>> -> memref<1x64xi32, #tpu.memory_space<vmem>>
        %dma_wait3A_427 = tpu.memref_squeeze %dma_wait3A_426 : memref<1x64xi32, #tpu.memory_space<vmem>> -> memref<64xi32, #tpu.memory_space<vmem>>
        %dma_wait3A_428 = arith.constant 0 : i32
        %dma_wait3A_429 = tpu.memref_slice %arg3[%add3A, %dma_wait3A_417, %dma_wait3A_428] : memref<32x160x64xi32, #tpu.memory_space<hbm>> -> memref<1x1x64xi32, #tpu.memory_space<hbm>>
        %dma_wait3A_430 = tpu.memref_squeeze %dma_wait3A_429 : memref<1x1x64xi32, #tpu.memory_space<hbm>> -> memref<64xi32, #tpu.memory_space<hbm>>
        tpu.wait_dma2 semaphore(%arg17 : memref<!tpu.dma_semaphore, #tpu.memory_space<semaphore_mem>>) src(%dma_wait3A_430 : memref<64xi32, #tpu.memory_space<hbm>>) dst(%dma_wait3A_427 : memref<64xi32, #tpu.memory_space<vmem>>)
        %dma_start3A_431 = arith.constant 0 : i32
        %dma_start3A_432 = arith.constant 0 : i32
        %dma_start3A_433 = tpu.memref_slice %arg6[%dma_start3A_431, %dma_start3A_432] : memref<4x64xi32, #tpu.memory_space<vmem>> -> memref<1x64xi32, #tpu.memory_space<vmem>>
        %dma_start3A_434 = tpu.memref_squeeze %dma_start3A_433 : memref<1x64xi32, #tpu.memory_space<vmem>> -> memref<64xi32, #tpu.memory_space<vmem>>
        %dma_start3A_435 = arith.constant 0 : i32
        %dma_start3A_436 = arith.constant 0 : i32
        %dma_start3A_437 = tpu.memref_slice %arg2[%dma_start3A_435, %dma_start3A_436] : memref<10000x128xf32, #tpu.memory_space<hbm>> -> memref<10000x128xf32, #tpu.memory_space<hbm>>
        tpu.enqueue_indirect_dma source(%dma_start3A_437 : memref<10000x128xf32, #tpu.memory_space<hbm>>) target(%arg8 : memref<64x128xf32, #tpu.memory_space<vmem>>) offsets(%dma_start3A_434 : memref<64xi32, #tpu.memory_space<vmem>>) semaphore(%arg13 : memref<!tpu.dma_semaphore, #tpu.memory_space<semaphore_mem>>)
      } else {
      }
      %add3A_369 = arith.constant 3 : i32
      %add3A_370 = arith.addi %add3A_239, %add3A_369 : i32
      %dma_wait3A_371 = arith.constant 3 : i32
      %dma_wait3A_372 = arith.constant 0 : i32
      %dma_wait3A_373 = tpu.memref_slice %arg6[%dma_wait3A_371, %dma_wait3A_372] : memref<4x64xi32, #tpu.memory_space<vmem>> -> memref<1x64xi32, #tpu.memory_space<vmem>>
      %dma_wait3A_374 = tpu.memref_squeeze %dma_wait3A_373 : memref<1x64xi32, #tpu.memory_space<vmem>> -> memref<64xi32, #tpu.memory_space<vmem>>
      %dma_wait3A_375 = arith.constant 0 : i32
      %dma_wait3A_376 = arith.constant 0 : i32
      %dma_wait3A_377 = tpu.memref_slice %arg2[%dma_wait3A_375, %dma_wait3A_376] : memref<10000x128xf32, #tpu.memory_space<hbm>> -> memref<10000x128xf32, #tpu.memory_space<hbm>>
      tpu.wait_indirect_dma semaphore(%arg16 : memref<!tpu.dma_semaphore, #tpu.memory_space<semaphore_mem>>) src(%dma_wait3A_377 : memref<10000x128xf32, #tpu.memory_space<hbm>>) dst(%arg11 : memref<64x128xf32, #tpu.memory_space<vmem>>)
      %add3A_378 = arith.constant 4 : i32
      %add3A_379 = arith.addi %add3A_370, %add3A_378 : i32
      %lt3A_380 = arith.constant 160 : i32
      %lt3A_381 = arith.cmpi slt, %add3A_379, %lt3A_380 : i32
      %convert_element_type3A_382 = arith.extui %lt3A_381 : i1 to i32
      %cond3A_383 = arith.constant 0 : i32
      %cond3A_384 = arith.cmpi ne, %convert_element_type3A_382, %cond3A_383 : i32
      scf.if %cond3A_384 {
        %add3A_413 = arith.constant 4 : i32
        %add3A_414 = arith.addi %add3A_370, %add3A_413 : i32
        %dma_start3A_415 = arith.constant 3 : i32
        %dma_start3A_416 = arith.constant 0 : i32
        %dma_start3A_417 = tpu.memref_slice %arg6[%dma_start3A_415, %dma_start3A_416] : memref<4x64xi32, #tpu.memory_space<vmem>> -> memref<1x64xi32, #tpu.memory_space<vmem>>
        %dma_start3A_418 = tpu.memref_squeeze %dma_start3A_417 : memref<1x64xi32, #tpu.memory_space<vmem>> -> memref<64xi32, #tpu.memory_space<vmem>>
        %dma_start3A_419 = arith.constant 0 : i32
        %dma_start3A_420 = tpu.memref_slice %arg3[%add3A, %add3A_414, %dma_start3A_419] : memref<32x160x64xi32, #tpu.memory_space<hbm>> -> memref<1x1x64xi32, #tpu.memory_space<hbm>>
        %dma_start3A_421 = tpu.memref_squeeze %dma_start3A_420 : memref<1x1x64xi32, #tpu.memory_space<hbm>> -> memref<64xi32, #tpu.memory_space<hbm>>
        %dma_start3A_422 = arith.constant 0 : i32
        %dma_start3A_423 = tpu.memref_slice %arg6[%dma_start3A_415, %dma_start3A_422] : memref<4x64xi32, #tpu.memory_space<vmem>> -> memref<1x64xi32, #tpu.memory_space<vmem>>
        %dma_start3A_424 = tpu.memref_squeeze %dma_start3A_423 : memref<1x64xi32, #tpu.memory_space<vmem>> -> memref<64xi32, #tpu.memory_space<vmem>>
        %dma_start3A_425 = arith.constant 0 : i32
        %dma_start3A_426 = tpu.memref_slice %arg3[%add3A, %add3A_414, %dma_start3A_425] : memref<32x160x64xi32, #tpu.memory_space<hbm>> -> memref<1x1x64xi32, #tpu.memory_space<hbm>>
        %dma_start3A_427 = tpu.memref_squeeze %dma_start3A_426 : memref<1x1x64xi32, #tpu.memory_space<hbm>> -> memref<64xi32, #tpu.memory_space<hbm>>
        tpu.enqueue_dma source(%dma_start3A_427 : memref<64xi32, #tpu.memory_space<hbm>>) target(%dma_start3A_424 : memref<64xi32, #tpu.memory_space<vmem>>) target_semaphore(%arg20 : memref<!tpu.dma_semaphore, #tpu.memory_space<semaphore_mem>>)
      } else {
      }
      %dma_wait3A_385 = arith.constant 0 : i32
      %dma_wait3A_386 = arith.constant 3 : i32
      %dma_wait3A_387 = arith.constant 0 : i32
      %dma_wait3A_388 = tpu.memref_slice %arg7[%dma_wait3A_386, %dma_wait3A_387] : memref<4x64xi32, #tpu.memory_space<vmem>> -> memref<1x64xi32, #tpu.memory_space<vmem>>
      %dma_wait3A_389 = tpu.memref_squeeze %dma_wait3A_388 : memref<1x64xi32, #tpu.memory_space<vmem>> -> memref<64xi32, #tpu.memory_space<vmem>>
      %dma_wait3A_390 = arith.constant 0 : i32
      %dma_wait3A_391 = tpu.memref_slice %arg4[%add3A, %dma_wait3A_385, %dma_wait3A_390] : memref<32x160x64xi32, #tpu.memory_space<hbm>> -> memref<1x1x64xi32, #tpu.memory_space<hbm>>
      %dma_wait3A_392 = tpu.memref_squeeze %dma_wait3A_391 : memref<1x1x64xi32, #tpu.memory_space<hbm>> -> memref<64xi32, #tpu.memory_space<hbm>>
      %dma_wait3A_393 = arith.constant 0 : i32
      %dma_wait3A_394 = tpu.memref_slice %arg7[%dma_wait3A_386, %dma_wait3A_393] : memref<4x64xi32, #tpu.memory_space<vmem>> -> memref<1x64xi32, #tpu.memory_space<vmem>>
      %dma_wait3A_395 = tpu.memref_squeeze %dma_wait3A_394 : memref<1x64xi32, #tpu.memory_space<vmem>> -> memref<64xi32, #tpu.memory_space<vmem>>
      %dma_wait3A_396 = arith.constant 0 : i32
      %dma_wait3A_397 = tpu.memref_slice %arg4[%add3A, %dma_wait3A_385, %dma_wait3A_396] : memref<32x160x64xi32, #tpu.memory_space<hbm>> -> memref<1x1x64xi32, #tpu.memory_space<hbm>>
      %dma_wait3A_398 = tpu.memref_squeeze %dma_wait3A_397 : memref<1x1x64xi32, #tpu.memory_space<hbm>> -> memref<64xi32, #tpu.memory_space<hbm>>
      tpu.wait_dma2 semaphore(%arg28 : memref<!tpu.dma_semaphore, #tpu.memory_space<semaphore_mem>>) src(%dma_wait3A_398 : memref<64xi32, #tpu.memory_space<hbm>>) dst(%dma_wait3A_395 : memref<64xi32, #tpu.memory_space<vmem>>)
      %dma_start3A_399 = arith.constant 3 : i32
      %dma_start3A_400 = arith.constant 0 : i32
      %dma_start3A_401 = tpu.memref_slice %arg7[%dma_start3A_399, %dma_start3A_400] : memref<4x64xi32, #tpu.memory_space<vmem>> -> memref<1x64xi32, #tpu.memory_space<vmem>>
      %dma_start3A_402 = tpu.memref_squeeze %dma_start3A_401 : memref<1x64xi32, #tpu.memory_space<vmem>> -> memref<64xi32, #tpu.memory_space<vmem>>
      %dma_start3A_403 = arith.constant 0 : i32
      %dma_start3A_404 = arith.constant 0 : i32
      %dma_start3A_405 = tpu.memref_slice %arg12[%dma_start3A_403, %dma_start3A_404] : memref<10240x128xf32, #tpu.memory_space<vmem_shared>> -> memref<10240x128xf32, #tpu.memory_space<vmem_shared>>
      tpu.enqueue_indirect_dma source(%arg11 : memref<64x128xf32, #tpu.memory_space<vmem>>) target(%dma_start3A_405 : memref<10240x128xf32, #tpu.memory_space<vmem_shared>>) offsets(%dma_start3A_402 : memref<64xi32, #tpu.memory_space<vmem>>) semaphore(%arg24 : memref<!tpu.dma_semaphore, #tpu.memory_space<semaphore_mem>>) {add = true}
      %add3A_406 = arith.constant 2 : i32
      %add3A_407 = arith.addi %add3A_370, %add3A_406 : i32
      %lt3A_408 = arith.constant 160 : i32
      %lt3A_409 = arith.cmpi slt, %add3A_407, %lt3A_408 : i32
      %convert_element_type3A_410 = arith.extui %lt3A_409 : i1 to i32
      %cond3A_411 = arith.constant 0 : i32
      %cond3A_412 = arith.cmpi ne, %convert_element_type3A_410, %cond3A_411 : i32
      scf.if %cond3A_412 {
        %ge3A = arith.constant 2 : i32
        %ge3A_413 = arith.cmpi sge, %add3A_370, %ge3A : i32
        %convert_element_type3A_414 = arith.extui %ge3A_413 : i1 to i32
        %cond3A_415 = arith.constant 0 : i32
        %cond3A_416 = arith.cmpi ne, %convert_element_type3A_414, %cond3A_415 : i32
        scf.if %cond3A_416 {
          %dma_wait3A_438 = arith.constant 1 : i32
          %dma_wait3A_439 = arith.constant 0 : i32
          %dma_wait3A_440 = tpu.memref_slice %arg7[%dma_wait3A_438, %dma_wait3A_439] : memref<4x64xi32, #tpu.memory_space<vmem>> -> memref<1x64xi32, #tpu.memory_space<vmem>>
          %dma_wait3A_441 = tpu.memref_squeeze %dma_wait3A_440 : memref<1x64xi32, #tpu.memory_space<vmem>> -> memref<64xi32, #tpu.memory_space<vmem>>
          %dma_wait3A_442 = arith.constant 0 : i32
          %dma_wait3A_443 = arith.constant 0 : i32
          %dma_wait3A_444 = tpu.memref_slice %arg12[%dma_wait3A_442, %dma_wait3A_443] : memref<10240x128xf32, #tpu.memory_space<vmem_shared>> -> memref<10240x128xf32, #tpu.memory_space<vmem_shared>>
          tpu.wait_indirect_dma semaphore(%arg22 : memref<!tpu.dma_semaphore, #tpu.memory_space<semaphore_mem>>) src(%arg9 : memref<64x128xf32, #tpu.memory_space<vmem>>) dst(%dma_wait3A_444 : memref<10240x128xf32, #tpu.memory_space<vmem_shared>>)
          %add3A_445 = arith.constant 2 : i32
          %add3A_446 = arith.addi %add3A_370, %add3A_445 : i32
          %dma_start3A_447 = arith.constant 1 : i32
          %dma_start3A_448 = arith.constant 0 : i32
          %dma_start3A_449 = tpu.memref_slice %arg7[%dma_start3A_447, %dma_start3A_448] : memref<4x64xi32, #tpu.memory_space<vmem>> -> memref<1x64xi32, #tpu.memory_space<vmem>>
          %dma_start3A_450 = tpu.memref_squeeze %dma_start3A_449 : memref<1x64xi32, #tpu.memory_space<vmem>> -> memref<64xi32, #tpu.memory_space<vmem>>
          %dma_start3A_451 = arith.constant 0 : i32
          %dma_start3A_452 = tpu.memref_slice %arg4[%add3A, %add3A_446, %dma_start3A_451] : memref<32x160x64xi32, #tpu.memory_space<hbm>> -> memref<1x1x64xi32, #tpu.memory_space<hbm>>
          %dma_start3A_453 = tpu.memref_squeeze %dma_start3A_452 : memref<1x1x64xi32, #tpu.memory_space<hbm>> -> memref<64xi32, #tpu.memory_space<hbm>>
          %dma_start3A_454 = arith.constant 0 : i32
          %dma_start3A_455 = tpu.memref_slice %arg7[%dma_start3A_447, %dma_start3A_454] : memref<4x64xi32, #tpu.memory_space<vmem>> -> memref<1x64xi32, #tpu.memory_space<vmem>>
          %dma_start3A_456 = tpu.memref_squeeze %dma_start3A_455 : memref<1x64xi32, #tpu.memory_space<vmem>> -> memref<64xi32, #tpu.memory_space<vmem>>
          %dma_start3A_457 = arith.constant 0 : i32
          %dma_start3A_458 = tpu.memref_slice %arg4[%add3A, %add3A_446, %dma_start3A_457] : memref<32x160x64xi32, #tpu.memory_space<hbm>> -> memref<1x1x64xi32, #tpu.memory_space<hbm>>
          %dma_start3A_459 = tpu.memref_squeeze %dma_start3A_458 : memref<1x1x64xi32, #tpu.memory_space<hbm>> -> memref<64xi32, #tpu.memory_space<hbm>>
          tpu.enqueue_dma source(%dma_start3A_459 : memref<64xi32, #tpu.memory_space<hbm>>) target(%dma_start3A_456 : memref<64xi32, #tpu.memory_space<vmem>>) target_semaphore(%arg26 : memref<!tpu.dma_semaphore, #tpu.memory_space<semaphore_mem>>)
        } else {
        }
        %dma_wait3A_417 = arith.constant 0 : i32
        %dma_wait3A_418 = arith.constant 1 : i32
        %dma_wait3A_419 = arith.constant 0 : i32
        %dma_wait3A_420 = tpu.memref_slice %arg6[%dma_wait3A_418, %dma_wait3A_419] : memref<4x64xi32, #tpu.memory_space<vmem>> -> memref<1x64xi32, #tpu.memory_space<vmem>>
        %dma_wait3A_421 = tpu.memref_squeeze %dma_wait3A_420 : memref<1x64xi32, #tpu.memory_space<vmem>> -> memref<64xi32, #tpu.memory_space<vmem>>
        %dma_wait3A_422 = arith.constant 0 : i32
        %dma_wait3A_423 = tpu.memref_slice %arg3[%add3A, %dma_wait3A_417, %dma_wait3A_422] : memref<32x160x64xi32, #tpu.memory_space<hbm>> -> memref<1x1x64xi32, #tpu.memory_space<hbm>>
        %dma_wait3A_424 = tpu.memref_squeeze %dma_wait3A_423 : memref<1x1x64xi32, #tpu.memory_space<hbm>> -> memref<64xi32, #tpu.memory_space<hbm>>
        %dma_wait3A_425 = arith.constant 0 : i32
        %dma_wait3A_426 = tpu.memref_slice %arg6[%dma_wait3A_418, %dma_wait3A_425] : memref<4x64xi32, #tpu.memory_space<vmem>> -> memref<1x64xi32, #tpu.memory_space<vmem>>
        %dma_wait3A_427 = tpu.memref_squeeze %dma_wait3A_426 : memref<1x64xi32, #tpu.memory_space<vmem>> -> memref<64xi32, #tpu.memory_space<vmem>>
        %dma_wait3A_428 = arith.constant 0 : i32
        %dma_wait3A_429 = tpu.memref_slice %arg3[%add3A, %dma_wait3A_417, %dma_wait3A_428] : memref<32x160x64xi32, #tpu.memory_space<hbm>> -> memref<1x1x64xi32, #tpu.memory_space<hbm>>
        %dma_wait3A_430 = tpu.memref_squeeze %dma_wait3A_429 : memref<1x1x64xi32, #tpu.memory_space<hbm>> -> memref<64xi32, #tpu.memory_space<hbm>>
        tpu.wait_dma2 semaphore(%arg18 : memref<!tpu.dma_semaphore, #tpu.memory_space<semaphore_mem>>) src(%dma_wait3A_430 : memref<64xi32, #tpu.memory_space<hbm>>) dst(%dma_wait3A_427 : memref<64xi32, #tpu.memory_space<vmem>>)
        %dma_start3A_431 = arith.constant 1 : i32
        %dma_start3A_432 = arith.constant 0 : i32
        %dma_start3A_433 = tpu.memref_slice %arg6[%dma_start3A_431, %dma_start3A_432] : memref<4x64xi32, #tpu.memory_space<vmem>> -> memref<1x64xi32, #tpu.memory_space<vmem>>
        %dma_start3A_434 = tpu.memref_squeeze %dma_start3A_433 : memref<1x64xi32, #tpu.memory_space<vmem>> -> memref<64xi32, #tpu.memory_space<vmem>>
        %dma_start3A_435 = arith.constant 0 : i32
        %dma_start3A_436 = arith.constant 0 : i32
        %dma_start3A_437 = tpu.memref_slice %arg2[%dma_start3A_435, %dma_start3A_436] : memref<10000x128xf32, #tpu.memory_space<hbm>> -> memref<10000x128xf32, #tpu.memory_space<hbm>>
        tpu.enqueue_indirect_dma source(%dma_start3A_437 : memref<10000x128xf32, #tpu.memory_space<hbm>>) target(%arg9 : memref<64x128xf32, #tpu.memory_space<vmem>>) offsets(%dma_start3A_434 : memref<64xi32, #tpu.memory_space<vmem>>) semaphore(%arg14 : memref<!tpu.dma_semaphore, #tpu.memory_space<semaphore_mem>>)
      } else {
      }
    }
    %scan3A_201 = arith.constant 40 : i32
    %dma_wait3A_202 = arith.constant 0 : i32
    %dma_wait3A_203 = arith.constant 0 : i32
    %dma_wait3A_204 = tpu.memref_slice %arg7[%dma_wait3A_202, %dma_wait3A_203] : memref<4x64xi32, #tpu.memory_space<vmem>> -> memref<1x64xi32, #tpu.memory_space<vmem>>
    %dma_wait3A_205 = tpu.memref_squeeze %dma_wait3A_204 : memref<1x64xi32, #tpu.memory_space<vmem>> -> memref<64xi32, #tpu.memory_space<vmem>>
    %dma_wait3A_206 = arith.constant 0 : i32
    %dma_wait3A_207 = arith.constant 0 : i32
    %dma_wait3A_208 = tpu.memref_slice %arg12[%dma_wait3A_206, %dma_wait3A_207] : memref<10240x128xf32, #tpu.memory_space<vmem_shared>> -> memref<10240x128xf32, #tpu.memory_space<vmem_shared>>
    tpu.wait_indirect_dma semaphore(%arg21 : memref<!tpu.dma_semaphore, #tpu.memory_space<semaphore_mem>>) src(%arg8 : memref<64x128xf32, #tpu.memory_space<vmem>>) dst(%dma_wait3A_208 : memref<10240x128xf32, #tpu.memory_space<vmem_shared>>)
    %dma_wait3A_209 = arith.constant 1 : i32
    %dma_wait3A_210 = arith.constant 0 : i32
    %dma_wait3A_211 = tpu.memref_slice %arg7[%dma_wait3A_209, %dma_wait3A_210] : memref<4x64xi32, #tpu.memory_space<vmem>> -> memref<1x64xi32, #tpu.memory_space<vmem>>
    %dma_wait3A_212 = tpu.memref_squeeze %dma_wait3A_211 : memref<1x64xi32, #tpu.memory_space<vmem>> -> memref<64xi32, #tpu.memory_space<vmem>>
    %dma_wait3A_213 = arith.constant 0 : i32
    %dma_wait3A_214 = arith.constant 0 : i32
    %dma_wait3A_215 = tpu.memref_slice %arg12[%dma_wait3A_213, %dma_wait3A_214] : memref<10240x128xf32, #tpu.memory_space<vmem_shared>> -> memref<10240x128xf32, #tpu.memory_space<vmem_shared>>
    tpu.wait_indirect_dma semaphore(%arg22 : memref<!tpu.dma_semaphore, #tpu.memory_space<semaphore_mem>>) src(%arg9 : memref<64x128xf32, #tpu.memory_space<vmem>>) dst(%dma_wait3A_215 : memref<10240x128xf32, #tpu.memory_space<vmem_shared>>)
    %dma_wait3A_216 = arith.constant 2 : i32
    %dma_wait3A_217 = arith.constant 0 : i32
    %dma_wait3A_218 = tpu.memref_slice %arg7[%dma_wait3A_216, %dma_wait3A_217] : memref<4x64xi32, #tpu.memory_space<vmem>> -> memref<1x64xi32, #tpu.memory_space<vmem>>
    %dma_wait3A_219 = tpu.memref_squeeze %dma_wait3A_218 : memref<1x64xi32, #tpu.memory_space<vmem>> -> memref<64xi32, #tpu.memory_space<vmem>>
    %dma_wait3A_220 = arith.constant 0 : i32
    %dma_wait3A_221 = arith.constant 0 : i32
    %dma_wait3A_222 = tpu.memref_slice %arg12[%dma_wait3A_220, %dma_wait3A_221] : memref<10240x128xf32, #tpu.memory_space<vmem_shared>> -> memref<10240x128xf32, #tpu.memory_space<vmem_shared>>
    tpu.wait_indirect_dma semaphore(%arg23 : memref<!tpu.dma_semaphore, #tpu.memory_space<semaphore_mem>>) src(%arg10 : memref<64x128xf32, #tpu.memory_space<vmem>>) dst(%dma_wait3A_222 : memref<10240x128xf32, #tpu.memory_space<vmem_shared>>)
    %dma_wait3A_223 = arith.constant 3 : i32
    %dma_wait3A_224 = arith.constant 0 : i32
    %dma_wait3A_225 = tpu.memref_slice %arg7[%dma_wait3A_223, %dma_wait3A_224] : memref<4x64xi32, #tpu.memory_space<vmem>> -> memref<1x64xi32, #tpu.memory_space<vmem>>
    %dma_wait3A_226 = tpu.memref_squeeze %dma_wait3A_225 : memref<1x64xi32, #tpu.memory_space<vmem>> -> memref<64xi32, #tpu.memory_space<vmem>>
    %dma_wait3A_227 = arith.constant 0 : i32
    %dma_wait3A_228 = arith.constant 0 : i32
    %dma_wait3A_229 = tpu.memref_slice %arg12[%dma_wait3A_227, %dma_wait3A_228] : memref<10240x128xf32, #tpu.memory_space<vmem_shared>> -> memref<10240x128xf32, #tpu.memory_space<vmem_shared>>
    tpu.wait_indirect_dma semaphore(%arg24 : memref<!tpu.dma_semaphore, #tpu.memory_space<semaphore_mem>>) src(%arg11 : memref<64x128xf32, #tpu.memory_space<vmem>>) dst(%dma_wait3A_229 : memref<10240x128xf32, #tpu.memory_space<vmem_shared>>)
    %barrier3A_230 = arith.constant 0 : index
    tpu.barrier barrier_id(%barrier3A_230)
    %mul3A_231 = arith.constant 640 : i32
    %mul3A_232 = arith.muli %arg1, %mul3A_231 : i32
    %mul3A_233 = arith.constant 640 : i32
    %mul3A_234 = arith.muli %arg1, %mul3A_233 : i32
    "tpu.region"() ({
      %run_scoped3A = tpu.sem_alloc : memref<!tpu.dma_semaphore, #tpu.memory_space<semaphore_mem>>
      %dma_start3A_235 = arith.constant 0 : i32
      %dma_start3A_236 = tpu.memref_slice %arg5[%arg0, %mul3A_234, %dma_start3A_235] : memref<2x10240x128xf32, #tpu.memory_space<hbm>> -> memref<1x640x128xf32, #tpu.memory_space<hbm>>
      %dma_start3A_237 = tpu.memref_squeeze %dma_start3A_236 : memref<1x640x128xf32, #tpu.memory_space<hbm>> -> memref<640x128xf32, #tpu.memory_space<hbm>>
      %dma_start3A_238 = arith.constant 0 : i32
      %dma_start3A_239 = tpu.memref_slice %arg12[%mul3A_232, %dma_start3A_238] : memref<10240x128xf32, #tpu.memory_space<vmem_shared>> -> memref<640x128xf32, #tpu.memory_space<vmem_shared>>
      tpu.enqueue_dma source(%dma_start3A_239 : memref<640x128xf32, #tpu.memory_space<vmem_shared>>) target(%dma_start3A_237 : memref<640x128xf32, #tpu.memory_space<hbm>>) target_semaphore(%run_scoped3A : memref<!tpu.dma_semaphore, #tpu.memory_space<semaphore_mem>>)
      %dma_wait3A_240 = arith.constant 0 : i32
      %dma_wait3A_241 = tpu.memref_slice %arg5[%arg0, %mul3A_234, %dma_wait3A_240] : memref<2x10240x128xf32, #tpu.memory_space<hbm>> -> memref<1x640x128xf32, #tpu.memory_space<hbm>>
      %dma_wait3A_242 = tpu.memref_squeeze %dma_wait3A_241 : memref<1x640x128xf32, #tpu.memory_space<hbm>> -> memref<640x128xf32, #tpu.memory_space<hbm>>
      %dma_wait3A_243 = arith.constant 0 : i32
      %dma_wait3A_244 = tpu.memref_slice %arg12[%mul3A_232, %dma_wait3A_243] : memref<10240x128xf32, #tpu.memory_space<vmem_shared>> -> memref<640x128xf32, #tpu.memory_space<vmem_shared>>
      tpu.wait_dma2 semaphore(%run_scoped3A : memref<!tpu.dma_semaphore, #tpu.memory_space<semaphore_mem>>) src(%dma_wait3A_244 : memref<640x128xf32, #tpu.memory_space<vmem_shared>>) dst(%dma_wait3A_242 : memref<640x128xf32, #tpu.memory_space<hbm>>)
      tpu.yield
    }) : () -> ()
    return
  }
}

#map = affine_map<(d0, d1) -> (0, 0)>
#map1 = affine_map<(d0, d1) -> (0, 0, 0)>
module attributes {stable_mosaic.version = 14 : i64} {
  func.func @_gather2_body(%arg0: i32, %arg1: i32, %arg2: memref<10000x128xf32, #tpu.memory_space<hbm>>, %arg3: memref<4096x128xf32, #tpu.memory_space<hbm>>, %arg4: memref<4096x128xf32, #tpu.memory_space<hbm>>, %arg5: memref<32x2x128xi32, #tpu.memory_space<hbm>>, %arg6: memref<32x20x128xi32, #tpu.memory_space<hbm>>, %arg7: memref<32x2x128xi32, #tpu.memory_space<hbm>>, %arg8: memref<8192x128xf32, #tpu.memory_space<hbm>>, %arg9: memref<8192x128xf32, #tpu.memory_space<hbm>>, %arg10: memref<81920x128xf32, #tpu.memory_space<hbm>>, %arg11: memref<8192x128xf32, #tpu.memory_space<hbm>>, %arg12: memref<24x128xi32, #tpu.memory_space<vmem>>, %arg13: memref<128x128xf32, #tpu.memory_space<vmem>>, %arg14: memref<128x128xf32, #tpu.memory_space<vmem>>, %arg15: memref<128x128xf32, #tpu.memory_space<vmem>>, %arg16: memref<128x128xf32, #tpu.memory_space<vmem>>, %arg17: memref<!tpu.dma_semaphore, #tpu.memory_space<semaphore_mem>>, %arg18: memref<!tpu.dma_semaphore, #tpu.memory_space<semaphore_mem>>, %arg19: memref<!tpu.dma_semaphore, #tpu.memory_space<semaphore_mem>>, %arg20: memref<!tpu.dma_semaphore, #tpu.memory_space<semaphore_mem>>, %arg21: memref<!tpu.dma_semaphore, #tpu.memory_space<semaphore_mem>>, %arg22: memref<!tpu.dma_semaphore, #tpu.memory_space<semaphore_mem>>, %arg23: memref<!tpu.dma_semaphore, #tpu.memory_space<semaphore_mem>>, %arg24: memref<!tpu.dma_semaphore, #tpu.memory_space<semaphore_mem>>) attributes {dimension_semantics = [#tpu.dimension_semantics<core_parallel>, #tpu.dimension_semantics<subcore_parallel>], iteration_bounds = array<i64: 2, 16>, scalar_prefetch = 0 : i64, scratch_operands = 13 : i64, tpu.core_type = #tpu.core_type<sc_vector_subcore>, window_params = [{transform_indices = #map}, {transform_indices = #map}, {transform_indices = #map}, {transform_indices = #map1}, {transform_indices = #map1}, {transform_indices = #map1}, {transform_indices = #map}, {transform_indices = #map}, {transform_indices = #map}, {transform_indices = #map}]} {
    %mul3A = arith.constant 16 : i32
    %mul3A_0 = arith.muli %arg0, %mul3A : i32
    %add3A = arith.addi %mul3A_0, %arg1 : i32
    "tpu.region"() ({
      %run_scoped3A = tpu.sem_alloc : memref<!tpu.dma_semaphore, #tpu.memory_space<semaphore_mem>>
      %dma_start3A_221 = arith.constant 0 : i32
      %dma_start3A_222 = arith.constant 0 : i32
      %dma_start3A_223 = tpu.memref_slice %arg12[%dma_start3A_221, %dma_start3A_222] : memref<24x128xi32, #tpu.memory_space<vmem>> -> memref<2x128xi32, #tpu.memory_space<vmem>>
      %dma_start3A_224 = arith.constant 0 : i32
      %dma_start3A_225 = arith.constant 0 : i32
      %dma_start3A_226 = tpu.memref_slice %arg5[%add3A, %dma_start3A_224, %dma_start3A_225] : memref<32x2x128xi32, #tpu.memory_space<hbm>> -> memref<1x2x128xi32, #tpu.memory_space<hbm>>
      %dma_start3A_227 = tpu.memref_squeeze %dma_start3A_226 : memref<1x2x128xi32, #tpu.memory_space<hbm>> -> memref<2x128xi32, #tpu.memory_space<hbm>>
      %dma_start3A_228 = arith.constant 0 : i32
      %dma_start3A_229 = arith.constant 0 : i32
      %dma_start3A_230 = tpu.memref_slice %arg12[%dma_start3A_228, %dma_start3A_229] : memref<24x128xi32, #tpu.memory_space<vmem>> -> memref<2x128xi32, #tpu.memory_space<vmem>>
      %dma_start3A_231 = arith.constant 0 : i32
      %dma_start3A_232 = arith.constant 0 : i32
      %dma_start3A_233 = tpu.memref_slice %arg5[%add3A, %dma_start3A_231, %dma_start3A_232] : memref<32x2x128xi32, #tpu.memory_space<hbm>> -> memref<1x2x128xi32, #tpu.memory_space<hbm>>
      %dma_start3A_234 = tpu.memref_squeeze %dma_start3A_233 : memref<1x2x128xi32, #tpu.memory_space<hbm>> -> memref<2x128xi32, #tpu.memory_space<hbm>>
      tpu.enqueue_dma source(%dma_start3A_234 : memref<2x128xi32, #tpu.memory_space<hbm>>) target(%dma_start3A_230 : memref<2x128xi32, #tpu.memory_space<vmem>>) target_semaphore(%run_scoped3A : memref<!tpu.dma_semaphore, #tpu.memory_space<semaphore_mem>>)
      %dma_wait3A_235 = arith.constant 0 : i32
      %dma_wait3A_236 = arith.constant 0 : i32
      %dma_wait3A_237 = tpu.memref_slice %arg12[%dma_wait3A_235, %dma_wait3A_236] : memref<24x128xi32, #tpu.memory_space<vmem>> -> memref<2x128xi32, #tpu.memory_space<vmem>>
      %dma_wait3A_238 = arith.constant 0 : i32
      %dma_wait3A_239 = arith.constant 0 : i32
      %dma_wait3A_240 = tpu.memref_slice %arg5[%add3A, %dma_wait3A_238, %dma_wait3A_239] : memref<32x2x128xi32, #tpu.memory_space<hbm>> -> memref<1x2x128xi32, #tpu.memory_space<hbm>>
      %dma_wait3A_241 = tpu.memref_squeeze %dma_wait3A_240 : memref<1x2x128xi32, #tpu.memory_space<hbm>> -> memref<2x128xi32, #tpu.memory_space<hbm>>
      %dma_wait3A_242 = arith.constant 0 : i32
      %dma_wait3A_243 = arith.constant 0 : i32
      %dma_wait3A_244 = tpu.memref_slice %arg12[%dma_wait3A_242, %dma_wait3A_243] : memref<24x128xi32, #tpu.memory_space<vmem>> -> memref<2x128xi32, #tpu.memory_space<vmem>>
      %dma_wait3A_245 = arith.constant 0 : i32
      %dma_wait3A_246 = arith.constant 0 : i32
      %dma_wait3A_247 = tpu.memref_slice %arg5[%add3A, %dma_wait3A_245, %dma_wait3A_246] : memref<32x2x128xi32, #tpu.memory_space<hbm>> -> memref<1x2x128xi32, #tpu.memory_space<hbm>>
      %dma_wait3A_248 = tpu.memref_squeeze %dma_wait3A_247 : memref<1x2x128xi32, #tpu.memory_space<hbm>> -> memref<2x128xi32, #tpu.memory_space<hbm>>
      tpu.wait_dma2 semaphore(%run_scoped3A : memref<!tpu.dma_semaphore, #tpu.memory_space<semaphore_mem>>) src(%dma_wait3A_248 : memref<2x128xi32, #tpu.memory_space<hbm>>) dst(%dma_wait3A_244 : memref<2x128xi32, #tpu.memory_space<vmem>>)
      tpu.yield
    }) : () -> ()
    "tpu.region"() ({
      %run_scoped3A = tpu.sem_alloc : memref<!tpu.dma_semaphore, #tpu.memory_space<semaphore_mem>>
      %dma_start3A_221 = arith.constant 2 : i32
      %dma_start3A_222 = arith.constant 0 : i32
      %dma_start3A_223 = tpu.memref_slice %arg12[%dma_start3A_221, %dma_start3A_222] : memref<24x128xi32, #tpu.memory_space<vmem>> -> memref<20x128xi32, #tpu.memory_space<vmem>>
      %dma_start3A_224 = arith.constant 0 : i32
      %dma_start3A_225 = arith.constant 0 : i32
      %dma_start3A_226 = tpu.memref_slice %arg6[%add3A, %dma_start3A_224, %dma_start3A_225] : memref<32x20x128xi32, #tpu.memory_space<hbm>> -> memref<1x20x128xi32, #tpu.memory_space<hbm>>
      %dma_start3A_227 = tpu.memref_squeeze %dma_start3A_226 : memref<1x20x128xi32, #tpu.memory_space<hbm>> -> memref<20x128xi32, #tpu.memory_space<hbm>>
      %dma_start3A_228 = arith.constant 2 : i32
      %dma_start3A_229 = arith.constant 0 : i32
      %dma_start3A_230 = tpu.memref_slice %arg12[%dma_start3A_228, %dma_start3A_229] : memref<24x128xi32, #tpu.memory_space<vmem>> -> memref<20x128xi32, #tpu.memory_space<vmem>>
      %dma_start3A_231 = arith.constant 0 : i32
      %dma_start3A_232 = arith.constant 0 : i32
      %dma_start3A_233 = tpu.memref_slice %arg6[%add3A, %dma_start3A_231, %dma_start3A_232] : memref<32x20x128xi32, #tpu.memory_space<hbm>> -> memref<1x20x128xi32, #tpu.memory_space<hbm>>
      %dma_start3A_234 = tpu.memref_squeeze %dma_start3A_233 : memref<1x20x128xi32, #tpu.memory_space<hbm>> -> memref<20x128xi32, #tpu.memory_space<hbm>>
      tpu.enqueue_dma source(%dma_start3A_234 : memref<20x128xi32, #tpu.memory_space<hbm>>) target(%dma_start3A_230 : memref<20x128xi32, #tpu.memory_space<vmem>>) target_semaphore(%run_scoped3A : memref<!tpu.dma_semaphore, #tpu.memory_space<semaphore_mem>>)
      %dma_wait3A_235 = arith.constant 2 : i32
      %dma_wait3A_236 = arith.constant 0 : i32
      %dma_wait3A_237 = tpu.memref_slice %arg12[%dma_wait3A_235, %dma_wait3A_236] : memref<24x128xi32, #tpu.memory_space<vmem>> -> memref<20x128xi32, #tpu.memory_space<vmem>>
      %dma_wait3A_238 = arith.constant 0 : i32
      %dma_wait3A_239 = arith.constant 0 : i32
      %dma_wait3A_240 = tpu.memref_slice %arg6[%add3A, %dma_wait3A_238, %dma_wait3A_239] : memref<32x20x128xi32, #tpu.memory_space<hbm>> -> memref<1x20x128xi32, #tpu.memory_space<hbm>>
      %dma_wait3A_241 = tpu.memref_squeeze %dma_wait3A_240 : memref<1x20x128xi32, #tpu.memory_space<hbm>> -> memref<20x128xi32, #tpu.memory_space<hbm>>
      %dma_wait3A_242 = arith.constant 2 : i32
      %dma_wait3A_243 = arith.constant 0 : i32
      %dma_wait3A_244 = tpu.memref_slice %arg12[%dma_wait3A_242, %dma_wait3A_243] : memref<24x128xi32, #tpu.memory_space<vmem>> -> memref<20x128xi32, #tpu.memory_space<vmem>>
      %dma_wait3A_245 = arith.constant 0 : i32
      %dma_wait3A_246 = arith.constant 0 : i32
      %dma_wait3A_247 = tpu.memref_slice %arg6[%add3A, %dma_wait3A_245, %dma_wait3A_246] : memref<32x20x128xi32, #tpu.memory_space<hbm>> -> memref<1x20x128xi32, #tpu.memory_space<hbm>>
      %dma_wait3A_248 = tpu.memref_squeeze %dma_wait3A_247 : memref<1x20x128xi32, #tpu.memory_space<hbm>> -> memref<20x128xi32, #tpu.memory_space<hbm>>
      tpu.wait_dma2 semaphore(%run_scoped3A : memref<!tpu.dma_semaphore, #tpu.memory_space<semaphore_mem>>) src(%dma_wait3A_248 : memref<20x128xi32, #tpu.memory_space<hbm>>) dst(%dma_wait3A_244 : memref<20x128xi32, #tpu.memory_space<vmem>>)
      tpu.yield
    }) : () -> ()
    "tpu.region"() ({
      %run_scoped3A = tpu.sem_alloc : memref<!tpu.dma_semaphore, #tpu.memory_space<semaphore_mem>>
      %dma_start3A_221 = arith.constant 22 : i32
      %dma_start3A_222 = arith.constant 0 : i32
      %dma_start3A_223 = tpu.memref_slice %arg12[%dma_start3A_221, %dma_start3A_222] : memref<24x128xi32, #tpu.memory_space<vmem>> -> memref<2x128xi32, #tpu.memory_space<vmem>>
      %dma_start3A_224 = arith.constant 0 : i32
      %dma_start3A_225 = arith.constant 0 : i32
      %dma_start3A_226 = tpu.memref_slice %arg7[%add3A, %dma_start3A_224, %dma_start3A_225] : memref<32x2x128xi32, #tpu.memory_space<hbm>> -> memref<1x2x128xi32, #tpu.memory_space<hbm>>
      %dma_start3A_227 = tpu.memref_squeeze %dma_start3A_226 : memref<1x2x128xi32, #tpu.memory_space<hbm>> -> memref<2x128xi32, #tpu.memory_space<hbm>>
      %dma_start3A_228 = arith.constant 22 : i32
      %dma_start3A_229 = arith.constant 0 : i32
      %dma_start3A_230 = tpu.memref_slice %arg12[%dma_start3A_228, %dma_start3A_229] : memref<24x128xi32, #tpu.memory_space<vmem>> -> memref<2x128xi32, #tpu.memory_space<vmem>>
      %dma_start3A_231 = arith.constant 0 : i32
      %dma_start3A_232 = arith.constant 0 : i32
      %dma_start3A_233 = tpu.memref_slice %arg7[%add3A, %dma_start3A_231, %dma_start3A_232] : memref<32x2x128xi32, #tpu.memory_space<hbm>> -> memref<1x2x128xi32, #tpu.memory_space<hbm>>
      %dma_start3A_234 = tpu.memref_squeeze %dma_start3A_233 : memref<1x2x128xi32, #tpu.memory_space<hbm>> -> memref<2x128xi32, #tpu.memory_space<hbm>>
      tpu.enqueue_dma source(%dma_start3A_234 : memref<2x128xi32, #tpu.memory_space<hbm>>) target(%dma_start3A_230 : memref<2x128xi32, #tpu.memory_space<vmem>>) target_semaphore(%run_scoped3A : memref<!tpu.dma_semaphore, #tpu.memory_space<semaphore_mem>>)
      %dma_wait3A_235 = arith.constant 22 : i32
      %dma_wait3A_236 = arith.constant 0 : i32
      %dma_wait3A_237 = tpu.memref_slice %arg12[%dma_wait3A_235, %dma_wait3A_236] : memref<24x128xi32, #tpu.memory_space<vmem>> -> memref<2x128xi32, #tpu.memory_space<vmem>>
      %dma_wait3A_238 = arith.constant 0 : i32
      %dma_wait3A_239 = arith.constant 0 : i32
      %dma_wait3A_240 = tpu.memref_slice %arg7[%add3A, %dma_wait3A_238, %dma_wait3A_239] : memref<32x2x128xi32, #tpu.memory_space<hbm>> -> memref<1x2x128xi32, #tpu.memory_space<hbm>>
      %dma_wait3A_241 = tpu.memref_squeeze %dma_wait3A_240 : memref<1x2x128xi32, #tpu.memory_space<hbm>> -> memref<2x128xi32, #tpu.memory_space<hbm>>
      %dma_wait3A_242 = arith.constant 22 : i32
      %dma_wait3A_243 = arith.constant 0 : i32
      %dma_wait3A_244 = tpu.memref_slice %arg12[%dma_wait3A_242, %dma_wait3A_243] : memref<24x128xi32, #tpu.memory_space<vmem>> -> memref<2x128xi32, #tpu.memory_space<vmem>>
      %dma_wait3A_245 = arith.constant 0 : i32
      %dma_wait3A_246 = arith.constant 0 : i32
      %dma_wait3A_247 = tpu.memref_slice %arg7[%add3A, %dma_wait3A_245, %dma_wait3A_246] : memref<32x2x128xi32, #tpu.memory_space<hbm>> -> memref<1x2x128xi32, #tpu.memory_space<hbm>>
      %dma_wait3A_248 = tpu.memref_squeeze %dma_wait3A_247 : memref<1x2x128xi32, #tpu.memory_space<hbm>> -> memref<2x128xi32, #tpu.memory_space<hbm>>
      tpu.wait_dma2 semaphore(%run_scoped3A : memref<!tpu.dma_semaphore, #tpu.memory_space<semaphore_mem>>) src(%dma_wait3A_248 : memref<2x128xi32, #tpu.memory_space<hbm>>) dst(%dma_wait3A_244 : memref<2x128xi32, #tpu.memory_space<vmem>>)
      tpu.yield
    }) : () -> ()
    %dma_start3A = arith.constant 0 : i32
    %dma_start3A_1 = arith.constant 0 : i32
    %dma_start3A_2 = tpu.memref_slice %arg12[%dma_start3A, %dma_start3A_1] : memref<24x128xi32, #tpu.memory_space<vmem>> -> memref<1x128xi32, #tpu.memory_space<vmem>>
    %dma_start3A_3 = tpu.memref_squeeze %dma_start3A_2 : memref<1x128xi32, #tpu.memory_space<vmem>> -> memref<128xi32, #tpu.memory_space<vmem>>
    %dma_start3A_4 = arith.constant 0 : i32
    %dma_start3A_5 = arith.constant 0 : i32
    %dma_start3A_6 = tpu.memref_slice %arg2[%dma_start3A_4, %dma_start3A_5] : memref<10000x128xf32, #tpu.memory_space<hbm>> -> memref<10000x128xf32, #tpu.memory_space<hbm>>
    tpu.enqueue_indirect_dma source(%dma_start3A_6 : memref<10000x128xf32, #tpu.memory_space<hbm>>) target(%arg13 : memref<128x128xf32, #tpu.memory_space<vmem>>) offsets(%dma_start3A_3 : memref<128xi32, #tpu.memory_space<vmem>>) semaphore(%arg17 : memref<!tpu.dma_semaphore, #tpu.memory_space<semaphore_mem>>)
    %dma_start3A_7 = arith.constant 1 : i32
    %dma_start3A_8 = arith.constant 0 : i32
    %dma_start3A_9 = tpu.memref_slice %arg12[%dma_start3A_7, %dma_start3A_8] : memref<24x128xi32, #tpu.memory_space<vmem>> -> memref<1x128xi32, #tpu.memory_space<vmem>>
    %dma_start3A_10 = tpu.memref_squeeze %dma_start3A_9 : memref<1x128xi32, #tpu.memory_space<vmem>> -> memref<128xi32, #tpu.memory_space<vmem>>
    %dma_start3A_11 = arith.constant 0 : i32
    %dma_start3A_12 = arith.constant 0 : i32
    %dma_start3A_13 = tpu.memref_slice %arg2[%dma_start3A_11, %dma_start3A_12] : memref<10000x128xf32, #tpu.memory_space<hbm>> -> memref<10000x128xf32, #tpu.memory_space<hbm>>
    tpu.enqueue_indirect_dma source(%dma_start3A_13 : memref<10000x128xf32, #tpu.memory_space<hbm>>) target(%arg14 : memref<128x128xf32, #tpu.memory_space<vmem>>) offsets(%dma_start3A_10 : memref<128xi32, #tpu.memory_space<vmem>>) semaphore(%arg18 : memref<!tpu.dma_semaphore, #tpu.memory_space<semaphore_mem>>)
    %dma_wait3A = arith.constant 0 : i32
    %dma_wait3A_14 = arith.constant 0 : i32
    %dma_wait3A_15 = tpu.memref_slice %arg12[%dma_wait3A, %dma_wait3A_14] : memref<24x128xi32, #tpu.memory_space<vmem>> -> memref<1x128xi32, #tpu.memory_space<vmem>>
    %dma_wait3A_16 = tpu.memref_squeeze %dma_wait3A_15 : memref<1x128xi32, #tpu.memory_space<vmem>> -> memref<128xi32, #tpu.memory_space<vmem>>
    %dma_wait3A_17 = arith.constant 0 : i32
    %dma_wait3A_18 = arith.constant 0 : i32
    %dma_wait3A_19 = tpu.memref_slice %arg2[%dma_wait3A_17, %dma_wait3A_18] : memref<10000x128xf32, #tpu.memory_space<hbm>> -> memref<10000x128xf32, #tpu.memory_space<hbm>>
    tpu.wait_indirect_dma semaphore(%arg17 : memref<!tpu.dma_semaphore, #tpu.memory_space<semaphore_mem>>) src(%dma_wait3A_19 : memref<10000x128xf32, #tpu.memory_space<hbm>>) dst(%arg13 : memref<128x128xf32, #tpu.memory_space<vmem>>)
    %mul3A_20 = arith.constant 2 : i32
    %mul3A_21 = arith.muli %add3A, %mul3A_20 : i32
    %mul3A_22 = arith.constant 128 : i32
    %mul3A_23 = arith.muli %mul3A_21, %mul3A_22 : i32
    %add3A_24 = arith.constant 0 : i32
    %add3A_25 = arith.addi %mul3A_23, %add3A_24 : i32
    %dma_start3A_26 = arith.constant 0 : i32
    %dma_start3A_27 = tpu.memref_slice %arg9[%add3A_25, %dma_start3A_26] : memref<8192x128xf32, #tpu.memory_space<hbm>> -> memref<128x128xf32, #tpu.memory_space<hbm>>
    %dma_start3A_28 = arith.constant 0 : i32
    %dma_start3A_29 = tpu.memref_slice %arg9[%add3A_25, %dma_start3A_28] : memref<8192x128xf32, #tpu.memory_space<hbm>> -> memref<128x128xf32, #tpu.memory_space<hbm>>
    tpu.enqueue_dma source(%arg13 : memref<128x128xf32, #tpu.memory_space<vmem>>) target(%dma_start3A_29 : memref<128x128xf32, #tpu.memory_space<hbm>>) target_semaphore(%arg21 : memref<!tpu.dma_semaphore, #tpu.memory_space<semaphore_mem>>)
    %dma_wait3A_30 = arith.constant 0 : i32
    %dma_wait3A_31 = arith.constant 0 : i32
    %dma_wait3A_32 = tpu.memref_slice %arg12[%dma_wait3A_30, %dma_wait3A_31] : memref<24x128xi32, #tpu.memory_space<vmem>> -> memref<1x128xi32, #tpu.memory_space<vmem>>
    %dma_wait3A_33 = tpu.memref_squeeze %dma_wait3A_32 : memref<1x128xi32, #tpu.memory_space<vmem>> -> memref<128xi32, #tpu.memory_space<vmem>>
    %dma_wait3A_34 = arith.constant 0 : i32
    %dma_wait3A_35 = arith.constant 0 : i32
    %dma_wait3A_36 = tpu.memref_slice %arg2[%dma_wait3A_34, %dma_wait3A_35] : memref<10000x128xf32, #tpu.memory_space<hbm>> -> memref<10000x128xf32, #tpu.memory_space<hbm>>
    tpu.wait_indirect_dma semaphore(%arg18 : memref<!tpu.dma_semaphore, #tpu.memory_space<semaphore_mem>>) src(%dma_wait3A_36 : memref<10000x128xf32, #tpu.memory_space<hbm>>) dst(%arg14 : memref<128x128xf32, #tpu.memory_space<vmem>>)
    %mul3A_37 = arith.constant 2 : i32
    %mul3A_38 = arith.muli %add3A, %mul3A_37 : i32
    %mul3A_39 = arith.constant 128 : i32
    %mul3A_40 = arith.muli %mul3A_38, %mul3A_39 : i32
    %add3A_41 = arith.constant 128 : i32
    %add3A_42 = arith.addi %mul3A_40, %add3A_41 : i32
    %dma_start3A_43 = arith.constant 0 : i32
    %dma_start3A_44 = tpu.memref_slice %arg9[%add3A_42, %dma_start3A_43] : memref<8192x128xf32, #tpu.memory_space<hbm>> -> memref<128x128xf32, #tpu.memory_space<hbm>>
    %dma_start3A_45 = arith.constant 0 : i32
    %dma_start3A_46 = tpu.memref_slice %arg9[%add3A_42, %dma_start3A_45] : memref<8192x128xf32, #tpu.memory_space<hbm>> -> memref<128x128xf32, #tpu.memory_space<hbm>>
    tpu.enqueue_dma source(%arg14 : memref<128x128xf32, #tpu.memory_space<vmem>>) target(%dma_start3A_46 : memref<128x128xf32, #tpu.memory_space<hbm>>) target_semaphore(%arg22 : memref<!tpu.dma_semaphore, #tpu.memory_space<semaphore_mem>>)
    %dma_wait3A_47 = arith.constant 0 : i32
    %dma_wait3A_48 = arith.constant 0 : i32
    %dma_wait3A_49 = tpu.memref_slice %arg9[%dma_wait3A_47, %dma_wait3A_48] : memref<8192x128xf32, #tpu.memory_space<hbm>> -> memref<128x128xf32, #tpu.memory_space<hbm>>
    %dma_wait3A_50 = arith.constant 0 : i32
    %dma_wait3A_51 = arith.constant 0 : i32
    %dma_wait3A_52 = tpu.memref_slice %arg9[%dma_wait3A_50, %dma_wait3A_51] : memref<8192x128xf32, #tpu.memory_space<hbm>> -> memref<128x128xf32, #tpu.memory_space<hbm>>
    tpu.wait_dma2 semaphore(%arg21 : memref<!tpu.dma_semaphore, #tpu.memory_space<semaphore_mem>>) src(%arg13 : memref<128x128xf32, #tpu.memory_space<vmem>>) dst(%dma_wait3A_52 : memref<128x128xf32, #tpu.memory_space<hbm>>)
    %dma_wait3A_53 = arith.constant 0 : i32
    %dma_wait3A_54 = arith.constant 0 : i32
    %dma_wait3A_55 = tpu.memref_slice %arg9[%dma_wait3A_53, %dma_wait3A_54] : memref<8192x128xf32, #tpu.memory_space<hbm>> -> memref<128x128xf32, #tpu.memory_space<hbm>>
    %dma_wait3A_56 = arith.constant 0 : i32
    %dma_wait3A_57 = arith.constant 0 : i32
    %dma_wait3A_58 = tpu.memref_slice %arg9[%dma_wait3A_56, %dma_wait3A_57] : memref<8192x128xf32, #tpu.memory_space<hbm>> -> memref<128x128xf32, #tpu.memory_space<hbm>>
    tpu.wait_dma2 semaphore(%arg22 : memref<!tpu.dma_semaphore, #tpu.memory_space<semaphore_mem>>) src(%arg14 : memref<128x128xf32, #tpu.memory_space<vmem>>) dst(%dma_wait3A_58 : memref<128x128xf32, #tpu.memory_space<hbm>>)
    %dma_start3A_59 = arith.constant 2 : i32
    %dma_start3A_60 = arith.constant 0 : i32
    %dma_start3A_61 = tpu.memref_slice %arg12[%dma_start3A_59, %dma_start3A_60] : memref<24x128xi32, #tpu.memory_space<vmem>> -> memref<1x128xi32, #tpu.memory_space<vmem>>
    %dma_start3A_62 = tpu.memref_squeeze %dma_start3A_61 : memref<1x128xi32, #tpu.memory_space<vmem>> -> memref<128xi32, #tpu.memory_space<vmem>>
    %dma_start3A_63 = arith.constant 0 : i32
    %dma_start3A_64 = arith.constant 0 : i32
    %dma_start3A_65 = tpu.memref_slice %arg2[%dma_start3A_63, %dma_start3A_64] : memref<10000x128xf32, #tpu.memory_space<hbm>> -> memref<10000x128xf32, #tpu.memory_space<hbm>>
    tpu.enqueue_indirect_dma source(%dma_start3A_65 : memref<10000x128xf32, #tpu.memory_space<hbm>>) target(%arg13 : memref<128x128xf32, #tpu.memory_space<vmem>>) offsets(%dma_start3A_62 : memref<128xi32, #tpu.memory_space<vmem>>) semaphore(%arg17 : memref<!tpu.dma_semaphore, #tpu.memory_space<semaphore_mem>>)
    %dma_start3A_66 = arith.constant 3 : i32
    %dma_start3A_67 = arith.constant 0 : i32
    %dma_start3A_68 = tpu.memref_slice %arg12[%dma_start3A_66, %dma_start3A_67] : memref<24x128xi32, #tpu.memory_space<vmem>> -> memref<1x128xi32, #tpu.memory_space<vmem>>
    %dma_start3A_69 = tpu.memref_squeeze %dma_start3A_68 : memref<1x128xi32, #tpu.memory_space<vmem>> -> memref<128xi32, #tpu.memory_space<vmem>>
    %dma_start3A_70 = arith.constant 0 : i32
    %dma_start3A_71 = arith.constant 0 : i32
    %dma_start3A_72 = tpu.memref_slice %arg2[%dma_start3A_70, %dma_start3A_71] : memref<10000x128xf32, #tpu.memory_space<hbm>> -> memref<10000x128xf32, #tpu.memory_space<hbm>>
    tpu.enqueue_indirect_dma source(%dma_start3A_72 : memref<10000x128xf32, #tpu.memory_space<hbm>>) target(%arg14 : memref<128x128xf32, #tpu.memory_space<vmem>>) offsets(%dma_start3A_69 : memref<128xi32, #tpu.memory_space<vmem>>) semaphore(%arg18 : memref<!tpu.dma_semaphore, #tpu.memory_space<semaphore_mem>>)
    %scan3A = arith.constant 0 : i32
    %scan3A_73 = arith.constant 5 : i32
    %scan3A_74 = arith.addi %scan3A, %scan3A_73 : i32
    %scan3A_75 = arith.constant 1 : i32
    scf.for %scan3A_221 = %scan3A to %scan3A_74 step %scan3A_75  : i32 {
      %mul3A_222 = arith.constant 4 : i32
      %mul3A_223 = arith.muli %scan3A_221, %mul3A_222 : i32
      %add3A_224 = arith.constant 0 : i32
      %add3A_225 = arith.addi %add3A_224, %mul3A_223 : i32
      %add3A_226 = arith.constant 0 : i32
      %add3A_227 = arith.addi %add3A_225, %add3A_226 : i32
      %dma_wait3A_228 = arith.constant 2 : i32
      %dma_wait3A_229 = arith.constant 0 : i32
      %dma_wait3A_230 = tpu.memref_slice %arg12[%dma_wait3A_228, %dma_wait3A_229] : memref<24x128xi32, #tpu.memory_space<vmem>> -> memref<1x128xi32, #tpu.memory_space<vmem>>
      %dma_wait3A_231 = tpu.memref_squeeze %dma_wait3A_230 : memref<1x128xi32, #tpu.memory_space<vmem>> -> memref<128xi32, #tpu.memory_space<vmem>>
      %dma_wait3A_232 = arith.constant 0 : i32
      %dma_wait3A_233 = arith.constant 0 : i32
      %dma_wait3A_234 = tpu.memref_slice %arg2[%dma_wait3A_232, %dma_wait3A_233] : memref<10000x128xf32, #tpu.memory_space<hbm>> -> memref<10000x128xf32, #tpu.memory_space<hbm>>
      tpu.wait_indirect_dma semaphore(%arg17 : memref<!tpu.dma_semaphore, #tpu.memory_space<semaphore_mem>>) src(%dma_wait3A_234 : memref<10000x128xf32, #tpu.memory_space<hbm>>) dst(%arg13 : memref<128x128xf32, #tpu.memory_space<vmem>>)
      %mul3A_235 = arith.constant 20 : i32
      %mul3A_236 = arith.muli %add3A, %mul3A_235 : i32
      %mul3A_237 = arith.constant 128 : i32
      %mul3A_238 = arith.muli %mul3A_236, %mul3A_237 : i32
      %mul3A_239 = arith.constant 128 : i32
      %mul3A_240 = arith.muli %add3A_227, %mul3A_239 : i32
      %add3A_241 = arith.addi %mul3A_238, %mul3A_240 : i32
      %dma_start3A_242 = arith.constant 0 : i32
      %dma_start3A_243 = tpu.memref_slice %arg10[%add3A_241, %dma_start3A_242] : memref<81920x128xf32, #tpu.memory_space<hbm>> -> memref<128x128xf32, #tpu.memory_space<hbm>>
      %dma_start3A_244 = arith.constant 0 : i32
      %dma_start3A_245 = tpu.memref_slice %arg10[%add3A_241, %dma_start3A_244] : memref<81920x128xf32, #tpu.memory_space<hbm>> -> memref<128x128xf32, #tpu.memory_space<hbm>>
      tpu.enqueue_dma source(%arg13 : memref<128x128xf32, #tpu.memory_space<vmem>>) target(%dma_start3A_245 : memref<128x128xf32, #tpu.memory_space<hbm>>) target_semaphore(%arg21 : memref<!tpu.dma_semaphore, #tpu.memory_space<semaphore_mem>>)
      %add3A_246 = arith.constant 2 : i32
      %add3A_247 = arith.addi %add3A_227, %add3A_246 : i32
      %lt3A = arith.constant 20 : i32
      %lt3A_248 = arith.cmpi slt, %add3A_247, %lt3A : i32
      %convert_element_type3A = arith.extui %lt3A_248 : i1 to i32
      %cond3A = arith.constant 0 : i32
      %cond3A_249 = arith.cmpi ne, %convert_element_type3A, %cond3A : i32
      scf.if %cond3A_249 {
        %ge3A = arith.constant 2 : i32
        %ge3A_331 = arith.cmpi sge, %add3A_227, %ge3A : i32
        %convert_element_type3A_332 = arith.extui %ge3A_331 : i1 to i32
        %cond3A_333 = arith.constant 0 : i32
        %cond3A_334 = arith.cmpi ne, %convert_element_type3A_332, %cond3A_333 : i32
        scf.if %cond3A_334 {
          %dma_wait3A_345 = arith.constant 0 : i32
          %dma_wait3A_346 = arith.constant 0 : i32
          %dma_wait3A_347 = tpu.memref_slice %arg10[%dma_wait3A_345, %dma_wait3A_346] : memref<81920x128xf32, #tpu.memory_space<hbm>> -> memref<128x128xf32, #tpu.memory_space<hbm>>
          %dma_wait3A_348 = arith.constant 0 : i32
          %dma_wait3A_349 = arith.constant 0 : i32
          %dma_wait3A_350 = tpu.memref_slice %arg10[%dma_wait3A_348, %dma_wait3A_349] : memref<81920x128xf32, #tpu.memory_space<hbm>> -> memref<128x128xf32, #tpu.memory_space<hbm>>
          tpu.wait_dma2 semaphore(%arg23 : memref<!tpu.dma_semaphore, #tpu.memory_space<semaphore_mem>>) src(%arg15 : memref<128x128xf32, #tpu.memory_space<vmem>>) dst(%dma_wait3A_350 : memref<128x128xf32, #tpu.memory_space<hbm>>)
        } else {
        }
        %add3A_335 = arith.constant 2 : i32
        %add3A_336 = arith.addi %add3A_227, %add3A_335 : i32
        %add3A_337 = arith.constant 2 : i32
        %add3A_338 = arith.addi %add3A_337, %add3A_336 : i32
        %dma_start3A_339 = arith.constant 0 : i32
        %dma_start3A_340 = tpu.memref_slice %arg12[%add3A_338, %dma_start3A_339] : memref<24x128xi32, #tpu.memory_space<vmem>> -> memref<1x128xi32, #tpu.memory_space<vmem>>
        %dma_start3A_341 = tpu.memref_squeeze %dma_start3A_340 : memref<1x128xi32, #tpu.memory_space<vmem>> -> memref<128xi32, #tpu.memory_space<vmem>>
        %dma_start3A_342 = arith.constant 0 : i32
        %dma_start3A_343 = arith.constant 0 : i32
        %dma_start3A_344 = tpu.memref_slice %arg2[%dma_start3A_342, %dma_start3A_343] : memref<10000x128xf32, #tpu.memory_space<hbm>> -> memref<10000x128xf32, #tpu.memory_space<hbm>>
        tpu.enqueue_indirect_dma source(%dma_start3A_344 : memref<10000x128xf32, #tpu.memory_space<hbm>>) target(%arg15 : memref<128x128xf32, #tpu.memory_space<vmem>>) offsets(%dma_start3A_341 : memref<128xi32, #tpu.memory_space<vmem>>) semaphore(%arg19 : memref<!tpu.dma_semaphore, #tpu.memory_space<semaphore_mem>>)
      } else {
      }
      %add3A_250 = arith.constant 1 : i32
      %add3A_251 = arith.addi %add3A_225, %add3A_250 : i32
      %dma_wait3A_252 = arith.constant 2 : i32
      %dma_wait3A_253 = arith.constant 0 : i32
      %dma_wait3A_254 = tpu.memref_slice %arg12[%dma_wait3A_252, %dma_wait3A_253] : memref<24x128xi32, #tpu.memory_space<vmem>> -> memref<1x128xi32, #tpu.memory_space<vmem>>
      %dma_wait3A_255 = tpu.memref_squeeze %dma_wait3A_254 : memref<1x128xi32, #tpu.memory_space<vmem>> -> memref<128xi32, #tpu.memory_space<vmem>>
      %dma_wait3A_256 = arith.constant 0 : i32
      %dma_wait3A_257 = arith.constant 0 : i32
      %dma_wait3A_258 = tpu.memref_slice %arg2[%dma_wait3A_256, %dma_wait3A_257] : memref<10000x128xf32, #tpu.memory_space<hbm>> -> memref<10000x128xf32, #tpu.memory_space<hbm>>
      tpu.wait_indirect_dma semaphore(%arg18 : memref<!tpu.dma_semaphore, #tpu.memory_space<semaphore_mem>>) src(%dma_wait3A_258 : memref<10000x128xf32, #tpu.memory_space<hbm>>) dst(%arg14 : memref<128x128xf32, #tpu.memory_space<vmem>>)
      %mul3A_259 = arith.constant 20 : i32
      %mul3A_260 = arith.muli %add3A, %mul3A_259 : i32
      %mul3A_261 = arith.constant 128 : i32
      %mul3A_262 = arith.muli %mul3A_260, %mul3A_261 : i32
      %mul3A_263 = arith.constant 128 : i32
      %mul3A_264 = arith.muli %add3A_251, %mul3A_263 : i32
      %add3A_265 = arith.addi %mul3A_262, %mul3A_264 : i32
      %dma_start3A_266 = arith.constant 0 : i32
      %dma_start3A_267 = tpu.memref_slice %arg10[%add3A_265, %dma_start3A_266] : memref<81920x128xf32, #tpu.memory_space<hbm>> -> memref<128x128xf32, #tpu.memory_space<hbm>>
      %dma_start3A_268 = arith.constant 0 : i32
      %dma_start3A_269 = tpu.memref_slice %arg10[%add3A_265, %dma_start3A_268] : memref<81920x128xf32, #tpu.memory_space<hbm>> -> memref<128x128xf32, #tpu.memory_space<hbm>>
      tpu.enqueue_dma source(%arg14 : memref<128x128xf32, #tpu.memory_space<vmem>>) target(%dma_start3A_269 : memref<128x128xf32, #tpu.memory_space<hbm>>) target_semaphore(%arg22 : memref<!tpu.dma_semaphore, #tpu.memory_space<semaphore_mem>>)
      %add3A_270 = arith.constant 2 : i32
      %add3A_271 = arith.addi %add3A_251, %add3A_270 : i32
      %lt3A_272 = arith.constant 20 : i32
      %lt3A_273 = arith.cmpi slt, %add3A_271, %lt3A_272 : i32
      %convert_element_type3A_274 = arith.extui %lt3A_273 : i1 to i32
      %cond3A_275 = arith.constant 0 : i32
      %cond3A_276 = arith.cmpi ne, %convert_element_type3A_274, %cond3A_275 : i32
      scf.if %cond3A_276 {
        %ge3A = arith.constant 2 : i32
        %ge3A_331 = arith.cmpi sge, %add3A_251, %ge3A : i32
        %convert_element_type3A_332 = arith.extui %ge3A_331 : i1 to i32
        %cond3A_333 = arith.constant 0 : i32
        %cond3A_334 = arith.cmpi ne, %convert_element_type3A_332, %cond3A_333 : i32
        scf.if %cond3A_334 {
          %dma_wait3A_345 = arith.constant 0 : i32
          %dma_wait3A_346 = arith.constant 0 : i32
          %dma_wait3A_347 = tpu.memref_slice %arg10[%dma_wait3A_345, %dma_wait3A_346] : memref<81920x128xf32, #tpu.memory_space<hbm>> -> memref<128x128xf32, #tpu.memory_space<hbm>>
          %dma_wait3A_348 = arith.constant 0 : i32
          %dma_wait3A_349 = arith.constant 0 : i32
          %dma_wait3A_350 = tpu.memref_slice %arg10[%dma_wait3A_348, %dma_wait3A_349] : memref<81920x128xf32, #tpu.memory_space<hbm>> -> memref<128x128xf32, #tpu.memory_space<hbm>>
          tpu.wait_dma2 semaphore(%arg24 : memref<!tpu.dma_semaphore, #tpu.memory_space<semaphore_mem>>) src(%arg16 : memref<128x128xf32, #tpu.memory_space<vmem>>) dst(%dma_wait3A_350 : memref<128x128xf32, #tpu.memory_space<hbm>>)
        } else {
        }
        %add3A_335 = arith.constant 2 : i32
        %add3A_336 = arith.addi %add3A_251, %add3A_335 : i32
        %add3A_337 = arith.constant 2 : i32
        %add3A_338 = arith.addi %add3A_337, %add3A_336 : i32
        %dma_start3A_339 = arith.constant 0 : i32
        %dma_start3A_340 = tpu.memref_slice %arg12[%add3A_338, %dma_start3A_339] : memref<24x128xi32, #tpu.memory_space<vmem>> -> memref<1x128xi32, #tpu.memory_space<vmem>>
        %dma_start3A_341 = tpu.memref_squeeze %dma_start3A_340 : memref<1x128xi32, #tpu.memory_space<vmem>> -> memref<128xi32, #tpu.memory_space<vmem>>
        %dma_start3A_342 = arith.constant 0 : i32
        %dma_start3A_343 = arith.constant 0 : i32
        %dma_start3A_344 = tpu.memref_slice %arg2[%dma_start3A_342, %dma_start3A_343] : memref<10000x128xf32, #tpu.memory_space<hbm>> -> memref<10000x128xf32, #tpu.memory_space<hbm>>
        tpu.enqueue_indirect_dma source(%dma_start3A_344 : memref<10000x128xf32, #tpu.memory_space<hbm>>) target(%arg16 : memref<128x128xf32, #tpu.memory_space<vmem>>) offsets(%dma_start3A_341 : memref<128xi32, #tpu.memory_space<vmem>>) semaphore(%arg20 : memref<!tpu.dma_semaphore, #tpu.memory_space<semaphore_mem>>)
      } else {
      }
      %add3A_277 = arith.constant 2 : i32
      %add3A_278 = arith.addi %add3A_225, %add3A_277 : i32
      %dma_wait3A_279 = arith.constant 2 : i32
      %dma_wait3A_280 = arith.constant 0 : i32
      %dma_wait3A_281 = tpu.memref_slice %arg12[%dma_wait3A_279, %dma_wait3A_280] : memref<24x128xi32, #tpu.memory_space<vmem>> -> memref<1x128xi32, #tpu.memory_space<vmem>>
      %dma_wait3A_282 = tpu.memref_squeeze %dma_wait3A_281 : memref<1x128xi32, #tpu.memory_space<vmem>> -> memref<128xi32, #tpu.memory_space<vmem>>
      %dma_wait3A_283 = arith.constant 0 : i32
      %dma_wait3A_284 = arith.constant 0 : i32
      %dma_wait3A_285 = tpu.memref_slice %arg2[%dma_wait3A_283, %dma_wait3A_284] : memref<10000x128xf32, #tpu.memory_space<hbm>> -> memref<10000x128xf32, #tpu.memory_space<hbm>>
      tpu.wait_indirect_dma semaphore(%arg19 : memref<!tpu.dma_semaphore, #tpu.memory_space<semaphore_mem>>) src(%dma_wait3A_285 : memref<10000x128xf32, #tpu.memory_space<hbm>>) dst(%arg15 : memref<128x128xf32, #tpu.memory_space<vmem>>)
      %mul3A_286 = arith.constant 20 : i32
      %mul3A_287 = arith.muli %add3A, %mul3A_286 : i32
      %mul3A_288 = arith.constant 128 : i32
      %mul3A_289 = arith.muli %mul3A_287, %mul3A_288 : i32
      %mul3A_290 = arith.constant 128 : i32
      %mul3A_291 = arith.muli %add3A_278, %mul3A_290 : i32
      %add3A_292 = arith.addi %mul3A_289, %mul3A_291 : i32
      %dma_start3A_293 = arith.constant 0 : i32
      %dma_start3A_294 = tpu.memref_slice %arg10[%add3A_292, %dma_start3A_293] : memref<81920x128xf32, #tpu.memory_space<hbm>> -> memref<128x128xf32, #tpu.memory_space<hbm>>
      %dma_start3A_295 = arith.constant 0 : i32
      %dma_start3A_296 = tpu.memref_slice %arg10[%add3A_292, %dma_start3A_295] : memref<81920x128xf32, #tpu.memory_space<hbm>> -> memref<128x128xf32, #tpu.memory_space<hbm>>
      tpu.enqueue_dma source(%arg15 : memref<128x128xf32, #tpu.memory_space<vmem>>) target(%dma_start3A_296 : memref<128x128xf32, #tpu.memory_space<hbm>>) target_semaphore(%arg23 : memref<!tpu.dma_semaphore, #tpu.memory_space<semaphore_mem>>)
      %add3A_297 = arith.constant 2 : i32
      %add3A_298 = arith.addi %add3A_278, %add3A_297 : i32
      %lt3A_299 = arith.constant 20 : i32
      %lt3A_300 = arith.cmpi slt, %add3A_298, %lt3A_299 : i32
      %convert_element_type3A_301 = arith.extui %lt3A_300 : i1 to i32
      %cond3A_302 = arith.constant 0 : i32
      %cond3A_303 = arith.cmpi ne, %convert_element_type3A_301, %cond3A_302 : i32
      scf.if %cond3A_303 {
        %ge3A = arith.constant 2 : i32
        %ge3A_331 = arith.cmpi sge, %add3A_278, %ge3A : i32
        %convert_element_type3A_332 = arith.extui %ge3A_331 : i1 to i32
        %cond3A_333 = arith.constant 0 : i32
        %cond3A_334 = arith.cmpi ne, %convert_element_type3A_332, %cond3A_333 : i32
        scf.if %cond3A_334 {
          %dma_wait3A_345 = arith.constant 0 : i32
          %dma_wait3A_346 = arith.constant 0 : i32
          %dma_wait3A_347 = tpu.memref_slice %arg10[%dma_wait3A_345, %dma_wait3A_346] : memref<81920x128xf32, #tpu.memory_space<hbm>> -> memref<128x128xf32, #tpu.memory_space<hbm>>
          %dma_wait3A_348 = arith.constant 0 : i32
          %dma_wait3A_349 = arith.constant 0 : i32
          %dma_wait3A_350 = tpu.memref_slice %arg10[%dma_wait3A_348, %dma_wait3A_349] : memref<81920x128xf32, #tpu.memory_space<hbm>> -> memref<128x128xf32, #tpu.memory_space<hbm>>
          tpu.wait_dma2 semaphore(%arg21 : memref<!tpu.dma_semaphore, #tpu.memory_space<semaphore_mem>>) src(%arg13 : memref<128x128xf32, #tpu.memory_space<vmem>>) dst(%dma_wait3A_350 : memref<128x128xf32, #tpu.memory_space<hbm>>)
        } else {
        }
        %add3A_335 = arith.constant 2 : i32
        %add3A_336 = arith.addi %add3A_278, %add3A_335 : i32
        %add3A_337 = arith.constant 2 : i32
        %add3A_338 = arith.addi %add3A_337, %add3A_336 : i32
        %dma_start3A_339 = arith.constant 0 : i32
        %dma_start3A_340 = tpu.memref_slice %arg12[%add3A_338, %dma_start3A_339] : memref<24x128xi32, #tpu.memory_space<vmem>> -> memref<1x128xi32, #tpu.memory_space<vmem>>
        %dma_start3A_341 = tpu.memref_squeeze %dma_start3A_340 : memref<1x128xi32, #tpu.memory_space<vmem>> -> memref<128xi32, #tpu.memory_space<vmem>>
        %dma_start3A_342 = arith.constant 0 : i32
        %dma_start3A_343 = arith.constant 0 : i32
        %dma_start3A_344 = tpu.memref_slice %arg2[%dma_start3A_342, %dma_start3A_343] : memref<10000x128xf32, #tpu.memory_space<hbm>> -> memref<10000x128xf32, #tpu.memory_space<hbm>>
        tpu.enqueue_indirect_dma source(%dma_start3A_344 : memref<10000x128xf32, #tpu.memory_space<hbm>>) target(%arg13 : memref<128x128xf32, #tpu.memory_space<vmem>>) offsets(%dma_start3A_341 : memref<128xi32, #tpu.memory_space<vmem>>) semaphore(%arg17 : memref<!tpu.dma_semaphore, #tpu.memory_space<semaphore_mem>>)
      } else {
      }
      %add3A_304 = arith.constant 3 : i32
      %add3A_305 = arith.addi %add3A_225, %add3A_304 : i32
      %dma_wait3A_306 = arith.constant 2 : i32
      %dma_wait3A_307 = arith.constant 0 : i32
      %dma_wait3A_308 = tpu.memref_slice %arg12[%dma_wait3A_306, %dma_wait3A_307] : memref<24x128xi32, #tpu.memory_space<vmem>> -> memref<1x128xi32, #tpu.memory_space<vmem>>
      %dma_wait3A_309 = tpu.memref_squeeze %dma_wait3A_308 : memref<1x128xi32, #tpu.memory_space<vmem>> -> memref<128xi32, #tpu.memory_space<vmem>>
      %dma_wait3A_310 = arith.constant 0 : i32
      %dma_wait3A_311 = arith.constant 0 : i32
      %dma_wait3A_312 = tpu.memref_slice %arg2[%dma_wait3A_310, %dma_wait3A_311] : memref<10000x128xf32, #tpu.memory_space<hbm>> -> memref<10000x128xf32, #tpu.memory_space<hbm>>
      tpu.wait_indirect_dma semaphore(%arg20 : memref<!tpu.dma_semaphore, #tpu.memory_space<semaphore_mem>>) src(%dma_wait3A_312 : memref<10000x128xf32, #tpu.memory_space<hbm>>) dst(%arg16 : memref<128x128xf32, #tpu.memory_space<vmem>>)
      %mul3A_313 = arith.constant 20 : i32
      %mul3A_314 = arith.muli %add3A, %mul3A_313 : i32
      %mul3A_315 = arith.constant 128 : i32
      %mul3A_316 = arith.muli %mul3A_314, %mul3A_315 : i32
      %mul3A_317 = arith.constant 128 : i32
      %mul3A_318 = arith.muli %add3A_305, %mul3A_317 : i32
      %add3A_319 = arith.addi %mul3A_316, %mul3A_318 : i32
      %dma_start3A_320 = arith.constant 0 : i32
      %dma_start3A_321 = tpu.memref_slice %arg10[%add3A_319, %dma_start3A_320] : memref<81920x128xf32, #tpu.memory_space<hbm>> -> memref<128x128xf32, #tpu.memory_space<hbm>>
      %dma_start3A_322 = arith.constant 0 : i32
      %dma_start3A_323 = tpu.memref_slice %arg10[%add3A_319, %dma_start3A_322] : memref<81920x128xf32, #tpu.memory_space<hbm>> -> memref<128x128xf32, #tpu.memory_space<hbm>>
      tpu.enqueue_dma source(%arg16 : memref<128x128xf32, #tpu.memory_space<vmem>>) target(%dma_start3A_323 : memref<128x128xf32, #tpu.memory_space<hbm>>) target_semaphore(%arg24 : memref<!tpu.dma_semaphore, #tpu.memory_space<semaphore_mem>>)
      %add3A_324 = arith.constant 2 : i32
      %add3A_325 = arith.addi %add3A_305, %add3A_324 : i32
      %lt3A_326 = arith.constant 20 : i32
      %lt3A_327 = arith.cmpi slt, %add3A_325, %lt3A_326 : i32
      %convert_element_type3A_328 = arith.extui %lt3A_327 : i1 to i32
      %cond3A_329 = arith.constant 0 : i32
      %cond3A_330 = arith.cmpi ne, %convert_element_type3A_328, %cond3A_329 : i32
      scf.if %cond3A_330 {
        %ge3A = arith.constant 2 : i32
        %ge3A_331 = arith.cmpi sge, %add3A_305, %ge3A : i32
        %convert_element_type3A_332 = arith.extui %ge3A_331 : i1 to i32
        %cond3A_333 = arith.constant 0 : i32
        %cond3A_334 = arith.cmpi ne, %convert_element_type3A_332, %cond3A_333 : i32
        scf.if %cond3A_334 {
          %dma_wait3A_345 = arith.constant 0 : i32
          %dma_wait3A_346 = arith.constant 0 : i32
          %dma_wait3A_347 = tpu.memref_slice %arg10[%dma_wait3A_345, %dma_wait3A_346] : memref<81920x128xf32, #tpu.memory_space<hbm>> -> memref<128x128xf32, #tpu.memory_space<hbm>>
          %dma_wait3A_348 = arith.constant 0 : i32
          %dma_wait3A_349 = arith.constant 0 : i32
          %dma_wait3A_350 = tpu.memref_slice %arg10[%dma_wait3A_348, %dma_wait3A_349] : memref<81920x128xf32, #tpu.memory_space<hbm>> -> memref<128x128xf32, #tpu.memory_space<hbm>>
          tpu.wait_dma2 semaphore(%arg22 : memref<!tpu.dma_semaphore, #tpu.memory_space<semaphore_mem>>) src(%arg14 : memref<128x128xf32, #tpu.memory_space<vmem>>) dst(%dma_wait3A_350 : memref<128x128xf32, #tpu.memory_space<hbm>>)
        } else {
        }
        %add3A_335 = arith.constant 2 : i32
        %add3A_336 = arith.addi %add3A_305, %add3A_335 : i32
        %add3A_337 = arith.constant 2 : i32
        %add3A_338 = arith.addi %add3A_337, %add3A_336 : i32
        %dma_start3A_339 = arith.constant 0 : i32
        %dma_start3A_340 = tpu.memref_slice %arg12[%add3A_338, %dma_start3A_339] : memref<24x128xi32, #tpu.memory_space<vmem>> -> memref<1x128xi32, #tpu.memory_space<vmem>>
        %dma_start3A_341 = tpu.memref_squeeze %dma_start3A_340 : memref<1x128xi32, #tpu.memory_space<vmem>> -> memref<128xi32, #tpu.memory_space<vmem>>
        %dma_start3A_342 = arith.constant 0 : i32
        %dma_start3A_343 = arith.constant 0 : i32
        %dma_start3A_344 = tpu.memref_slice %arg2[%dma_start3A_342, %dma_start3A_343] : memref<10000x128xf32, #tpu.memory_space<hbm>> -> memref<10000x128xf32, #tpu.memory_space<hbm>>
        tpu.enqueue_indirect_dma source(%dma_start3A_344 : memref<10000x128xf32, #tpu.memory_space<hbm>>) target(%arg14 : memref<128x128xf32, #tpu.memory_space<vmem>>) offsets(%dma_start3A_341 : memref<128xi32, #tpu.memory_space<vmem>>) semaphore(%arg18 : memref<!tpu.dma_semaphore, #tpu.memory_space<semaphore_mem>>)
      } else {
      }
    }
    %scan3A_76 = arith.constant 5 : i32
    %dma_wait3A_77 = arith.constant 0 : i32
    %dma_wait3A_78 = arith.constant 0 : i32
    %dma_wait3A_79 = tpu.memref_slice %arg10[%dma_wait3A_77, %dma_wait3A_78] : memref<81920x128xf32, #tpu.memory_space<hbm>> -> memref<128x128xf32, #tpu.memory_space<hbm>>
    %dma_wait3A_80 = arith.constant 0 : i32
    %dma_wait3A_81 = arith.constant 0 : i32
    %dma_wait3A_82 = tpu.memref_slice %arg10[%dma_wait3A_80, %dma_wait3A_81] : memref<81920x128xf32, #tpu.memory_space<hbm>> -> memref<128x128xf32, #tpu.memory_space<hbm>>
    tpu.wait_dma2 semaphore(%arg21 : memref<!tpu.dma_semaphore, #tpu.memory_space<semaphore_mem>>) src(%arg13 : memref<128x128xf32, #tpu.memory_space<vmem>>) dst(%dma_wait3A_82 : memref<128x128xf32, #tpu.memory_space<hbm>>)
    %dma_wait3A_83 = arith.constant 0 : i32
    %dma_wait3A_84 = arith.constant 0 : i32
    %dma_wait3A_85 = tpu.memref_slice %arg10[%dma_wait3A_83, %dma_wait3A_84] : memref<81920x128xf32, #tpu.memory_space<hbm>> -> memref<128x128xf32, #tpu.memory_space<hbm>>
    %dma_wait3A_86 = arith.constant 0 : i32
    %dma_wait3A_87 = arith.constant 0 : i32
    %dma_wait3A_88 = tpu.memref_slice %arg10[%dma_wait3A_86, %dma_wait3A_87] : memref<81920x128xf32, #tpu.memory_space<hbm>> -> memref<128x128xf32, #tpu.memory_space<hbm>>
    tpu.wait_dma2 semaphore(%arg22 : memref<!tpu.dma_semaphore, #tpu.memory_space<semaphore_mem>>) src(%arg14 : memref<128x128xf32, #tpu.memory_space<vmem>>) dst(%dma_wait3A_88 : memref<128x128xf32, #tpu.memory_space<hbm>>)
    %dma_wait3A_89 = arith.constant 0 : i32
    %dma_wait3A_90 = arith.constant 0 : i32
    %dma_wait3A_91 = tpu.memref_slice %arg10[%dma_wait3A_89, %dma_wait3A_90] : memref<81920x128xf32, #tpu.memory_space<hbm>> -> memref<128x128xf32, #tpu.memory_space<hbm>>
    %dma_wait3A_92 = arith.constant 0 : i32
    %dma_wait3A_93 = arith.constant 0 : i32
    %dma_wait3A_94 = tpu.memref_slice %arg10[%dma_wait3A_92, %dma_wait3A_93] : memref<81920x128xf32, #tpu.memory_space<hbm>> -> memref<128x128xf32, #tpu.memory_space<hbm>>
    tpu.wait_dma2 semaphore(%arg23 : memref<!tpu.dma_semaphore, #tpu.memory_space<semaphore_mem>>) src(%arg15 : memref<128x128xf32, #tpu.memory_space<vmem>>) dst(%dma_wait3A_94 : memref<128x128xf32, #tpu.memory_space<hbm>>)
    %dma_wait3A_95 = arith.constant 0 : i32
    %dma_wait3A_96 = arith.constant 0 : i32
    %dma_wait3A_97 = tpu.memref_slice %arg10[%dma_wait3A_95, %dma_wait3A_96] : memref<81920x128xf32, #tpu.memory_space<hbm>> -> memref<128x128xf32, #tpu.memory_space<hbm>>
    %dma_wait3A_98 = arith.constant 0 : i32
    %dma_wait3A_99 = arith.constant 0 : i32
    %dma_wait3A_100 = tpu.memref_slice %arg10[%dma_wait3A_98, %dma_wait3A_99] : memref<81920x128xf32, #tpu.memory_space<hbm>> -> memref<128x128xf32, #tpu.memory_space<hbm>>
    tpu.wait_dma2 semaphore(%arg24 : memref<!tpu.dma_semaphore, #tpu.memory_space<semaphore_mem>>) src(%arg16 : memref<128x128xf32, #tpu.memory_space<vmem>>) dst(%dma_wait3A_100 : memref<128x128xf32, #tpu.memory_space<hbm>>)
    %dma_start3A_101 = arith.constant 22 : i32
    %dma_start3A_102 = arith.constant 0 : i32
    %dma_start3A_103 = tpu.memref_slice %arg12[%dma_start3A_101, %dma_start3A_102] : memref<24x128xi32, #tpu.memory_space<vmem>> -> memref<1x128xi32, #tpu.memory_space<vmem>>
    %dma_start3A_104 = tpu.memref_squeeze %dma_start3A_103 : memref<1x128xi32, #tpu.memory_space<vmem>> -> memref<128xi32, #tpu.memory_space<vmem>>
    %dma_start3A_105 = arith.constant 0 : i32
    %dma_start3A_106 = arith.constant 0 : i32
    %dma_start3A_107 = tpu.memref_slice %arg3[%dma_start3A_105, %dma_start3A_106] : memref<4096x128xf32, #tpu.memory_space<hbm>> -> memref<4096x128xf32, #tpu.memory_space<hbm>>
    tpu.enqueue_indirect_dma source(%dma_start3A_107 : memref<4096x128xf32, #tpu.memory_space<hbm>>) target(%arg13 : memref<128x128xf32, #tpu.memory_space<vmem>>) offsets(%dma_start3A_104 : memref<128xi32, #tpu.memory_space<vmem>>) semaphore(%arg17 : memref<!tpu.dma_semaphore, #tpu.memory_space<semaphore_mem>>)
    %dma_start3A_108 = arith.constant 23 : i32
    %dma_start3A_109 = arith.constant 0 : i32
    %dma_start3A_110 = tpu.memref_slice %arg12[%dma_start3A_108, %dma_start3A_109] : memref<24x128xi32, #tpu.memory_space<vmem>> -> memref<1x128xi32, #tpu.memory_space<vmem>>
    %dma_start3A_111 = tpu.memref_squeeze %dma_start3A_110 : memref<1x128xi32, #tpu.memory_space<vmem>> -> memref<128xi32, #tpu.memory_space<vmem>>
    %dma_start3A_112 = arith.constant 0 : i32
    %dma_start3A_113 = arith.constant 0 : i32
    %dma_start3A_114 = tpu.memref_slice %arg3[%dma_start3A_112, %dma_start3A_113] : memref<4096x128xf32, #tpu.memory_space<hbm>> -> memref<4096x128xf32, #tpu.memory_space<hbm>>
    tpu.enqueue_indirect_dma source(%dma_start3A_114 : memref<4096x128xf32, #tpu.memory_space<hbm>>) target(%arg14 : memref<128x128xf32, #tpu.memory_space<vmem>>) offsets(%dma_start3A_111 : memref<128xi32, #tpu.memory_space<vmem>>) semaphore(%arg18 : memref<!tpu.dma_semaphore, #tpu.memory_space<semaphore_mem>>)
    %dma_wait3A_115 = arith.constant 22 : i32
    %dma_wait3A_116 = arith.constant 0 : i32
    %dma_wait3A_117 = tpu.memref_slice %arg12[%dma_wait3A_115, %dma_wait3A_116] : memref<24x128xi32, #tpu.memory_space<vmem>> -> memref<1x128xi32, #tpu.memory_space<vmem>>
    %dma_wait3A_118 = tpu.memref_squeeze %dma_wait3A_117 : memref<1x128xi32, #tpu.memory_space<vmem>> -> memref<128xi32, #tpu.memory_space<vmem>>
    %dma_wait3A_119 = arith.constant 0 : i32
    %dma_wait3A_120 = arith.constant 0 : i32
    %dma_wait3A_121 = tpu.memref_slice %arg3[%dma_wait3A_119, %dma_wait3A_120] : memref<4096x128xf32, #tpu.memory_space<hbm>> -> memref<4096x128xf32, #tpu.memory_space<hbm>>
    tpu.wait_indirect_dma semaphore(%arg17 : memref<!tpu.dma_semaphore, #tpu.memory_space<semaphore_mem>>) src(%dma_wait3A_121 : memref<4096x128xf32, #tpu.memory_space<hbm>>) dst(%arg13 : memref<128x128xf32, #tpu.memory_space<vmem>>)
    %mul3A_122 = arith.constant 2 : i32
    %mul3A_123 = arith.muli %add3A, %mul3A_122 : i32
    %mul3A_124 = arith.constant 128 : i32
    %mul3A_125 = arith.muli %mul3A_123, %mul3A_124 : i32
    %add3A_126 = arith.constant 0 : i32
    %add3A_127 = arith.addi %mul3A_125, %add3A_126 : i32
    %dma_start3A_128 = arith.constant 0 : i32
    %dma_start3A_129 = tpu.memref_slice %arg11[%add3A_127, %dma_start3A_128] : memref<8192x128xf32, #tpu.memory_space<hbm>> -> memref<128x128xf32, #tpu.memory_space<hbm>>
    %dma_start3A_130 = arith.constant 0 : i32
    %dma_start3A_131 = tpu.memref_slice %arg11[%add3A_127, %dma_start3A_130] : memref<8192x128xf32, #tpu.memory_space<hbm>> -> memref<128x128xf32, #tpu.memory_space<hbm>>
    tpu.enqueue_dma source(%arg13 : memref<128x128xf32, #tpu.memory_space<vmem>>) target(%dma_start3A_131 : memref<128x128xf32, #tpu.memory_space<hbm>>) target_semaphore(%arg21 : memref<!tpu.dma_semaphore, #tpu.memory_space<semaphore_mem>>)
    %dma_wait3A_132 = arith.constant 22 : i32
    %dma_wait3A_133 = arith.constant 0 : i32
    %dma_wait3A_134 = tpu.memref_slice %arg12[%dma_wait3A_132, %dma_wait3A_133] : memref<24x128xi32, #tpu.memory_space<vmem>> -> memref<1x128xi32, #tpu.memory_space<vmem>>
    %dma_wait3A_135 = tpu.memref_squeeze %dma_wait3A_134 : memref<1x128xi32, #tpu.memory_space<vmem>> -> memref<128xi32, #tpu.memory_space<vmem>>
    %dma_wait3A_136 = arith.constant 0 : i32
    %dma_wait3A_137 = arith.constant 0 : i32
    %dma_wait3A_138 = tpu.memref_slice %arg3[%dma_wait3A_136, %dma_wait3A_137] : memref<4096x128xf32, #tpu.memory_space<hbm>> -> memref<4096x128xf32, #tpu.memory_space<hbm>>
    tpu.wait_indirect_dma semaphore(%arg18 : memref<!tpu.dma_semaphore, #tpu.memory_space<semaphore_mem>>) src(%dma_wait3A_138 : memref<4096x128xf32, #tpu.memory_space<hbm>>) dst(%arg14 : memref<128x128xf32, #tpu.memory_space<vmem>>)
    %mul3A_139 = arith.constant 2 : i32
    %mul3A_140 = arith.muli %add3A, %mul3A_139 : i32
    %mul3A_141 = arith.constant 128 : i32
    %mul3A_142 = arith.muli %mul3A_140, %mul3A_141 : i32
    %add3A_143 = arith.constant 128 : i32
    %add3A_144 = arith.addi %mul3A_142, %add3A_143 : i32
    %dma_start3A_145 = arith.constant 0 : i32
    %dma_start3A_146 = tpu.memref_slice %arg11[%add3A_144, %dma_start3A_145] : memref<8192x128xf32, #tpu.memory_space<hbm>> -> memref<128x128xf32, #tpu.memory_space<hbm>>
    %dma_start3A_147 = arith.constant 0 : i32
    %dma_start3A_148 = tpu.memref_slice %arg11[%add3A_144, %dma_start3A_147] : memref<8192x128xf32, #tpu.memory_space<hbm>> -> memref<128x128xf32, #tpu.memory_space<hbm>>
    tpu.enqueue_dma source(%arg14 : memref<128x128xf32, #tpu.memory_space<vmem>>) target(%dma_start3A_148 : memref<128x128xf32, #tpu.memory_space<hbm>>) target_semaphore(%arg22 : memref<!tpu.dma_semaphore, #tpu.memory_space<semaphore_mem>>)
    %dma_wait3A_149 = arith.constant 0 : i32
    %dma_wait3A_150 = arith.constant 0 : i32
    %dma_wait3A_151 = tpu.memref_slice %arg11[%dma_wait3A_149, %dma_wait3A_150] : memref<8192x128xf32, #tpu.memory_space<hbm>> -> memref<128x128xf32, #tpu.memory_space<hbm>>
    %dma_wait3A_152 = arith.constant 0 : i32
    %dma_wait3A_153 = arith.constant 0 : i32
    %dma_wait3A_154 = tpu.memref_slice %arg11[%dma_wait3A_152, %dma_wait3A_153] : memref<8192x128xf32, #tpu.memory_space<hbm>> -> memref<128x128xf32, #tpu.memory_space<hbm>>
    tpu.wait_dma2 semaphore(%arg21 : memref<!tpu.dma_semaphore, #tpu.memory_space<semaphore_mem>>) src(%arg13 : memref<128x128xf32, #tpu.memory_space<vmem>>) dst(%dma_wait3A_154 : memref<128x128xf32, #tpu.memory_space<hbm>>)
    %dma_wait3A_155 = arith.constant 0 : i32
    %dma_wait3A_156 = arith.constant 0 : i32
    %dma_wait3A_157 = tpu.memref_slice %arg11[%dma_wait3A_155, %dma_wait3A_156] : memref<8192x128xf32, #tpu.memory_space<hbm>> -> memref<128x128xf32, #tpu.memory_space<hbm>>
    %dma_wait3A_158 = arith.constant 0 : i32
    %dma_wait3A_159 = arith.constant 0 : i32
    %dma_wait3A_160 = tpu.memref_slice %arg11[%dma_wait3A_158, %dma_wait3A_159] : memref<8192x128xf32, #tpu.memory_space<hbm>> -> memref<128x128xf32, #tpu.memory_space<hbm>>
    tpu.wait_dma2 semaphore(%arg22 : memref<!tpu.dma_semaphore, #tpu.memory_space<semaphore_mem>>) src(%arg14 : memref<128x128xf32, #tpu.memory_space<vmem>>) dst(%dma_wait3A_160 : memref<128x128xf32, #tpu.memory_space<hbm>>)
    %dma_start3A_161 = arith.constant 22 : i32
    %dma_start3A_162 = arith.constant 0 : i32
    %dma_start3A_163 = tpu.memref_slice %arg12[%dma_start3A_161, %dma_start3A_162] : memref<24x128xi32, #tpu.memory_space<vmem>> -> memref<1x128xi32, #tpu.memory_space<vmem>>
    %dma_start3A_164 = tpu.memref_squeeze %dma_start3A_163 : memref<1x128xi32, #tpu.memory_space<vmem>> -> memref<128xi32, #tpu.memory_space<vmem>>
    %dma_start3A_165 = arith.constant 0 : i32
    %dma_start3A_166 = arith.constant 0 : i32
    %dma_start3A_167 = tpu.memref_slice %arg4[%dma_start3A_165, %dma_start3A_166] : memref<4096x128xf32, #tpu.memory_space<hbm>> -> memref<4096x128xf32, #tpu.memory_space<hbm>>
    tpu.enqueue_indirect_dma source(%dma_start3A_167 : memref<4096x128xf32, #tpu.memory_space<hbm>>) target(%arg13 : memref<128x128xf32, #tpu.memory_space<vmem>>) offsets(%dma_start3A_164 : memref<128xi32, #tpu.memory_space<vmem>>) semaphore(%arg17 : memref<!tpu.dma_semaphore, #tpu.memory_space<semaphore_mem>>)
    %dma_start3A_168 = arith.constant 23 : i32
    %dma_start3A_169 = arith.constant 0 : i32
    %dma_start3A_170 = tpu.memref_slice %arg12[%dma_start3A_168, %dma_start3A_169] : memref<24x128xi32, #tpu.memory_space<vmem>> -> memref<1x128xi32, #tpu.memory_space<vmem>>
    %dma_start3A_171 = tpu.memref_squeeze %dma_start3A_170 : memref<1x128xi32, #tpu.memory_space<vmem>> -> memref<128xi32, #tpu.memory_space<vmem>>
    %dma_start3A_172 = arith.constant 0 : i32
    %dma_start3A_173 = arith.constant 0 : i32
    %dma_start3A_174 = tpu.memref_slice %arg4[%dma_start3A_172, %dma_start3A_173] : memref<4096x128xf32, #tpu.memory_space<hbm>> -> memref<4096x128xf32, #tpu.memory_space<hbm>>
    tpu.enqueue_indirect_dma source(%dma_start3A_174 : memref<4096x128xf32, #tpu.memory_space<hbm>>) target(%arg14 : memref<128x128xf32, #tpu.memory_space<vmem>>) offsets(%dma_start3A_171 : memref<128xi32, #tpu.memory_space<vmem>>) semaphore(%arg18 : memref<!tpu.dma_semaphore, #tpu.memory_space<semaphore_mem>>)
    %dma_wait3A_175 = arith.constant 22 : i32
    %dma_wait3A_176 = arith.constant 0 : i32
    %dma_wait3A_177 = tpu.memref_slice %arg12[%dma_wait3A_175, %dma_wait3A_176] : memref<24x128xi32, #tpu.memory_space<vmem>> -> memref<1x128xi32, #tpu.memory_space<vmem>>
    %dma_wait3A_178 = tpu.memref_squeeze %dma_wait3A_177 : memref<1x128xi32, #tpu.memory_space<vmem>> -> memref<128xi32, #tpu.memory_space<vmem>>
    %dma_wait3A_179 = arith.constant 0 : i32
    %dma_wait3A_180 = arith.constant 0 : i32
    %dma_wait3A_181 = tpu.memref_slice %arg4[%dma_wait3A_179, %dma_wait3A_180] : memref<4096x128xf32, #tpu.memory_space<hbm>> -> memref<4096x128xf32, #tpu.memory_space<hbm>>
    tpu.wait_indirect_dma semaphore(%arg17 : memref<!tpu.dma_semaphore, #tpu.memory_space<semaphore_mem>>) src(%dma_wait3A_181 : memref<4096x128xf32, #tpu.memory_space<hbm>>) dst(%arg13 : memref<128x128xf32, #tpu.memory_space<vmem>>)
    %mul3A_182 = arith.constant 2 : i32
    %mul3A_183 = arith.muli %add3A, %mul3A_182 : i32
    %mul3A_184 = arith.constant 128 : i32
    %mul3A_185 = arith.muli %mul3A_183, %mul3A_184 : i32
    %add3A_186 = arith.constant 0 : i32
    %add3A_187 = arith.addi %mul3A_185, %add3A_186 : i32
    %dma_start3A_188 = arith.constant 0 : i32
    %dma_start3A_189 = tpu.memref_slice %arg8[%add3A_187, %dma_start3A_188] : memref<8192x128xf32, #tpu.memory_space<hbm>> -> memref<128x128xf32, #tpu.memory_space<hbm>>
    %dma_start3A_190 = arith.constant 0 : i32
    %dma_start3A_191 = tpu.memref_slice %arg8[%add3A_187, %dma_start3A_190] : memref<8192x128xf32, #tpu.memory_space<hbm>> -> memref<128x128xf32, #tpu.memory_space<hbm>>
    tpu.enqueue_dma source(%arg13 : memref<128x128xf32, #tpu.memory_space<vmem>>) target(%dma_start3A_191 : memref<128x128xf32, #tpu.memory_space<hbm>>) target_semaphore(%arg21 : memref<!tpu.dma_semaphore, #tpu.memory_space<semaphore_mem>>)
    %dma_wait3A_192 = arith.constant 22 : i32
    %dma_wait3A_193 = arith.constant 0 : i32
    %dma_wait3A_194 = tpu.memref_slice %arg12[%dma_wait3A_192, %dma_wait3A_193] : memref<24x128xi32, #tpu.memory_space<vmem>> -> memref<1x128xi32, #tpu.memory_space<vmem>>
    %dma_wait3A_195 = tpu.memref_squeeze %dma_wait3A_194 : memref<1x128xi32, #tpu.memory_space<vmem>> -> memref<128xi32, #tpu.memory_space<vmem>>
    %dma_wait3A_196 = arith.constant 0 : i32
    %dma_wait3A_197 = arith.constant 0 : i32
    %dma_wait3A_198 = tpu.memref_slice %arg4[%dma_wait3A_196, %dma_wait3A_197] : memref<4096x128xf32, #tpu.memory_space<hbm>> -> memref<4096x128xf32, #tpu.memory_space<hbm>>
    tpu.wait_indirect_dma semaphore(%arg18 : memref<!tpu.dma_semaphore, #tpu.memory_space<semaphore_mem>>) src(%dma_wait3A_198 : memref<4096x128xf32, #tpu.memory_space<hbm>>) dst(%arg14 : memref<128x128xf32, #tpu.memory_space<vmem>>)
    %mul3A_199 = arith.constant 2 : i32
    %mul3A_200 = arith.muli %add3A, %mul3A_199 : i32
    %mul3A_201 = arith.constant 128 : i32
    %mul3A_202 = arith.muli %mul3A_200, %mul3A_201 : i32
    %add3A_203 = arith.constant 128 : i32
    %add3A_204 = arith.addi %mul3A_202, %add3A_203 : i32
    %dma_start3A_205 = arith.constant 0 : i32
    %dma_start3A_206 = tpu.memref_slice %arg8[%add3A_204, %dma_start3A_205] : memref<8192x128xf32, #tpu.memory_space<hbm>> -> memref<128x128xf32, #tpu.memory_space<hbm>>
    %dma_start3A_207 = arith.constant 0 : i32
    %dma_start3A_208 = tpu.memref_slice %arg8[%add3A_204, %dma_start3A_207] : memref<8192x128xf32, #tpu.memory_space<hbm>> -> memref<128x128xf32, #tpu.memory_space<hbm>>
    tpu.enqueue_dma source(%arg14 : memref<128x128xf32, #tpu.memory_space<vmem>>) target(%dma_start3A_208 : memref<128x128xf32, #tpu.memory_space<hbm>>) target_semaphore(%arg22 : memref<!tpu.dma_semaphore, #tpu.memory_space<semaphore_mem>>)
    %dma_wait3A_209 = arith.constant 0 : i32
    %dma_wait3A_210 = arith.constant 0 : i32
    %dma_wait3A_211 = tpu.memref_slice %arg8[%dma_wait3A_209, %dma_wait3A_210] : memref<8192x128xf32, #tpu.memory_space<hbm>> -> memref<128x128xf32, #tpu.memory_space<hbm>>
    %dma_wait3A_212 = arith.constant 0 : i32
    %dma_wait3A_213 = arith.constant 0 : i32
    %dma_wait3A_214 = tpu.memref_slice %arg8[%dma_wait3A_212, %dma_wait3A_213] : memref<8192x128xf32, #tpu.memory_space<hbm>> -> memref<128x128xf32, #tpu.memory_space<hbm>>
    tpu.wait_dma2 semaphore(%arg21 : memref<!tpu.dma_semaphore, #tpu.memory_space<semaphore_mem>>) src(%arg13 : memref<128x128xf32, #tpu.memory_space<vmem>>) dst(%dma_wait3A_214 : memref<128x128xf32, #tpu.memory_space<hbm>>)
    %dma_wait3A_215 = arith.constant 0 : i32
    %dma_wait3A_216 = arith.constant 0 : i32
    %dma_wait3A_217 = tpu.memref_slice %arg8[%dma_wait3A_215, %dma_wait3A_216] : memref<8192x128xf32, #tpu.memory_space<hbm>> -> memref<128x128xf32, #tpu.memory_space<hbm>>
    %dma_wait3A_218 = arith.constant 0 : i32
    %dma_wait3A_219 = arith.constant 0 : i32
    %dma_wait3A_220 = tpu.memref_slice %arg8[%dma_wait3A_218, %dma_wait3A_219] : memref<8192x128xf32, #tpu.memory_space<hbm>> -> memref<128x128xf32, #tpu.memory_space<hbm>>
    tpu.wait_dma2 semaphore(%arg22 : memref<!tpu.dma_semaphore, #tpu.memory_space<semaphore_mem>>) src(%arg14 : memref<128x128xf32, #tpu.memory_space<vmem>>) dst(%dma_wait3A_220 : memref<128x128xf32, #tpu.memory_space<hbm>>)
    return
  }
}

#map = affine_map<(d0, d1) -> (0, 0)>
#map1 = affine_map<(d0, d1) -> (0, 0, 0)>
module attributes {stable_mosaic.version = 14 : i64} {
  func.func @_spmm_body(%arg0: i32, %arg1: i32, %arg2: memref<10000x128xf32, #tpu.memory_space<hbm>>, %arg3: memref<32x160x64xi32, #tpu.memory_space<hbm>>, %arg4: memref<32x160x64xi32, #tpu.memory_space<hbm>>, %arg5: memref<2x10240x128xf32, #tpu.memory_space<hbm>>, %arg6: memref<4x64xi32, #tpu.memory_space<vmem>>, %arg7: memref<4x64xi32, #tpu.memory_space<vmem>>, %arg8: memref<64x128xf32, #tpu.memory_space<vmem>>, %arg9: memref<64x128xf32, #tpu.memory_space<vmem>>, %arg10: memref<64x128xf32, #tpu.memory_space<vmem>>, %arg11: memref<64x128xf32, #tpu.memory_space<vmem>>, %arg12: memref<10240x128xf32, #tpu.memory_space<vmem_shared>>, %arg13: memref<!tpu.dma_semaphore, #tpu.memory_space<semaphore_mem>>, %arg14: memref<!tpu.dma_semaphore, #tpu.memory_space<semaphore_mem>>, %arg15: memref<!tpu.dma_semaphore, #tpu.memory_space<semaphore_mem>>, %arg16: memref<!tpu.dma_semaphore, #tpu.memory_space<semaphore_mem>>, %arg17: memref<!tpu.dma_semaphore, #tpu.memory_space<semaphore_mem>>, %arg18: memref<!tpu.dma_semaphore, #tpu.memory_space<semaphore_mem>>, %arg19: memref<!tpu.dma_semaphore, #tpu.memory_space<semaphore_mem>>, %arg20: memref<!tpu.dma_semaphore, #tpu.memory_space<semaphore_mem>>, %arg21: memref<!tpu.dma_semaphore, #tpu.memory_space<semaphore_mem>>, %arg22: memref<!tpu.dma_semaphore, #tpu.memory_space<semaphore_mem>>, %arg23: memref<!tpu.dma_semaphore, #tpu.memory_space<semaphore_mem>>, %arg24: memref<!tpu.dma_semaphore, #tpu.memory_space<semaphore_mem>>, %arg25: memref<!tpu.dma_semaphore, #tpu.memory_space<semaphore_mem>>, %arg26: memref<!tpu.dma_semaphore, #tpu.memory_space<semaphore_mem>>, %arg27: memref<!tpu.dma_semaphore, #tpu.memory_space<semaphore_mem>>, %arg28: memref<!tpu.dma_semaphore, #tpu.memory_space<semaphore_mem>>) attributes {dimension_semantics = [#tpu.dimension_semantics<core_parallel>, #tpu.dimension_semantics<subcore_parallel>], iteration_bounds = array<i64: 2, 16>, scalar_prefetch = 0 : i64, scratch_operands = 23 : i64, tpu.core_type = #tpu.core_type<sc_vector_subcore>, window_params = [{transform_indices = #map}, {transform_indices = #map1}, {transform_indices = #map1}, {transform_indices = #map1}]} {
    %mul3A = arith.constant 16 : i32
    %mul3A_0 = arith.muli %arg0, %mul3A : i32
    %add3A = arith.addi %mul3A_0, %arg1 : i32
    %dma_start3A = arith.constant 0 : i32
    %dma_start3A_1 = arith.constant 0 : i32
    %dma_start3A_2 = arith.constant 0 : i32
    %dma_start3A_3 = tpu.memref_slice %arg6[%dma_start3A_1, %dma_start3A_2] : memref<4x64xi32, #tpu.memory_space<vmem>> -> memref<1x64xi32, #tpu.memory_space<vmem>>
    %dma_start3A_4 = tpu.memref_squeeze %dma_start3A_3 : memref<1x64xi32, #tpu.memory_space<vmem>> -> memref<64xi32, #tpu.memory_space<vmem>>
    %dma_start3A_5 = arith.constant 0 : i32
    %dma_start3A_6 = tpu.memref_slice %arg3[%add3A, %dma_start3A, %dma_start3A_5] : memref<32x160x64xi32, #tpu.memory_space<hbm>> -> memref<1x1x64xi32, #tpu.memory_space<hbm>>
    %dma_start3A_7 = tpu.memref_squeeze %dma_start3A_6 : memref<1x1x64xi32, #tpu.memory_space<hbm>> -> memref<64xi32, #tpu.memory_space<hbm>>
    %dma_start3A_8 = arith.constant 0 : i32
    %dma_start3A_9 = tpu.memref_slice %arg6[%dma_start3A_1, %dma_start3A_8] : memref<4x64xi32, #tpu.memory_space<vmem>> -> memref<1x64xi32, #tpu.memory_space<vmem>>
    %dma_start3A_10 = tpu.memref_squeeze %dma_start3A_9 : memref<1x64xi32, #tpu.memory_space<vmem>> -> memref<64xi32, #tpu.memory_space<vmem>>
    %dma_start3A_11 = arith.constant 0 : i32
    %dma_start3A_12 = tpu.memref_slice %arg3[%add3A, %dma_start3A, %dma_start3A_11] : memref<32x160x64xi32, #tpu.memory_space<hbm>> -> memref<1x1x64xi32, #tpu.memory_space<hbm>>
    %dma_start3A_13 = tpu.memref_squeeze %dma_start3A_12 : memref<1x1x64xi32, #tpu.memory_space<hbm>> -> memref<64xi32, #tpu.memory_space<hbm>>
    tpu.enqueue_dma source(%dma_start3A_13 : memref<64xi32, #tpu.memory_space<hbm>>) target(%dma_start3A_10 : memref<64xi32, #tpu.memory_space<vmem>>) target_semaphore(%arg17 : memref<!tpu.dma_semaphore, #tpu.memory_space<semaphore_mem>>)
    %dma_start3A_14 = arith.constant 0 : i32
    %dma_start3A_15 = arith.constant 0 : i32
    %dma_start3A_16 = arith.constant 0 : i32
    %dma_start3A_17 = tpu.memref_slice %arg7[%dma_start3A_15, %dma_start3A_16] : memref<4x64xi32, #tpu.memory_space<vmem>> -> memref<1x64xi32, #tpu.memory_space<vmem>>
    %dma_start3A_18 = tpu.memref_squeeze %dma_start3A_17 : memref<1x64xi32, #tpu.memory_space<vmem>> -> memref<64xi32, #tpu.memory_space<vmem>>
    %dma_start3A_19 = arith.constant 0 : i32
    %dma_start3A_20 = tpu.memref_slice %arg4[%add3A, %dma_start3A_14, %dma_start3A_19] : memref<32x160x64xi32, #tpu.memory_space<hbm>> -> memref<1x1x64xi32, #tpu.memory_space<hbm>>
    %dma_start3A_21 = tpu.memref_squeeze %dma_start3A_20 : memref<1x1x64xi32, #tpu.memory_space<hbm>> -> memref<64xi32, #tpu.memory_space<hbm>>
    %dma_start3A_22 = arith.constant 0 : i32
    %dma_start3A_23 = tpu.memref_slice %arg7[%dma_start3A_15, %dma_start3A_22] : memref<4x64xi32, #tpu.memory_space<vmem>> -> memref<1x64xi32, #tpu.memory_space<vmem>>
    %dma_start3A_24 = tpu.memref_squeeze %dma_start3A_23 : memref<1x64xi32, #tpu.memory_space<vmem>> -> memref<64xi32, #tpu.memory_space<vmem>>
    %dma_start3A_25 = arith.constant 0 : i32
    %dma_start3A_26 = tpu.memref_slice %arg4[%add3A, %dma_start3A_14, %dma_start3A_25] : memref<32x160x64xi32, #tpu.memory_space<hbm>> -> memref<1x1x64xi32, #tpu.memory_space<hbm>>
    %dma_start3A_27 = tpu.memref_squeeze %dma_start3A_26 : memref<1x1x64xi32, #tpu.memory_space<hbm>> -> memref<64xi32, #tpu.memory_space<hbm>>
    tpu.enqueue_dma source(%dma_start3A_27 : memref<64xi32, #tpu.memory_space<hbm>>) target(%dma_start3A_24 : memref<64xi32, #tpu.memory_space<vmem>>) target_semaphore(%arg25 : memref<!tpu.dma_semaphore, #tpu.memory_space<semaphore_mem>>)
    %dma_start3A_28 = arith.constant 1 : i32
    %dma_start3A_29 = arith.constant 1 : i32
    %dma_start3A_30 = arith.constant 0 : i32
    %dma_start3A_31 = tpu.memref_slice %arg6[%dma_start3A_29, %dma_start3A_30] : memref<4x64xi32, #tpu.memory_space<vmem>> -> memref<1x64xi32, #tpu.memory_space<vmem>>
    %dma_start3A_32 = tpu.memref_squeeze %dma_start3A_31 : memref<1x64xi32, #tpu.memory_space<vmem>> -> memref<64xi32, #tpu.memory_space<vmem>>
    %dma_start3A_33 = arith.constant 0 : i32
    %dma_start3A_34 = tpu.memref_slice %arg3[%add3A, %dma_start3A_28, %dma_start3A_33] : memref<32x160x64xi32, #tpu.memory_space<hbm>> -> memref<1x1x64xi32, #tpu.memory_space<hbm>>
    %dma_start3A_35 = tpu.memref_squeeze %dma_start3A_34 : memref<1x1x64xi32, #tpu.memory_space<hbm>> -> memref<64xi32, #tpu.memory_space<hbm>>
    %dma_start3A_36 = arith.constant 0 : i32
    %dma_start3A_37 = tpu.memref_slice %arg6[%dma_start3A_29, %dma_start3A_36] : memref<4x64xi32, #tpu.memory_space<vmem>> -> memref<1x64xi32, #tpu.memory_space<vmem>>
    %dma_start3A_38 = tpu.memref_squeeze %dma_start3A_37 : memref<1x64xi32, #tpu.memory_space<vmem>> -> memref<64xi32, #tpu.memory_space<vmem>>
    %dma_start3A_39 = arith.constant 0 : i32
    %dma_start3A_40 = tpu.memref_slice %arg3[%add3A, %dma_start3A_28, %dma_start3A_39] : memref<32x160x64xi32, #tpu.memory_space<hbm>> -> memref<1x1x64xi32, #tpu.memory_space<hbm>>
    %dma_start3A_41 = tpu.memref_squeeze %dma_start3A_40 : memref<1x1x64xi32, #tpu.memory_space<hbm>> -> memref<64xi32, #tpu.memory_space<hbm>>
    tpu.enqueue_dma source(%dma_start3A_41 : memref<64xi32, #tpu.memory_space<hbm>>) target(%dma_start3A_38 : memref<64xi32, #tpu.memory_space<vmem>>) target_semaphore(%arg18 : memref<!tpu.dma_semaphore, #tpu.memory_space<semaphore_mem>>)
    %dma_start3A_42 = arith.constant 1 : i32
    %dma_start3A_43 = arith.constant 1 : i32
    %dma_start3A_44 = arith.constant 0 : i32
    %dma_start3A_45 = tpu.memref_slice %arg7[%dma_start3A_43, %dma_start3A_44] : memref<4x64xi32, #tpu.memory_space<vmem>> -> memref<1x64xi32, #tpu.memory_space<vmem>>
    %dma_start3A_46 = tpu.memref_squeeze %dma_start3A_45 : memref<1x64xi32, #tpu.memory_space<vmem>> -> memref<64xi32, #tpu.memory_space<vmem>>
    %dma_start3A_47 = arith.constant 0 : i32
    %dma_start3A_48 = tpu.memref_slice %arg4[%add3A, %dma_start3A_42, %dma_start3A_47] : memref<32x160x64xi32, #tpu.memory_space<hbm>> -> memref<1x1x64xi32, #tpu.memory_space<hbm>>
    %dma_start3A_49 = tpu.memref_squeeze %dma_start3A_48 : memref<1x1x64xi32, #tpu.memory_space<hbm>> -> memref<64xi32, #tpu.memory_space<hbm>>
    %dma_start3A_50 = arith.constant 0 : i32
    %dma_start3A_51 = tpu.memref_slice %arg7[%dma_start3A_43, %dma_start3A_50] : memref<4x64xi32, #tpu.memory_space<vmem>> -> memref<1x64xi32, #tpu.memory_space<vmem>>
    %dma_start3A_52 = tpu.memref_squeeze %dma_start3A_51 : memref<1x64xi32, #tpu.memory_space<vmem>> -> memref<64xi32, #tpu.memory_space<vmem>>
    %dma_start3A_53 = arith.constant 0 : i32
    %dma_start3A_54 = tpu.memref_slice %arg4[%add3A, %dma_start3A_42, %dma_start3A_53] : memref<32x160x64xi32, #tpu.memory_space<hbm>> -> memref<1x1x64xi32, #tpu.memory_space<hbm>>
    %dma_start3A_55 = tpu.memref_squeeze %dma_start3A_54 : memref<1x1x64xi32, #tpu.memory_space<hbm>> -> memref<64xi32, #tpu.memory_space<hbm>>
    tpu.enqueue_dma source(%dma_start3A_55 : memref<64xi32, #tpu.memory_space<hbm>>) target(%dma_start3A_52 : memref<64xi32, #tpu.memory_space<vmem>>) target_semaphore(%arg26 : memref<!tpu.dma_semaphore, #tpu.memory_space<semaphore_mem>>)
    %dma_start3A_56 = arith.constant 2 : i32
    %dma_start3A_57 = arith.constant 2 : i32
    %dma_start3A_58 = arith.constant 0 : i32
    %dma_start3A_59 = tpu.memref_slice %arg6[%dma_start3A_57, %dma_start3A_58] : memref<4x64xi32, #tpu.memory_space<vmem>> -> memref<1x64xi32, #tpu.memory_space<vmem>>
    %dma_start3A_60 = tpu.memref_squeeze %dma_start3A_59 : memref<1x64xi32, #tpu.memory_space<vmem>> -> memref<64xi32, #tpu.memory_space<vmem>>
    %dma_start3A_61 = arith.constant 0 : i32
    %dma_start3A_62 = tpu.memref_slice %arg3[%add3A, %dma_start3A_56, %dma_start3A_61] : memref<32x160x64xi32, #tpu.memory_space<hbm>> -> memref<1x1x64xi32, #tpu.memory_space<hbm>>
    %dma_start3A_63 = tpu.memref_squeeze %dma_start3A_62 : memref<1x1x64xi32, #tpu.memory_space<hbm>> -> memref<64xi32, #tpu.memory_space<hbm>>
    %dma_start3A_64 = arith.constant 0 : i32
    %dma_start3A_65 = tpu.memref_slice %arg6[%dma_start3A_57, %dma_start3A_64] : memref<4x64xi32, #tpu.memory_space<vmem>> -> memref<1x64xi32, #tpu.memory_space<vmem>>
    %dma_start3A_66 = tpu.memref_squeeze %dma_start3A_65 : memref<1x64xi32, #tpu.memory_space<vmem>> -> memref<64xi32, #tpu.memory_space<vmem>>
    %dma_start3A_67 = arith.constant 0 : i32
    %dma_start3A_68 = tpu.memref_slice %arg3[%add3A, %dma_start3A_56, %dma_start3A_67] : memref<32x160x64xi32, #tpu.memory_space<hbm>> -> memref<1x1x64xi32, #tpu.memory_space<hbm>>
    %dma_start3A_69 = tpu.memref_squeeze %dma_start3A_68 : memref<1x1x64xi32, #tpu.memory_space<hbm>> -> memref<64xi32, #tpu.memory_space<hbm>>
    tpu.enqueue_dma source(%dma_start3A_69 : memref<64xi32, #tpu.memory_space<hbm>>) target(%dma_start3A_66 : memref<64xi32, #tpu.memory_space<vmem>>) target_semaphore(%arg19 : memref<!tpu.dma_semaphore, #tpu.memory_space<semaphore_mem>>)
    %dma_start3A_70 = arith.constant 2 : i32
    %dma_start3A_71 = arith.constant 2 : i32
    %dma_start3A_72 = arith.constant 0 : i32
    %dma_start3A_73 = tpu.memref_slice %arg7[%dma_start3A_71, %dma_start3A_72] : memref<4x64xi32, #tpu.memory_space<vmem>> -> memref<1x64xi32, #tpu.memory_space<vmem>>
    %dma_start3A_74 = tpu.memref_squeeze %dma_start3A_73 : memref<1x64xi32, #tpu.memory_space<vmem>> -> memref<64xi32, #tpu.memory_space<vmem>>
    %dma_start3A_75 = arith.constant 0 : i32
    %dma_start3A_76 = tpu.memref_slice %arg4[%add3A, %dma_start3A_70, %dma_start3A_75] : memref<32x160x64xi32, #tpu.memory_space<hbm>> -> memref<1x1x64xi32, #tpu.memory_space<hbm>>
    %dma_start3A_77 = tpu.memref_squeeze %dma_start3A_76 : memref<1x1x64xi32, #tpu.memory_space<hbm>> -> memref<64xi32, #tpu.memory_space<hbm>>
    %dma_start3A_78 = arith.constant 0 : i32
    %dma_start3A_79 = tpu.memref_slice %arg7[%dma_start3A_71, %dma_start3A_78] : memref<4x64xi32, #tpu.memory_space<vmem>> -> memref<1x64xi32, #tpu.memory_space<vmem>>
    %dma_start3A_80 = tpu.memref_squeeze %dma_start3A_79 : memref<1x64xi32, #tpu.memory_space<vmem>> -> memref<64xi32, #tpu.memory_space<vmem>>
    %dma_start3A_81 = arith.constant 0 : i32
    %dma_start3A_82 = tpu.memref_slice %arg4[%add3A, %dma_start3A_70, %dma_start3A_81] : memref<32x160x64xi32, #tpu.memory_space<hbm>> -> memref<1x1x64xi32, #tpu.memory_space<hbm>>
    %dma_start3A_83 = tpu.memref_squeeze %dma_start3A_82 : memref<1x1x64xi32, #tpu.memory_space<hbm>> -> memref<64xi32, #tpu.memory_space<hbm>>
    tpu.enqueue_dma source(%dma_start3A_83 : memref<64xi32, #tpu.memory_space<hbm>>) target(%dma_start3A_80 : memref<64xi32, #tpu.memory_space<vmem>>) target_semaphore(%arg27 : memref<!tpu.dma_semaphore, #tpu.memory_space<semaphore_mem>>)
    %dma_start3A_84 = arith.constant 3 : i32
    %dma_start3A_85 = arith.constant 3 : i32
    %dma_start3A_86 = arith.constant 0 : i32
    %dma_start3A_87 = tpu.memref_slice %arg6[%dma_start3A_85, %dma_start3A_86] : memref<4x64xi32, #tpu.memory_space<vmem>> -> memref<1x64xi32, #tpu.memory_space<vmem>>
    %dma_start3A_88 = tpu.memref_squeeze %dma_start3A_87 : memref<1x64xi32, #tpu.memory_space<vmem>> -> memref<64xi32, #tpu.memory_space<vmem>>
    %dma_start3A_89 = arith.constant 0 : i32
    %dma_start3A_90 = tpu.memref_slice %arg3[%add3A, %dma_start3A_84, %dma_start3A_89] : memref<32x160x64xi32, #tpu.memory_space<hbm>> -> memref<1x1x64xi32, #tpu.memory_space<hbm>>
    %dma_start3A_91 = tpu.memref_squeeze %dma_start3A_90 : memref<1x1x64xi32, #tpu.memory_space<hbm>> -> memref<64xi32, #tpu.memory_space<hbm>>
    %dma_start3A_92 = arith.constant 0 : i32
    %dma_start3A_93 = tpu.memref_slice %arg6[%dma_start3A_85, %dma_start3A_92] : memref<4x64xi32, #tpu.memory_space<vmem>> -> memref<1x64xi32, #tpu.memory_space<vmem>>
    %dma_start3A_94 = tpu.memref_squeeze %dma_start3A_93 : memref<1x64xi32, #tpu.memory_space<vmem>> -> memref<64xi32, #tpu.memory_space<vmem>>
    %dma_start3A_95 = arith.constant 0 : i32
    %dma_start3A_96 = tpu.memref_slice %arg3[%add3A, %dma_start3A_84, %dma_start3A_95] : memref<32x160x64xi32, #tpu.memory_space<hbm>> -> memref<1x1x64xi32, #tpu.memory_space<hbm>>
    %dma_start3A_97 = tpu.memref_squeeze %dma_start3A_96 : memref<1x1x64xi32, #tpu.memory_space<hbm>> -> memref<64xi32, #tpu.memory_space<hbm>>
    tpu.enqueue_dma source(%dma_start3A_97 : memref<64xi32, #tpu.memory_space<hbm>>) target(%dma_start3A_94 : memref<64xi32, #tpu.memory_space<vmem>>) target_semaphore(%arg20 : memref<!tpu.dma_semaphore, #tpu.memory_space<semaphore_mem>>)
    %dma_start3A_98 = arith.constant 3 : i32
    %dma_start3A_99 = arith.constant 3 : i32
    %dma_start3A_100 = arith.constant 0 : i32
    %dma_start3A_101 = tpu.memref_slice %arg7[%dma_start3A_99, %dma_start3A_100] : memref<4x64xi32, #tpu.memory_space<vmem>> -> memref<1x64xi32, #tpu.memory_space<vmem>>
    %dma_start3A_102 = tpu.memref_squeeze %dma_start3A_101 : memref<1x64xi32, #tpu.memory_space<vmem>> -> memref<64xi32, #tpu.memory_space<vmem>>
    %dma_start3A_103 = arith.constant 0 : i32
    %dma_start3A_104 = tpu.memref_slice %arg4[%add3A, %dma_start3A_98, %dma_start3A_103] : memref<32x160x64xi32, #tpu.memory_space<hbm>> -> memref<1x1x64xi32, #tpu.memory_space<hbm>>
    %dma_start3A_105 = tpu.memref_squeeze %dma_start3A_104 : memref<1x1x64xi32, #tpu.memory_space<hbm>> -> memref<64xi32, #tpu.memory_space<hbm>>
    %dma_start3A_106 = arith.constant 0 : i32
    %dma_start3A_107 = tpu.memref_slice %arg7[%dma_start3A_99, %dma_start3A_106] : memref<4x64xi32, #tpu.memory_space<vmem>> -> memref<1x64xi32, #tpu.memory_space<vmem>>
    %dma_start3A_108 = tpu.memref_squeeze %dma_start3A_107 : memref<1x64xi32, #tpu.memory_space<vmem>> -> memref<64xi32, #tpu.memory_space<vmem>>
    %dma_start3A_109 = arith.constant 0 : i32
    %dma_start3A_110 = tpu.memref_slice %arg4[%add3A, %dma_start3A_98, %dma_start3A_109] : memref<32x160x64xi32, #tpu.memory_space<hbm>> -> memref<1x1x64xi32, #tpu.memory_space<hbm>>
    %dma_start3A_111 = tpu.memref_squeeze %dma_start3A_110 : memref<1x1x64xi32, #tpu.memory_space<hbm>> -> memref<64xi32, #tpu.memory_space<hbm>>
    tpu.enqueue_dma source(%dma_start3A_111 : memref<64xi32, #tpu.memory_space<hbm>>) target(%dma_start3A_108 : memref<64xi32, #tpu.memory_space<vmem>>) target_semaphore(%arg28 : memref<!tpu.dma_semaphore, #tpu.memory_space<semaphore_mem>>)
    %dma_wait3A = arith.constant 0 : i32
    %dma_wait3A_112 = arith.constant 0 : i32
    %dma_wait3A_113 = arith.constant 0 : i32
    %dma_wait3A_114 = tpu.memref_slice %arg6[%dma_wait3A_112, %dma_wait3A_113] : memref<4x64xi32, #tpu.memory_space<vmem>> -> memref<1x64xi32, #tpu.memory_space<vmem>>
    %dma_wait3A_115 = tpu.memref_squeeze %dma_wait3A_114 : memref<1x64xi32, #tpu.memory_space<vmem>> -> memref<64xi32, #tpu.memory_space<vmem>>
    %dma_wait3A_116 = arith.constant 0 : i32
    %dma_wait3A_117 = tpu.memref_slice %arg3[%add3A, %dma_wait3A, %dma_wait3A_116] : memref<32x160x64xi32, #tpu.memory_space<hbm>> -> memref<1x1x64xi32, #tpu.memory_space<hbm>>
    %dma_wait3A_118 = tpu.memref_squeeze %dma_wait3A_117 : memref<1x1x64xi32, #tpu.memory_space<hbm>> -> memref<64xi32, #tpu.memory_space<hbm>>
    %dma_wait3A_119 = arith.constant 0 : i32
    %dma_wait3A_120 = tpu.memref_slice %arg6[%dma_wait3A_112, %dma_wait3A_119] : memref<4x64xi32, #tpu.memory_space<vmem>> -> memref<1x64xi32, #tpu.memory_space<vmem>>
    %dma_wait3A_121 = tpu.memref_squeeze %dma_wait3A_120 : memref<1x64xi32, #tpu.memory_space<vmem>> -> memref<64xi32, #tpu.memory_space<vmem>>
    %dma_wait3A_122 = arith.constant 0 : i32
    %dma_wait3A_123 = tpu.memref_slice %arg3[%add3A, %dma_wait3A, %dma_wait3A_122] : memref<32x160x64xi32, #tpu.memory_space<hbm>> -> memref<1x1x64xi32, #tpu.memory_space<hbm>>
    %dma_wait3A_124 = tpu.memref_squeeze %dma_wait3A_123 : memref<1x1x64xi32, #tpu.memory_space<hbm>> -> memref<64xi32, #tpu.memory_space<hbm>>
    tpu.wait_dma2 semaphore(%arg17 : memref<!tpu.dma_semaphore, #tpu.memory_space<semaphore_mem>>) src(%dma_wait3A_124 : memref<64xi32, #tpu.memory_space<hbm>>) dst(%dma_wait3A_121 : memref<64xi32, #tpu.memory_space<vmem>>)
    %dma_start3A_125 = arith.constant 0 : i32
    %dma_start3A_126 = arith.constant 0 : i32
    %dma_start3A_127 = tpu.memref_slice %arg6[%dma_start3A_125, %dma_start3A_126] : memref<4x64xi32, #tpu.memory_space<vmem>> -> memref<1x64xi32, #tpu.memory_space<vmem>>
    %dma_start3A_128 = tpu.memref_squeeze %dma_start3A_127 : memref<1x64xi32, #tpu.memory_space<vmem>> -> memref<64xi32, #tpu.memory_space<vmem>>
    %dma_start3A_129 = arith.constant 0 : i32
    %dma_start3A_130 = arith.constant 0 : i32
    %dma_start3A_131 = tpu.memref_slice %arg2[%dma_start3A_129, %dma_start3A_130] : memref<10000x128xf32, #tpu.memory_space<hbm>> -> memref<10000x128xf32, #tpu.memory_space<hbm>>
    tpu.enqueue_indirect_dma source(%dma_start3A_131 : memref<10000x128xf32, #tpu.memory_space<hbm>>) target(%arg8 : memref<64x128xf32, #tpu.memory_space<vmem>>) offsets(%dma_start3A_128 : memref<64xi32, #tpu.memory_space<vmem>>) semaphore(%arg13 : memref<!tpu.dma_semaphore, #tpu.memory_space<semaphore_mem>>)
    %dma_wait3A_132 = arith.constant 0 : i32
    %dma_wait3A_133 = arith.constant 1 : i32
    %dma_wait3A_134 = arith.constant 0 : i32
    %dma_wait3A_135 = tpu.memref_slice %arg6[%dma_wait3A_133, %dma_wait3A_134] : memref<4x64xi32, #tpu.memory_space<vmem>> -> memref<1x64xi32, #tpu.memory_space<vmem>>
    %dma_wait3A_136 = tpu.memref_squeeze %dma_wait3A_135 : memref<1x64xi32, #tpu.memory_space<vmem>> -> memref<64xi32, #tpu.memory_space<vmem>>
    %dma_wait3A_137 = arith.constant 0 : i32
    %dma_wait3A_138 = tpu.memref_slice %arg3[%add3A, %dma_wait3A_132, %dma_wait3A_137] : memref<32x160x64xi32, #tpu.memory_space<hbm>> -> memref<1x1x64xi32, #tpu.memory_space<hbm>>
    %dma_wait3A_139 = tpu.memref_squeeze %dma_wait3A_138 : memref<1x1x64xi32, #tpu.memory_space<hbm>> -> memref<64xi32, #tpu.memory_space<hbm>>
    %dma_wait3A_140 = arith.constant 0 : i32
    %dma_wait3A_141 = tpu.memref_slice %arg6[%dma_wait3A_133, %dma_wait3A_140] : memref<4x64xi32, #tpu.memory_space<vmem>> -> memref<1x64xi32, #tpu.memory_space<vmem>>
    %dma_wait3A_142 = tpu.memref_squeeze %dma_wait3A_141 : memref<1x64xi32, #tpu.memory_space<vmem>> -> memref<64xi32, #tpu.memory_space<vmem>>
    %dma_wait3A_143 = arith.constant 0 : i32
    %dma_wait3A_144 = tpu.memref_slice %arg3[%add3A, %dma_wait3A_132, %dma_wait3A_143] : memref<32x160x64xi32, #tpu.memory_space<hbm>> -> memref<1x1x64xi32, #tpu.memory_space<hbm>>
    %dma_wait3A_145 = tpu.memref_squeeze %dma_wait3A_144 : memref<1x1x64xi32, #tpu.memory_space<hbm>> -> memref<64xi32, #tpu.memory_space<hbm>>
    tpu.wait_dma2 semaphore(%arg18 : memref<!tpu.dma_semaphore, #tpu.memory_space<semaphore_mem>>) src(%dma_wait3A_145 : memref<64xi32, #tpu.memory_space<hbm>>) dst(%dma_wait3A_142 : memref<64xi32, #tpu.memory_space<vmem>>)
    %dma_start3A_146 = arith.constant 1 : i32
    %dma_start3A_147 = arith.constant 0 : i32
    %dma_start3A_148 = tpu.memref_slice %arg6[%dma_start3A_146, %dma_start3A_147] : memref<4x64xi32, #tpu.memory_space<vmem>> -> memref<1x64xi32, #tpu.memory_space<vmem>>
    %dma_start3A_149 = tpu.memref_squeeze %dma_start3A_148 : memref<1x64xi32, #tpu.memory_space<vmem>> -> memref<64xi32, #tpu.memory_space<vmem>>
    %dma_start3A_150 = arith.constant 0 : i32
    %dma_start3A_151 = arith.constant 0 : i32
    %dma_start3A_152 = tpu.memref_slice %arg2[%dma_start3A_150, %dma_start3A_151] : memref<10000x128xf32, #tpu.memory_space<hbm>> -> memref<10000x128xf32, #tpu.memory_space<hbm>>
    tpu.enqueue_indirect_dma source(%dma_start3A_152 : memref<10000x128xf32, #tpu.memory_space<hbm>>) target(%arg9 : memref<64x128xf32, #tpu.memory_space<vmem>>) offsets(%dma_start3A_149 : memref<64xi32, #tpu.memory_space<vmem>>) semaphore(%arg14 : memref<!tpu.dma_semaphore, #tpu.memory_space<semaphore_mem>>)
    %scan3A = arith.constant 0 : i32
    %scan3A_153 = arith.constant 64 : i32
    %scan3A_154 = arith.addi %scan3A, %scan3A_153 : i32
    %scan3A_155 = arith.constant 1 : i32
    scf.for %scan3A_235 = %scan3A to %scan3A_154 step %scan3A_155  : i32 {
      %mul3A_236 = arith.constant 1 : i32
      %mul3A_237 = arith.muli %scan3A_235, %mul3A_236 : i32
      %add3A_238 = arith.constant 0 : i32
      %add3A_239 = arith.addi %add3A_238, %mul3A_237 : i32
      %broadcast_in_dim3A = arith.constant 0.000000e+00 : f32
      %broadcast_in_dim3A_240 = vector.broadcast %broadcast_in_dim3A : f32 to vector<16xf32>
      %swap3A = arith.index_cast %add3A_239 : i32 to index
      %swap3A_241 = arith.constant 0 : index
      %swap3A_242 = tpu.vector_load %arg11[%swap3A, %swap3A_241] {strides = array<i32>} : memref<64x128xf32, #tpu.memory_space<vmem>>, vector<1x16xf32>,
      %swap3A_243 = vector.shape_cast %swap3A_242 : vector<1x16xf32> to vector<16xf32>
      %swap3A_244 = vector.shape_cast %broadcast_in_dim3A_240 : vector<16xf32> to vector<1x16xf32>
      tpu.vector_store %arg11[%swap3A, %swap3A_241], %swap3A_244 {strides = array<i32>} : memref<64x128xf32, #tpu.memory_space<vmem>>, vector<1x16xf32>,
      %broadcast_in_dim3A_245 = arith.constant 0.000000e+00 : f32
      %broadcast_in_dim3A_246 = vector.broadcast %broadcast_in_dim3A_245 : f32 to vector<16xf32>
      %swap3A_247 = arith.index_cast %add3A_239 : i32 to index
      %swap3A_248 = arith.constant 16 : index
      %swap3A_249 = tpu.vector_load %arg11[%swap3A_247, %swap3A_248] {strides = array<i32>} : memref<64x128xf32, #tpu.memory_space<vmem>>, vector<1x16xf32>,
      %swap3A_250 = vector.shape_cast %swap3A_249 : vector<1x16xf32> to vector<16xf32>
      %swap3A_251 = vector.shape_cast %broadcast_in_dim3A_246 : vector<16xf32> to vector<1x16xf32>
      tpu.vector_store %arg11[%swap3A_247, %swap3A_248], %swap3A_251 {strides = array<i32>} : memref<64x128xf32, #tpu.memory_space<vmem>>, vector<1x16xf32>,
      %broadcast_in_dim3A_252 = arith.constant 0.000000e+00 : f32
      %broadcast_in_dim3A_253 = vector.broadcast %broadcast_in_dim3A_252 : f32 to vector<16xf32>
      %swap3A_254 = arith.index_cast %add3A_239 : i32 to index
      %swap3A_255 = arith.constant 32 : index
      %swap3A_256 = tpu.vector_load %arg11[%swap3A_254, %swap3A_255] {strides = array<i32>} : memref<64x128xf32, #tpu.memory_space<vmem>>, vector<1x16xf32>,
      %swap3A_257 = vector.shape_cast %swap3A_256 : vector<1x16xf32> to vector<16xf32>
      %swap3A_258 = vector.shape_cast %broadcast_in_dim3A_253 : vector<16xf32> to vector<1x16xf32>
      tpu.vector_store %arg11[%swap3A_254, %swap3A_255], %swap3A_258 {strides = array<i32>} : memref<64x128xf32, #tpu.memory_space<vmem>>, vector<1x16xf32>,
      %broadcast_in_dim3A_259 = arith.constant 0.000000e+00 : f32
      %broadcast_in_dim3A_260 = vector.broadcast %broadcast_in_dim3A_259 : f32 to vector<16xf32>
      %swap3A_261 = arith.index_cast %add3A_239 : i32 to index
      %swap3A_262 = arith.constant 48 : index
      %swap3A_263 = tpu.vector_load %arg11[%swap3A_261, %swap3A_262] {strides = array<i32>} : memref<64x128xf32, #tpu.memory_space<vmem>>, vector<1x16xf32>,
      %swap3A_264 = vector.shape_cast %swap3A_263 : vector<1x16xf32> to vector<16xf32>
      %swap3A_265 = vector.shape_cast %broadcast_in_dim3A_260 : vector<16xf32> to vector<1x16xf32>
      tpu.vector_store %arg11[%swap3A_261, %swap3A_262], %swap3A_265 {strides = array<i32>} : memref<64x128xf32, #tpu.memory_space<vmem>>, vector<1x16xf32>,
      %broadcast_in_dim3A_266 = arith.constant 0.000000e+00 : f32
      %broadcast_in_dim3A_267 = vector.broadcast %broadcast_in_dim3A_266 : f32 to vector<16xf32>
      %swap3A_268 = arith.index_cast %add3A_239 : i32 to index
      %swap3A_269 = arith.constant 64 : index
      %swap3A_270 = tpu.vector_load %arg11[%swap3A_268, %swap3A_269] {strides = array<i32>} : memref<64x128xf32, #tpu.memory_space<vmem>>, vector<1x16xf32>,
      %swap3A_271 = vector.shape_cast %swap3A_270 : vector<1x16xf32> to vector<16xf32>
      %swap3A_272 = vector.shape_cast %broadcast_in_dim3A_267 : vector<16xf32> to vector<1x16xf32>
      tpu.vector_store %arg11[%swap3A_268, %swap3A_269], %swap3A_272 {strides = array<i32>} : memref<64x128xf32, #tpu.memory_space<vmem>>, vector<1x16xf32>,
      %broadcast_in_dim3A_273 = arith.constant 0.000000e+00 : f32
      %broadcast_in_dim3A_274 = vector.broadcast %broadcast_in_dim3A_273 : f32 to vector<16xf32>
      %swap3A_275 = arith.index_cast %add3A_239 : i32 to index
      %swap3A_276 = arith.constant 80 : index
      %swap3A_277 = tpu.vector_load %arg11[%swap3A_275, %swap3A_276] {strides = array<i32>} : memref<64x128xf32, #tpu.memory_space<vmem>>, vector<1x16xf32>,
      %swap3A_278 = vector.shape_cast %swap3A_277 : vector<1x16xf32> to vector<16xf32>
      %swap3A_279 = vector.shape_cast %broadcast_in_dim3A_274 : vector<16xf32> to vector<1x16xf32>
      tpu.vector_store %arg11[%swap3A_275, %swap3A_276], %swap3A_279 {strides = array<i32>} : memref<64x128xf32, #tpu.memory_space<vmem>>, vector<1x16xf32>,
      %broadcast_in_dim3A_280 = arith.constant 0.000000e+00 : f32
      %broadcast_in_dim3A_281 = vector.broadcast %broadcast_in_dim3A_280 : f32 to vector<16xf32>
      %swap3A_282 = arith.index_cast %add3A_239 : i32 to index
      %swap3A_283 = arith.constant 96 : index
      %swap3A_284 = tpu.vector_load %arg11[%swap3A_282, %swap3A_283] {strides = array<i32>} : memref<64x128xf32, #tpu.memory_space<vmem>>, vector<1x16xf32>,
      %swap3A_285 = vector.shape_cast %swap3A_284 : vector<1x16xf32> to vector<16xf32>
      %swap3A_286 = vector.shape_cast %broadcast_in_dim3A_281 : vector<16xf32> to vector<1x16xf32>
      tpu.vector_store %arg11[%swap3A_282, %swap3A_283], %swap3A_286 {strides = array<i32>} : memref<64x128xf32, #tpu.memory_space<vmem>>, vector<1x16xf32>,
      %broadcast_in_dim3A_287 = arith.constant 0.000000e+00 : f32
      %broadcast_in_dim3A_288 = vector.broadcast %broadcast_in_dim3A_287 : f32 to vector<16xf32>
      %swap3A_289 = arith.index_cast %add3A_239 : i32 to index
      %swap3A_290 = arith.constant 112 : index
      %swap3A_291 = tpu.vector_load %arg11[%swap3A_289, %swap3A_290] {strides = array<i32>} : memref<64x128xf32, #tpu.memory_space<vmem>>, vector<1x16xf32>,
      %swap3A_292 = vector.shape_cast %swap3A_291 : vector<1x16xf32> to vector<16xf32>
      %swap3A_293 = vector.shape_cast %broadcast_in_dim3A_288 : vector<16xf32> to vector<1x16xf32>
      tpu.vector_store %arg11[%swap3A_289, %swap3A_290], %swap3A_293 {strides = array<i32>} : memref<64x128xf32, #tpu.memory_space<vmem>>, vector<1x16xf32>,
    }
    %scan3A_156 = arith.constant 64 : i32
    %mul3A_157 = arith.constant 640 : i32
    %mul3A_158 = arith.muli %arg1, %mul3A_157 : i32
    %add3A_159 = arith.constant 0 : i32
    %add3A_160 = arith.addi %mul3A_158, %add3A_159 : i32
    "tpu.region"() ({
      %run_scoped3A = tpu.sem_alloc : memref<!tpu.dma_semaphore, #tpu.memory_space<semaphore_mem>>
      %dma_start3A_235 = arith.constant 0 : i32
      %dma_start3A_236 = tpu.memref_slice %arg12[%add3A_160, %dma_start3A_235] : memref<10240x128xf32, #tpu.memory_space<vmem_shared>> -> memref<64x128xf32, #tpu.memory_space<vmem_shared>>
      %dma_start3A_237 = arith.constant 0 : i32
      %dma_start3A_238 = tpu.memref_slice %arg12[%add3A_160, %dma_start3A_237] : memref<10240x128xf32, #tpu.memory_space<vmem_shared>> -> memref<64x128xf32, #tpu.memory_space<vmem_shared>>
      tpu.enqueue_dma source(%arg11 : memref<64x128xf32, #tpu.memory_space<vmem>>) target(%dma_start3A_238 : memref<64x128xf32, #tpu.memory_space<vmem_shared>>) target_semaphore(%run_scoped3A : memref<!tpu.dma_semaphore, #tpu.memory_space<semaphore_mem>>)
      %dma_wait3A_239 = arith.constant 0 : i32
      %dma_wait3A_240 = tpu.memref_slice %arg12[%add3A_160, %dma_wait3A_239] : memref<10240x128xf32, #tpu.memory_space<vmem_shared>> -> memref<64x128xf32, #tpu.memory_space<vmem_shared>>
      %dma_wait3A_241 = arith.constant 0 : i32
      %dma_wait3A_242 = tpu.memref_slice %arg12[%add3A_160, %dma_wait3A_241] : memref<10240x128xf32, #tpu.memory_space<vmem_shared>> -> memref<64x128xf32, #tpu.memory_space<vmem_shared>>
      tpu.wait_dma2 semaphore(%run_scoped3A : memref<!tpu.dma_semaphore, #tpu.memory_space<semaphore_mem>>) src(%arg11 : memref<64x128xf32, #tpu.memory_space<vmem>>) dst(%dma_wait3A_242 : memref<64x128xf32, #tpu.memory_space<vmem_shared>>)
      tpu.yield
    }) : () -> ()
    %mul3A_161 = arith.constant 640 : i32
    %mul3A_162 = arith.muli %arg1, %mul3A_161 : i32
    %add3A_163 = arith.constant 64 : i32
    %add3A_164 = arith.addi %mul3A_162, %add3A_163 : i32
    "tpu.region"() ({
      %run_scoped3A = tpu.sem_alloc : memref<!tpu.dma_semaphore, #tpu.memory_space<semaphore_mem>>
      %dma_start3A_235 = arith.constant 0 : i32
      %dma_start3A_236 = tpu.memref_slice %arg12[%add3A_164, %dma_start3A_235] : memref<10240x128xf32, #tpu.memory_space<vmem_shared>> -> memref<64x128xf32, #tpu.memory_space<vmem_shared>>
      %dma_start3A_237 = arith.constant 0 : i32
      %dma_start3A_238 = tpu.memref_slice %arg12[%add3A_164, %dma_start3A_237] : memref<10240x128xf32, #tpu.memory_space<vmem_shared>> -> memref<64x128xf32, #tpu.memory_space<vmem_shared>>
      tpu.enqueue_dma source(%arg11 : memref<64x128xf32, #tpu.memory_space<vmem>>) target(%dma_start3A_238 : memref<64x128xf32, #tpu.memory_space<vmem_shared>>) target_semaphore(%run_scoped3A : memref<!tpu.dma_semaphore, #tpu.memory_space<semaphore_mem>>)
      %dma_wait3A_239 = arith.constant 0 : i32
      %dma_wait3A_240 = tpu.memref_slice %arg12[%add3A_164, %dma_wait3A_239] : memref<10240x128xf32, #tpu.memory_space<vmem_shared>> -> memref<64x128xf32, #tpu.memory_space<vmem_shared>>
      %dma_wait3A_241 = arith.constant 0 : i32
      %dma_wait3A_242 = tpu.memref_slice %arg12[%add3A_164, %dma_wait3A_241] : memref<10240x128xf32, #tpu.memory_space<vmem_shared>> -> memref<64x128xf32, #tpu.memory_space<vmem_shared>>
      tpu.wait_dma2 semaphore(%run_scoped3A : memref<!tpu.dma_semaphore, #tpu.memory_space<semaphore_mem>>) src(%arg11 : memref<64x128xf32, #tpu.memory_space<vmem>>) dst(%dma_wait3A_242 : memref<64x128xf32, #tpu.memory_space<vmem_shared>>)
      tpu.yield
    }) : () -> ()
    %mul3A_165 = arith.constant 640 : i32
    %mul3A_166 = arith.muli %arg1, %mul3A_165 : i32
    %add3A_167 = arith.constant 128 : i32
    %add3A_168 = arith.addi %mul3A_166, %add3A_167 : i32
    "tpu.region"() ({
      %run_scoped3A = tpu.sem_alloc : memref<!tpu.dma_semaphore, #tpu.memory_space<semaphore_mem>>
      %dma_start3A_235 = arith.constant 0 : i32
      %dma_start3A_236 = tpu.memref_slice %arg12[%add3A_168, %dma_start3A_235] : memref<10240x128xf32, #tpu.memory_space<vmem_shared>> -> memref<64x128xf32, #tpu.memory_space<vmem_shared>>
      %dma_start3A_237 = arith.constant 0 : i32
      %dma_start3A_238 = tpu.memref_slice %arg12[%add3A_168, %dma_start3A_237] : memref<10240x128xf32, #tpu.memory_space<vmem_shared>> -> memref<64x128xf32, #tpu.memory_space<vmem_shared>>
      tpu.enqueue_dma source(%arg11 : memref<64x128xf32, #tpu.memory_space<vmem>>) target(%dma_start3A_238 : memref<64x128xf32, #tpu.memory_space<vmem_shared>>) target_semaphore(%run_scoped3A : memref<!tpu.dma_semaphore, #tpu.memory_space<semaphore_mem>>)
      %dma_wait3A_239 = arith.constant 0 : i32
      %dma_wait3A_240 = tpu.memref_slice %arg12[%add3A_168, %dma_wait3A_239] : memref<10240x128xf32, #tpu.memory_space<vmem_shared>> -> memref<64x128xf32, #tpu.memory_space<vmem_shared>>
      %dma_wait3A_241 = arith.constant 0 : i32
      %dma_wait3A_242 = tpu.memref_slice %arg12[%add3A_168, %dma_wait3A_241] : memref<10240x128xf32, #tpu.memory_space<vmem_shared>> -> memref<64x128xf32, #tpu.memory_space<vmem_shared>>
      tpu.wait_dma2 semaphore(%run_scoped3A : memref<!tpu.dma_semaphore, #tpu.memory_space<semaphore_mem>>) src(%arg11 : memref<64x128xf32, #tpu.memory_space<vmem>>) dst(%dma_wait3A_242 : memref<64x128xf32, #tpu.memory_space<vmem_shared>>)
      tpu.yield
    }) : () -> ()
    %mul3A_169 = arith.constant 640 : i32
    %mul3A_170 = arith.muli %arg1, %mul3A_169 : i32
    %add3A_171 = arith.constant 192 : i32
    %add3A_172 = arith.addi %mul3A_170, %add3A_171 : i32
    "tpu.region"() ({
      %run_scoped3A = tpu.sem_alloc : memref<!tpu.dma_semaphore, #tpu.memory_space<semaphore_mem>>
      %dma_start3A_235 = arith.constant 0 : i32
      %dma_start3A_236 = tpu.memref_slice %arg12[%add3A_172, %dma_start3A_235] : memref<10240x128xf32, #tpu.memory_space<vmem_shared>> -> memref<64x128xf32, #tpu.memory_space<vmem_shared>>
      %dma_start3A_237 = arith.constant 0 : i32
      %dma_start3A_238 = tpu.memref_slice %arg12[%add3A_172, %dma_start3A_237] : memref<10240x128xf32, #tpu.memory_space<vmem_shared>> -> memref<64x128xf32, #tpu.memory_space<vmem_shared>>
      tpu.enqueue_dma source(%arg11 : memref<64x128xf32, #tpu.memory_space<vmem>>) target(%dma_start3A_238 : memref<64x128xf32, #tpu.memory_space<vmem_shared>>) target_semaphore(%run_scoped3A : memref<!tpu.dma_semaphore, #tpu.memory_space<semaphore_mem>>)
      %dma_wait3A_239 = arith.constant 0 : i32
      %dma_wait3A_240 = tpu.memref_slice %arg12[%add3A_172, %dma_wait3A_239] : memref<10240x128xf32, #tpu.memory_space<vmem_shared>> -> memref<64x128xf32, #tpu.memory_space<vmem_shared>>
      %dma_wait3A_241 = arith.constant 0 : i32
      %dma_wait3A_242 = tpu.memref_slice %arg12[%add3A_172, %dma_wait3A_241] : memref<10240x128xf32, #tpu.memory_space<vmem_shared>> -> memref<64x128xf32, #tpu.memory_space<vmem_shared>>
      tpu.wait_dma2 semaphore(%run_scoped3A : memref<!tpu.dma_semaphore, #tpu.memory_space<semaphore_mem>>) src(%arg11 : memref<64x128xf32, #tpu.memory_space<vmem>>) dst(%dma_wait3A_242 : memref<64x128xf32, #tpu.memory_space<vmem_shared>>)
      tpu.yield
    }) : () -> ()
    %mul3A_173 = arith.constant 640 : i32
    %mul3A_174 = arith.muli %arg1, %mul3A_173 : i32
    %add3A_175 = arith.constant 256 : i32
    %add3A_176 = arith.addi %mul3A_174, %add3A_175 : i32
    "tpu.region"() ({
      %run_scoped3A = tpu.sem_alloc : memref<!tpu.dma_semaphore, #tpu.memory_space<semaphore_mem>>
      %dma_start3A_235 = arith.constant 0 : i32
      %dma_start3A_236 = tpu.memref_slice %arg12[%add3A_176, %dma_start3A_235] : memref<10240x128xf32, #tpu.memory_space<vmem_shared>> -> memref<64x128xf32, #tpu.memory_space<vmem_shared>>
      %dma_start3A_237 = arith.constant 0 : i32
      %dma_start3A_238 = tpu.memref_slice %arg12[%add3A_176, %dma_start3A_237] : memref<10240x128xf32, #tpu.memory_space<vmem_shared>> -> memref<64x128xf32, #tpu.memory_space<vmem_shared>>
      tpu.enqueue_dma source(%arg11 : memref<64x128xf32, #tpu.memory_space<vmem>>) target(%dma_start3A_238 : memref<64x128xf32, #tpu.memory_space<vmem_shared>>) target_semaphore(%run_scoped3A : memref<!tpu.dma_semaphore, #tpu.memory_space<semaphore_mem>>)
      %dma_wait3A_239 = arith.constant 0 : i32
      %dma_wait3A_240 = tpu.memref_slice %arg12[%add3A_176, %dma_wait3A_239] : memref<10240x128xf32, #tpu.memory_space<vmem_shared>> -> memref<64x128xf32, #tpu.memory_space<vmem_shared>>
      %dma_wait3A_241 = arith.constant 0 : i32
      %dma_wait3A_242 = tpu.memref_slice %arg12[%add3A_176, %dma_wait3A_241] : memref<10240x128xf32, #tpu.memory_space<vmem_shared>> -> memref<64x128xf32, #tpu.memory_space<vmem_shared>>
      tpu.wait_dma2 semaphore(%run_scoped3A : memref<!tpu.dma_semaphore, #tpu.memory_space<semaphore_mem>>) src(%arg11 : memref<64x128xf32, #tpu.memory_space<vmem>>) dst(%dma_wait3A_242 : memref<64x128xf32, #tpu.memory_space<vmem_shared>>)
      tpu.yield
    }) : () -> ()
    %mul3A_177 = arith.constant 640 : i32
    %mul3A_178 = arith.muli %arg1, %mul3A_177 : i32
    %add3A_179 = arith.constant 320 : i32
    %add3A_180 = arith.addi %mul3A_178, %add3A_179 : i32
    "tpu.region"() ({
      %run_scoped3A = tpu.sem_alloc : memref<!tpu.dma_semaphore, #tpu.memory_space<semaphore_mem>>
      %dma_start3A_235 = arith.constant 0 : i32
      %dma_start3A_236 = tpu.memref_slice %arg12[%add3A_180, %dma_start3A_235] : memref<10240x128xf32, #tpu.memory_space<vmem_shared>> -> memref<64x128xf32, #tpu.memory_space<vmem_shared>>
      %dma_start3A_237 = arith.constant 0 : i32
      %dma_start3A_238 = tpu.memref_slice %arg12[%add3A_180, %dma_start3A_237] : memref<10240x128xf32, #tpu.memory_space<vmem_shared>> -> memref<64x128xf32, #tpu.memory_space<vmem_shared>>
      tpu.enqueue_dma source(%arg11 : memref<64x128xf32, #tpu.memory_space<vmem>>) target(%dma_start3A_238 : memref<64x128xf32, #tpu.memory_space<vmem_shared>>) target_semaphore(%run_scoped3A : memref<!tpu.dma_semaphore, #tpu.memory_space<semaphore_mem>>)
      %dma_wait3A_239 = arith.constant 0 : i32
      %dma_wait3A_240 = tpu.memref_slice %arg12[%add3A_180, %dma_wait3A_239] : memref<10240x128xf32, #tpu.memory_space<vmem_shared>> -> memref<64x128xf32, #tpu.memory_space<vmem_shared>>
      %dma_wait3A_241 = arith.constant 0 : i32
      %dma_wait3A_242 = tpu.memref_slice %arg12[%add3A_180, %dma_wait3A_241] : memref<10240x128xf32, #tpu.memory_space<vmem_shared>> -> memref<64x128xf32, #tpu.memory_space<vmem_shared>>
      tpu.wait_dma2 semaphore(%run_scoped3A : memref<!tpu.dma_semaphore, #tpu.memory_space<semaphore_mem>>) src(%arg11 : memref<64x128xf32, #tpu.memory_space<vmem>>) dst(%dma_wait3A_242 : memref<64x128xf32, #tpu.memory_space<vmem_shared>>)
      tpu.yield
    }) : () -> ()
    %mul3A_181 = arith.constant 640 : i32
    %mul3A_182 = arith.muli %arg1, %mul3A_181 : i32
    %add3A_183 = arith.constant 384 : i32
    %add3A_184 = arith.addi %mul3A_182, %add3A_183 : i32
    "tpu.region"() ({
      %run_scoped3A = tpu.sem_alloc : memref<!tpu.dma_semaphore, #tpu.memory_space<semaphore_mem>>
      %dma_start3A_235 = arith.constant 0 : i32
      %dma_start3A_236 = tpu.memref_slice %arg12[%add3A_184, %dma_start3A_235] : memref<10240x128xf32, #tpu.memory_space<vmem_shared>> -> memref<64x128xf32, #tpu.memory_space<vmem_shared>>
      %dma_start3A_237 = arith.constant 0 : i32
      %dma_start3A_238 = tpu.memref_slice %arg12[%add3A_184, %dma_start3A_237] : memref<10240x128xf32, #tpu.memory_space<vmem_shared>> -> memref<64x128xf32, #tpu.memory_space<vmem_shared>>
      tpu.enqueue_dma source(%arg11 : memref<64x128xf32, #tpu.memory_space<vmem>>) target(%dma_start3A_238 : memref<64x128xf32, #tpu.memory_space<vmem_shared>>) target_semaphore(%run_scoped3A : memref<!tpu.dma_semaphore, #tpu.memory_space<semaphore_mem>>)
      %dma_wait3A_239 = arith.constant 0 : i32
      %dma_wait3A_240 = tpu.memref_slice %arg12[%add3A_184, %dma_wait3A_239] : memref<10240x128xf32, #tpu.memory_space<vmem_shared>> -> memref<64x128xf32, #tpu.memory_space<vmem_shared>>
      %dma_wait3A_241 = arith.constant 0 : i32
      %dma_wait3A_242 = tpu.memref_slice %arg12[%add3A_184, %dma_wait3A_241] : memref<10240x128xf32, #tpu.memory_space<vmem_shared>> -> memref<64x128xf32, #tpu.memory_space<vmem_shared>>
      tpu.wait_dma2 semaphore(%run_scoped3A : memref<!tpu.dma_semaphore, #tpu.memory_space<semaphore_mem>>) src(%arg11 : memref<64x128xf32, #tpu.memory_space<vmem>>) dst(%dma_wait3A_242 : memref<64x128xf32, #tpu.memory_space<vmem_shared>>)
      tpu.yield
    }) : () -> ()
    %mul3A_185 = arith.constant 640 : i32
    %mul3A_186 = arith.muli %arg1, %mul3A_185 : i32
    %add3A_187 = arith.constant 448 : i32
    %add3A_188 = arith.addi %mul3A_186, %add3A_187 : i32
    "tpu.region"() ({
      %run_scoped3A = tpu.sem_alloc : memref<!tpu.dma_semaphore, #tpu.memory_space<semaphore_mem>>
      %dma_start3A_235 = arith.constant 0 : i32
      %dma_start3A_236 = tpu.memref_slice %arg12[%add3A_188, %dma_start3A_235] : memref<10240x128xf32, #tpu.memory_space<vmem_shared>> -> memref<64x128xf32, #tpu.memory_space<vmem_shared>>
      %dma_start3A_237 = arith.constant 0 : i32
      %dma_start3A_238 = tpu.memref_slice %arg12[%add3A_188, %dma_start3A_237] : memref<10240x128xf32, #tpu.memory_space<vmem_shared>> -> memref<64x128xf32, #tpu.memory_space<vmem_shared>>
      tpu.enqueue_dma source(%arg11 : memref<64x128xf32, #tpu.memory_space<vmem>>) target(%dma_start3A_238 : memref<64x128xf32, #tpu.memory_space<vmem_shared>>) target_semaphore(%run_scoped3A : memref<!tpu.dma_semaphore, #tpu.memory_space<semaphore_mem>>)
      %dma_wait3A_239 = arith.constant 0 : i32
      %dma_wait3A_240 = tpu.memref_slice %arg12[%add3A_188, %dma_wait3A_239] : memref<10240x128xf32, #tpu.memory_space<vmem_shared>> -> memref<64x128xf32, #tpu.memory_space<vmem_shared>>
      %dma_wait3A_241 = arith.constant 0 : i32
      %dma_wait3A_242 = tpu.memref_slice %arg12[%add3A_188, %dma_wait3A_241] : memref<10240x128xf32, #tpu.memory_space<vmem_shared>> -> memref<64x128xf32, #tpu.memory_space<vmem_shared>>
      tpu.wait_dma2 semaphore(%run_scoped3A : memref<!tpu.dma_semaphore, #tpu.memory_space<semaphore_mem>>) src(%arg11 : memref<64x128xf32, #tpu.memory_space<vmem>>) dst(%dma_wait3A_242 : memref<64x128xf32, #tpu.memory_space<vmem_shared>>)
      tpu.yield
    }) : () -> ()
    %mul3A_189 = arith.constant 640 : i32
    %mul3A_190 = arith.muli %arg1, %mul3A_189 : i32
    %add3A_191 = arith.constant 512 : i32
    %add3A_192 = arith.addi %mul3A_190, %add3A_191 : i32
    "tpu.region"() ({
      %run_scoped3A = tpu.sem_alloc : memref<!tpu.dma_semaphore, #tpu.memory_space<semaphore_mem>>
      %dma_start3A_235 = arith.constant 0 : i32
      %dma_start3A_236 = tpu.memref_slice %arg12[%add3A_192, %dma_start3A_235] : memref<10240x128xf32, #tpu.memory_space<vmem_shared>> -> memref<64x128xf32, #tpu.memory_space<vmem_shared>>
      %dma_start3A_237 = arith.constant 0 : i32
      %dma_start3A_238 = tpu.memref_slice %arg12[%add3A_192, %dma_start3A_237] : memref<10240x128xf32, #tpu.memory_space<vmem_shared>> -> memref<64x128xf32, #tpu.memory_space<vmem_shared>>
      tpu.enqueue_dma source(%arg11 : memref<64x128xf32, #tpu.memory_space<vmem>>) target(%dma_start3A_238 : memref<64x128xf32, #tpu.memory_space<vmem_shared>>) target_semaphore(%run_scoped3A : memref<!tpu.dma_semaphore, #tpu.memory_space<semaphore_mem>>)
      %dma_wait3A_239 = arith.constant 0 : i32
      %dma_wait3A_240 = tpu.memref_slice %arg12[%add3A_192, %dma_wait3A_239] : memref<10240x128xf32, #tpu.memory_space<vmem_shared>> -> memref<64x128xf32, #tpu.memory_space<vmem_shared>>
      %dma_wait3A_241 = arith.constant 0 : i32
      %dma_wait3A_242 = tpu.memref_slice %arg12[%add3A_192, %dma_wait3A_241] : memref<10240x128xf32, #tpu.memory_space<vmem_shared>> -> memref<64x128xf32, #tpu.memory_space<vmem_shared>>
      tpu.wait_dma2 semaphore(%run_scoped3A : memref<!tpu.dma_semaphore, #tpu.memory_space<semaphore_mem>>) src(%arg11 : memref<64x128xf32, #tpu.memory_space<vmem>>) dst(%dma_wait3A_242 : memref<64x128xf32, #tpu.memory_space<vmem_shared>>)
      tpu.yield
    }) : () -> ()
    %mul3A_193 = arith.constant 640 : i32
    %mul3A_194 = arith.muli %arg1, %mul3A_193 : i32
    %add3A_195 = arith.constant 576 : i32
    %add3A_196 = arith.addi %mul3A_194, %add3A_195 : i32
    "tpu.region"() ({
      %run_scoped3A = tpu.sem_alloc : memref<!tpu.dma_semaphore, #tpu.memory_space<semaphore_mem>>
      %dma_start3A_235 = arith.constant 0 : i32
      %dma_start3A_236 = tpu.memref_slice %arg12[%add3A_196, %dma_start3A_235] : memref<10240x128xf32, #tpu.memory_space<vmem_shared>> -> memref<64x128xf32, #tpu.memory_space<vmem_shared>>
      %dma_start3A_237 = arith.constant 0 : i32
      %dma_start3A_238 = tpu.memref_slice %arg12[%add3A_196, %dma_start3A_237] : memref<10240x128xf32, #tpu.memory_space<vmem_shared>> -> memref<64x128xf32, #tpu.memory_space<vmem_shared>>
      tpu.enqueue_dma source(%arg11 : memref<64x128xf32, #tpu.memory_space<vmem>>) target(%dma_start3A_238 : memref<64x128xf32, #tpu.memory_space<vmem_shared>>) target_semaphore(%run_scoped3A : memref<!tpu.dma_semaphore, #tpu.memory_space<semaphore_mem>>)
      %dma_wait3A_239 = arith.constant 0 : i32
      %dma_wait3A_240 = tpu.memref_slice %arg12[%add3A_196, %dma_wait3A_239] : memref<10240x128xf32, #tpu.memory_space<vmem_shared>> -> memref<64x128xf32, #tpu.memory_space<vmem_shared>>
      %dma_wait3A_241 = arith.constant 0 : i32
      %dma_wait3A_242 = tpu.memref_slice %arg12[%add3A_196, %dma_wait3A_241] : memref<10240x128xf32, #tpu.memory_space<vmem_shared>> -> memref<64x128xf32, #tpu.memory_space<vmem_shared>>
      tpu.wait_dma2 semaphore(%run_scoped3A : memref<!tpu.dma_semaphore, #tpu.memory_space<semaphore_mem>>) src(%arg11 : memref<64x128xf32, #tpu.memory_space<vmem>>) dst(%dma_wait3A_242 : memref<64x128xf32, #tpu.memory_space<vmem_shared>>)
      tpu.yield
    }) : () -> ()
    %barrier3A = arith.constant 0 : index
    tpu.barrier barrier_id(%barrier3A)
    %scan3A_197 = arith.constant 0 : i32
    %scan3A_198 = arith.constant 40 : i32
    %scan3A_199 = arith.addi %scan3A_197, %scan3A_198 : i32
    %scan3A_200 = arith.constant 1 : i32
    scf.for %scan3A_235 = %scan3A_197 to %scan3A_199 step %scan3A_200  : i32 {
      %mul3A_236 = arith.constant 4 : i32
      %mul3A_237 = arith.muli %scan3A_235, %mul3A_236 : i32
      %add3A_238 = arith.constant 0 : i32
      %add3A_239 = arith.addi %add3A_238, %mul3A_237 : i32
      %add3A_240 = arith.constant 0 : i32
      %add3A_241 = arith.addi %add3A_239, %add3A_240 : i32
      %dma_wait3A_242 = arith.constant 0 : i32
      %dma_wait3A_243 = arith.constant 0 : i32
      %dma_wait3A_244 = tpu.memref_slice %arg6[%dma_wait3A_242, %dma_wait3A_243] : memref<4x64xi32, #tpu.memory_space<vmem>> -> memref<1x64xi32, #tpu.memory_space<vmem>>
      %dma_wait3A_245 = tpu.memref_squeeze %dma_wait3A_244 : memref<1x64xi32, #tpu.memory_space<vmem>> -> memref<64xi32, #tpu.memory_space<vmem>>
      %dma_wait3A_246 = arith.constant 0 : i32
      %dma_wait3A_247 = arith.constant 0 : i32
      %dma_wait3A_248 = tpu.memref_slice %arg2[%dma_wait3A_246, %dma_wait3A_247] : memref<10000x128xf32, #tpu.memory_space<hbm>> -> memref<10000x128xf32, #tpu.memory_space<hbm>>
      tpu.wait_indirect_dma semaphore(%arg13 : memref<!tpu.dma_semaphore, #tpu.memory_space<semaphore_mem>>) src(%dma_wait3A_248 : memref<10000x128xf32, #tpu.memory_space<hbm>>) dst(%arg8 : memref<64x128xf32, #tpu.memory_space<vmem>>)
      %add3A_249 = arith.constant 4 : i32
      %add3A_250 = arith.addi %add3A_241, %add3A_249 : i32
      %lt3A = arith.constant 160 : i32
      %lt3A_251 = arith.cmpi slt, %add3A_250, %lt3A : i32
      %convert_element_type3A = arith.extui %lt3A_251 : i1 to i32
      %cond3A = arith.constant 0 : i32
      %cond3A_252 = arith.cmpi ne, %convert_element_type3A, %cond3A : i32
      scf.if %cond3A_252 {
        %add3A_413 = arith.constant 4 : i32
        %add3A_414 = arith.addi %add3A_241, %add3A_413 : i32
        %dma_start3A_415 = arith.constant 0 : i32
        %dma_start3A_416 = arith.constant 0 : i32
        %dma_start3A_417 = tpu.memref_slice %arg6[%dma_start3A_415, %dma_start3A_416] : memref<4x64xi32, #tpu.memory_space<vmem>> -> memref<1x64xi32, #tpu.memory_space<vmem>>
        %dma_start3A_418 = tpu.memref_squeeze %dma_start3A_417 : memref<1x64xi32, #tpu.memory_space<vmem>> -> memref<64xi32, #tpu.memory_space<vmem>>
        %dma_start3A_419 = arith.constant 0 : i32
        %dma_start3A_420 = tpu.memref_slice %arg3[%add3A, %add3A_414, %dma_start3A_419] : memref<32x160x64xi32, #tpu.memory_space<hbm>> -> memref<1x1x64xi32, #tpu.memory_space<hbm>>
        %dma_start3A_421 = tpu.memref_squeeze %dma_start3A_420 : memref<1x1x64xi32, #tpu.memory_space<hbm>> -> memref<64xi32, #tpu.memory_space<hbm>>
        %dma_start3A_422 = arith.constant 0 : i32
        %dma_start3A_423 = tpu.memref_slice %arg6[%dma_start3A_415, %dma_start3A_422] : memref<4x64xi32, #tpu.memory_space<vmem>> -> memref<1x64xi32, #tpu.memory_space<vmem>>
        %dma_start3A_424 = tpu.memref_squeeze %dma_start3A_423 : memref<1x64xi32, #tpu.memory_space<vmem>> -> memref<64xi32, #tpu.memory_space<vmem>>
        %dma_start3A_425 = arith.constant 0 : i32
        %dma_start3A_426 = tpu.memref_slice %arg3[%add3A, %add3A_414, %dma_start3A_425] : memref<32x160x64xi32, #tpu.memory_space<hbm>> -> memref<1x1x64xi32, #tpu.memory_space<hbm>>
        %dma_start3A_427 = tpu.memref_squeeze %dma_start3A_426 : memref<1x1x64xi32, #tpu.memory_space<hbm>> -> memref<64xi32, #tpu.memory_space<hbm>>
        tpu.enqueue_dma source(%dma_start3A_427 : memref<64xi32, #tpu.memory_space<hbm>>) target(%dma_start3A_424 : memref<64xi32, #tpu.memory_space<vmem>>) target_semaphore(%arg17 : memref<!tpu.dma_semaphore, #tpu.memory_space<semaphore_mem>>)
      } else {
      }
      %dma_wait3A_253 = arith.constant 0 : i32
      %dma_wait3A_254 = arith.constant 0 : i32
      %dma_wait3A_255 = arith.constant 0 : i32
      %dma_wait3A_256 = tpu.memref_slice %arg7[%dma_wait3A_254, %dma_wait3A_255] : memref<4x64xi32, #tpu.memory_space<vmem>> -> memref<1x64xi32, #tpu.memory_space<vmem>>
      %dma_wait3A_257 = tpu.memref_squeeze %dma_wait3A_256 : memref<1x64xi32, #tpu.memory_space<vmem>> -> memref<64xi32, #tpu.memory_space<vmem>>
      %dma_wait3A_258 = arith.constant 0 : i32
      %dma_wait3A_259 = tpu.memref_slice %arg4[%add3A, %dma_wait3A_253, %dma_wait3A_258] : memref<32x160x64xi32, #tpu.memory_space<hbm>> -> memref<1x1x64xi32, #tpu.memory_space<hbm>>
      %dma_wait3A_260 = tpu.memref_squeeze %dma_wait3A_259 : memref<1x1x64xi32, #tpu.memory_space<hbm>> -> memref<64xi32, #tpu.memory_space<hbm>>
      %dma_wait3A_261 = arith.constant 0 : i32
      %dma_wait3A_262 = tpu.memref_slice %arg7[%dma_wait3A_254, %dma_wait3A_261] : memref<4x64xi32, #tpu.memory_space<vmem>> -> memref<1x64xi32, #tpu.memory_space<vmem>>
      %dma_wait3A_263 = tpu.memref_squeeze %dma_wait3A_262 : memref<1x64xi32, #tpu.memory_space<vmem>> -> memref<64xi32, #tpu.memory_space<vmem>>
      %dma_wait3A_264 = arith.constant 0 : i32
      %dma_wait3A_265 = tpu.memref_slice %arg4[%add3A, %dma_wait3A_253, %dma_wait3A_264] : memref<32x160x64xi32, #tpu.memory_space<hbm>> -> memref<1x1x64xi32, #tpu.memory_space<hbm>>
      %dma_wait3A_266 = tpu.memref_squeeze %dma_wait3A_265 : memref<1x1x64xi32, #tpu.memory_space<hbm>> -> memref<64xi32, #tpu.memory_space<hbm>>
      tpu.wait_dma2 semaphore(%arg25 : memref<!tpu.dma_semaphore, #tpu.memory_space<semaphore_mem>>) src(%dma_wait3A_266 : memref<64xi32, #tpu.memory_space<hbm>>) dst(%dma_wait3A_263 : memref<64xi32, #tpu.memory_space<vmem>>)
      %dma_start3A_267 = arith.constant 0 : i32
      %dma_start3A_268 = arith.constant 0 : i32
      %dma_start3A_269 = tpu.memref_slice %arg7[%dma_start3A_267, %dma_start3A_268] : memref<4x64xi32, #tpu.memory_space<vmem>> -> memref<1x64xi32, #tpu.memory_space<vmem>>
      %dma_start3A_270 = tpu.memref_squeeze %dma_start3A_269 : memref<1x64xi32, #tpu.memory_space<vmem>> -> memref<64xi32, #tpu.memory_space<vmem>>
      %dma_start3A_271 = arith.constant 0 : i32
      %dma_start3A_272 = arith.constant 0 : i32
      %dma_start3A_273 = tpu.memref_slice %arg12[%dma_start3A_271, %dma_start3A_272] : memref<10240x128xf32, #tpu.memory_space<vmem_shared>> -> memref<10240x128xf32, #tpu.memory_space<vmem_shared>>
      tpu.enqueue_indirect_dma source(%arg8 : memref<64x128xf32, #tpu.memory_space<vmem>>) target(%dma_start3A_273 : memref<10240x128xf32, #tpu.memory_space<vmem_shared>>) offsets(%dma_start3A_270 : memref<64xi32, #tpu.memory_space<vmem>>) semaphore(%arg21 : memref<!tpu.dma_semaphore, #tpu.memory_space<semaphore_mem>>) {add = true}
      %add3A_274 = arith.constant 2 : i32
      %add3A_275 = arith.addi %add3A_241, %add3A_274 : i32
      %lt3A_276 = arith.constant 160 : i32
      %lt3A_277 = arith.cmpi slt, %add3A_275, %lt3A_276 : i32
      %convert_element_type3A_278 = arith.extui %lt3A_277 : i1 to i32
      %cond3A_279 = arith.constant 0 : i32
      %cond3A_280 = arith.cmpi ne, %convert_element_type3A_278, %cond3A_279 : i32
      scf.if %cond3A_280 {
        %ge3A = arith.constant 2 : i32
        %ge3A_413 = arith.cmpi sge, %add3A_241, %ge3A : i32
        %convert_element_type3A_414 = arith.extui %ge3A_413 : i1 to i32
        %cond3A_415 = arith.constant 0 : i32
        %cond3A_416 = arith.cmpi ne, %convert_element_type3A_414, %cond3A_415 : i32
        scf.if %cond3A_416 {
          %dma_wait3A_438 = arith.constant 2 : i32
          %dma_wait3A_439 = arith.constant 0 : i32
          %dma_wait3A_440 = tpu.memref_slice %arg7[%dma_wait3A_438, %dma_wait3A_439] : memref<4x64xi32, #tpu.memory_space<vmem>> -> memref<1x64xi32, #tpu.memory_space<vmem>>
          %dma_wait3A_441 = tpu.memref_squeeze %dma_wait3A_440 : memref<1x64xi32, #tpu.memory_space<vmem>> -> memref<64xi32, #tpu.memory_space<vmem>>
          %dma_wait3A_442 = arith.constant 0 : i32
          %dma_wait3A_443 = arith.constant 0 : i32
          %dma_wait3A_444 = tpu.memref_slice %arg12[%dma_wait3A_442, %dma_wait3A_443] : memref<10240x128xf32, #tpu.memory_space<vmem_shared>> -> memref<10240x128xf32, #tpu.memory_space<vmem_shared>>
          tpu.wait_indirect_dma semaphore(%arg23 : memref<!tpu.dma_semaphore, #tpu.memory_space<semaphore_mem>>) src(%arg10 : memref<64x128xf32, #tpu.memory_space<vmem>>) dst(%dma_wait3A_444 : memref<10240x128xf32, #tpu.memory_space<vmem_shared>>)
          %add3A_445 = arith.constant 2 : i32
          %add3A_446 = arith.addi %add3A_241, %add3A_445 : i32
          %dma_start3A_447 = arith.constant 2 : i32
          %dma_start3A_448 = arith.constant 0 : i32
          %dma_start3A_449 = tpu.memref_slice %arg7[%dma_start3A_447, %dma_start3A_448] : memref<4x64xi32, #tpu.memory_space<vmem>> -> memref<1x64xi32, #tpu.memory_space<vmem>>
          %dma_start3A_450 = tpu.memref_squeeze %dma_start3A_449 : memref<1x64xi32, #tpu.memory_space<vmem>> -> memref<64xi32, #tpu.memory_space<vmem>>
          %dma_start3A_451 = arith.constant 0 : i32
          %dma_start3A_452 = tpu.memref_slice %arg4[%add3A, %add3A_446, %dma_start3A_451] : memref<32x160x64xi32, #tpu.memory_space<hbm>> -> memref<1x1x64xi32, #tpu.memory_space<hbm>>
          %dma_start3A_453 = tpu.memref_squeeze %dma_start3A_452 : memref<1x1x64xi32, #tpu.memory_space<hbm>> -> memref<64xi32, #tpu.memory_space<hbm>>
          %dma_start3A_454 = arith.constant 0 : i32
          %dma_start3A_455 = tpu.memref_slice %arg7[%dma_start3A_447, %dma_start3A_454] : memref<4x64xi32, #tpu.memory_space<vmem>> -> memref<1x64xi32, #tpu.memory_space<vmem>>
          %dma_start3A_456 = tpu.memref_squeeze %dma_start3A_455 : memref<1x64xi32, #tpu.memory_space<vmem>> -> memref<64xi32, #tpu.memory_space<vmem>>
          %dma_start3A_457 = arith.constant 0 : i32
          %dma_start3A_458 = tpu.memref_slice %arg4[%add3A, %add3A_446, %dma_start3A_457] : memref<32x160x64xi32, #tpu.memory_space<hbm>> -> memref<1x1x64xi32, #tpu.memory_space<hbm>>
          %dma_start3A_459 = tpu.memref_squeeze %dma_start3A_458 : memref<1x1x64xi32, #tpu.memory_space<hbm>> -> memref<64xi32, #tpu.memory_space<hbm>>
          tpu.enqueue_dma source(%dma_start3A_459 : memref<64xi32, #tpu.memory_space<hbm>>) target(%dma_start3A_456 : memref<64xi32, #tpu.memory_space<vmem>>) target_semaphore(%arg27 : memref<!tpu.dma_semaphore, #tpu.memory_space<semaphore_mem>>)
        } else {
        }
        %dma_wait3A_417 = arith.constant 0 : i32
        %dma_wait3A_418 = arith.constant 2 : i32
        %dma_wait3A_419 = arith.constant 0 : i32
        %dma_wait3A_420 = tpu.memref_slice %arg6[%dma_wait3A_418, %dma_wait3A_419] : memref<4x64xi32, #tpu.memory_space<vmem>> -> memref<1x64xi32, #tpu.memory_space<vmem>>
        %dma_wait3A_421 = tpu.memref_squeeze %dma_wait3A_420 : memref<1x64xi32, #tpu.memory_space<vmem>> -> memref<64xi32, #tpu.memory_space<vmem>>
        %dma_wait3A_422 = arith.constant 0 : i32
        %dma_wait3A_423 = tpu.memref_slice %arg3[%add3A, %dma_wait3A_417, %dma_wait3A_422] : memref<32x160x64xi32, #tpu.memory_space<hbm>> -> memref<1x1x64xi32, #tpu.memory_space<hbm>>
        %dma_wait3A_424 = tpu.memref_squeeze %dma_wait3A_423 : memref<1x1x64xi32, #tpu.memory_space<hbm>> -> memref<64xi32, #tpu.memory_space<hbm>>
        %dma_wait3A_425 = arith.constant 0 : i32
        %dma_wait3A_426 = tpu.memref_slice %arg6[%dma_wait3A_418, %dma_wait3A_425] : memref<4x64xi32, #tpu.memory_space<vmem>> -> memref<1x64xi32, #tpu.memory_space<vmem>>
        %dma_wait3A_427 = tpu.memref_squeeze %dma_wait3A_426 : memref<1x64xi32, #tpu.memory_space<vmem>> -> memref<64xi32, #tpu.memory_space<vmem>>
        %dma_wait3A_428 = arith.constant 0 : i32
        %dma_wait3A_429 = tpu.memref_slice %arg3[%add3A, %dma_wait3A_417, %dma_wait3A_428] : memref<32x160x64xi32, #tpu.memory_space<hbm>> -> memref<1x1x64xi32, #tpu.memory_space<hbm>>
        %dma_wait3A_430 = tpu.memref_squeeze %dma_wait3A_429 : memref<1x1x64xi32, #tpu.memory_space<hbm>> -> memref<64xi32, #tpu.memory_space<hbm>>
        tpu.wait_dma2 semaphore(%arg19 : memref<!tpu.dma_semaphore, #tpu.memory_space<semaphore_mem>>) src(%dma_wait3A_430 : memref<64xi32, #tpu.memory_space<hbm>>) dst(%dma_wait3A_427 : memref<64xi32, #tpu.memory_space<vmem>>)
        %dma_start3A_431 = arith.constant 2 : i32
        %dma_start3A_432 = arith.constant 0 : i32
        %dma_start3A_433 = tpu.memref_slice %arg6[%dma_start3A_431, %dma_start3A_432] : memref<4x64xi32, #tpu.memory_space<vmem>> -> memref<1x64xi32, #tpu.memory_space<vmem>>
        %dma_start3A_434 = tpu.memref_squeeze %dma_start3A_433 : memref<1x64xi32, #tpu.memory_space<vmem>> -> memref<64xi32, #tpu.memory_space<vmem>>
        %dma_start3A_435 = arith.constant 0 : i32
        %dma_start3A_436 = arith.constant 0 : i32
        %dma_start3A_437 = tpu.memref_slice %arg2[%dma_start3A_435, %dma_start3A_436] : memref<10000x128xf32, #tpu.memory_space<hbm>> -> memref<10000x128xf32, #tpu.memory_space<hbm>>
        tpu.enqueue_indirect_dma source(%dma_start3A_437 : memref<10000x128xf32, #tpu.memory_space<hbm>>) target(%arg10 : memref<64x128xf32, #tpu.memory_space<vmem>>) offsets(%dma_start3A_434 : memref<64xi32, #tpu.memory_space<vmem>>) semaphore(%arg15 : memref<!tpu.dma_semaphore, #tpu.memory_space<semaphore_mem>>)
      } else {
      }
      %add3A_281 = arith.constant 1 : i32
      %add3A_282 = arith.addi %add3A_239, %add3A_281 : i32
      %dma_wait3A_283 = arith.constant 1 : i32
      %dma_wait3A_284 = arith.constant 0 : i32
      %dma_wait3A_285 = tpu.memref_slice %arg6[%dma_wait3A_283, %dma_wait3A_284] : memref<4x64xi32, #tpu.memory_space<vmem>> -> memref<1x64xi32, #tpu.memory_space<vmem>>
      %dma_wait3A_286 = tpu.memref_squeeze %dma_wait3A_285 : memref<1x64xi32, #tpu.memory_space<vmem>> -> memref<64xi32, #tpu.memory_space<vmem>>
      %dma_wait3A_287 = arith.constant 0 : i32
      %dma_wait3A_288 = arith.constant 0 : i32
      %dma_wait3A_289 = tpu.memref_slice %arg2[%dma_wait3A_287, %dma_wait3A_288] : memref<10000x128xf32, #tpu.memory_space<hbm>> -> memref<10000x128xf32, #tpu.memory_space<hbm>>
      tpu.wait_indirect_dma semaphore(%arg14 : memref<!tpu.dma_semaphore, #tpu.memory_space<semaphore_mem>>) src(%dma_wait3A_289 : memref<10000x128xf32, #tpu.memory_space<hbm>>) dst(%arg9 : memref<64x128xf32, #tpu.memory_space<vmem>>)
      %add3A_290 = arith.constant 4 : i32
      %add3A_291 = arith.addi %add3A_282, %add3A_290 : i32
      %lt3A_292 = arith.constant 160 : i32
      %lt3A_293 = arith.cmpi slt, %add3A_291, %lt3A_292 : i32
      %convert_element_type3A_294 = arith.extui %lt3A_293 : i1 to i32
      %cond3A_295 = arith.constant 0 : i32
      %cond3A_296 = arith.cmpi ne, %convert_element_type3A_294, %cond3A_295 : i32
      scf.if %cond3A_296 {
        %add3A_413 = arith.constant 4 : i32
        %add3A_414 = arith.addi %add3A_282, %add3A_413 : i32
        %dma_start3A_415 = arith.constant 1 : i32
        %dma_start3A_416 = arith.constant 0 : i32
        %dma_start3A_417 = tpu.memref_slice %arg6[%dma_start3A_415, %dma_start3A_416] : memref<4x64xi32, #tpu.memory_space<vmem>> -> memref<1x64xi32, #tpu.memory_space<vmem>>
        %dma_start3A_418 = tpu.memref_squeeze %dma_start3A_417 : memref<1x64xi32, #tpu.memory_space<vmem>> -> memref<64xi32, #tpu.memory_space<vmem>>
        %dma_start3A_419 = arith.constant 0 : i32
        %dma_start3A_420 = tpu.memref_slice %arg3[%add3A, %add3A_414, %dma_start3A_419] : memref<32x160x64xi32, #tpu.memory_space<hbm>> -> memref<1x1x64xi32, #tpu.memory_space<hbm>>
        %dma_start3A_421 = tpu.memref_squeeze %dma_start3A_420 : memref<1x1x64xi32, #tpu.memory_space<hbm>> -> memref<64xi32, #tpu.memory_space<hbm>>
        %dma_start3A_422 = arith.constant 0 : i32
        %dma_start3A_423 = tpu.memref_slice %arg6[%dma_start3A_415, %dma_start3A_422] : memref<4x64xi32, #tpu.memory_space<vmem>> -> memref<1x64xi32, #tpu.memory_space<vmem>>
        %dma_start3A_424 = tpu.memref_squeeze %dma_start3A_423 : memref<1x64xi32, #tpu.memory_space<vmem>> -> memref<64xi32, #tpu.memory_space<vmem>>
        %dma_start3A_425 = arith.constant 0 : i32
        %dma_start3A_426 = tpu.memref_slice %arg3[%add3A, %add3A_414, %dma_start3A_425] : memref<32x160x64xi32, #tpu.memory_space<hbm>> -> memref<1x1x64xi32, #tpu.memory_space<hbm>>
        %dma_start3A_427 = tpu.memref_squeeze %dma_start3A_426 : memref<1x1x64xi32, #tpu.memory_space<hbm>> -> memref<64xi32, #tpu.memory_space<hbm>>
        tpu.enqueue_dma source(%dma_start3A_427 : memref<64xi32, #tpu.memory_space<hbm>>) target(%dma_start3A_424 : memref<64xi32, #tpu.memory_space<vmem>>) target_semaphore(%arg18 : memref<!tpu.dma_semaphore, #tpu.memory_space<semaphore_mem>>)
      } else {
      }
      %dma_wait3A_297 = arith.constant 0 : i32
      %dma_wait3A_298 = arith.constant 1 : i32
      %dma_wait3A_299 = arith.constant 0 : i32
      %dma_wait3A_300 = tpu.memref_slice %arg7[%dma_wait3A_298, %dma_wait3A_299] : memref<4x64xi32, #tpu.memory_space<vmem>> -> memref<1x64xi32, #tpu.memory_space<vmem>>
      %dma_wait3A_301 = tpu.memref_squeeze %dma_wait3A_300 : memref<1x64xi32, #tpu.memory_space<vmem>> -> memref<64xi32, #tpu.memory_space<vmem>>
      %dma_wait3A_302 = arith.constant 0 : i32
      %dma_wait3A_303 = tpu.memref_slice %arg4[%add3A, %dma_wait3A_297, %dma_wait3A_302] : memref<32x160x64xi32, #tpu.memory_space<hbm>> -> memref<1x1x64xi32, #tpu.memory_space<hbm>>
      %dma_wait3A_304 = tpu.memref_squeeze %dma_wait3A_303 : memref<1x1x64xi32, #tpu.memory_space<hbm>> -> memref<64xi32, #tpu.memory_space<hbm>>
      %dma_wait3A_305 = arith.constant 0 : i32
      %dma_wait3A_306 = tpu.memref_slice %arg7[%dma_wait3A_298, %dma_wait3A_305] : memref<4x64xi32, #tpu.memory_space<vmem>> -> memref<1x64xi32, #tpu.memory_space<vmem>>
      %dma_wait3A_307 = tpu.memref_squeeze %dma_wait3A_306 : memref<1x64xi32, #tpu.memory_space<vmem>> -> memref<64xi32, #tpu.memory_space<vmem>>
      %dma_wait3A_308 = arith.constant 0 : i32
      %dma_wait3A_309 = tpu.memref_slice %arg4[%add3A, %dma_wait3A_297, %dma_wait3A_308] : memref<32x160x64xi32, #tpu.memory_space<hbm>> -> memref<1x1x64xi32, #tpu.memory_space<hbm>>
      %dma_wait3A_310 = tpu.memref_squeeze %dma_wait3A_309 : memref<1x1x64xi32, #tpu.memory_space<hbm>> -> memref<64xi32, #tpu.memory_space<hbm>>
      tpu.wait_dma2 semaphore(%arg26 : memref<!tpu.dma_semaphore, #tpu.memory_space<semaphore_mem>>) src(%dma_wait3A_310 : memref<64xi32, #tpu.memory_space<hbm>>) dst(%dma_wait3A_307 : memref<64xi32, #tpu.memory_space<vmem>>)
      %dma_start3A_311 = arith.constant 1 : i32
      %dma_start3A_312 = arith.constant 0 : i32
      %dma_start3A_313 = tpu.memref_slice %arg7[%dma_start3A_311, %dma_start3A_312] : memref<4x64xi32, #tpu.memory_space<vmem>> -> memref<1x64xi32, #tpu.memory_space<vmem>>
      %dma_start3A_314 = tpu.memref_squeeze %dma_start3A_313 : memref<1x64xi32, #tpu.memory_space<vmem>> -> memref<64xi32, #tpu.memory_space<vmem>>
      %dma_start3A_315 = arith.constant 0 : i32
      %dma_start3A_316 = arith.constant 0 : i32
      %dma_start3A_317 = tpu.memref_slice %arg12[%dma_start3A_315, %dma_start3A_316] : memref<10240x128xf32, #tpu.memory_space<vmem_shared>> -> memref<10240x128xf32, #tpu.memory_space<vmem_shared>>
      tpu.enqueue_indirect_dma source(%arg9 : memref<64x128xf32, #tpu.memory_space<vmem>>) target(%dma_start3A_317 : memref<10240x128xf32, #tpu.memory_space<vmem_shared>>) offsets(%dma_start3A_314 : memref<64xi32, #tpu.memory_space<vmem>>) semaphore(%arg22 : memref<!tpu.dma_semaphore, #tpu.memory_space<semaphore_mem>>) {add = true}
      %add3A_318 = arith.constant 2 : i32
      %add3A_319 = arith.addi %add3A_282, %add3A_318 : i32
      %lt3A_320 = arith.constant 160 : i32
      %lt3A_321 = arith.cmpi slt, %add3A_319, %lt3A_320 : i32
      %convert_element_type3A_322 = arith.extui %lt3A_321 : i1 to i32
      %cond3A_323 = arith.constant 0 : i32
      %cond3A_324 = arith.cmpi ne, %convert_element_type3A_322, %cond3A_323 : i32
      scf.if %cond3A_324 {
        %ge3A = arith.constant 2 : i32
        %ge3A_413 = arith.cmpi sge, %add3A_282, %ge3A : i32
        %convert_element_type3A_414 = arith.extui %ge3A_413 : i1 to i32
        %cond3A_415 = arith.constant 0 : i32
        %cond3A_416 = arith.cmpi ne, %convert_element_type3A_414, %cond3A_415 : i32
        scf.if %cond3A_416 {
          %dma_wait3A_438 = arith.constant 3 : i32
          %dma_wait3A_439 = arith.constant 0 : i32
          %dma_wait3A_440 = tpu.memref_slice %arg7[%dma_wait3A_438, %dma_wait3A_439] : memref<4x64xi32, #tpu.memory_space<vmem>> -> memref<1x64xi32, #tpu.memory_space<vmem>>
          %dma_wait3A_441 = tpu.memref_squeeze %dma_wait3A_440 : memref<1x64xi32, #tpu.memory_space<vmem>> -> memref<64xi32, #tpu.memory_space<vmem>>
          %dma_wait3A_442 = arith.constant 0 : i32
          %dma_wait3A_443 = arith.constant 0 : i32
          %dma_wait3A_444 = tpu.memref_slice %arg12[%dma_wait3A_442, %dma_wait3A_443] : memref<10240x128xf32, #tpu.memory_space<vmem_shared>> -> memref<10240x128xf32, #tpu.memory_space<vmem_shared>>
          tpu.wait_indirect_dma semaphore(%arg24 : memref<!tpu.dma_semaphore, #tpu.memory_space<semaphore_mem>>) src(%arg11 : memref<64x128xf32, #tpu.memory_space<vmem>>) dst(%dma_wait3A_444 : memref<10240x128xf32, #tpu.memory_space<vmem_shared>>)
          %add3A_445 = arith.constant 2 : i32
          %add3A_446 = arith.addi %add3A_282, %add3A_445 : i32
          %dma_start3A_447 = arith.constant 3 : i32
          %dma_start3A_448 = arith.constant 0 : i32
          %dma_start3A_449 = tpu.memref_slice %arg7[%dma_start3A_447, %dma_start3A_448] : memref<4x64xi32, #tpu.memory_space<vmem>> -> memref<1x64xi32, #tpu.memory_space<vmem>>
          %dma_start3A_450 = tpu.memref_squeeze %dma_start3A_449 : memref<1x64xi32, #tpu.memory_space<vmem>> -> memref<64xi32, #tpu.memory_space<vmem>>
          %dma_start3A_451 = arith.constant 0 : i32
          %dma_start3A_452 = tpu.memref_slice %arg4[%add3A, %add3A_446, %dma_start3A_451] : memref<32x160x64xi32, #tpu.memory_space<hbm>> -> memref<1x1x64xi32, #tpu.memory_space<hbm>>
          %dma_start3A_453 = tpu.memref_squeeze %dma_start3A_452 : memref<1x1x64xi32, #tpu.memory_space<hbm>> -> memref<64xi32, #tpu.memory_space<hbm>>
          %dma_start3A_454 = arith.constant 0 : i32
          %dma_start3A_455 = tpu.memref_slice %arg7[%dma_start3A_447, %dma_start3A_454] : memref<4x64xi32, #tpu.memory_space<vmem>> -> memref<1x64xi32, #tpu.memory_space<vmem>>
          %dma_start3A_456 = tpu.memref_squeeze %dma_start3A_455 : memref<1x64xi32, #tpu.memory_space<vmem>> -> memref<64xi32, #tpu.memory_space<vmem>>
          %dma_start3A_457 = arith.constant 0 : i32
          %dma_start3A_458 = tpu.memref_slice %arg4[%add3A, %add3A_446, %dma_start3A_457] : memref<32x160x64xi32, #tpu.memory_space<hbm>> -> memref<1x1x64xi32, #tpu.memory_space<hbm>>
          %dma_start3A_459 = tpu.memref_squeeze %dma_start3A_458 : memref<1x1x64xi32, #tpu.memory_space<hbm>> -> memref<64xi32, #tpu.memory_space<hbm>>
          tpu.enqueue_dma source(%dma_start3A_459 : memref<64xi32, #tpu.memory_space<hbm>>) target(%dma_start3A_456 : memref<64xi32, #tpu.memory_space<vmem>>) target_semaphore(%arg28 : memref<!tpu.dma_semaphore, #tpu.memory_space<semaphore_mem>>)
        } else {
        }
        %dma_wait3A_417 = arith.constant 0 : i32
        %dma_wait3A_418 = arith.constant 3 : i32
        %dma_wait3A_419 = arith.constant 0 : i32
        %dma_wait3A_420 = tpu.memref_slice %arg6[%dma_wait3A_418, %dma_wait3A_419] : memref<4x64xi32, #tpu.memory_space<vmem>> -> memref<1x64xi32, #tpu.memory_space<vmem>>
        %dma_wait3A_421 = tpu.memref_squeeze %dma_wait3A_420 : memref<1x64xi32, #tpu.memory_space<vmem>> -> memref<64xi32, #tpu.memory_space<vmem>>
        %dma_wait3A_422 = arith.constant 0 : i32
        %dma_wait3A_423 = tpu.memref_slice %arg3[%add3A, %dma_wait3A_417, %dma_wait3A_422] : memref<32x160x64xi32, #tpu.memory_space<hbm>> -> memref<1x1x64xi32, #tpu.memory_space<hbm>>
        %dma_wait3A_424 = tpu.memref_squeeze %dma_wait3A_423 : memref<1x1x64xi32, #tpu.memory_space<hbm>> -> memref<64xi32, #tpu.memory_space<hbm>>
        %dma_wait3A_425 = arith.constant 0 : i32
        %dma_wait3A_426 = tpu.memref_slice %arg6[%dma_wait3A_418, %dma_wait3A_425] : memref<4x64xi32, #tpu.memory_space<vmem>> -> memref<1x64xi32, #tpu.memory_space<vmem>>
        %dma_wait3A_427 = tpu.memref_squeeze %dma_wait3A_426 : memref<1x64xi32, #tpu.memory_space<vmem>> -> memref<64xi32, #tpu.memory_space<vmem>>
        %dma_wait3A_428 = arith.constant 0 : i32
        %dma_wait3A_429 = tpu.memref_slice %arg3[%add3A, %dma_wait3A_417, %dma_wait3A_428] : memref<32x160x64xi32, #tpu.memory_space<hbm>> -> memref<1x1x64xi32, #tpu.memory_space<hbm>>
        %dma_wait3A_430 = tpu.memref_squeeze %dma_wait3A_429 : memref<1x1x64xi32, #tpu.memory_space<hbm>> -> memref<64xi32, #tpu.memory_space<hbm>>
        tpu.wait_dma2 semaphore(%arg20 : memref<!tpu.dma_semaphore, #tpu.memory_space<semaphore_mem>>) src(%dma_wait3A_430 : memref<64xi32, #tpu.memory_space<hbm>>) dst(%dma_wait3A_427 : memref<64xi32, #tpu.memory_space<vmem>>)
        %dma_start3A_431 = arith.constant 3 : i32
        %dma_start3A_432 = arith.constant 0 : i32
        %dma_start3A_433 = tpu.memref_slice %arg6[%dma_start3A_431, %dma_start3A_432] : memref<4x64xi32, #tpu.memory_space<vmem>> -> memref<1x64xi32, #tpu.memory_space<vmem>>
        %dma_start3A_434 = tpu.memref_squeeze %dma_start3A_433 : memref<1x64xi32, #tpu.memory_space<vmem>> -> memref<64xi32, #tpu.memory_space<vmem>>
        %dma_start3A_435 = arith.constant 0 : i32
        %dma_start3A_436 = arith.constant 0 : i32
        %dma_start3A_437 = tpu.memref_slice %arg2[%dma_start3A_435, %dma_start3A_436] : memref<10000x128xf32, #tpu.memory_space<hbm>> -> memref<10000x128xf32, #tpu.memory_space<hbm>>
        tpu.enqueue_indirect_dma source(%dma_start3A_437 : memref<10000x128xf32, #tpu.memory_space<hbm>>) target(%arg11 : memref<64x128xf32, #tpu.memory_space<vmem>>) offsets(%dma_start3A_434 : memref<64xi32, #tpu.memory_space<vmem>>) semaphore(%arg16 : memref<!tpu.dma_semaphore, #tpu.memory_space<semaphore_mem>>)
      } else {
      }
      %add3A_325 = arith.constant 2 : i32
      %add3A_326 = arith.addi %add3A_239, %add3A_325 : i32
      %dma_wait3A_327 = arith.constant 2 : i32
      %dma_wait3A_328 = arith.constant 0 : i32
      %dma_wait3A_329 = tpu.memref_slice %arg6[%dma_wait3A_327, %dma_wait3A_328] : memref<4x64xi32, #tpu.memory_space<vmem>> -> memref<1x64xi32, #tpu.memory_space<vmem>>
      %dma_wait3A_330 = tpu.memref_squeeze %dma_wait3A_329 : memref<1x64xi32, #tpu.memory_space<vmem>> -> memref<64xi32, #tpu.memory_space<vmem>>
      %dma_wait3A_331 = arith.constant 0 : i32
      %dma_wait3A_332 = arith.constant 0 : i32
      %dma_wait3A_333 = tpu.memref_slice %arg2[%dma_wait3A_331, %dma_wait3A_332] : memref<10000x128xf32, #tpu.memory_space<hbm>> -> memref<10000x128xf32, #tpu.memory_space<hbm>>
      tpu.wait_indirect_dma semaphore(%arg15 : memref<!tpu.dma_semaphore, #tpu.memory_space<semaphore_mem>>) src(%dma_wait3A_333 : memref<10000x128xf32, #tpu.memory_space<hbm>>) dst(%arg10 : memref<64x128xf32, #tpu.memory_space<vmem>>)
      %add3A_334 = arith.constant 4 : i32
      %add3A_335 = arith.addi %add3A_326, %add3A_334 : i32
      %lt3A_336 = arith.constant 160 : i32
      %lt3A_337 = arith.cmpi slt, %add3A_335, %lt3A_336 : i32
      %convert_element_type3A_338 = arith.extui %lt3A_337 : i1 to i32
      %cond3A_339 = arith.constant 0 : i32
      %cond3A_340 = arith.cmpi ne, %convert_element_type3A_338, %cond3A_339 : i32
      scf.if %cond3A_340 {
        %add3A_413 = arith.constant 4 : i32
        %add3A_414 = arith.addi %add3A_326, %add3A_413 : i32
        %dma_start3A_415 = arith.constant 2 : i32
        %dma_start3A_416 = arith.constant 0 : i32
        %dma_start3A_417 = tpu.memref_slice %arg6[%dma_start3A_415, %dma_start3A_416] : memref<4x64xi32, #tpu.memory_space<vmem>> -> memref<1x64xi32, #tpu.memory_space<vmem>>
        %dma_start3A_418 = tpu.memref_squeeze %dma_start3A_417 : memref<1x64xi32, #tpu.memory_space<vmem>> -> memref<64xi32, #tpu.memory_space<vmem>>
        %dma_start3A_419 = arith.constant 0 : i32
        %dma_start3A_420 = tpu.memref_slice %arg3[%add3A, %add3A_414, %dma_start3A_419] : memref<32x160x64xi32, #tpu.memory_space<hbm>> -> memref<1x1x64xi32, #tpu.memory_space<hbm>>
        %dma_start3A_421 = tpu.memref_squeeze %dma_start3A_420 : memref<1x1x64xi32, #tpu.memory_space<hbm>> -> memref<64xi32, #tpu.memory_space<hbm>>
        %dma_start3A_422 = arith.constant 0 : i32
        %dma_start3A_423 = tpu.memref_slice %arg6[%dma_start3A_415, %dma_start3A_422] : memref<4x64xi32, #tpu.memory_space<vmem>> -> memref<1x64xi32, #tpu.memory_space<vmem>>
        %dma_start3A_424 = tpu.memref_squeeze %dma_start3A_423 : memref<1x64xi32, #tpu.memory_space<vmem>> -> memref<64xi32, #tpu.memory_space<vmem>>
        %dma_start3A_425 = arith.constant 0 : i32
        %dma_start3A_426 = tpu.memref_slice %arg3[%add3A, %add3A_414, %dma_start3A_425] : memref<32x160x64xi32, #tpu.memory_space<hbm>> -> memref<1x1x64xi32, #tpu.memory_space<hbm>>
        %dma_start3A_427 = tpu.memref_squeeze %dma_start3A_426 : memref<1x1x64xi32, #tpu.memory_space<hbm>> -> memref<64xi32, #tpu.memory_space<hbm>>
        tpu.enqueue_dma source(%dma_start3A_427 : memref<64xi32, #tpu.memory_space<hbm>>) target(%dma_start3A_424 : memref<64xi32, #tpu.memory_space<vmem>>) target_semaphore(%arg19 : memref<!tpu.dma_semaphore, #tpu.memory_space<semaphore_mem>>)
      } else {
      }
      %dma_wait3A_341 = arith.constant 0 : i32
      %dma_wait3A_342 = arith.constant 2 : i32
      %dma_wait3A_343 = arith.constant 0 : i32
      %dma_wait3A_344 = tpu.memref_slice %arg7[%dma_wait3A_342, %dma_wait3A_343] : memref<4x64xi32, #tpu.memory_space<vmem>> -> memref<1x64xi32, #tpu.memory_space<vmem>>
      %dma_wait3A_345 = tpu.memref_squeeze %dma_wait3A_344 : memref<1x64xi32, #tpu.memory_space<vmem>> -> memref<64xi32, #tpu.memory_space<vmem>>
      %dma_wait3A_346 = arith.constant 0 : i32
      %dma_wait3A_347 = tpu.memref_slice %arg4[%add3A, %dma_wait3A_341, %dma_wait3A_346] : memref<32x160x64xi32, #tpu.memory_space<hbm>> -> memref<1x1x64xi32, #tpu.memory_space<hbm>>
      %dma_wait3A_348 = tpu.memref_squeeze %dma_wait3A_347 : memref<1x1x64xi32, #tpu.memory_space<hbm>> -> memref<64xi32, #tpu.memory_space<hbm>>
      %dma_wait3A_349 = arith.constant 0 : i32
      %dma_wait3A_350 = tpu.memref_slice %arg7[%dma_wait3A_342, %dma_wait3A_349] : memref<4x64xi32, #tpu.memory_space<vmem>> -> memref<1x64xi32, #tpu.memory_space<vmem>>
      %dma_wait3A_351 = tpu.memref_squeeze %dma_wait3A_350 : memref<1x64xi32, #tpu.memory_space<vmem>> -> memref<64xi32, #tpu.memory_space<vmem>>
      %dma_wait3A_352 = arith.constant 0 : i32
      %dma_wait3A_353 = tpu.memref_slice %arg4[%add3A, %dma_wait3A_341, %dma_wait3A_352] : memref<32x160x64xi32, #tpu.memory_space<hbm>> -> memref<1x1x64xi32, #tpu.memory_space<hbm>>
      %dma_wait3A_354 = tpu.memref_squeeze %dma_wait3A_353 : memref<1x1x64xi32, #tpu.memory_space<hbm>> -> memref<64xi32, #tpu.memory_space<hbm>>
      tpu.wait_dma2 semaphore(%arg27 : memref<!tpu.dma_semaphore, #tpu.memory_space<semaphore_mem>>) src(%dma_wait3A_354 : memref<64xi32, #tpu.memory_space<hbm>>) dst(%dma_wait3A_351 : memref<64xi32, #tpu.memory_space<vmem>>)
      %dma_start3A_355 = arith.constant 2 : i32
      %dma_start3A_356 = arith.constant 0 : i32
      %dma_start3A_357 = tpu.memref_slice %arg7[%dma_start3A_355, %dma_start3A_356] : memref<4x64xi32, #tpu.memory_space<vmem>> -> memref<1x64xi32, #tpu.memory_space<vmem>>
      %dma_start3A_358 = tpu.memref_squeeze %dma_start3A_357 : memref<1x64xi32, #tpu.memory_space<vmem>> -> memref<64xi32, #tpu.memory_space<vmem>>
      %dma_start3A_359 = arith.constant 0 : i32
      %dma_start3A_360 = arith.constant 0 : i32
      %dma_start3A_361 = tpu.memref_slice %arg12[%dma_start3A_359, %dma_start3A_360] : memref<10240x128xf32, #tpu.memory_space<vmem_shared>> -> memref<10240x128xf32, #tpu.memory_space<vmem_shared>>
      tpu.enqueue_indirect_dma source(%arg10 : memref<64x128xf32, #tpu.memory_space<vmem>>) target(%dma_start3A_361 : memref<10240x128xf32, #tpu.memory_space<vmem_shared>>) offsets(%dma_start3A_358 : memref<64xi32, #tpu.memory_space<vmem>>) semaphore(%arg23 : memref<!tpu.dma_semaphore, #tpu.memory_space<semaphore_mem>>) {add = true}
      %add3A_362 = arith.constant 2 : i32
      %add3A_363 = arith.addi %add3A_326, %add3A_362 : i32
      %lt3A_364 = arith.constant 160 : i32
      %lt3A_365 = arith.cmpi slt, %add3A_363, %lt3A_364 : i32
      %convert_element_type3A_366 = arith.extui %lt3A_365 : i1 to i32
      %cond3A_367 = arith.constant 0 : i32
      %cond3A_368 = arith.cmpi ne, %convert_element_type3A_366, %cond3A_367 : i32
      scf.if %cond3A_368 {
        %ge3A = arith.constant 2 : i32
        %ge3A_413 = arith.cmpi sge, %add3A_326, %ge3A : i32
        %convert_element_type3A_414 = arith.extui %ge3A_413 : i1 to i32
        %cond3A_415 = arith.constant 0 : i32
        %cond3A_416 = arith.cmpi ne, %convert_element_type3A_414, %cond3A_415 : i32
        scf.if %cond3A_416 {
          %dma_wait3A_438 = arith.constant 0 : i32
          %dma_wait3A_439 = arith.constant 0 : i32
          %dma_wait3A_440 = tpu.memref_slice %arg7[%dma_wait3A_438, %dma_wait3A_439] : memref<4x64xi32, #tpu.memory_space<vmem>> -> memref<1x64xi32, #tpu.memory_space<vmem>>
          %dma_wait3A_441 = tpu.memref_squeeze %dma_wait3A_440 : memref<1x64xi32, #tpu.memory_space<vmem>> -> memref<64xi32, #tpu.memory_space<vmem>>
          %dma_wait3A_442 = arith.constant 0 : i32
          %dma_wait3A_443 = arith.constant 0 : i32
          %dma_wait3A_444 = tpu.memref_slice %arg12[%dma_wait3A_442, %dma_wait3A_443] : memref<10240x128xf32, #tpu.memory_space<vmem_shared>> -> memref<10240x128xf32, #tpu.memory_space<vmem_shared>>
          tpu.wait_indirect_dma semaphore(%arg21 : memref<!tpu.dma_semaphore, #tpu.memory_space<semaphore_mem>>) src(%arg8 : memref<64x128xf32, #tpu.memory_space<vmem>>) dst(%dma_wait3A_444 : memref<10240x128xf32, #tpu.memory_space<vmem_shared>>)
          %add3A_445 = arith.constant 2 : i32
          %add3A_446 = arith.addi %add3A_326, %add3A_445 : i32
          %dma_start3A_447 = arith.constant 0 : i32
          %dma_start3A_448 = arith.constant 0 : i32
          %dma_start3A_449 = tpu.memref_slice %arg7[%dma_start3A_447, %dma_start3A_448] : memref<4x64xi32, #tpu.memory_space<vmem>> -> memref<1x64xi32, #tpu.memory_space<vmem>>
          %dma_start3A_450 = tpu.memref_squeeze %dma_start3A_449 : memref<1x64xi32, #tpu.memory_space<vmem>> -> memref<64xi32, #tpu.memory_space<vmem>>
          %dma_start3A_451 = arith.constant 0 : i32
          %dma_start3A_452 = tpu.memref_slice %arg4[%add3A, %add3A_446, %dma_start3A_451] : memref<32x160x64xi32, #tpu.memory_space<hbm>> -> memref<1x1x64xi32, #tpu.memory_space<hbm>>
          %dma_start3A_453 = tpu.memref_squeeze %dma_start3A_452 : memref<1x1x64xi32, #tpu.memory_space<hbm>> -> memref<64xi32, #tpu.memory_space<hbm>>
          %dma_start3A_454 = arith.constant 0 : i32
          %dma_start3A_455 = tpu.memref_slice %arg7[%dma_start3A_447, %dma_start3A_454] : memref<4x64xi32, #tpu.memory_space<vmem>> -> memref<1x64xi32, #tpu.memory_space<vmem>>
          %dma_start3A_456 = tpu.memref_squeeze %dma_start3A_455 : memref<1x64xi32, #tpu.memory_space<vmem>> -> memref<64xi32, #tpu.memory_space<vmem>>
          %dma_start3A_457 = arith.constant 0 : i32
          %dma_start3A_458 = tpu.memref_slice %arg4[%add3A, %add3A_446, %dma_start3A_457] : memref<32x160x64xi32, #tpu.memory_space<hbm>> -> memref<1x1x64xi32, #tpu.memory_space<hbm>>
          %dma_start3A_459 = tpu.memref_squeeze %dma_start3A_458 : memref<1x1x64xi32, #tpu.memory_space<hbm>> -> memref<64xi32, #tpu.memory_space<hbm>>
          tpu.enqueue_dma source(%dma_start3A_459 : memref<64xi32, #tpu.memory_space<hbm>>) target(%dma_start3A_456 : memref<64xi32, #tpu.memory_space<vmem>>) target_semaphore(%arg25 : memref<!tpu.dma_semaphore, #tpu.memory_space<semaphore_mem>>)
        } else {
        }
        %dma_wait3A_417 = arith.constant 0 : i32
        %dma_wait3A_418 = arith.constant 0 : i32
        %dma_wait3A_419 = arith.constant 0 : i32
        %dma_wait3A_420 = tpu.memref_slice %arg6[%dma_wait3A_418, %dma_wait3A_419] : memref<4x64xi32, #tpu.memory_space<vmem>> -> memref<1x64xi32, #tpu.memory_space<vmem>>
        %dma_wait3A_421 = tpu.memref_squeeze %dma_wait3A_420 : memref<1x64xi32, #tpu.memory_space<vmem>> -> memref<64xi32, #tpu.memory_space<vmem>>
        %dma_wait3A_422 = arith.constant 0 : i32
        %dma_wait3A_423 = tpu.memref_slice %arg3[%add3A, %dma_wait3A_417, %dma_wait3A_422] : memref<32x160x64xi32, #tpu.memory_space<hbm>> -> memref<1x1x64xi32, #tpu.memory_space<hbm>>
        %dma_wait3A_424 = tpu.memref_squeeze %dma_wait3A_423 : memref<1x1x64xi32, #tpu.memory_space<hbm>> -> memref<64xi32, #tpu.memory_space<hbm>>
        %dma_wait3A_425 = arith.constant 0 : i32
        %dma_wait3A_426 = tpu.memref_slice %arg6[%dma_wait3A_418, %dma_wait3A_425] : memref<4x64xi32, #tpu.memory_space<vmem>> -> memref<1x64xi32, #tpu.memory_space<vmem>>
        %dma_wait3A_427 = tpu.memref_squeeze %dma_wait3A_426 : memref<1x64xi32, #tpu.memory_space<vmem>> -> memref<64xi32, #tpu.memory_space<vmem>>
        %dma_wait3A_428 = arith.constant 0 : i32
        %dma_wait3A_429 = tpu.memref_slice %arg3[%add3A, %dma_wait3A_417, %dma_wait3A_428] : memref<32x160x64xi32, #tpu.memory_space<hbm>> -> memref<1x1x64xi32, #tpu.memory_space<hbm>>
        %dma_wait3A_430 = tpu.memref_squeeze %dma_wait3A_429 : memref<1x1x64xi32, #tpu.memory_space<hbm>> -> memref<64xi32, #tpu.memory_space<hbm>>
        tpu.wait_dma2 semaphore(%arg17 : memref<!tpu.dma_semaphore, #tpu.memory_space<semaphore_mem>>) src(%dma_wait3A_430 : memref<64xi32, #tpu.memory_space<hbm>>) dst(%dma_wait3A_427 : memref<64xi32, #tpu.memory_space<vmem>>)
        %dma_start3A_431 = arith.constant 0 : i32
        %dma_start3A_432 = arith.constant 0 : i32
        %dma_start3A_433 = tpu.memref_slice %arg6[%dma_start3A_431, %dma_start3A_432] : memref<4x64xi32, #tpu.memory_space<vmem>> -> memref<1x64xi32, #tpu.memory_space<vmem>>
        %dma_start3A_434 = tpu.memref_squeeze %dma_start3A_433 : memref<1x64xi32, #tpu.memory_space<vmem>> -> memref<64xi32, #tpu.memory_space<vmem>>
        %dma_start3A_435 = arith.constant 0 : i32
        %dma_start3A_436 = arith.constant 0 : i32
        %dma_start3A_437 = tpu.memref_slice %arg2[%dma_start3A_435, %dma_start3A_436] : memref<10000x128xf32, #tpu.memory_space<hbm>> -> memref<10000x128xf32, #tpu.memory_space<hbm>>
        tpu.enqueue_indirect_dma source(%dma_start3A_437 : memref<10000x128xf32, #tpu.memory_space<hbm>>) target(%arg8 : memref<64x128xf32, #tpu.memory_space<vmem>>) offsets(%dma_start3A_434 : memref<64xi32, #tpu.memory_space<vmem>>) semaphore(%arg13 : memref<!tpu.dma_semaphore, #tpu.memory_space<semaphore_mem>>)
      } else {
      }
      %add3A_369 = arith.constant 3 : i32
      %add3A_370 = arith.addi %add3A_239, %add3A_369 : i32
      %dma_wait3A_371 = arith.constant 3 : i32
      %dma_wait3A_372 = arith.constant 0 : i32
      %dma_wait3A_373 = tpu.memref_slice %arg6[%dma_wait3A_371, %dma_wait3A_372] : memref<4x64xi32, #tpu.memory_space<vmem>> -> memref<1x64xi32, #tpu.memory_space<vmem>>
      %dma_wait3A_374 = tpu.memref_squeeze %dma_wait3A_373 : memref<1x64xi32, #tpu.memory_space<vmem>> -> memref<64xi32, #tpu.memory_space<vmem>>
      %dma_wait3A_375 = arith.constant 0 : i32
      %dma_wait3A_376 = arith.constant 0 : i32
      %dma_wait3A_377 = tpu.memref_slice %arg2[%dma_wait3A_375, %dma_wait3A_376] : memref<10000x128xf32, #tpu.memory_space<hbm>> -> memref<10000x128xf32, #tpu.memory_space<hbm>>
      tpu.wait_indirect_dma semaphore(%arg16 : memref<!tpu.dma_semaphore, #tpu.memory_space<semaphore_mem>>) src(%dma_wait3A_377 : memref<10000x128xf32, #tpu.memory_space<hbm>>) dst(%arg11 : memref<64x128xf32, #tpu.memory_space<vmem>>)
      %add3A_378 = arith.constant 4 : i32
      %add3A_379 = arith.addi %add3A_370, %add3A_378 : i32
      %lt3A_380 = arith.constant 160 : i32
      %lt3A_381 = arith.cmpi slt, %add3A_379, %lt3A_380 : i32
      %convert_element_type3A_382 = arith.extui %lt3A_381 : i1 to i32
      %cond3A_383 = arith.constant 0 : i32
      %cond3A_384 = arith.cmpi ne, %convert_element_type3A_382, %cond3A_383 : i32
      scf.if %cond3A_384 {
        %add3A_413 = arith.constant 4 : i32
        %add3A_414 = arith.addi %add3A_370, %add3A_413 : i32
        %dma_start3A_415 = arith.constant 3 : i32
        %dma_start3A_416 = arith.constant 0 : i32
        %dma_start3A_417 = tpu.memref_slice %arg6[%dma_start3A_415, %dma_start3A_416] : memref<4x64xi32, #tpu.memory_space<vmem>> -> memref<1x64xi32, #tpu.memory_space<vmem>>
        %dma_start3A_418 = tpu.memref_squeeze %dma_start3A_417 : memref<1x64xi32, #tpu.memory_space<vmem>> -> memref<64xi32, #tpu.memory_space<vmem>>
        %dma_start3A_419 = arith.constant 0 : i32
        %dma_start3A_420 = tpu.memref_slice %arg3[%add3A, %add3A_414, %dma_start3A_419] : memref<32x160x64xi32, #tpu.memory_space<hbm>> -> memref<1x1x64xi32, #tpu.memory_space<hbm>>
        %dma_start3A_421 = tpu.memref_squeeze %dma_start3A_420 : memref<1x1x64xi32, #tpu.memory_space<hbm>> -> memref<64xi32, #tpu.memory_space<hbm>>
        %dma_start3A_422 = arith.constant 0 : i32
        %dma_start3A_423 = tpu.memref_slice %arg6[%dma_start3A_415, %dma_start3A_422] : memref<4x64xi32, #tpu.memory_space<vmem>> -> memref<1x64xi32, #tpu.memory_space<vmem>>
        %dma_start3A_424 = tpu.memref_squeeze %dma_start3A_423 : memref<1x64xi32, #tpu.memory_space<vmem>> -> memref<64xi32, #tpu.memory_space<vmem>>
        %dma_start3A_425 = arith.constant 0 : i32
        %dma_start3A_426 = tpu.memref_slice %arg3[%add3A, %add3A_414, %dma_start3A_425] : memref<32x160x64xi32, #tpu.memory_space<hbm>> -> memref<1x1x64xi32, #tpu.memory_space<hbm>>
        %dma_start3A_427 = tpu.memref_squeeze %dma_start3A_426 : memref<1x1x64xi32, #tpu.memory_space<hbm>> -> memref<64xi32, #tpu.memory_space<hbm>>
        tpu.enqueue_dma source(%dma_start3A_427 : memref<64xi32, #tpu.memory_space<hbm>>) target(%dma_start3A_424 : memref<64xi32, #tpu.memory_space<vmem>>) target_semaphore(%arg20 : memref<!tpu.dma_semaphore, #tpu.memory_space<semaphore_mem>>)
      } else {
      }
      %dma_wait3A_385 = arith.constant 0 : i32
      %dma_wait3A_386 = arith.constant 3 : i32
      %dma_wait3A_387 = arith.constant 0 : i32
      %dma_wait3A_388 = tpu.memref_slice %arg7[%dma_wait3A_386, %dma_wait3A_387] : memref<4x64xi32, #tpu.memory_space<vmem>> -> memref<1x64xi32, #tpu.memory_space<vmem>>
      %dma_wait3A_389 = tpu.memref_squeeze %dma_wait3A_388 : memref<1x64xi32, #tpu.memory_space<vmem>> -> memref<64xi32, #tpu.memory_space<vmem>>
      %dma_wait3A_390 = arith.constant 0 : i32
      %dma_wait3A_391 = tpu.memref_slice %arg4[%add3A, %dma_wait3A_385, %dma_wait3A_390] : memref<32x160x64xi32, #tpu.memory_space<hbm>> -> memref<1x1x64xi32, #tpu.memory_space<hbm>>
      %dma_wait3A_392 = tpu.memref_squeeze %dma_wait3A_391 : memref<1x1x64xi32, #tpu.memory_space<hbm>> -> memref<64xi32, #tpu.memory_space<hbm>>
      %dma_wait3A_393 = arith.constant 0 : i32
      %dma_wait3A_394 = tpu.memref_slice %arg7[%dma_wait3A_386, %dma_wait3A_393] : memref<4x64xi32, #tpu.memory_space<vmem>> -> memref<1x64xi32, #tpu.memory_space<vmem>>
      %dma_wait3A_395 = tpu.memref_squeeze %dma_wait3A_394 : memref<1x64xi32, #tpu.memory_space<vmem>> -> memref<64xi32, #tpu.memory_space<vmem>>
      %dma_wait3A_396 = arith.constant 0 : i32
      %dma_wait3A_397 = tpu.memref_slice %arg4[%add3A, %dma_wait3A_385, %dma_wait3A_396] : memref<32x160x64xi32, #tpu.memory_space<hbm>> -> memref<1x1x64xi32, #tpu.memory_space<hbm>>
      %dma_wait3A_398 = tpu.memref_squeeze %dma_wait3A_397 : memref<1x1x64xi32, #tpu.memory_space<hbm>> -> memref<64xi32, #tpu.memory_space<hbm>>
      tpu.wait_dma2 semaphore(%arg28 : memref<!tpu.dma_semaphore, #tpu.memory_space<semaphore_mem>>) src(%dma_wait3A_398 : memref<64xi32, #tpu.memory_space<hbm>>) dst(%dma_wait3A_395 : memref<64xi32, #tpu.memory_space<vmem>>)
      %dma_start3A_399 = arith.constant 3 : i32
      %dma_start3A_400 = arith.constant 0 : i32
      %dma_start3A_401 = tpu.memref_slice %arg7[%dma_start3A_399, %dma_start3A_400] : memref<4x64xi32, #tpu.memory_space<vmem>> -> memref<1x64xi32, #tpu.memory_space<vmem>>
      %dma_start3A_402 = tpu.memref_squeeze %dma_start3A_401 : memref<1x64xi32, #tpu.memory_space<vmem>> -> memref<64xi32, #tpu.memory_space<vmem>>
      %dma_start3A_403 = arith.constant 0 : i32
      %dma_start3A_404 = arith.constant 0 : i32
      %dma_start3A_405 = tpu.memref_slice %arg12[%dma_start3A_403, %dma_start3A_404] : memref<10240x128xf32, #tpu.memory_space<vmem_shared>> -> memref<10240x128xf32, #tpu.memory_space<vmem_shared>>
      tpu.enqueue_indirect_dma source(%arg11 : memref<64x128xf32, #tpu.memory_space<vmem>>) target(%dma_start3A_405 : memref<10240x128xf32, #tpu.memory_space<vmem_shared>>) offsets(%dma_start3A_402 : memref<64xi32, #tpu.memory_space<vmem>>) semaphore(%arg24 : memref<!tpu.dma_semaphore, #tpu.memory_space<semaphore_mem>>) {add = true}
      %add3A_406 = arith.constant 2 : i32
      %add3A_407 = arith.addi %add3A_370, %add3A_406 : i32
      %lt3A_408 = arith.constant 160 : i32
      %lt3A_409 = arith.cmpi slt, %add3A_407, %lt3A_408 : i32
      %convert_element_type3A_410 = arith.extui %lt3A_409 : i1 to i32
      %cond3A_411 = arith.constant 0 : i32
      %cond3A_412 = arith.cmpi ne, %convert_element_type3A_410, %cond3A_411 : i32
      scf.if %cond3A_412 {
        %ge3A = arith.constant 2 : i32
        %ge3A_413 = arith.cmpi sge, %add3A_370, %ge3A : i32
        %convert_element_type3A_414 = arith.extui %ge3A_413 : i1 to i32
        %cond3A_415 = arith.constant 0 : i32
        %cond3A_416 = arith.cmpi ne, %convert_element_type3A_414, %cond3A_415 : i32
        scf.if %cond3A_416 {
          %dma_wait3A_438 = arith.constant 1 : i32
          %dma_wait3A_439 = arith.constant 0 : i32
          %dma_wait3A_440 = tpu.memref_slice %arg7[%dma_wait3A_438, %dma_wait3A_439] : memref<4x64xi32, #tpu.memory_space<vmem>> -> memref<1x64xi32, #tpu.memory_space<vmem>>
          %dma_wait3A_441 = tpu.memref_squeeze %dma_wait3A_440 : memref<1x64xi32, #tpu.memory_space<vmem>> -> memref<64xi32, #tpu.memory_space<vmem>>
          %dma_wait3A_442 = arith.constant 0 : i32
          %dma_wait3A_443 = arith.constant 0 : i32
          %dma_wait3A_444 = tpu.memref_slice %arg12[%dma_wait3A_442, %dma_wait3A_443] : memref<10240x128xf32, #tpu.memory_space<vmem_shared>> -> memref<10240x128xf32, #tpu.memory_space<vmem_shared>>
          tpu.wait_indirect_dma semaphore(%arg22 : memref<!tpu.dma_semaphore, #tpu.memory_space<semaphore_mem>>) src(%arg9 : memref<64x128xf32, #tpu.memory_space<vmem>>) dst(%dma_wait3A_444 : memref<10240x128xf32, #tpu.memory_space<vmem_shared>>)
          %add3A_445 = arith.constant 2 : i32
          %add3A_446 = arith.addi %add3A_370, %add3A_445 : i32
          %dma_start3A_447 = arith.constant 1 : i32
          %dma_start3A_448 = arith.constant 0 : i32
          %dma_start3A_449 = tpu.memref_slice %arg7[%dma_start3A_447, %dma_start3A_448] : memref<4x64xi32, #tpu.memory_space<vmem>> -> memref<1x64xi32, #tpu.memory_space<vmem>>
          %dma_start3A_450 = tpu.memref_squeeze %dma_start3A_449 : memref<1x64xi32, #tpu.memory_space<vmem>> -> memref<64xi32, #tpu.memory_space<vmem>>
          %dma_start3A_451 = arith.constant 0 : i32
          %dma_start3A_452 = tpu.memref_slice %arg4[%add3A, %add3A_446, %dma_start3A_451] : memref<32x160x64xi32, #tpu.memory_space<hbm>> -> memref<1x1x64xi32, #tpu.memory_space<hbm>>
          %dma_start3A_453 = tpu.memref_squeeze %dma_start3A_452 : memref<1x1x64xi32, #tpu.memory_space<hbm>> -> memref<64xi32, #tpu.memory_space<hbm>>
          %dma_start3A_454 = arith.constant 0 : i32
          %dma_start3A_455 = tpu.memref_slice %arg7[%dma_start3A_447, %dma_start3A_454] : memref<4x64xi32, #tpu.memory_space<vmem>> -> memref<1x64xi32, #tpu.memory_space<vmem>>
          %dma_start3A_456 = tpu.memref_squeeze %dma_start3A_455 : memref<1x64xi32, #tpu.memory_space<vmem>> -> memref<64xi32, #tpu.memory_space<vmem>>
          %dma_start3A_457 = arith.constant 0 : i32
          %dma_start3A_458 = tpu.memref_slice %arg4[%add3A, %add3A_446, %dma_start3A_457] : memref<32x160x64xi32, #tpu.memory_space<hbm>> -> memref<1x1x64xi32, #tpu.memory_space<hbm>>
          %dma_start3A_459 = tpu.memref_squeeze %dma_start3A_458 : memref<1x1x64xi32, #tpu.memory_space<hbm>> -> memref<64xi32, #tpu.memory_space<hbm>>
          tpu.enqueue_dma source(%dma_start3A_459 : memref<64xi32, #tpu.memory_space<hbm>>) target(%dma_start3A_456 : memref<64xi32, #tpu.memory_space<vmem>>) target_semaphore(%arg26 : memref<!tpu.dma_semaphore, #tpu.memory_space<semaphore_mem>>)
        } else {
        }
        %dma_wait3A_417 = arith.constant 0 : i32
        %dma_wait3A_418 = arith.constant 1 : i32
        %dma_wait3A_419 = arith.constant 0 : i32
        %dma_wait3A_420 = tpu.memref_slice %arg6[%dma_wait3A_418, %dma_wait3A_419] : memref<4x64xi32, #tpu.memory_space<vmem>> -> memref<1x64xi32, #tpu.memory_space<vmem>>
        %dma_wait3A_421 = tpu.memref_squeeze %dma_wait3A_420 : memref<1x64xi32, #tpu.memory_space<vmem>> -> memref<64xi32, #tpu.memory_space<vmem>>
        %dma_wait3A_422 = arith.constant 0 : i32
        %dma_wait3A_423 = tpu.memref_slice %arg3[%add3A, %dma_wait3A_417, %dma_wait3A_422] : memref<32x160x64xi32, #tpu.memory_space<hbm>> -> memref<1x1x64xi32, #tpu.memory_space<hbm>>
        %dma_wait3A_424 = tpu.memref_squeeze %dma_wait3A_423 : memref<1x1x64xi32, #tpu.memory_space<hbm>> -> memref<64xi32, #tpu.memory_space<hbm>>
        %dma_wait3A_425 = arith.constant 0 : i32
        %dma_wait3A_426 = tpu.memref_slice %arg6[%dma_wait3A_418, %dma_wait3A_425] : memref<4x64xi32, #tpu.memory_space<vmem>> -> memref<1x64xi32, #tpu.memory_space<vmem>>
        %dma_wait3A_427 = tpu.memref_squeeze %dma_wait3A_426 : memref<1x64xi32, #tpu.memory_space<vmem>> -> memref<64xi32, #tpu.memory_space<vmem>>
        %dma_wait3A_428 = arith.constant 0 : i32
        %dma_wait3A_429 = tpu.memref_slice %arg3[%add3A, %dma_wait3A_417, %dma_wait3A_428] : memref<32x160x64xi32, #tpu.memory_space<hbm>> -> memref<1x1x64xi32, #tpu.memory_space<hbm>>
        %dma_wait3A_430 = tpu.memref_squeeze %dma_wait3A_429 : memref<1x1x64xi32, #tpu.memory_space<hbm>> -> memref<64xi32, #tpu.memory_space<hbm>>
        tpu.wait_dma2 semaphore(%arg18 : memref<!tpu.dma_semaphore, #tpu.memory_space<semaphore_mem>>) src(%dma_wait3A_430 : memref<64xi32, #tpu.memory_space<hbm>>) dst(%dma_wait3A_427 : memref<64xi32, #tpu.memory_space<vmem>>)
        %dma_start3A_431 = arith.constant 1 : i32
        %dma_start3A_432 = arith.constant 0 : i32
        %dma_start3A_433 = tpu.memref_slice %arg6[%dma_start3A_431, %dma_start3A_432] : memref<4x64xi32, #tpu.memory_space<vmem>> -> memref<1x64xi32, #tpu.memory_space<vmem>>
        %dma_start3A_434 = tpu.memref_squeeze %dma_start3A_433 : memref<1x64xi32, #tpu.memory_space<vmem>> -> memref<64xi32, #tpu.memory_space<vmem>>
        %dma_start3A_435 = arith.constant 0 : i32
        %dma_start3A_436 = arith.constant 0 : i32
        %dma_start3A_437 = tpu.memref_slice %arg2[%dma_start3A_435, %dma_start3A_436] : memref<10000x128xf32, #tpu.memory_space<hbm>> -> memref<10000x128xf32, #tpu.memory_space<hbm>>
        tpu.enqueue_indirect_dma source(%dma_start3A_437 : memref<10000x128xf32, #tpu.memory_space<hbm>>) target(%arg9 : memref<64x128xf32, #tpu.memory_space<vmem>>) offsets(%dma_start3A_434 : memref<64xi32, #tpu.memory_space<vmem>>) semaphore(%arg14 : memref<!tpu.dma_semaphore, #tpu.memory_space<semaphore_mem>>)
      } else {
      }
    }
    %scan3A_201 = arith.constant 40 : i32
    %dma_wait3A_202 = arith.constant 0 : i32
    %dma_wait3A_203 = arith.constant 0 : i32
    %dma_wait3A_204 = tpu.memref_slice %arg7[%dma_wait3A_202, %dma_wait3A_203] : memref<4x64xi32, #tpu.memory_space<vmem>> -> memref<1x64xi32, #tpu.memory_space<vmem>>
    %dma_wait3A_205 = tpu.memref_squeeze %dma_wait3A_204 : memref<1x64xi32, #tpu.memory_space<vmem>> -> memref<64xi32, #tpu.memory_space<vmem>>
    %dma_wait3A_206 = arith.constant 0 : i32
    %dma_wait3A_207 = arith.constant 0 : i32
    %dma_wait3A_208 = tpu.memref_slice %arg12[%dma_wait3A_206, %dma_wait3A_207] : memref<10240x128xf32, #tpu.memory_space<vmem_shared>> -> memref<10240x128xf32, #tpu.memory_space<vmem_shared>>
    tpu.wait_indirect_dma semaphore(%arg21 : memref<!tpu.dma_semaphore, #tpu.memory_space<semaphore_mem>>) src(%arg8 : memref<64x128xf32, #tpu.memory_space<vmem>>) dst(%dma_wait3A_208 : memref<10240x128xf32, #tpu.memory_space<vmem_shared>>)
    %dma_wait3A_209 = arith.constant 1 : i32
    %dma_wait3A_210 = arith.constant 0 : i32
    %dma_wait3A_211 = tpu.memref_slice %arg7[%dma_wait3A_209, %dma_wait3A_210] : memref<4x64xi32, #tpu.memory_space<vmem>> -> memref<1x64xi32, #tpu.memory_space<vmem>>
    %dma_wait3A_212 = tpu.memref_squeeze %dma_wait3A_211 : memref<1x64xi32, #tpu.memory_space<vmem>> -> memref<64xi32, #tpu.memory_space<vmem>>
    %dma_wait3A_213 = arith.constant 0 : i32
    %dma_wait3A_214 = arith.constant 0 : i32
    %dma_wait3A_215 = tpu.memref_slice %arg12[%dma_wait3A_213, %dma_wait3A_214] : memref<10240x128xf32, #tpu.memory_space<vmem_shared>> -> memref<10240x128xf32, #tpu.memory_space<vmem_shared>>
    tpu.wait_indirect_dma semaphore(%arg22 : memref<!tpu.dma_semaphore, #tpu.memory_space<semaphore_mem>>) src(%arg9 : memref<64x128xf32, #tpu.memory_space<vmem>>) dst(%dma_wait3A_215 : memref<10240x128xf32, #tpu.memory_space<vmem_shared>>)
    %dma_wait3A_216 = arith.constant 2 : i32
    %dma_wait3A_217 = arith.constant 0 : i32
    %dma_wait3A_218 = tpu.memref_slice %arg7[%dma_wait3A_216, %dma_wait3A_217] : memref<4x64xi32, #tpu.memory_space<vmem>> -> memref<1x64xi32, #tpu.memory_space<vmem>>
    %dma_wait3A_219 = tpu.memref_squeeze %dma_wait3A_218 : memref<1x64xi32, #tpu.memory_space<vmem>> -> memref<64xi32, #tpu.memory_space<vmem>>
    %dma_wait3A_220 = arith.constant 0 : i32
    %dma_wait3A_221 = arith.constant 0 : i32
    %dma_wait3A_222 = tpu.memref_slice %arg12[%dma_wait3A_220, %dma_wait3A_221] : memref<10240x128xf32, #tpu.memory_space<vmem_shared>> -> memref<10240x128xf32, #tpu.memory_space<vmem_shared>>
    tpu.wait_indirect_dma semaphore(%arg23 : memref<!tpu.dma_semaphore, #tpu.memory_space<semaphore_mem>>) src(%arg10 : memref<64x128xf32, #tpu.memory_space<vmem>>) dst(%dma_wait3A_222 : memref<10240x128xf32, #tpu.memory_space<vmem_shared>>)
    %dma_wait3A_223 = arith.constant 3 : i32
    %dma_wait3A_224 = arith.constant 0 : i32
    %dma_wait3A_225 = tpu.memref_slice %arg7[%dma_wait3A_223, %dma_wait3A_224] : memref<4x64xi32, #tpu.memory_space<vmem>> -> memref<1x64xi32, #tpu.memory_space<vmem>>
    %dma_wait3A_226 = tpu.memref_squeeze %dma_wait3A_225 : memref<1x64xi32, #tpu.memory_space<vmem>> -> memref<64xi32, #tpu.memory_space<vmem>>
    %dma_wait3A_227 = arith.constant 0 : i32
    %dma_wait3A_228 = arith.constant 0 : i32
    %dma_wait3A_229 = tpu.memref_slice %arg12[%dma_wait3A_227, %dma_wait3A_228] : memref<10240x128xf32, #tpu.memory_space<vmem_shared>> -> memref<10240x128xf32, #tpu.memory_space<vmem_shared>>
    tpu.wait_indirect_dma semaphore(%arg24 : memref<!tpu.dma_semaphore, #tpu.memory_space<semaphore_mem>>) src(%arg11 : memref<64x128xf32, #tpu.memory_space<vmem>>) dst(%dma_wait3A_229 : memref<10240x128xf32, #tpu.memory_space<vmem_shared>>)
    %barrier3A_230 = arith.constant 0 : index
    tpu.barrier barrier_id(%barrier3A_230)
    %mul3A_231 = arith.constant 640 : i32
    %mul3A_232 = arith.muli %arg1, %mul3A_231 : i32
    %mul3A_233 = arith.constant 640 : i32
    %mul3A_234 = arith.muli %arg1, %mul3A_233 : i32
    "tpu.region"() ({
      %run_scoped3A = tpu.sem_alloc : memref<!tpu.dma_semaphore, #tpu.memory_space<semaphore_mem>>
      %dma_start3A_235 = arith.constant 0 : i32
      %dma_start3A_236 = tpu.memref_slice %arg5[%arg0, %mul3A_234, %dma_start3A_235] : memref<2x10240x128xf32, #tpu.memory_space<hbm>> -> memref<1x640x128xf32, #tpu.memory_space<hbm>>
      %dma_start3A_237 = tpu.memref_squeeze %dma_start3A_236 : memref<1x640x128xf32, #tpu.memory_space<hbm>> -> memref<640x128xf32, #tpu.memory_space<hbm>>
      %dma_start3A_238 = arith.constant 0 : i32
      %dma_start3A_239 = tpu.memref_slice %arg12[%mul3A_232, %dma_start3A_238] : memref<10240x128xf32, #tpu.memory_space<vmem_shared>> -> memref<640x128xf32, #tpu.memory_space<vmem_shared>>
      tpu.enqueue_dma source(%dma_start3A_239 : memref<640x128xf32, #tpu.memory_space<vmem_shared>>) target(%dma_start3A_237 : memref<640x128xf32, #tpu.memory_space<hbm>>) target_semaphore(%run_scoped3A : memref<!tpu.dma_semaphore, #tpu.memory_space<semaphore_mem>>)
      %dma_wait3A_240 = arith.constant 0 : i32
      %dma_wait3A_241 = tpu.memref_slice %arg5[%arg0, %mul3A_234, %dma_wait3A_240] : memref<2x10240x128xf32, #tpu.memory_space<hbm>> -> memref<1x640x128xf32, #tpu.memory_space<hbm>>
      %dma_wait3A_242 = tpu.memref_squeeze %dma_wait3A_241 : memref<1x640x128xf32, #tpu.memory_space<hbm>> -> memref<640x128xf32, #tpu.memory_space<hbm>>
      %dma_wait3A_243 = arith.constant 0 : i32
      %dma_wait3A_244 = tpu.memref_slice %arg12[%mul3A_232, %dma_wait3A_243] : memref<10240x128xf32, #tpu.memory_space<vmem_shared>> -> memref<640x128xf32, #tpu.memory_space<vmem_shared>>
      tpu.wait_dma2 semaphore(%run_scoped3A : memref<!tpu.dma_semaphore, #tpu.memory_space<semaphore_mem>>) src(%dma_wait3A_244 : memref<640x128xf32, #tpu.memory_space<vmem_shared>>) dst(%dma_wait3A_242 : memref<640x128xf32, #tpu.memory_space<hbm>>)
      tpu.yield
    }) : () -> ()
    return
  }
}

module attributes {stable_mosaic.version = 14 : i64} {
  func.func @_mm_body(%arg0: i32, %arg1: memref<2000x128xf32, #tpu.memory_space<vmem>>, %arg2: memref<128x128xf32, #tpu.memory_space<vmem>>, %arg3: memref<2000x128xf32, #tpu.memory_space<vmem>>) attributes {dimension_semantics = [#tpu.dimension_semantics<arbitrary>], iteration_bounds = array<i64: 5>, scalar_prefetch = 0 : i64, scratch_operands = 0 : i64, tpu.core_type = #tpu.core_type<tc>, window_params = [{transform_indices = @transform_0, window_bounds = array<i64: 2000, 128>}, {pipeline_mode = #tpu.pipeline_mode<synchronous>, transform_indices = @transform_1, window_bounds = array<i64: 128, 128>}, {transform_indices = @transform_2, window_bounds = array<i64: 2000, 128>}]} {
    %get3A = arith.constant 0 : index
    %get3A_0 = arith.constant 0 : index
    %get3A_1 = vector.load %arg1[%get3A, %get3A_0] : memref<2000x128xf32, #tpu.memory_space<vmem>>, vector<2000x128xf32>
    %get3A_2 = arith.constant 0 : index
    %get3A_3 = arith.constant 0 : index
    %get3A_4 = vector.load %arg2[%get3A_2, %get3A_3] : memref<128x128xf32, #tpu.memory_space<vmem>>, vector<128x128xf32>
    %dot_general3A = arith.constant dense<0.000000e+00> : vector<2000x128xf32>
    %dot_general3A_5 = tpu.matmul %get3A_1, %get3A_4, %dot_general3A {dimension_numbers = #tpu.dot_dimension_numbers<[1], [0], [0], [1], [0, 0, 1, 1], [], []>, transpose_lhs_hint = false} : vector<2000x128xf32>, vector<128x128xf32>, vector<2000x128xf32> -> vector<2000x128xf32>
    %swap3A = arith.constant 0 : index
    %swap3A_6 = arith.constant 0 : index
    %swap3A_7 = vector.load %arg3[%swap3A, %swap3A_6] : memref<2000x128xf32, #tpu.memory_space<vmem>>, vector<2000x128xf32>
    tpu.vector_store %arg3[%swap3A, %swap3A_6], %dot_general3A_5 {strides = array<i32>} : memref<2000x128xf32, #tpu.memory_space<vmem>>, vector<2000x128xf32>,
    return
  }
  func.func @transform_0(%arg0: i32) -> (i32, i32) {
    %c0_i32 = arith.constant 0 : i32
    %c0_i32_0 = arith.constant 0 : i32
    return %arg0, %c0_i32 : i32, i32
  }
  func.func @transform_1(%arg0: i32) -> (i32, i32) {
    %c0_i32 = arith.constant 0 : i32
    %c0_i32_0 = arith.constant 0 : i32
    %c0_i32_1 = arith.constant 0 : i32
    return %c0_i32, %c0_i32_0 : i32, i32
  }
  func.func @transform_2(%arg0: i32) -> (i32, i32) {
    %c0_i32 = arith.constant 0 : i32
    %c0_i32_0 = arith.constant 0 : i32
    return %arg0, %c0_i32 : i32, i32
  }
}

module attributes {stable_mosaic.version = 14 : i64} {
  func.func @_relu_mm_body(%arg0: i32, %arg1: memref<2x2000x128xf32, #tpu.memory_space<vmem>>, %arg2: memref<128x128xf32, #tpu.memory_space<vmem>>, %arg3: memref<2000x128xf32, #tpu.memory_space<vmem>>) attributes {dimension_semantics = [#tpu.dimension_semantics<arbitrary>], iteration_bounds = array<i64: 5>, scalar_prefetch = 0 : i64, scratch_operands = 0 : i64, tpu.core_type = #tpu.core_type<tc>, window_params = [{transform_indices = @transform_0, window_bounds = array<i64: 2, 2000, 128>}, {pipeline_mode = #tpu.pipeline_mode<synchronous>, transform_indices = @transform_1, window_bounds = array<i64: 128, 128>}, {transform_indices = @transform_2, window_bounds = array<i64: 2000, 128>}]} {
    %get3A = arith.constant 0 : index
    %get3A_0 = arith.constant 0 : index
    %get3A_1 = arith.constant 0 : index
    %get3A_2 = vector.load %arg1[%get3A, %get3A_0, %get3A_1] : memref<2x2000x128xf32, #tpu.memory_space<vmem>>, vector<1x2000x128xf32>
    %get3A_3 = vector.shape_cast %get3A_2 : vector<1x2000x128xf32> to vector<2000x128xf32>
    %get3A_4 = arith.constant 1 : index
    %get3A_5 = arith.constant 0 : index
    %get3A_6 = arith.constant 0 : index
    %get3A_7 = vector.load %arg1[%get3A_4, %get3A_5, %get3A_6] : memref<2x2000x128xf32, #tpu.memory_space<vmem>>, vector<1x2000x128xf32>
    %get3A_8 = vector.shape_cast %get3A_7 : vector<1x2000x128xf32> to vector<2000x128xf32>
    %add3A = arith.addf %get3A_3, %get3A_8 : vector<2000x128xf32>
    %max3A = arith.constant 0.000000e+00 : f32
    %max3A_9 = vector.broadcast %max3A : f32 to vector<2000x128xf32>
    %max3A_10 = arith.maximumf %add3A, %max3A_9 : vector<2000x128xf32>
    %get3A_11 = arith.constant 0 : index
    %get3A_12 = arith.constant 0 : index
    %get3A_13 = vector.load %arg2[%get3A_11, %get3A_12] : memref<128x128xf32, #tpu.memory_space<vmem>>, vector<128x128xf32>
    %dot_general3A = arith.constant dense<0.000000e+00> : vector<2000x128xf32>
    %dot_general3A_14 = tpu.matmul %max3A_10, %get3A_13, %dot_general3A {dimension_numbers = #tpu.dot_dimension_numbers<[1], [0], [0], [1], [0, 0, 1, 1], [], []>, transpose_lhs_hint = false} : vector<2000x128xf32>, vector<128x128xf32>, vector<2000x128xf32> -> vector<2000x128xf32>
    %swap3A = arith.constant 0 : index
    %swap3A_15 = arith.constant 0 : index
    %swap3A_16 = vector.load %arg3[%swap3A, %swap3A_15] : memref<2000x128xf32, #tpu.memory_space<vmem>>, vector<2000x128xf32>
    tpu.vector_store %arg3[%swap3A, %swap3A_15], %dot_general3A_14 {strides = array<i32>} : memref<2000x128xf32, #tpu.memory_space<vmem>>, vector<2000x128xf32>,
    return
  }
  func.func @transform_0(%arg0: i32) -> (i32, i32, i32) {
    %c0_i32 = arith.constant 0 : i32
    %c0_i32_0 = arith.constant 0 : i32
    %c0_i32_1 = arith.constant 0 : i32
    return %c0_i32, %arg0, %c0_i32_0 : i32, i32, i32
  }
  func.func @transform_1(%arg0: i32) -> (i32, i32) {
    %c0_i32 = arith.constant 0 : i32
    %c0_i32_0 = arith.constant 0 : i32
    %c0_i32_1 = arith.constant 0 : i32
    return %c0_i32, %c0_i32_0 : i32, i32
  }
  func.func @transform_2(%arg0: i32) -> (i32, i32) {
    %c0_i32 = arith.constant 0 : i32
    %c0_i32_0 = arith.constant 0 : i32
    return %arg0, %c0_i32 : i32, i32
  }
}

module attributes {stable_mosaic.version = 14 : i64} {
  func.func @_relu_add_body(%arg0: i32, %arg1: memref<2x2000x128xf32, #tpu.memory_space<vmem>>, %arg2: memref<2000x128xf32, #tpu.memory_space<vmem>>) attributes {dimension_semantics = [#tpu.dimension_semantics<arbitrary>], iteration_bounds = array<i64: 5>, scalar_prefetch = 0 : i64, scratch_operands = 0 : i64, tpu.core_type = #tpu.core_type<tc>, window_params = [{transform_indices = @transform_0, window_bounds = array<i64: 2, 2000, 128>}, {transform_indices = @transform_1, window_bounds = array<i64: 2000, 128>}]} {
    %get3A = arith.constant 0 : index
    %get3A_0 = arith.constant 0 : index
    %get3A_1 = arith.constant 0 : index
    %get3A_2 = vector.load %arg1[%get3A, %get3A_0, %get3A_1] : memref<2x2000x128xf32, #tpu.memory_space<vmem>>, vector<1x2000x128xf32>
    %get3A_3 = vector.shape_cast %get3A_2 : vector<1x2000x128xf32> to vector<2000x128xf32>
    %get3A_4 = arith.constant 1 : index
    %get3A_5 = arith.constant 0 : index
    %get3A_6 = arith.constant 0 : index
    %get3A_7 = vector.load %arg1[%get3A_4, %get3A_5, %get3A_6] : memref<2x2000x128xf32, #tpu.memory_space<vmem>>, vector<1x2000x128xf32>
    %get3A_8 = vector.shape_cast %get3A_7 : vector<1x2000x128xf32> to vector<2000x128xf32>
    %add3A = arith.addf %get3A_3, %get3A_8 : vector<2000x128xf32>
    %max3A = arith.constant 0.000000e+00 : f32
    %max3A_9 = vector.broadcast %max3A : f32 to vector<2000x128xf32>
    %max3A_10 = arith.maximumf %add3A, %max3A_9 : vector<2000x128xf32>
    %swap3A = arith.constant 0 : index
    %swap3A_11 = arith.constant 0 : index
    %swap3A_12 = vector.load %arg2[%swap3A, %swap3A_11] : memref<2000x128xf32, #tpu.memory_space<vmem>>, vector<2000x128xf32>
    tpu.vector_store %arg2[%swap3A, %swap3A_11], %max3A_10 {strides = array<i32>} : memref<2000x128xf32, #tpu.memory_space<vmem>>, vector<2000x128xf32>,
    return
  }
  func.func @transform_0(%arg0: i32) -> (i32, i32, i32) {
    %c0_i32 = arith.constant 0 : i32
    %c0_i32_0 = arith.constant 0 : i32
    %c0_i32_1 = arith.constant 0 : i32
    return %c0_i32, %arg0, %c0_i32_0 : i32, i32, i32
  }
  func.func @transform_1(%arg0: i32) -> (i32, i32) {
    %c0_i32 = arith.constant 0 : i32
    %c0_i32_0 = arith.constant 0 : i32
    return %arg0, %c0_i32 : i32, i32
  }
}

module attributes {stable_mosaic.version = 14 : i64} {
  func.func @_loss_inst_body(%arg0: i32, %arg1: memref<2048x128xf32, #tpu.memory_space<vmem>>, %arg2: memref<2048x128xf32, #tpu.memory_space<vmem>>, %arg3: memref<10x2048x128xf32, #tpu.memory_space<vmem>>, %arg4: memref<1x128xf32, #tpu.memory_space<vmem>>, %arg5: memref<1536x128xf32, #tpu.memory_space<vmem>>, %arg6: memref<1x1xf32, #tpu.memory_space<vmem>>) attributes {dimension_semantics = [#tpu.dimension_semantics<arbitrary>], iteration_bounds = array<i64: 2>, scalar_prefetch = 0 : i64, scratch_operands = 0 : i64, tpu.core_type = #tpu.core_type<tc>, window_params = [{transform_indices = @transform_0, window_bounds = array<i64: 2048, 128>}, {transform_indices = @transform_1, window_bounds = array<i64: 2048, 128>}, {transform_indices = @transform_2, window_bounds = array<i64: 10, 2048, 128>}, {pipeline_mode = #tpu.pipeline_mode<synchronous>, transform_indices = @transform_3, window_bounds = array<i64: 1, 128>}, {pipeline_mode = #tpu.pipeline_mode<synchronous>, transform_indices = @transform_4, window_bounds = array<i64: 1536, 128>}, {pipeline_mode = #tpu.pipeline_mode<synchronous>, transform_indices = @transform_5, window_bounds = array<i64: 1, 1>}]} {
    %get3A = arith.constant 0 : index
    %get3A_0 = arith.constant 0 : index
    %get3A_1 = vector.load %arg1[%get3A, %get3A_0] : memref<2048x128xf32, #tpu.memory_space<vmem>>, vector<2048x128xf32>
    %get3A_2 = arith.constant 0 : index
    %get3A_3 = arith.constant 0 : index
    %get3A_4 = vector.load %arg2[%get3A_2, %get3A_3] : memref<2048x128xf32, #tpu.memory_space<vmem>>, vector<2048x128xf32>
    %get3A_5 = arith.constant 0 : index
    %get3A_6 = arith.constant 0 : index
    %get3A_7 = vector.load %arg4[%get3A_5, %get3A_6] : memref<1x128xf32, #tpu.memory_space<vmem>>, vector<1x128xf32>
    %broadcast_in_dim3A = vector.shape_cast %get3A_7 : vector<1x128xf32> to vector<1x128xf32>
    %broadcast_in_dim3A_8 = vector.broadcast %broadcast_in_dim3A : vector<1x128xf32> to vector<2048x128xf32>
    %get3A_9 = arith.constant 0 : index
    %get3A_10 = arith.constant 0 : index
    %get3A_11 = vector.load %arg5[%get3A_9, %get3A_10] : memref<1536x128xf32, #tpu.memory_space<vmem>>, vector<1536x128xf32>
    %iota3A = tpu.iota {dimensions = array<i32: 1>} : vector<1x128xi32>
    %eq3A = arith.constant 0 : i32
    %eq3A_12 = vector.broadcast %eq3A : i32 to vector<1x128xi32>
    %eq3A_13 = arith.cmpi eq, %iota3A, %eq3A_12 : vector<1x128xi32>
    %lt3A = arith.constant 11 : i32
    %lt3A_14 = vector.broadcast %lt3A : i32 to vector<1x128xi32>
    %lt3A_15 = arith.cmpi slt, %iota3A, %lt3A_14 : vector<1x128xi32>
    %jit3A = arith.constant 1.000000e+00 : f32
    %jit3A_16 = arith.constant 0.000000e+00 : f32
    %broadcast_in_dim3A_17 = vector.broadcast %jit3A : f32 to vector<1x128xf32>
    %broadcast_in_dim3A_18 = vector.broadcast %jit3A_16 : f32 to vector<1x128xf32>
    %select_n3A = arith.select %lt3A_15, %broadcast_in_dim3A_17, %broadcast_in_dim3A_18 : vector<1x128xi1>, vector<1x128xf32>
    %jit3A_19 = arith.constant 1.000000e+01 : f32
    %broadcast_in_dim3A_20 = vector.broadcast %jit3A_19 : f32 to vector<1x128xf32>
    %select_n3A_21 = arith.select %eq3A_13, %broadcast_in_dim3A_20, %select_n3A : vector<1x128xi1>, vector<1x128xf32>
    %eq3A_22 = arith.constant 0 : i32
    %eq3A_23 = vector.broadcast %eq3A_22 : i32 to vector<1x128xi32>
    %eq3A_24 = arith.cmpi eq, %iota3A, %eq3A_23 : vector<1x128xi32>
    %lt3A_25 = arith.constant 11 : i32
    %lt3A_26 = vector.broadcast %lt3A_25 : i32 to vector<1x128xi32>
    %lt3A_27 = arith.cmpi slt, %iota3A, %lt3A_26 : vector<1x128xi32>
    %jit3A_28 = arith.constant 1.000000e+00 : f32
    %jit3A_29 = arith.constant 0.000000e+00 : f32
    %broadcast_in_dim3A_30 = vector.broadcast %jit3A_28 : f32 to vector<1x128xf32>
    %broadcast_in_dim3A_31 = vector.broadcast %jit3A_29 : f32 to vector<1x128xf32>
    %select_n3A_32 = arith.select %lt3A_27, %broadcast_in_dim3A_30, %broadcast_in_dim3A_31 : vector<1x128xi1>, vector<1x128xf32>
    %jit3A_33 = arith.constant -1.000000e+00 : f32
    %broadcast_in_dim3A_34 = vector.broadcast %jit3A_33 : f32 to vector<1x128xf32>
    %select_n3A_35 = arith.select %eq3A_24, %broadcast_in_dim3A_34, %select_n3A_32 : vector<1x128xi1>, vector<1x128xf32>
    %gt3A = arith.constant 0.000000e+00 : f32
    %gt3A_36 = vector.broadcast %gt3A : f32 to vector<1x128xf32>
    %gt3A_37 = arith.cmpf ogt, %select_n3A_21, %gt3A_36 : vector<1x128xf32>
    %jit3A_38 = arith.constant 1.000000e+00 : f32
    %jit3A_39 = arith.constant 0.000000e+00 : f32
    %broadcast_in_dim3A_40 = vector.broadcast %jit3A_38 : f32 to vector<1x128xf32>
    %broadcast_in_dim3A_41 = vector.broadcast %jit3A_39 : f32 to vector<1x128xf32>
    %select_n3A_42 = arith.select %gt3A_37, %broadcast_in_dim3A_40, %broadcast_in_dim3A_41 : vector<1x128xi1>, vector<1x128xf32>
    %mul3A = arith.mulf %get3A_1, %get3A_1 : vector<2048x128xf32>
    %get3A_43 = arith.constant 0 : index
    %get3A_44 = arith.constant 0 : index
    %get3A_45 = arith.constant 0 : index
    %get3A_46 = vector.load %arg3[%get3A_43, %get3A_44, %get3A_45] : memref<10x2048x128xf32, #tpu.memory_space<vmem>>, vector<1x2048x128xf32>
    %get3A_47 = vector.shape_cast %get3A_46 : vector<1x2048x128xf32> to vector<2048x128xf32>
    %mul3A_48 = arith.mulf %get3A_1, %get3A_47 : vector<2048x128xf32>
    %get3A_49 = arith.constant 1 : index
    %get3A_50 = arith.constant 0 : index
    %get3A_51 = arith.constant 0 : index
    %get3A_52 = vector.load %arg3[%get3A_49, %get3A_50, %get3A_51] : memref<10x2048x128xf32, #tpu.memory_space<vmem>>, vector<1x2048x128xf32>
    %get3A_53 = vector.shape_cast %get3A_52 : vector<1x2048x128xf32> to vector<2048x128xf32>
    %mul3A_54 = arith.mulf %get3A_1, %get3A_53 : vector<2048x128xf32>
    %get3A_55 = arith.constant 2 : index
    %get3A_56 = arith.constant 0 : index
    %get3A_57 = arith.constant 0 : index
    %get3A_58 = vector.load %arg3[%get3A_55, %get3A_56, %get3A_57] : memref<10x2048x128xf32, #tpu.memory_space<vmem>>, vector<1x2048x128xf32>
    %get3A_59 = vector.shape_cast %get3A_58 : vector<1x2048x128xf32> to vector<2048x128xf32>
    %mul3A_60 = arith.mulf %get3A_1, %get3A_59 : vector<2048x128xf32>
    %get3A_61 = arith.constant 3 : index
    %get3A_62 = arith.constant 0 : index
    %get3A_63 = arith.constant 0 : index
    %get3A_64 = vector.load %arg3[%get3A_61, %get3A_62, %get3A_63] : memref<10x2048x128xf32, #tpu.memory_space<vmem>>, vector<1x2048x128xf32>
    %get3A_65 = vector.shape_cast %get3A_64 : vector<1x2048x128xf32> to vector<2048x128xf32>
    %mul3A_66 = arith.mulf %get3A_1, %get3A_65 : vector<2048x128xf32>
    %get3A_67 = arith.constant 4 : index
    %get3A_68 = arith.constant 0 : index
    %get3A_69 = arith.constant 0 : index
    %get3A_70 = vector.load %arg3[%get3A_67, %get3A_68, %get3A_69] : memref<10x2048x128xf32, #tpu.memory_space<vmem>>, vector<1x2048x128xf32>
    %get3A_71 = vector.shape_cast %get3A_70 : vector<1x2048x128xf32> to vector<2048x128xf32>
    %mul3A_72 = arith.mulf %get3A_1, %get3A_71 : vector<2048x128xf32>
    %get3A_73 = arith.constant 5 : index
    %get3A_74 = arith.constant 0 : index
    %get3A_75 = arith.constant 0 : index
    %get3A_76 = vector.load %arg3[%get3A_73, %get3A_74, %get3A_75] : memref<10x2048x128xf32, #tpu.memory_space<vmem>>, vector<1x2048x128xf32>
    %get3A_77 = vector.shape_cast %get3A_76 : vector<1x2048x128xf32> to vector<2048x128xf32>
    %mul3A_78 = arith.mulf %get3A_1, %get3A_77 : vector<2048x128xf32>
    %get3A_79 = arith.constant 6 : index
    %get3A_80 = arith.constant 0 : index
    %get3A_81 = arith.constant 0 : index
    %get3A_82 = vector.load %arg3[%get3A_79, %get3A_80, %get3A_81] : memref<10x2048x128xf32, #tpu.memory_space<vmem>>, vector<1x2048x128xf32>
    %get3A_83 = vector.shape_cast %get3A_82 : vector<1x2048x128xf32> to vector<2048x128xf32>
    %mul3A_84 = arith.mulf %get3A_1, %get3A_83 : vector<2048x128xf32>
    %get3A_85 = arith.constant 7 : index
    %get3A_86 = arith.constant 0 : index
    %get3A_87 = arith.constant 0 : index
    %get3A_88 = vector.load %arg3[%get3A_85, %get3A_86, %get3A_87] : memref<10x2048x128xf32, #tpu.memory_space<vmem>>, vector<1x2048x128xf32>
    %get3A_89 = vector.shape_cast %get3A_88 : vector<1x2048x128xf32> to vector<2048x128xf32>
    %mul3A_90 = arith.mulf %get3A_1, %get3A_89 : vector<2048x128xf32>
    %get3A_91 = arith.constant 8 : index
    %get3A_92 = arith.constant 0 : index
    %get3A_93 = arith.constant 0 : index
    %get3A_94 = vector.load %arg3[%get3A_91, %get3A_92, %get3A_93] : memref<10x2048x128xf32, #tpu.memory_space<vmem>>, vector<1x2048x128xf32>
    %get3A_95 = vector.shape_cast %get3A_94 : vector<1x2048x128xf32> to vector<2048x128xf32>
    %mul3A_96 = arith.mulf %get3A_1, %get3A_95 : vector<2048x128xf32>
    %get3A_97 = arith.constant 9 : index
    %get3A_98 = arith.constant 0 : index
    %get3A_99 = arith.constant 0 : index
    %get3A_100 = vector.load %arg3[%get3A_97, %get3A_98, %get3A_99] : memref<10x2048x128xf32, #tpu.memory_space<vmem>>, vector<1x2048x128xf32>
    %get3A_101 = vector.shape_cast %get3A_100 : vector<1x2048x128xf32> to vector<2048x128xf32>
    %mul3A_102 = arith.mulf %get3A_1, %get3A_101 : vector<2048x128xf32>
    %mul3A_103 = arith.mulf %get3A_1, %broadcast_in_dim3A_8 : vector<2048x128xf32>
    %concatenate3A = tpu.concatenate %mul3A, %mul3A_48, %mul3A_54, %mul3A_60, %mul3A_66, %mul3A_72, %mul3A_78, %mul3A_84, %mul3A_90, %mul3A_96, %mul3A_102, %mul3A_103 in 1 : vector<2048x128xf32>, vector<2048x128xf32>, vector<2048x128xf32>, vector<2048x128xf32>, vector<2048x128xf32>, vector<2048x128xf32>, vector<2048x128xf32>, vector<2048x128xf32>, vector<2048x128xf32>, vector<2048x128xf32>, vector<2048x128xf32>, vector<2048x128xf32> -> vector<2048x1536xf32>
    %dot_general3A = arith.constant dense<0.000000e+00> : vector<2048x128xf32>
    %dot_general3A_104 = tpu.matmul %concatenate3A, %get3A_11, %dot_general3A {dimension_numbers = #tpu.dot_dimension_numbers<[1], [0], [0], [1], [0, 0, 1, 1], [], []>, transpose_lhs_hint = false} : vector<2048x1536xf32>, vector<1536x128xf32>, vector<2048x128xf32> -> vector<2048x128xf32>
    %mul3A_105 = arith.mulf %get3A_4, %get3A_1 : vector<2048x128xf32>
    %get3A_106 = arith.constant 0 : index
    %get3A_107 = arith.constant 0 : index
    %get3A_108 = arith.constant 0 : index
    %get3A_109 = vector.load %arg3[%get3A_106, %get3A_107, %get3A_108] : memref<10x2048x128xf32, #tpu.memory_space<vmem>>, vector<1x2048x128xf32>
    %get3A_110 = vector.shape_cast %get3A_109 : vector<1x2048x128xf32> to vector<2048x128xf32>
    %mul3A_111 = arith.mulf %get3A_4, %get3A_110 : vector<2048x128xf32>
    %get3A_112 = arith.constant 1 : index
    %get3A_113 = arith.constant 0 : index
    %get3A_114 = arith.constant 0 : index
    %get3A_115 = vector.load %arg3[%get3A_112, %get3A_113, %get3A_114] : memref<10x2048x128xf32, #tpu.memory_space<vmem>>, vector<1x2048x128xf32>
    %get3A_116 = vector.shape_cast %get3A_115 : vector<1x2048x128xf32> to vector<2048x128xf32>
    %mul3A_117 = arith.mulf %get3A_4, %get3A_116 : vector<2048x128xf32>
    %get3A_118 = arith.constant 2 : index
    %get3A_119 = arith.constant 0 : index
    %get3A_120 = arith.constant 0 : index
    %get3A_121 = vector.load %arg3[%get3A_118, %get3A_119, %get3A_120] : memref<10x2048x128xf32, #tpu.memory_space<vmem>>, vector<1x2048x128xf32>
    %get3A_122 = vector.shape_cast %get3A_121 : vector<1x2048x128xf32> to vector<2048x128xf32>
    %mul3A_123 = arith.mulf %get3A_4, %get3A_122 : vector<2048x128xf32>
    %get3A_124 = arith.constant 3 : index
    %get3A_125 = arith.constant 0 : index
    %get3A_126 = arith.constant 0 : index
    %get3A_127 = vector.load %arg3[%get3A_124, %get3A_125, %get3A_126] : memref<10x2048x128xf32, #tpu.memory_space<vmem>>, vector<1x2048x128xf32>
    %get3A_128 = vector.shape_cast %get3A_127 : vector<1x2048x128xf32> to vector<2048x128xf32>
    %mul3A_129 = arith.mulf %get3A_4, %get3A_128 : vector<2048x128xf32>
    %get3A_130 = arith.constant 4 : index
    %get3A_131 = arith.constant 0 : index
    %get3A_132 = arith.constant 0 : index
    %get3A_133 = vector.load %arg3[%get3A_130, %get3A_131, %get3A_132] : memref<10x2048x128xf32, #tpu.memory_space<vmem>>, vector<1x2048x128xf32>
    %get3A_134 = vector.shape_cast %get3A_133 : vector<1x2048x128xf32> to vector<2048x128xf32>
    %mul3A_135 = arith.mulf %get3A_4, %get3A_134 : vector<2048x128xf32>
    %get3A_136 = arith.constant 5 : index
    %get3A_137 = arith.constant 0 : index
    %get3A_138 = arith.constant 0 : index
    %get3A_139 = vector.load %arg3[%get3A_136, %get3A_137, %get3A_138] : memref<10x2048x128xf32, #tpu.memory_space<vmem>>, vector<1x2048x128xf32>
    %get3A_140 = vector.shape_cast %get3A_139 : vector<1x2048x128xf32> to vector<2048x128xf32>
    %mul3A_141 = arith.mulf %get3A_4, %get3A_140 : vector<2048x128xf32>
    %get3A_142 = arith.constant 6 : index
    %get3A_143 = arith.constant 0 : index
    %get3A_144 = arith.constant 0 : index
    %get3A_145 = vector.load %arg3[%get3A_142, %get3A_143, %get3A_144] : memref<10x2048x128xf32, #tpu.memory_space<vmem>>, vector<1x2048x128xf32>
    %get3A_146 = vector.shape_cast %get3A_145 : vector<1x2048x128xf32> to vector<2048x128xf32>
    %mul3A_147 = arith.mulf %get3A_4, %get3A_146 : vector<2048x128xf32>
    %get3A_148 = arith.constant 7 : index
    %get3A_149 = arith.constant 0 : index
    %get3A_150 = arith.constant 0 : index
    %get3A_151 = vector.load %arg3[%get3A_148, %get3A_149, %get3A_150] : memref<10x2048x128xf32, #tpu.memory_space<vmem>>, vector<1x2048x128xf32>
    %get3A_152 = vector.shape_cast %get3A_151 : vector<1x2048x128xf32> to vector<2048x128xf32>
    %mul3A_153 = arith.mulf %get3A_4, %get3A_152 : vector<2048x128xf32>
    %get3A_154 = arith.constant 8 : index
    %get3A_155 = arith.constant 0 : index
    %get3A_156 = arith.constant 0 : index
    %get3A_157 = vector.load %arg3[%get3A_154, %get3A_155, %get3A_156] : memref<10x2048x128xf32, #tpu.memory_space<vmem>>, vector<1x2048x128xf32>
    %get3A_158 = vector.shape_cast %get3A_157 : vector<1x2048x128xf32> to vector<2048x128xf32>
    %mul3A_159 = arith.mulf %get3A_4, %get3A_158 : vector<2048x128xf32>
    %get3A_160 = arith.constant 9 : index
    %get3A_161 = arith.constant 0 : index
    %get3A_162 = arith.constant 0 : index
    %get3A_163 = vector.load %arg3[%get3A_160, %get3A_161, %get3A_162] : memref<10x2048x128xf32, #tpu.memory_space<vmem>>, vector<1x2048x128xf32>
    %get3A_164 = vector.shape_cast %get3A_163 : vector<1x2048x128xf32> to vector<2048x128xf32>
    %mul3A_165 = arith.mulf %get3A_4, %get3A_164 : vector<2048x128xf32>
    %mul3A_166 = arith.mulf %get3A_4, %get3A_4 : vector<2048x128xf32>
    %concatenate3A_167 = tpu.concatenate %mul3A_105, %mul3A_111, %mul3A_117, %mul3A_123, %mul3A_129, %mul3A_135, %mul3A_141, %mul3A_147, %mul3A_153, %mul3A_159, %mul3A_165, %mul3A_166 in 1 : vector<2048x128xf32>, vector<2048x128xf32>, vector<2048x128xf32>, vector<2048x128xf32>, vector<2048x128xf32>, vector<2048x128xf32>, vector<2048x128xf32>, vector<2048x128xf32>, vector<2048x128xf32>, vector<2048x128xf32>, vector<2048x128xf32>, vector<2048x128xf32> -> vector<2048x1536xf32>
    %dot_general3A_168 = arith.constant dense<0.000000e+00> : vector<2048x128xf32>
    %dot_general3A_169 = tpu.matmul %concatenate3A_167, %get3A_11, %dot_general3A_168 {dimension_numbers = #tpu.dot_dimension_numbers<[1], [0], [0], [1], [0, 0, 1, 1], [], []>, transpose_lhs_hint = false} : vector<2048x1536xf32>, vector<1536x128xf32>, vector<2048x128xf32> -> vector<2048x128xf32>
    %slice3A = vector.extract_strided_slice %dot_general3A_104 {offsets = [0, 11], sizes = [2048, 1], strides = [1, 1]} : vector<2048x128xf32> to vector<2048x1xf32>
    %logistic3A = arith.negf %slice3A : vector<2048x1xf32>
    %logistic3A_170 = math.exp %logistic3A : vector<2048x1xf32>
    %logistic3A_171 = arith.constant 1.000000e+00 : f32
    %logistic3A_172 = vector.broadcast %logistic3A_171 : f32 to vector<2048x1xf32>
    %logistic3A_173 = arith.addf %logistic3A_172, %logistic3A_170 : vector<2048x1xf32>
    %logistic3A_174 = arith.divf %logistic3A_172, %logistic3A_173 : vector<2048x1xf32>
    %slice3A_175 = vector.extract_strided_slice %dot_general3A_169 {offsets = [0, 11], sizes = [2048, 1], strides = [1, 1]} : vector<2048x128xf32> to vector<2048x1xf32>
    %sqrt3A = math.sqrt %slice3A_175 : vector<2048x1xf32>
    %max3A = arith.constant 9.99999996E-13 : f32
    %max3A_176 = vector.broadcast %max3A : f32 to vector<2048x1xf32>
    %max3A_177 = arith.maximumf %sqrt3A, %max3A_176 : vector<2048x1xf32>
    %div3A = arith.divf %logistic3A_174, %max3A_177 : vector<2048x1xf32>
    %mul3A_178 = vector.broadcast %div3A : vector<2048x1xf32> to vector<2048x128xf32>
    %mul3A_179 = arith.mulf %mul3A_178, %dot_general3A_169 : vector<2048x128xf32>
    %add3A = arith.addf %dot_general3A_104, %mul3A_179 : vector<2048x128xf32>
    %mul3A_180 = arith.constant 14.2857141 : f32
    %mul3A_181 = vector.broadcast %mul3A_180 : f32 to vector<2048x128xf32>
    %mul3A_182 = arith.mulf %add3A, %mul3A_181 : vector<2048x128xf32>
    %mul3A_183 = vector.broadcast %select_n3A_35 : vector<1x128xf32> to vector<2048x128xf32>
    %mul3A_184 = arith.mulf %mul3A_182, %mul3A_183 : vector<2048x128xf32>
    %max3A_185 = arith.constant 0.000000e+00 : f32
    %max3A_186 = vector.broadcast %max3A_185 : f32 to vector<2048x128xf32>
    %max3A_187 = arith.maximumf %mul3A_184, %max3A_186 : vector<2048x128xf32>
    %abs3A = math.absf %mul3A_184 : vector<2048x128xf32>
    %neg3A = arith.constant 0.000000e+00 : f32
    %neg3A_188 = vector.broadcast %neg3A : f32 to vector<2048x128xf32>
    %neg3A_189 = arith.subf %neg3A_188, %abs3A : vector<2048x128xf32>
    %exp3A = math.exp %neg3A_189 : vector<2048x128xf32>
    %log1p3A = math.log1p %exp3A : vector<2048x128xf32>
    %add3A_190 = arith.addf %max3A_187, %log1p3A : vector<2048x128xf32>
    %mul3A_191 = vector.broadcast %select_n3A_42 : vector<1x128xf32> to vector<2048x128xf32>
    %mul3A_192 = arith.mulf %mul3A_191, %add3A_190 : vector<2048x128xf32>
    %reduce_sum3A = vector.shape_cast %mul3A_192 : vector<2048x128xf32> to vector<1x2048x128xf32>
    %reduce_sum3A_193 = arith.constant dense<0.000000e+00> : vector<1xf32>
    %reduce_sum3A_194 = vector.multi_reduction <add>, %reduce_sum3A, %reduce_sum3A_193 [1, 2] : vector<1x2048x128xf32> to vector<1xf32>
    %reduce_sum3A_195 = vector.shape_cast %reduce_sum3A_194 : vector<1xf32> to vector<1x1x1xf32>
    %reduce_sum3A_196 = vector.extract %reduce_sum3A_195[0, 0, 0] : f32 from vector<1x1x1xf32>
    %eq3A_197 = arith.constant 0 : i32
    %eq3A_198 = arith.cmpi eq, %arg0, %eq3A_197 : i32
    %convert_element_type3A = arith.extui %eq3A_198 : i1 to i32
    %cond3A = arith.constant 0 : i32
    %cond3A_199 = arith.cmpi ne, %convert_element_type3A, %cond3A : i32
    scf.if %cond3A_199 {
      %broadcast_in_dim3A_207 = arith.constant 0.000000e+00 : f32
      %broadcast_in_dim3A_208 = vector.broadcast %broadcast_in_dim3A_207 : f32 to vector<1x1xf32>
      %swap3A_209 = arith.constant 0 : index
      %swap3A_210 = arith.constant 0 : index
      %swap3A_211 = vector.load %arg6[%swap3A_209, %swap3A_210] : memref<1x1xf32, #tpu.memory_space<vmem>>, vector<1x1xf32>
      tpu.vector_store %arg6[%swap3A_209, %swap3A_210], %broadcast_in_dim3A_208 {strides = array<i32>} : memref<1x1xf32, #tpu.memory_space<vmem>>, vector<1x1xf32>,
    } else {
    }
    %get3A_200 = arith.constant 0 : index
    %get3A_201 = arith.constant 0 : index
    %get3A_202 = vector.load %arg6[%get3A_200, %get3A_201] : memref<1x1xf32, #tpu.memory_space<vmem>>, vector<1x1xf32>
    %add3A_203 = vector.broadcast %reduce_sum3A_196 : f32 to vector<1x1xf32>
    %add3A_204 = arith.addf %get3A_202, %add3A_203 : vector<1x1xf32>
    %swap3A = arith.constant 0 : index
    %swap3A_205 = arith.constant 0 : index
    %swap3A_206 = vector.load %arg6[%swap3A, %swap3A_205] : memref<1x1xf32, #tpu.memory_space<vmem>>, vector<1x1xf32>
    tpu.vector_store %arg6[%swap3A, %swap3A_205], %add3A_204 {strides = array<i32>} : memref<1x1xf32, #tpu.memory_space<vmem>>, vector<1x1xf32>,
    return
  }
  func.func @transform_0(%arg0: i32) -> (i32, i32) {
    %c0_i32 = arith.constant 0 : i32
    %c0_i32_0 = arith.constant 0 : i32
    return %arg0, %c0_i32 : i32, i32
  }
  func.func @transform_1(%arg0: i32) -> (i32, i32) {
    %c0_i32 = arith.constant 0 : i32
    %c0_i32_0 = arith.constant 0 : i32
    return %arg0, %c0_i32 : i32, i32
  }
  func.func @transform_2(%arg0: i32) -> (i32, i32, i32) {
    %c0_i32 = arith.constant 0 : i32
    %c0_i32_0 = arith.constant 0 : i32
    %c0_i32_1 = arith.constant 0 : i32
    return %c0_i32, %arg0, %c0_i32_0 : i32, i32, i32
  }
  func.func @transform_3(%arg0: i32) -> (i32, i32) {
    %c0_i32 = arith.constant 0 : i32
    %c0_i32_0 = arith.constant 0 : i32
    %c0_i32_1 = arith.constant 0 : i32
    return %c0_i32, %c0_i32_0 : i32, i32
  }
  func.func @transform_4(%arg0: i32) -> (i32, i32) {
    %c0_i32 = arith.constant 0 : i32
    %c0_i32_0 = arith.constant 0 : i32
    %c0_i32_1 = arith.constant 0 : i32
    return %c0_i32, %c0_i32_0 : i32, i32
  }
  func.func @transform_5(%arg0: i32) -> (i32, i32) {
    %c0_i32 = arith.constant 0 : i32
    %c0_i32_0 = arith.constant 0 : i32
    %c0_i32_1 = arith.constant 0 : i32
    return %c0_i32, %c0_i32_0 : i32, i32
  }
}

module attributes {stable_mosaic.version = 14 : i64} {
  func.func @_loss_edges_body(%arg0: i32, %arg1: memref<2048x128xf32, #tpu.memory_space<vmem>>, %arg2: memref<2048x128xf32, #tpu.memory_space<vmem>>, %arg3: memref<10x2048x128xf32, #tpu.memory_space<vmem>>, %arg4: memref<2048x128xf32, #tpu.memory_space<vmem>>, %arg5: memref<1x128xf32, #tpu.memory_space<vmem>>, %arg6: memref<1536x128xf32, #tpu.memory_space<vmem>>, %arg7: memref<1x1xf32, #tpu.memory_space<vmem>>, %arg8: memref<1x1xf32, #tpu.memory_space<vmem>>) attributes {dimension_semantics = [#tpu.dimension_semantics<arbitrary>], iteration_bounds = array<i64: 4>, scalar_prefetch = 0 : i64, scratch_operands = 0 : i64, tpu.core_type = #tpu.core_type<tc>, window_params = [{transform_indices = @transform_0, window_bounds = array<i64: 2048, 128>}, {transform_indices = @transform_1, window_bounds = array<i64: 2048, 128>}, {transform_indices = @transform_2, window_bounds = array<i64: 10, 2048, 128>}, {transform_indices = @transform_3, window_bounds = array<i64: 2048, 128>}, {pipeline_mode = #tpu.pipeline_mode<synchronous>, transform_indices = @transform_4, window_bounds = array<i64: 1, 128>}, {pipeline_mode = #tpu.pipeline_mode<synchronous>, transform_indices = @transform_5, window_bounds = array<i64: 1536, 128>}, {pipeline_mode = #tpu.pipeline_mode<synchronous>, transform_indices = @transform_6, window_bounds = array<i64: 1, 1>}, {pipeline_mode = #tpu.pipeline_mode<synchronous>, transform_indices = @transform_7, window_bounds = array<i64: 1, 1>}]} {
    %get3A = arith.constant 0 : index
    %get3A_0 = arith.constant 0 : index
    %get3A_1 = vector.load %arg1[%get3A, %get3A_0] : memref<2048x128xf32, #tpu.memory_space<vmem>>, vector<2048x128xf32>
    %get3A_2 = arith.constant 0 : index
    %get3A_3 = arith.constant 0 : index
    %get3A_4 = vector.load %arg2[%get3A_2, %get3A_3] : memref<2048x128xf32, #tpu.memory_space<vmem>>, vector<2048x128xf32>
    %get3A_5 = arith.constant 0 : index
    %get3A_6 = arith.constant 0 : index
    %get3A_7 = vector.load %arg4[%get3A_5, %get3A_6] : memref<2048x128xf32, #tpu.memory_space<vmem>>, vector<2048x128xf32>
    %get3A_8 = arith.constant 0 : index
    %get3A_9 = arith.constant 0 : index
    %get3A_10 = vector.load %arg5[%get3A_8, %get3A_9] : memref<1x128xf32, #tpu.memory_space<vmem>>, vector<1x128xf32>
    %broadcast_in_dim3A = vector.shape_cast %get3A_10 : vector<1x128xf32> to vector<1x128xf32>
    %broadcast_in_dim3A_11 = vector.broadcast %broadcast_in_dim3A : vector<1x128xf32> to vector<2048x128xf32>
    %get3A_12 = arith.constant 0 : index
    %get3A_13 = arith.constant 0 : index
    %get3A_14 = vector.load %arg6[%get3A_12, %get3A_13] : memref<1536x128xf32, #tpu.memory_space<vmem>>, vector<1536x128xf32>
    %iota3A = tpu.iota {dimensions = array<i32: 1>} : vector<1x128xi32>
    %eq3A = arith.constant 0 : i32
    %eq3A_15 = vector.broadcast %eq3A : i32 to vector<1x128xi32>
    %eq3A_16 = arith.cmpi eq, %iota3A, %eq3A_15 : vector<1x128xi32>
    %lt3A = arith.constant 11 : i32
    %lt3A_17 = vector.broadcast %lt3A : i32 to vector<1x128xi32>
    %lt3A_18 = arith.cmpi slt, %iota3A, %lt3A_17 : vector<1x128xi32>
    %jit3A = arith.constant 1.000000e+00 : f32
    %jit3A_19 = arith.constant 0.000000e+00 : f32
    %broadcast_in_dim3A_20 = vector.broadcast %jit3A : f32 to vector<1x128xf32>
    %broadcast_in_dim3A_21 = vector.broadcast %jit3A_19 : f32 to vector<1x128xf32>
    %select_n3A = arith.select %lt3A_18, %broadcast_in_dim3A_20, %broadcast_in_dim3A_21 : vector<1x128xi1>, vector<1x128xf32>
    %jit3A_22 = arith.constant 1.000000e+01 : f32
    %broadcast_in_dim3A_23 = vector.broadcast %jit3A_22 : f32 to vector<1x128xf32>
    %select_n3A_24 = arith.select %eq3A_16, %broadcast_in_dim3A_23, %select_n3A : vector<1x128xi1>, vector<1x128xf32>
    %eq3A_25 = arith.constant 0 : i32
    %eq3A_26 = vector.broadcast %eq3A_25 : i32 to vector<1x128xi32>
    %eq3A_27 = arith.cmpi eq, %iota3A, %eq3A_26 : vector<1x128xi32>
    %lt3A_28 = arith.constant 11 : i32
    %lt3A_29 = vector.broadcast %lt3A_28 : i32 to vector<1x128xi32>
    %lt3A_30 = arith.cmpi slt, %iota3A, %lt3A_29 : vector<1x128xi32>
    %jit3A_31 = arith.constant 1.000000e+00 : f32
    %jit3A_32 = arith.constant 0.000000e+00 : f32
    %broadcast_in_dim3A_33 = vector.broadcast %jit3A_31 : f32 to vector<1x128xf32>
    %broadcast_in_dim3A_34 = vector.broadcast %jit3A_32 : f32 to vector<1x128xf32>
    %select_n3A_35 = arith.select %lt3A_30, %broadcast_in_dim3A_33, %broadcast_in_dim3A_34 : vector<1x128xi1>, vector<1x128xf32>
    %jit3A_36 = arith.constant -1.000000e+00 : f32
    %broadcast_in_dim3A_37 = vector.broadcast %jit3A_36 : f32 to vector<1x128xf32>
    %select_n3A_38 = arith.select %eq3A_27, %broadcast_in_dim3A_37, %select_n3A_35 : vector<1x128xi1>, vector<1x128xf32>
    %mul3A = arith.mulf %get3A_1, %get3A_4 : vector<2048x128xf32>
    %get3A_39 = arith.constant 0 : index
    %get3A_40 = arith.constant 0 : index
    %get3A_41 = arith.constant 0 : index
    %get3A_42 = vector.load %arg3[%get3A_39, %get3A_40, %get3A_41] : memref<10x2048x128xf32, #tpu.memory_space<vmem>>, vector<1x2048x128xf32>
    %get3A_43 = vector.shape_cast %get3A_42 : vector<1x2048x128xf32> to vector<2048x128xf32>
    %mul3A_44 = arith.mulf %get3A_1, %get3A_43 : vector<2048x128xf32>
    %get3A_45 = arith.constant 1 : index
    %get3A_46 = arith.constant 0 : index
    %get3A_47 = arith.constant 0 : index
    %get3A_48 = vector.load %arg3[%get3A_45, %get3A_46, %get3A_47] : memref<10x2048x128xf32, #tpu.memory_space<vmem>>, vector<1x2048x128xf32>
    %get3A_49 = vector.shape_cast %get3A_48 : vector<1x2048x128xf32> to vector<2048x128xf32>
    %mul3A_50 = arith.mulf %get3A_1, %get3A_49 : vector<2048x128xf32>
    %get3A_51 = arith.constant 2 : index
    %get3A_52 = arith.constant 0 : index
    %get3A_53 = arith.constant 0 : index
    %get3A_54 = vector.load %arg3[%get3A_51, %get3A_52, %get3A_53] : memref<10x2048x128xf32, #tpu.memory_space<vmem>>, vector<1x2048x128xf32>
    %get3A_55 = vector.shape_cast %get3A_54 : vector<1x2048x128xf32> to vector<2048x128xf32>
    %mul3A_56 = arith.mulf %get3A_1, %get3A_55 : vector<2048x128xf32>
    %get3A_57 = arith.constant 3 : index
    %get3A_58 = arith.constant 0 : index
    %get3A_59 = arith.constant 0 : index
    %get3A_60 = vector.load %arg3[%get3A_57, %get3A_58, %get3A_59] : memref<10x2048x128xf32, #tpu.memory_space<vmem>>, vector<1x2048x128xf32>
    %get3A_61 = vector.shape_cast %get3A_60 : vector<1x2048x128xf32> to vector<2048x128xf32>
    %mul3A_62 = arith.mulf %get3A_1, %get3A_61 : vector<2048x128xf32>
    %get3A_63 = arith.constant 4 : index
    %get3A_64 = arith.constant 0 : index
    %get3A_65 = arith.constant 0 : index
    %get3A_66 = vector.load %arg3[%get3A_63, %get3A_64, %get3A_65] : memref<10x2048x128xf32, #tpu.memory_space<vmem>>, vector<1x2048x128xf32>
    %get3A_67 = vector.shape_cast %get3A_66 : vector<1x2048x128xf32> to vector<2048x128xf32>
    %mul3A_68 = arith.mulf %get3A_1, %get3A_67 : vector<2048x128xf32>
    %get3A_69 = arith.constant 5 : index
    %get3A_70 = arith.constant 0 : index
    %get3A_71 = arith.constant 0 : index
    %get3A_72 = vector.load %arg3[%get3A_69, %get3A_70, %get3A_71] : memref<10x2048x128xf32, #tpu.memory_space<vmem>>, vector<1x2048x128xf32>
    %get3A_73 = vector.shape_cast %get3A_72 : vector<1x2048x128xf32> to vector<2048x128xf32>
    %mul3A_74 = arith.mulf %get3A_1, %get3A_73 : vector<2048x128xf32>
    %get3A_75 = arith.constant 6 : index
    %get3A_76 = arith.constant 0 : index
    %get3A_77 = arith.constant 0 : index
    %get3A_78 = vector.load %arg3[%get3A_75, %get3A_76, %get3A_77] : memref<10x2048x128xf32, #tpu.memory_space<vmem>>, vector<1x2048x128xf32>
    %get3A_79 = vector.shape_cast %get3A_78 : vector<1x2048x128xf32> to vector<2048x128xf32>
    %mul3A_80 = arith.mulf %get3A_1, %get3A_79 : vector<2048x128xf32>
    %get3A_81 = arith.constant 7 : index
    %get3A_82 = arith.constant 0 : index
    %get3A_83 = arith.constant 0 : index
    %get3A_84 = vector.load %arg3[%get3A_81, %get3A_82, %get3A_83] : memref<10x2048x128xf32, #tpu.memory_space<vmem>>, vector<1x2048x128xf32>
    %get3A_85 = vector.shape_cast %get3A_84 : vector<1x2048x128xf32> to vector<2048x128xf32>
    %mul3A_86 = arith.mulf %get3A_1, %get3A_85 : vector<2048x128xf32>
    %get3A_87 = arith.constant 8 : index
    %get3A_88 = arith.constant 0 : index
    %get3A_89 = arith.constant 0 : index
    %get3A_90 = vector.load %arg3[%get3A_87, %get3A_88, %get3A_89] : memref<10x2048x128xf32, #tpu.memory_space<vmem>>, vector<1x2048x128xf32>
    %get3A_91 = vector.shape_cast %get3A_90 : vector<1x2048x128xf32> to vector<2048x128xf32>
    %mul3A_92 = arith.mulf %get3A_1, %get3A_91 : vector<2048x128xf32>
    %get3A_93 = arith.constant 9 : index
    %get3A_94 = arith.constant 0 : index
    %get3A_95 = arith.constant 0 : index
    %get3A_96 = vector.load %arg3[%get3A_93, %get3A_94, %get3A_95] : memref<10x2048x128xf32, #tpu.memory_space<vmem>>, vector<1x2048x128xf32>
    %get3A_97 = vector.shape_cast %get3A_96 : vector<1x2048x128xf32> to vector<2048x128xf32>
    %mul3A_98 = arith.mulf %get3A_1, %get3A_97 : vector<2048x128xf32>
    %mul3A_99 = arith.mulf %get3A_1, %broadcast_in_dim3A_11 : vector<2048x128xf32>
    %concatenate3A = tpu.concatenate %mul3A, %mul3A_44, %mul3A_50, %mul3A_56, %mul3A_62, %mul3A_68, %mul3A_74, %mul3A_80, %mul3A_86, %mul3A_92, %mul3A_98, %mul3A_99 in 1 : vector<2048x128xf32>, vector<2048x128xf32>, vector<2048x128xf32>, vector<2048x128xf32>, vector<2048x128xf32>, vector<2048x128xf32>, vector<2048x128xf32>, vector<2048x128xf32>, vector<2048x128xf32>, vector<2048x128xf32>, vector<2048x128xf32>, vector<2048x128xf32> -> vector<2048x1536xf32>
    %dot_general3A = arith.constant dense<0.000000e+00> : vector<2048x128xf32>
    %dot_general3A_100 = tpu.matmul %concatenate3A, %get3A_14, %dot_general3A {dimension_numbers = #tpu.dot_dimension_numbers<[1], [0], [0], [1], [0, 0, 1, 1], [], []>, transpose_lhs_hint = false} : vector<2048x1536xf32>, vector<1536x128xf32>, vector<2048x128xf32> -> vector<2048x128xf32>
    %mul3A_101 = arith.mulf %get3A_7, %get3A_4 : vector<2048x128xf32>
    %get3A_102 = arith.constant 0 : index
    %get3A_103 = arith.constant 0 : index
    %get3A_104 = arith.constant 0 : index
    %get3A_105 = vector.load %arg3[%get3A_102, %get3A_103, %get3A_104] : memref<10x2048x128xf32, #tpu.memory_space<vmem>>, vector<1x2048x128xf32>
    %get3A_106 = vector.shape_cast %get3A_105 : vector<1x2048x128xf32> to vector<2048x128xf32>
    %mul3A_107 = arith.mulf %get3A_7, %get3A_106 : vector<2048x128xf32>
    %get3A_108 = arith.constant 1 : index
    %get3A_109 = arith.constant 0 : index
    %get3A_110 = arith.constant 0 : index
    %get3A_111 = vector.load %arg3[%get3A_108, %get3A_109, %get3A_110] : memref<10x2048x128xf32, #tpu.memory_space<vmem>>, vector<1x2048x128xf32>
    %get3A_112 = vector.shape_cast %get3A_111 : vector<1x2048x128xf32> to vector<2048x128xf32>
    %mul3A_113 = arith.mulf %get3A_7, %get3A_112 : vector<2048x128xf32>
    %get3A_114 = arith.constant 2 : index
    %get3A_115 = arith.constant 0 : index
    %get3A_116 = arith.constant 0 : index
    %get3A_117 = vector.load %arg3[%get3A_114, %get3A_115, %get3A_116] : memref<10x2048x128xf32, #tpu.memory_space<vmem>>, vector<1x2048x128xf32>
    %get3A_118 = vector.shape_cast %get3A_117 : vector<1x2048x128xf32> to vector<2048x128xf32>
    %mul3A_119 = arith.mulf %get3A_7, %get3A_118 : vector<2048x128xf32>
    %get3A_120 = arith.constant 3 : index
    %get3A_121 = arith.constant 0 : index
    %get3A_122 = arith.constant 0 : index
    %get3A_123 = vector.load %arg3[%get3A_120, %get3A_121, %get3A_122] : memref<10x2048x128xf32, #tpu.memory_space<vmem>>, vector<1x2048x128xf32>
    %get3A_124 = vector.shape_cast %get3A_123 : vector<1x2048x128xf32> to vector<2048x128xf32>
    %mul3A_125 = arith.mulf %get3A_7, %get3A_124 : vector<2048x128xf32>
    %get3A_126 = arith.constant 4 : index
    %get3A_127 = arith.constant 0 : index
    %get3A_128 = arith.constant 0 : index
    %get3A_129 = vector.load %arg3[%get3A_126, %get3A_127, %get3A_128] : memref<10x2048x128xf32, #tpu.memory_space<vmem>>, vector<1x2048x128xf32>
    %get3A_130 = vector.shape_cast %get3A_129 : vector<1x2048x128xf32> to vector<2048x128xf32>
    %mul3A_131 = arith.mulf %get3A_7, %get3A_130 : vector<2048x128xf32>
    %get3A_132 = arith.constant 5 : index
    %get3A_133 = arith.constant 0 : index
    %get3A_134 = arith.constant 0 : index
    %get3A_135 = vector.load %arg3[%get3A_132, %get3A_133, %get3A_134] : memref<10x2048x128xf32, #tpu.memory_space<vmem>>, vector<1x2048x128xf32>
    %get3A_136 = vector.shape_cast %get3A_135 : vector<1x2048x128xf32> to vector<2048x128xf32>
    %mul3A_137 = arith.mulf %get3A_7, %get3A_136 : vector<2048x128xf32>
    %get3A_138 = arith.constant 6 : index
    %get3A_139 = arith.constant 0 : index
    %get3A_140 = arith.constant 0 : index
    %get3A_141 = vector.load %arg3[%get3A_138, %get3A_139, %get3A_140] : memref<10x2048x128xf32, #tpu.memory_space<vmem>>, vector<1x2048x128xf32>
    %get3A_142 = vector.shape_cast %get3A_141 : vector<1x2048x128xf32> to vector<2048x128xf32>
    %mul3A_143 = arith.mulf %get3A_7, %get3A_142 : vector<2048x128xf32>
    %get3A_144 = arith.constant 7 : index
    %get3A_145 = arith.constant 0 : index
    %get3A_146 = arith.constant 0 : index
    %get3A_147 = vector.load %arg3[%get3A_144, %get3A_145, %get3A_146] : memref<10x2048x128xf32, #tpu.memory_space<vmem>>, vector<1x2048x128xf32>
    %get3A_148 = vector.shape_cast %get3A_147 : vector<1x2048x128xf32> to vector<2048x128xf32>
    %mul3A_149 = arith.mulf %get3A_7, %get3A_148 : vector<2048x128xf32>
    %get3A_150 = arith.constant 8 : index
    %get3A_151 = arith.constant 0 : index
    %get3A_152 = arith.constant 0 : index
    %get3A_153 = vector.load %arg3[%get3A_150, %get3A_151, %get3A_152] : memref<10x2048x128xf32, #tpu.memory_space<vmem>>, vector<1x2048x128xf32>
    %get3A_154 = vector.shape_cast %get3A_153 : vector<1x2048x128xf32> to vector<2048x128xf32>
    %mul3A_155 = arith.mulf %get3A_7, %get3A_154 : vector<2048x128xf32>
    %get3A_156 = arith.constant 9 : index
    %get3A_157 = arith.constant 0 : index
    %get3A_158 = arith.constant 0 : index
    %get3A_159 = vector.load %arg3[%get3A_156, %get3A_157, %get3A_158] : memref<10x2048x128xf32, #tpu.memory_space<vmem>>, vector<1x2048x128xf32>
    %get3A_160 = vector.shape_cast %get3A_159 : vector<1x2048x128xf32> to vector<2048x128xf32>
    %mul3A_161 = arith.mulf %get3A_7, %get3A_160 : vector<2048x128xf32>
    %mul3A_162 = arith.mulf %get3A_7, %get3A_7 : vector<2048x128xf32>
    %concatenate3A_163 = tpu.concatenate %mul3A_101, %mul3A_107, %mul3A_113, %mul3A_119, %mul3A_125, %mul3A_131, %mul3A_137, %mul3A_143, %mul3A_149, %mul3A_155, %mul3A_161, %mul3A_162 in 1 : vector<2048x128xf32>, vector<2048x128xf32>, vector<2048x128xf32>, vector<2048x128xf32>, vector<2048x128xf32>, vector<2048x128xf32>, vector<2048x128xf32>, vector<2048x128xf32>, vector<2048x128xf32>, vector<2048x128xf32>, vector<2048x128xf32>, vector<2048x128xf32> -> vector<2048x1536xf32>
    %dot_general3A_164 = arith.constant dense<0.000000e+00> : vector<2048x128xf32>
    %dot_general3A_165 = tpu.matmul %concatenate3A_163, %get3A_14, %dot_general3A_164 {dimension_numbers = #tpu.dot_dimension_numbers<[1], [0], [0], [1], [0, 0, 1, 1], [], []>, transpose_lhs_hint = false} : vector<2048x1536xf32>, vector<1536x128xf32>, vector<2048x128xf32> -> vector<2048x128xf32>
    %slice3A = vector.extract_strided_slice %dot_general3A_100 {offsets = [0, 11], sizes = [2048, 1], strides = [1, 1]} : vector<2048x128xf32> to vector<2048x1xf32>
    %logistic3A = arith.negf %slice3A : vector<2048x1xf32>
    %logistic3A_166 = math.exp %logistic3A : vector<2048x1xf32>
    %logistic3A_167 = arith.constant 1.000000e+00 : f32
    %logistic3A_168 = vector.broadcast %logistic3A_167 : f32 to vector<2048x1xf32>
    %logistic3A_169 = arith.addf %logistic3A_168, %logistic3A_166 : vector<2048x1xf32>
    %logistic3A_170 = arith.divf %logistic3A_168, %logistic3A_169 : vector<2048x1xf32>
    %slice3A_171 = vector.extract_strided_slice %dot_general3A_165 {offsets = [0, 11], sizes = [2048, 1], strides = [1, 1]} : vector<2048x128xf32> to vector<2048x1xf32>
    %sqrt3A = math.sqrt %slice3A_171 : vector<2048x1xf32>
    %max3A = arith.constant 9.99999996E-13 : f32
    %max3A_172 = vector.broadcast %max3A : f32 to vector<2048x1xf32>
    %max3A_173 = arith.maximumf %sqrt3A, %max3A_172 : vector<2048x1xf32>
    %div3A = arith.divf %logistic3A_170, %max3A_173 : vector<2048x1xf32>
    %mul3A_174 = vector.broadcast %select_n3A_38 : vector<1x128xf32> to vector<2048x128xf32>
    %mul3A_175 = arith.mulf %dot_general3A_100, %mul3A_174 : vector<2048x128xf32>
    %mul3A_176 = vector.broadcast %div3A : vector<2048x1xf32> to vector<2048x128xf32>
    %mul3A_177 = arith.mulf %mul3A_176, %dot_general3A_165 : vector<2048x128xf32>
    %add3A = arith.addf %dot_general3A_100, %mul3A_177 : vector<2048x128xf32>
    %mul3A_178 = vector.broadcast %select_n3A_38 : vector<1x128xf32> to vector<2048x128xf32>
    %mul3A_179 = arith.mulf %add3A, %mul3A_178 : vector<2048x128xf32>
    %max3A_180 = arith.constant 0.000000e+00 : f32
    %max3A_181 = vector.broadcast %max3A_180 : f32 to vector<2048x128xf32>
    %max3A_182 = arith.maximumf %mul3A_175, %max3A_181 : vector<2048x128xf32>
    %abs3A = math.absf %mul3A_175 : vector<2048x128xf32>
    %neg3A = arith.constant 0.000000e+00 : f32
    %neg3A_183 = vector.broadcast %neg3A : f32 to vector<2048x128xf32>
    %neg3A_184 = arith.subf %neg3A_183, %abs3A : vector<2048x128xf32>
    %exp3A = math.exp %neg3A_184 : vector<2048x128xf32>
    %log1p3A = math.log1p %exp3A : vector<2048x128xf32>
    %add3A_185 = arith.addf %max3A_182, %log1p3A : vector<2048x128xf32>
    %mul3A_186 = vector.broadcast %select_n3A_24 : vector<1x128xf32> to vector<2048x128xf32>
    %mul3A_187 = arith.mulf %mul3A_186, %add3A_185 : vector<2048x128xf32>
    %reduce_sum3A = vector.shape_cast %mul3A_187 : vector<2048x128xf32> to vector<1x2048x128xf32>
    %reduce_sum3A_188 = arith.constant dense<0.000000e+00> : vector<1xf32>
    %reduce_sum3A_189 = vector.multi_reduction <add>, %reduce_sum3A, %reduce_sum3A_188 [1, 2] : vector<1x2048x128xf32> to vector<1xf32>
    %reduce_sum3A_190 = vector.shape_cast %reduce_sum3A_189 : vector<1xf32> to vector<1x1x1xf32>
    %reduce_sum3A_191 = vector.extract %reduce_sum3A_190[0, 0, 0] : f32 from vector<1x1x1xf32>
    %max3A_192 = arith.constant 0.000000e+00 : f32
    %max3A_193 = vector.broadcast %max3A_192 : f32 to vector<2048x128xf32>
    %max3A_194 = arith.maximumf %mul3A_179, %max3A_193 : vector<2048x128xf32>
    %abs3A_195 = math.absf %mul3A_179 : vector<2048x128xf32>
    %neg3A_196 = arith.constant 0.000000e+00 : f32
    %neg3A_197 = vector.broadcast %neg3A_196 : f32 to vector<2048x128xf32>
    %neg3A_198 = arith.subf %neg3A_197, %abs3A_195 : vector<2048x128xf32>
    %exp3A_199 = math.exp %neg3A_198 : vector<2048x128xf32>
    %log1p3A_200 = math.log1p %exp3A_199 : vector<2048x128xf32>
    %add3A_201 = arith.addf %max3A_194, %log1p3A_200 : vector<2048x128xf32>
    %mul3A_202 = vector.broadcast %select_n3A_24 : vector<1x128xf32> to vector<2048x128xf32>
    %mul3A_203 = arith.mulf %mul3A_202, %add3A_201 : vector<2048x128xf32>
    %reduce_sum3A_204 = vector.shape_cast %mul3A_203 : vector<2048x128xf32> to vector<1x2048x128xf32>
    %reduce_sum3A_205 = arith.constant dense<0.000000e+00> : vector<1xf32>
    %reduce_sum3A_206 = vector.multi_reduction <add>, %reduce_sum3A_204, %reduce_sum3A_205 [1, 2] : vector<1x2048x128xf32> to vector<1xf32>
    %reduce_sum3A_207 = vector.shape_cast %reduce_sum3A_206 : vector<1xf32> to vector<1x1x1xf32>
    %reduce_sum3A_208 = vector.extract %reduce_sum3A_207[0, 0, 0] : f32 from vector<1x1x1xf32>
    %eq3A_209 = arith.constant 0 : i32
    %eq3A_210 = arith.cmpi eq, %arg0, %eq3A_209 : i32
    %convert_element_type3A = arith.extui %eq3A_210 : i1 to i32
    %cond3A = arith.constant 0 : i32
    %cond3A_211 = arith.cmpi ne, %convert_element_type3A, %cond3A : i32
    scf.if %cond3A_211 {
      %broadcast_in_dim3A_227 = arith.constant 0.000000e+00 : f32
      %broadcast_in_dim3A_228 = vector.broadcast %broadcast_in_dim3A_227 : f32 to vector<1x1xf32>
      %swap3A_229 = arith.constant 0 : index
      %swap3A_230 = arith.constant 0 : index
      %swap3A_231 = vector.load %arg7[%swap3A_229, %swap3A_230] : memref<1x1xf32, #tpu.memory_space<vmem>>, vector<1x1xf32>
      tpu.vector_store %arg7[%swap3A_229, %swap3A_230], %broadcast_in_dim3A_228 {strides = array<i32>} : memref<1x1xf32, #tpu.memory_space<vmem>>, vector<1x1xf32>,
      %broadcast_in_dim3A_232 = arith.constant 0.000000e+00 : f32
      %broadcast_in_dim3A_233 = vector.broadcast %broadcast_in_dim3A_232 : f32 to vector<1x1xf32>
      %swap3A_234 = arith.constant 0 : index
      %swap3A_235 = arith.constant 0 : index
      %swap3A_236 = vector.load %arg8[%swap3A_234, %swap3A_235] : memref<1x1xf32, #tpu.memory_space<vmem>>, vector<1x1xf32>
      tpu.vector_store %arg8[%swap3A_234, %swap3A_235], %broadcast_in_dim3A_233 {strides = array<i32>} : memref<1x1xf32, #tpu.memory_space<vmem>>, vector<1x1xf32>,
    } else {
    }
    %get3A_212 = arith.constant 0 : index
    %get3A_213 = arith.constant 0 : index
    %get3A_214 = vector.load %arg7[%get3A_212, %get3A_213] : memref<1x1xf32, #tpu.memory_space<vmem>>, vector<1x1xf32>
    %add3A_215 = vector.broadcast %reduce_sum3A_191 : f32 to vector<1x1xf32>
    %add3A_216 = arith.addf %get3A_214, %add3A_215 : vector<1x1xf32>
    %swap3A = arith.constant 0 : index
    %swap3A_217 = arith.constant 0 : index
    %swap3A_218 = vector.load %arg7[%swap3A, %swap3A_217] : memref<1x1xf32, #tpu.memory_space<vmem>>, vector<1x1xf32>
    tpu.vector_store %arg7[%swap3A, %swap3A_217], %add3A_216 {strides = array<i32>} : memref<1x1xf32, #tpu.memory_space<vmem>>, vector<1x1xf32>,
    %get3A_219 = arith.constant 0 : index
    %get3A_220 = arith.constant 0 : index
    %get3A_221 = vector.load %arg8[%get3A_219, %get3A_220] : memref<1x1xf32, #tpu.memory_space<vmem>>, vector<1x1xf32>
    %add3A_222 = vector.broadcast %reduce_sum3A_208 : f32 to vector<1x1xf32>
    %add3A_223 = arith.addf %get3A_221, %add3A_222 : vector<1x1xf32>
    %swap3A_224 = arith.constant 0 : index
    %swap3A_225 = arith.constant 0 : index
    %swap3A_226 = vector.load %arg8[%swap3A_224, %swap3A_225] : memref<1x1xf32, #tpu.memory_space<vmem>>, vector<1x1xf32>
    tpu.vector_store %arg8[%swap3A_224, %swap3A_225], %add3A_223 {strides = array<i32>} : memref<1x1xf32, #tpu.memory_space<vmem>>, vector<1x1xf32>,
    return
  }
  func.func @transform_0(%arg0: i32) -> (i32, i32) {
    %c0_i32 = arith.constant 0 : i32
    %c0_i32_0 = arith.constant 0 : i32
    return %arg0, %c0_i32 : i32, i32
  }
  func.func @transform_1(%arg0: i32) -> (i32, i32) {
    %c0_i32 = arith.constant 0 : i32
    %c0_i32_0 = arith.constant 0 : i32
    return %arg0, %c0_i32 : i32, i32
  }
  func.func @transform_2(%arg0: i32) -> (i32, i32, i32) {
    %c0_i32 = arith.constant 0 : i32
    %c0_i32_0 = arith.constant 0 : i32
    %c0_i32_1 = arith.constant 0 : i32
    return %c0_i32, %arg0, %c0_i32_0 : i32, i32, i32
  }
  func.func @transform_3(%arg0: i32) -> (i32, i32) {
    %c0_i32 = arith.constant 0 : i32
    %c0_i32_0 = arith.constant 0 : i32
    return %arg0, %c0_i32 : i32, i32
  }
  func.func @transform_4(%arg0: i32) -> (i32, i32) {
    %c0_i32 = arith.constant 0 : i32
    %c0_i32_0 = arith.constant 0 : i32
    %c0_i32_1 = arith.constant 0 : i32
    return %c0_i32, %c0_i32_0 : i32, i32
  }
  func.func @transform_5(%arg0: i32) -> (i32, i32) {
    %c0_i32 = arith.constant 0 : i32
    %c0_i32_0 = arith.constant 0 : i32
    %c0_i32_1 = arith.constant 0 : i32
    return %c0_i32, %c0_i32_0 : i32, i32
  }
  func.func @transform_6(%arg0: i32) -> (i32, i32) {
    %c0_i32 = arith.constant 0 : i32
    %c0_i32_0 = arith.constant 0 : i32
    %c0_i32_1 = arith.constant 0 : i32
    return %c0_i32, %c0_i32_0 : i32, i32
  }
  func.func @transform_7(%arg0: i32) -> (i32, i32) {
    %c0_i32 = arith.constant 0 : i32
    %c0_i32_0 = arith.constant 0 : i32
    %c0_i32_1 = arith.constant 0 : i32
    return %c0_i32, %c0_i32_0 : i32, i32
  }
}

</mosaic_0001>

<sc_bundles>
// kernel: kernel.11.cloned.1.call-start
scs
__scs_entry_jumppad:
0x0: {  	(pc) =	sbr.rel $0x88, $3  }
0x1: {  	(tag) =	ssettag $0x0;
	lr =	simm.s32 $0x1  }
0x2: {  	[smem:$0x3F96] =	sst lr;
	_ =	strace $0xD0000000  }
0x3: {  	_ = 	snop  }
0x4: {  	_ = 	snop  }
0x5: {  	_ = 	snop  }
0x6: {  	_ = 	snop  }
0x7: {  	_ = 	snop  }
__scs_overlays_trampoline_lowered:
0x8: {  	[smem:$0x3FA5] =	sst s0  }
0x9: {  	[smem:$0x3FA6] =	sst s1  }
0xa: {  	[smem:$0x3FA7] =	sst s2  }
0xb: {  	[smem:$0x3FA8] =	sst s3  }
0xc: {  	[smem:$0x3FA9] =	sst s4  }
0xd: {  	[smem:$0x3FAA] =	sst s5  }
0xe: {  	[smem:$0x3FAB] =	sst s6  }
0xf: {  	[smem:$0x3FAC] =	sst s7  }
0x10: {  	[smem:$0x3FAD] =	sst s8  }
0x11: {  	[smem:$0x3FAE] =	sst s9;
	s0 =	simm.s32 @!p0 $0x0  }
0x12: {  	s1 =	sld [smem:$0x3F94];
	s0 =	simm.s32 @p0 $0x1  }
0x13: {  	[smem:$0x3FAF] =	sst s0;
	s0 =	simm.s32 @!p1 $0x0  }
0x14: {  	s2 =	sld [smem:$0x3F93];
	s0 =	simm.s32 @p1 $0x1  }
0x15: {  	[smem:$0x3FB0] =	sst s0;
	s0 =	simm.s32 @!p2 $0x0  }
0x16: {  	s3 =	sld [smem:$0x3FDB];
	s0 =	simm.s32 @p2 $0x1  }
0x17: {  	s4 =	simm.s32 $0x1BF5;
	[smem:$0x3FB2] =	sst s0  }
0x18: {  	s0 =	sld [smem:$0x3F95];
	_ =	swait.ge [sflag:s4], $0x0  }
0x19: {  	s7 =	sld [smem:$0x3F96]  }
0x1a: {  	s8 =	sadd.s32 $0xFFFFE003, lr  }
0x1b: {  	s9 =	sadd.s32 $0xFFFFFEF7, lr;
	s5 =	simm.s32 $0xFFFFFFFF;
	p2 =	slt.u32 s8, $0xFFFFF086  }
0x1c: {  	p1 =	slt.u32 s9, $0xF7A;
	s5 =	simm.s32 @!p2 $0x0  }
0x1d: {  	s5 =	simm.s32 @p1 $0x1;
	p0 =	seq.s32 s7, s2  }
0x1e: {  	s7 =	smul.u32 @!p0 $0xF7A, s2;
	p2 =	seq.s32 @!p0 s5, $0x0  }
0x1f: {  	s9 =	smul.u32 $0xF7A, s1;
	s8 =	simm.s32 @!p0 $0x1BF5;
	p2 =	por !p2, p0  }
0x20: {  	[sflag:s8] =	ssyncset.s32 @!p0 $0xFFFFF086;
	s6 =	sadd.s32 @!p0 s3, s7;
	s7 =	simm.s32 @!p0 $0x108  }
0x21: {  	s3 =	sadd.s32 s3, s9;
	s6 =	sadd.s32 @!p0 $0x88, s6;
	s7 =	simm.s32 @p2 $0x1082  }
0x22: {  	[simem:s7], [sflag:s8] =	dma.local @!p0 [hbm:s6], $0xF7A  }
0x23: {  	s9 =	sor.u32 $0xD0000000, s2;
	s6 =	simm.s32 $0x108;
	_ =	swait.ge @!p0 [sflag:s8], $0x0  }
0x24: {  	s3 =	sadd.s32 $0x88, s3;
	s6 =	simm.s32 @!p1 $0x1082;
	[sflag:s4] =	ssyncset.s32 $0xFFFFF086  }
0x25: {  	[simem:s6], [sflag:s4] =	dma.local [hbm:s3], $0xF7A  }
0x26: {  	[smem:$0x3F96] =	sst s1;
	(tag) =	ssettag s2;
	_ =	strace s9  }
0x27: {  	s1 =	sld [smem:$0x3FA6]  }
0x28: {  	s2 =	sld [smem:$0x3FA7]  }
0x29: {  	s4 =	sld [smem:$0x3FA9]  }
0x2a: {  	p0 =	seq.s32 s5, $0x0;
	s5 =	sld [smem:$0x3FAA]  }
0x2b: {  	s6 =	sld [smem:$0x3FAB]  }
0x2c: {  	s7 =	sld [smem:$0x3FAC]  }
0x2d: {  	s3 =	simm.s32 $0x108;
	s8 =	sld [smem:$0x3FAD]  }
0x2e: {  	s3 =	simm.s32 @!p0 $0x1082;
	s9 =	sld [smem:$0x3FAE]  }
0x2f: {  	lr =	sadd.s32 s0, s3;
	s0 =	sld [smem:$0x3FA5]  }
0x30: {  	s3 =	sld [smem:$0x3FA8]  }
0x31: {  	[smem:$0x3FB1] =	sst s10  }
0x32: {  	s10 =	sld [smem:$0x3FAF];
	_ =	sdelay $0x3  }
0x33: {  	p0 =	seq.s32 s10, $0x1;
	s10 =	sld [smem:$0x3FB1];
	_ =	sdelay $0x3  }
0x34: {  	[smem:$0x3FB1] =	sst s10  }
0x35: {  	s10 =	sld [smem:$0x3FB0];
	_ =	sdelay $0x3  }
0x36: {  	p1 =	seq.s32 s10, $0x1;
	s10 =	sld [smem:$0x3FB1];
	_ =	sdelay $0x3  }
0x37: {  	[smem:$0x3FB1] =	sst s10  }
0x38: {  	s10 =	sld [smem:$0x3FB2]  }
0x39: {  	_ = 	snop;
	(pc) =	sbr.ind lr, $3  }
0x3a: {  	_ = 	snop  }
0x3b: {  	_ = 	snop  }
0x3c: {  	p2 =	seq.s32 s10, $0x1;
	s10 =	sld [smem:$0x3FB1]  }
0x3d: {  	_ =	shalt  }
0x3e: {  	_ =	shalt  }
0x3f: {  	_ =	shalt  }
0x40: {  	_ =	shalt  }
0x41: {  	_ =	shalt  }
0x42: {  	_ =	shalt  }
0x43: {  	_ =	shalt  }
0x44: {  	_ =	shalt  }
0x45: {  	_ =	shalt  }
0x46: {  	_ =	shalt  }
0x47: {  	_ =	shalt  }
0x48: {  	_ =	shalt  }
0x49: {  	_ =	shalt  }
0x4a: {  	_ =	shalt  }
0x4b: {  	_ =	shalt  }
0x4c: {  	_ =	shalt  }
0x4d: {  	_ =	shalt  }
0x4e: {  	_ =	shalt  }
0x4f: {  	_ =	shalt  }
0x50: {  	_ =	shalt  }
0x51: {  	_ =	shalt  }
0x52: {  	_ =	shalt  }
0x53: {  	_ =	shalt  }
0x54: {  	_ =	shalt  }
0x55: {  	_ =	shalt  }
0x56: {  	_ =	shalt  }
0x57: {  	_ =	shalt  }
0x58: {  	_ =	shalt  }
0x59: {  	_ =	shalt  }
0x5a: {  	_ =	shalt  }
0x5b: {  	_ =	shalt  }
0x5c: {  	_ =	shalt  }
0x5d: {  	_ =	shalt  }
0x5e: {  	_ =	shalt  }
0x5f: {  	_ =	shalt  }
0x60: {  	_ =	shalt  }
0x61: {  	_ =	shalt  }
0x62: {  	_ =	shalt  }
0x63: {  	_ =	shalt  }
0x64: {  	_ =	shalt  }
0x65: {  	_ =	shalt  }
0x66: {  	_ =	shalt  }
0x67: {  	_ =	shalt  }
0x68: {  	_ =	shalt  }
0x69: {  	_ =	shalt  }
0x6a: {  	_ =	shalt  }
0x6b: {  	_ =	shalt  }
0x6c: {  	_ =	shalt  }
0x6d: {  	_ =	shalt  }
0x6e: {  	_ =	shalt  }
0x6f: {  	_ =	shalt  }
0x70: {  	_ =	shalt  }
0x71: {  	_ =	shalt  }
0x72: {  	_ =	shalt  }
0x73: {  	_ =	shalt  }
0x74: {  	_ =	shalt  }
0x75: {  	_ =	shalt  }
0x76: {  	_ =	shalt  }
0x77: {  	_ =	shalt  }
0x78: {  	_ =	shalt  }
0x79: {  	_ =	shalt  }
0x7a: {  	_ =	shalt  }
0x7b: {  	_ =	shalt  }
0x7c: {  	_ =	shalt  }
0x7d: {  	_ =	shalt  }
0x7e: {  	_ =	shalt  }
0x7f: {  	_ =	shalt  }
0x80: {  	_ =	shalt  }
0x81: {  	_ =	shalt  }
0x82: {  	_ =	shalt  }
0x83: {  	_ =	shalt  }
0x84: {  	_ =	shalt  }
0x85: {  	_ =	shalt  }
0x86: {  	_ =	shalt  }
0x87: {  	_ =	shalt  }
.Lfunc_end0:
.L_simem_size_0:
called_computation_lowered:
.L_overlay_start_0:
0x88: {  	s2 =	sld [smem:$0x3FD9]  }
0x89: {  	s3 =	sld [smem:$0x3FFE];
	_ =	sdelay $0x1  }
0x8a: {  	s1 =	srdreg.scid  }
0x8b: {  	s0 =	sand.u32 $0x1, s1  }
0x8c: {  	s16 =	sshll.u32 s0, $0xA;
	s2 =	sadd.s32 s3, s2  }
0x8d: {  	s2 =	sadd.s32 s2, s16  }
0x8e: {  	[smem:$0x3FBD] =	sst s2  }
0x8f: {  	_ = 	snop  }
0x90: {  	(tm) =	ssettm $0x1  }
0x91: {  	s17 =	sld [smem:$0x3FFB];
	_ =	sdelay $0x3  }
0x92: {  	_ =	strace s17  }
0x93: {  	s2 =	sld [smem:$0x3FFC];
	_ =	sdelay $0x3  }
0x94: {  	_ =	strace s2  }
0x95: {  	s2 =	sld [smem:$0x3FFD];
	_ =	sdelay $0x3  }
0x96: {  	_ =	strace s2  }
0x97: {  	_ =	strace $0x8FFFFFFF  }
0x98: {  	s18 =	sld [smem:$0x3FDB];
	_ =	sdelay $0x1  }
0x99: {  	s19 =	simm.s32 $_scs_section_size  }
0x9a: {  	s4 =	simm.s32 $_size__tile_overlayer_lowered;
	s5 =	simm.s32 $_tile_overlayer_lowered  }
0x9b: {  	s22 =	simm.s32 $0x1BFF;
	s21 =	sshll.u32 s5, $0x1;
	s2 =	sadd.s32 s19, s18  }
0x9c: {  	s6 =	simm.s32 $0x0;
	s20 =	sshll.u32 s4, $0x1;
	s4 =	sadd.s32 s21, s2  }
0x9d: {  	[timem:s6], [sflag:s22] =	dma.local [hbm:s4], s20  }
0x9e: {  	_ =	swait.ge [sflag:s22], s20  }
0x9f: {  	s3 =	ssub.s32 $0x0, s20;
	[sflag:s22] =	ssyncset.done $0x0  }
0xa0: {  	[sflag:s22] =	ssyncadd.s32 s3;
	_ =	sdelay $0x1  }
0xa1: {  	s23 =	simm.s32 $0x1B8B  }
0xa2: {  	_ =	swait.ge [sflag:s23], $0x1  }
0xa3: {  	[sflag:s23] =	ssyncset.done $0x0  }
0xa4: {  	s25 =	simm.s32 $0x1B8E;
	s24 =	sld [smem:$0x3FFE];
	[sflag:s23] =	ssyncadd.s32 $0xFFFFFFFF  }
0xa5: {  	s26 =	simm.s32 $execute0_lowered;
	[smem:$0x3FD2] =	sst s25  }
0xa6: {  	s4 =	sshll.u32 s26, $0x1;
	_ =	strace $0x80000046;
	[dreg:$0x1] =	wrdreg $0xFFFFFFFF  }
0xa7: {  	s28 =	simm.s32 $_size_execute0_lowered;
	s2 =	sadd.s32 s2, s4;
	[dreg:$0x0] =	wrdreg $0x0  }
0xa8: {  	s4 =	sshll.u32 s28, $0x1;
	[dreg:$0x2] =	wrdreg s2  }
0xa9: {  	[dreg:$0x3] =	wrdreg s4  }
0xaa: {  	[dreg:$0x4] =	wrdreg $0xC0  }
0xab: {  	_ =	task [dreg:s6], $0x5FFFF  }
0xac: {  	[dreg:$0x1] =	wrdreg $0xFFFFFFFF  }
0xad: {  	[dreg:$0x0] =	wrdreg $0x60  }
0xae: {  	[dreg:$0x2] =	wrdreg s24  }
0xaf: {  	[dreg:$0x3] =	wrdreg $0x84000  }
0xb0: {  	[dreg:$0x4] =	wrdreg $0x9  }
0xb1: {  	_ =	task.clear_ibuf [dreg:s6], $0x5FFFF;
	_ =	strace $0x90000046  }
0xb2: {  	s29 =	simm.s32 $0x9;
	_ =	strace $0x80000048  }
0xb3: {  	_ =	swait.ge [sflag:s29], $0x1  }
0xb4: {  	[sflag:s29] =	ssyncadd.s32 $0xFFFFFFFF  }
0xb5: {  	_ =	strace $0x90000048  }
0xb6: {  	_ =	sfence  }
0xb7: {  	s30 =	sld [smem:$0x0];
	_ =	sdelay $0x2  }
0xb8: {  	s31 =	sshll.u32 s1, $0xD;
	s1 =	sshrl.u32 s1, $0x2  }
0xb9: {  	s3 =	sand.u32 $0x4000, s31;
	s1 =	sadd.s32 s1, s30  }
0xba: {  	s0 =	sor.u32 s3, s0;
	s1 =	sshll.u32 s1, $0x11  }
0xbb: {  	s0 =	sor.u32 s1, s0  }
0xbc: {  	s0 =	sadd.s32 $0x8F2B, s0  }
0xbd: {  	[sflag:s0] =	ssyncadd.remote.s32 $0x1  }
0xbe: {  	_ =	sfence.sel $0xFFFF  }
0xbf: {  	[dreg:$0x0] =	wrdreg $0xFFFFFFFF;
	(pc) =	sbr.abs _section_cstart, $3  }
0xc0: {  	[dreg:$0x1] =	wrdreg $0xFFFFFFFF  }
0xc1: {  	_ =	task.clear_ibuf [dreg:s6], $0x2FFFF;
	_ =	strace $0x9FFFFFFF  }
0xc2: {  	(tm) =	ssettm $0x7FFFFFFF  }
0xc3: {  	_ =	shalt  }
tec
execute0_lowered:
.L_overlay_start_1:
0x0: {  	(tag) =	ssettag $0x1  }
0x1: {  	s0 =	rddreg [dreg:$0x0]  }
0x2: {  	s2 =	srdreg.scid;
	s11 =	stileid.u32  }
0x3: {  	s1 =	rddreg [dreg:$0x1];
	s2 =	sand.u32 $0x1, s2;
	s7 =	smul.u32 $0x14000, s11  }
0x4: {  	s3 =	simm.s32 $0x0;
	s6 =	smul.u32 $0x140000, s2;
	s5 =	sshll.u32 s2, $0x4  }
0x5: {  	[smem:$0x7FF] =	sst s3;
	s4 =	sadd.s32 $0x2BA00, s0;
	s8 =	sor.u32 s11, s5  }
0x6: {  	s2 =	ssub.s32 $0x2, s2;
	s9 =	sadd.s32 s7, s6;
	s6 =	smul.u32 $0x5000, s8  }
0x7: {  	_ =	strace $0x80000047;
	s5 =	sadd.s32 $0x3A00, s0;
	s24 =	sshrl.u32 s2, $0x1  }
0x8: {  	s7 =	sadd.s32 $0x17A00, s0;
	s23 =	sshrl.u32 s9, $0x3;
	s25 =	sshrl.u32 s6, $0x3  }
0x9: {  	s2 =	ssub.s32 s2, s24;
	s0 =	sadd.s32 s23, s0;
	s26 =	sadd.s32 s5, s25  }
0xa: {  	s29 =	sadd.s32 s7, s25;
	s30 =	sor.u32 $0x10, s25;
	[dreg:$0x3] =	wrdreg s26  }
0xb: {  	s10 =	sor.u32 $0x20, s25;
	s0 =	sadd.s32 $0x52C00, s0;
	[dreg:$0x4] =	wrdreg s29  }
0xc: {  	s15 =	sor.u32 $0x30, s25;
	s25 =	smax.u32 s2, $0x1;
	[dreg:$0x13] =	wrdreg s0  }
0xd: {  	s12 =	sadd.s32 s5, s30;
	[dreg:$0x14] =	wrdreg s25  }
0xe: {  	s8 =	sadd.s32 s7, s30;
	[dreg:$0x5] =	wrdreg s12  }
0xf: {  	s11 =	smul.u32 $0x50000, s11;
	s13 =	sadd.s32 s5, s10;
	[dreg:$0x6] =	wrdreg s8  }
0x10: {  	s14 =	sadd.s32 s7, s10;
	[dreg:$0x7] =	wrdreg s13  }
0x11: {  	s16 =	sshrl.u32 s11, $0x2;
	s17 =	sadd.s32 s5, s15;
	[dreg:$0x8] =	wrdreg s14  }
0x12: {  	s31 =	simm.s32 $0x280;
	s26 =	sadd.s32 s16, s1;
	[dreg:$0x9] =	wrdreg s17  }
0x13: {  	s28 =	simm.s32 $0xA;
	s8 =	sadd.s32 s7, s15;
	[dreg:$0xb] =	wrdreg s26  }
0x14: {  	s11 =	simm.s32 $0x400;
	s18 =	sadd.s32 $0x2000, s26;
	[dreg:$0xa] =	wrdreg s8  }
0x15: {  	s2 =	simm.s32 $0x0;
	s19 =	sadd.s32 $0x4000, s26;
	[dreg:$0xc] =	wrdreg s18  }
0x16: {  	s10 =	simm.s32 $0x40;
	s20 =	sadd.s32 $0x6000, s26;
	[dreg:$0xd] =	wrdreg s19  }
0x17: {  	s25 =	simm.s32 $0x10;
	s21 =	sadd.s32 $0x8000, s26;
	[dreg:$0xe] =	wrdreg s20  }
0x18: {  	s22 =	sadd.s32 $0xA000, s26;
	s23 =	sadd.s32 $0xC000, s26;
	[dreg:$0xf] =	wrdreg s21  }
0x19: {  	s24 =	sadd.s32 $0xE000, s26;
	s29 =	sadd.s32 $0x10000, s26;
	[dreg:$0x10] =	wrdreg s22  }
0x1a: {  	s30 =	sadd.s32 $0x12000, s26;
	s12 =	simm.s32 $0x6;
	[dreg:$0x11] =	wrdreg s23  }
.Ltmp0:
0x1b: {  	s13 =	simm.s32 $0x2400;
	[dreg:$0x12] =	wrdreg s24;
	(pc) =	sbr.rel .LBB2_1-.Ltmp0, $4  }
0x1c: {  	s14 =	simm.s32 $0x6400;
	s15 =	simm.s32 $0x11;
	[dreg:$0x15] =	wrdreg s29  }
0x1d: {  	s17 =	simm.s32 $0x1;
	[dreg:$0x16] =	wrdreg s30;
	s18 =	simm.s32 $0xD  }
0x1e: {  	s19 =	simm.s32 $0x7;
	s20 =	simm.s32 $0x4400;
	s21 =	simm.s32 $0x2  }
0x1f: {  	v0 =	vimm.f32 $0.0e+00;
	s22 =	simm.s32 $0xE;
	s23 =	simm.s32 $0x8;
	s24 =	simm.s32 $0x3  }
.LBB2_6:
0x20: {  	s0 =	simm.s32 $0x9  }
0x21: {  	_ =	swait.ge [sflag:s0], $0x2000  }
0x22: {  	[sflag:s0] =	ssyncset.done $0x0  }
0x23: {  	[sflag:s0] =	ssyncadd.s32 $0xFFFFE000  }
0x24: {  	_ =	swait.ge [sflag:s28], $0x2000  }
0x25: {  	[sflag:s28] =	ssyncset.done $0x0  }
0x26: {  	s9 =	simm.s32 $0xB;
	[sflag:s28] =	ssyncadd.s32 $0xFFFFE000  }
0x27: {  	_ =	swait.ge [sflag:s9], $0x2000  }
0x28: {  	[sflag:s9] =	ssyncset.done $0x0  }
0x29: {  	s16 =	simm.s32 $0xC;
	[sflag:s9] =	ssyncadd.s32 $0xFFFFE000  }
0x2a: {  	_ =	swait.ge [sflag:s16], $0x2000  }
0x2b: {  	[sflag:s16] =	ssyncset.done $0x0  }
0x2c: {  	[sflag:s16] =	ssyncadd.s32 $0xFFFFE000  }
0x2d: {  	s26 =	stileid.u32;
	[bflag:$0x0] =	sbarrier.arrive $0xFFFF  }
0x2e: {  	s0 =	sshll.u32 s26, $0x6;
	s26 =	rddreg [dreg:$0xb]  }
0x2f: {  	s0 =	sor.u32 $0x1C11, s0;
	s9 =	rddreg [dreg:$0x13];
	s2 =	sshrl.u32 s26, $0x3  }
0x30: {  	[hbm:s9], [sflag:s0] =	dma.local [spmem:s2], $0x2800  }
0x31: {  	_ =	swait.ge [sflag:s15], $0x2800  }
0x32: {  	s29 =	rddreg [dreg:$0x17]  }
0x33: {  	s30 =	rddreg [dreg:$0x14];
	s2 =	sadd.s32 $0x1, s29  }
0x34: {  	p0 =	sne.s32 s2, s30  }
.Ltmp1:
0x35: {  	_ = 	snop;
	(pc) =	sbr.rel @!p0 .LBB2_7-.Ltmp1, $3  }
0x36: {  	_ =	sdelay $0x1  }
0x37: {  	[sflag:s15] =	ssyncset.done $0x0  }
0x38: {  	[sflag:s15] =	ssyncadd.s32 $0xFFFFD800  }
.LBB2_1:
0x39: {  	[dreg:$0x17] =	wrdreg s2  }
0x3a: {  	s0 =	rddreg [dreg:$0x3]  }
0x3b: {  	[tilespmem:s3], [sflag:$0x5] =	stream.linear.gather [hbm4b:s0+s3], $0x80, $0x38;
	[tilespmem:$0x1C400] =	vst v63  }
0x3c: {  	s29 =	rddreg [dreg:$0x4];
	s30 =	simm.s32 $0x200  }
0x3d: {  	[tilespmem:s30], [sflag:$0xD] =	stream.linear.gather [hbm4b:s29+s3], $0x80, $0x38;
	[tilespmem:$0x1C400] =	vst v63  }
0x3e: {  	s8 =	rddreg [dreg:$0x5];
	s2 =	simm.s32 $0x80  }
0x3f: {  	[tilespmem:s2], [sflag:$0x6] =	stream.linear.gather [hbm4b:s8+s3], $0x80, $0x38;
	[tilespmem:$0x1C400] =	vst v63  }
0x40: {  	s9 =	rddreg [dreg:$0x6]  }
0x41: {  	[tilespmem:s31], [sflag:$0xE] =	stream.linear.gather [hbm4b:s9+s3], $0x80, $0x38;
	[tilespmem:$0x1C400] =	vst v63  }
0x42: {  	s16 =	rddreg [dreg:$0x7];
	s8 =	simm.s32 $0x100  }
0x43: {  	[tilespmem:s8], [sflag:$0x7] =	stream.linear.gather [hbm4b:s16+s3], $0x80, $0x38;
	[tilespmem:$0x1C400] =	vst v63  }
0x44: {  	s29 =	rddreg [dreg:$0x8];
	s30 =	simm.s32 $0x300  }
0x45: {  	[tilespmem:s30], [sflag:$0xF] =	stream.linear.gather [hbm4b:s29+s3], $0x80, $0x38;
	[tilespmem:$0x1C400] =	vst v63  }
0x46: {  	s9 =	simm.s32 $0x180;
	s8 =	rddreg [dreg:$0x9]  }
0x47: {  	[tilespmem:s9], [sflag:$0x8] =	stream.linear.gather [hbm4b:s8+s3], $0x80, $0x38;
	[tilespmem:$0x1C400] =	vst v63  }
0x48: {  	s16 =	rddreg [dreg:$0xa];
	s29 =	simm.s32 $0x380;
	s30 =	simm.s32 $0x5  }
0x49: {  	[tilespmem:s29], [sflag:$0x10] =	stream.linear.gather [hbm4b:s16+s3], $0x80, $0x38;
	[tilespmem:$0x1C400] =	vst v63  }
0x4a: {  	_ =	swait.ge [sflag:s30], $0x80  }
0x4b: {  	[sflag:s30] =	ssyncset.done $0x0  }
0x4c: {  	[sflag:s30] =	ssyncadd.s32 $0xFFFFFF80  }
0x4d: {  	[tilespmem:s11], [sflag:$0x1] =	stream.indirect.gather [hbm4b:s4+s10], $0x80, s3, s10, $0xb8;
	[tilespmem:$0x1C400] =	vst v63  }
0x4e: {  	_ =	swait.ge [sflag:s12], $0x80  }
0x4f: {  	s8 =	simm.s32 $0x80;
	[sflag:s12] =	ssyncset.done $0x0  }
0x50: {  	s9 =	simm.s32 $0x0;
	s16 =	simm.s32 $0x200;
	[sflag:s12] =	ssyncadd.s32 $0xFFFFFF80  }
0x51: {  	[tilespmem:s13], [sflag:$0x2] =	stream.indirect.gather [hbm4b:s4+s10], $0x80, s2, s10, $0xb8;
	[tilespmem:$0x1C400] =	vst v63  }
.LBB2_2:
0x52: {  	p0 =	sne.s32 s16, $0x7E00;
	[tilespmem:s9+$0x6470] =	vst v0  }
0x53: {  	[tilespmem:s9+$0x6400] =	vst v0  }
0x54: {  	[tilespmem:s9+$0x6410] =	vst v0  }
.Ltmp2:
0x55: {  	[tilespmem:s9+$0x6420] =	vst v0;
	(pc) =	sbr.rel @p0 .LBB2_2-.Ltmp2, $4  }
0x56: {  	[tilespmem:s9+$0x6430] =	vst v0  }
0x57: {  	[tilespmem:s9+$0x6440] =	vst v0  }
0x58: {  	[tilespmem:s9+$0x6450] =	vst v0  }
0x59: {  	[tilespmem:s9+$0x6460] =	vst v0;
	s9 =	sshra.s32 s16, $0x2;
	s16 =	sadd.s32 $0x200, s16  }
0x5a: {  	[tilespmem:s9+$0x6470] =	vst v0  }
0x5b: {  	[tilespmem:s9+$0x6400] =	vst v0  }
0x5c: {  	[tilespmem:s9+$0x6410] =	vst v0  }
0x5d: {  	[tilespmem:s9+$0x6420] =	vst v0  }
0x5e: {  	[tilespmem:s9+$0x6430] =	vst v0  }
0x5f: {  	[tilespmem:s9+$0x6440] =	vst v0  }
0x60: {  	[tilespmem:s9+$0x6450] =	vst v0  }
0x61: {  	[tilespmem:s9+$0x6460] =	vst v0  }
0x62: {  	[spmem:s26] =	stream.linear.scatter [tilespmem:s14], [sflag:$0x11], $0x2000, $0x38;
	[tilespmem:$0x1C400] =	vst v63  }
0x63: {  	_ =	swait.ge [sflag:s15], $0x2000  }
0x64: {  	[sflag:s15] =	ssyncset.done $0x0  }
0x65: {  	s0 =	rddreg [dreg:$0xc];
	[sflag:s15] =	ssyncadd.s32 $0xFFFFE000  }
0x66: {  	[spmem:s0] =	stream.linear.scatter [tilespmem:s14], [sflag:$0x11], $0x2000, $0x38;
	[tilespmem:$0x1C400] =	vst v63  }
0x67: {  	_ =	swait.ge [sflag:s15], $0x2000  }
0x68: {  	[sflag:s15] =	ssyncset.done $0x0  }
0x69: {  	s29 =	rddreg [dreg:$0xd];
	[sflag:s15] =	ssyncadd.s32 $0xFFFFE000  }
0x6a: {  	[spmem:s29] =	stream.linear.scatter [tilespmem:s14], [sflag:$0x11], $0x2000, $0x38;
	[tilespmem:$0x1C400] =	vst v63  }
0x6b: {  	_ =	swait.ge [sflag:s15], $0x2000  }
0x6c: {  	[sflag:s15] =	ssyncset.done $0x0  }
0x6d: {  	s30 =	rddreg [dreg:$0xe];
	[sflag:s15] =	ssyncadd.s32 $0xFFFFE000  }
0x6e: {  	[spmem:s30] =	stream.linear.scatter [tilespmem:s14], [sflag:$0x11], $0x2000, $0x38;
	[tilespmem:$0x1C400] =	vst v63  }
0x6f: {  	_ =	swait.ge [sflag:s15], $0x2000  }
0x70: {  	[sflag:s15] =	ssyncset.done $0x0  }
0x71: {  	s2 =	rddreg [dreg:$0xf];
	[sflag:s15] =	ssyncadd.s32 $0xFFFFE000  }
0x72: {  	[spmem:s2] =	stream.linear.scatter [tilespmem:s14], [sflag:$0x11], $0x2000, $0x38;
	[tilespmem:$0x1C400] =	vst v63  }
0x73: {  	_ =	swait.ge [sflag:s15], $0x2000  }
0x74: {  	[sflag:s15] =	ssyncset.done $0x0  }
0x75: {  	s9 =	rddreg [dreg:$0x10];
	[sflag:s15] =	ssyncadd.s32 $0xFFFFE000  }
0x76: {  	[spmem:s9] =	stream.linear.scatter [tilespmem:s14], [sflag:$0x11], $0x2000, $0x38;
	[tilespmem:$0x1C400] =	vst v63  }
0x77: {  	_ =	swait.ge [sflag:s15], $0x2000  }
0x78: {  	[sflag:s15] =	ssyncset.done $0x0  }
0x79: {  	s16 =	rddreg [dreg:$0x11];
	[sflag:s15] =	ssyncadd.s32 $0xFFFFE000  }
0x7a: {  	[spmem:s16] =	stream.linear.scatter [tilespmem:s14], [sflag:$0x11], $0x2000, $0x38;
	[tilespmem:$0x1C400] =	vst v63  }
0x7b: {  	_ =	swait.ge [sflag:s15], $0x2000  }
0x7c: {  	[sflag:s15] =	ssyncset.done $0x0  }
0x7d: {  	s26 =	rddreg [dreg:$0x12];
	[sflag:s15] =	ssyncadd.s32 $0xFFFFE000  }
0x7e: {  	[spmem:s26] =	stream.linear.scatter [tilespmem:s14], [sflag:$0x11], $0x2000, $0x38;
	[tilespmem:$0x1C400] =	vst v63  }
0x7f: {  	_ =	swait.ge [sflag:s15], $0x2000  }
0x80: {  	[sflag:s15] =	ssyncset.done $0x0  }
0x81: {  	s29 =	rddreg [dreg:$0x15];
	[sflag:s15] =	ssyncadd.s32 $0xFFFFE000  }
0x82: {  	[spmem:s29] =	stream.linear.scatter [tilespmem:s14], [sflag:$0x11], $0x2000, $0x38;
	[tilespmem:$0x1C400] =	vst v63  }
0x83: {  	_ =	swait.ge [sflag:s15], $0x2000  }
0x84: {  	[sflag:s15] =	ssyncset.done $0x0  }
0x85: {  	s30 =	rddreg [dreg:$0x16];
	[sflag:s15] =	ssyncadd.s32 $0xFFFFE000  }
0x86: {  	[spmem:s30] =	stream.linear.scatter [tilespmem:s14], [sflag:$0x11], $0x2000, $0x38;
	[tilespmem:$0x1C400] =	vst v63  }
0x87: {  	_ =	swait.ge [sflag:s15], $0x2000  }
0x88: {  	[sflag:s15] =	ssyncset.done $0x0  }
0x89: {  	[sflag:s15] =	ssyncadd.s32 $0xFFFFE000  }
0x8a: {  	s26 =	simm.s32 $0x0;
	[bflag:$0x0] =	sbarrier.arrive $0xFFFF  }
.LBB2_4:
0x8b: {  	p0 =	seq.s32 s26, $0x4E00  }
0x8c: {  	s9 =	sadd.s32 @!p0 $0x200, s26  }
0x8d: {  	s16 =	sand.u32 @!p0 $0xFC00, s9  }
0x8e: {  	s9 =	sand.u32 @!p0 $0x200, s9;
	s16 =	sadd.s32 @!p0 s6, s16  }
0x8f: {  	_ =	swait.ge [sflag:s17], $0x2000;
	s9 =	sor.u32 @!p0 s9, s16  }
0x90: {  	[sflag:s17] =	ssyncset.done $0x0;
	s9 =	sshrl.u32 @!p0 s9, $0x3  }
0x91: {  	[sflag:s17] =	ssyncadd.s32 $0xFFFFE000;
	s16 =	simm.s32 @!p0 $0x0;
	s29 =	sadd.s32 @!p0 s5, s9  }
0x92: {  	[tilespmem:s16], [sflag:$0x5] =	stream.linear.gather @!p0 [hbm4b:s29+s16], $0x80, $0x38;
	[tilespmem:$0x1C400] =	vst v63  }
0x93: {  	_ =	swait.ge [sflag:s18], $0x80  }
0x94: {  	p1 =	seq.s32 s26, $0x0;
	[sflag:s18] =	ssyncset.done $0x0  }
0x95: {  	s0 =	simm.s32 $0x200;
	s29 =	sand.u32 @!p1 $0x7C00, s26;
	[sflag:s18] =	ssyncadd.s32 $0xFFFFFF80  }
0x96: {  	[spmem:s1] =	stream.indirect.scatter.add.f32 [tilespmem:s11], [sflag:$0x9], $0x80, s0, s10, $0xb8;
	[tilespmem:$0x1C400] =	vst v63  }
0x97: {  	s29 =	sadd.s32 @!p1 s6, s29;
	s0 =	sand.u32 @!p1 $0x200, s26  }
0x98: {  	s30 =	simm.s32 @!p1 $0xB;
	s0 =	sor.u32 @!p1 s29, s0  }
0x99: {  	_ =	swait.ge @!p1 [sflag:s30], $0x2000;
	s29 =	sor.u32 @!p1 $0x100, s0  }
0x9a: {  	s2 =	simm.s32 @!p1 $0x300;
	[sflag:s30] =	ssyncset.done @!p1 $0x0;
	s29 =	sshrl.u32 @!p1 s29, $0x3  }
0x9b: {  	[sflag:s30] =	ssyncadd.s32 @!p1 $0xFFFFE000;
	s30 =	simm.s32 @!p1 $0x0;
	s29 =	sadd.s32 @!p1 s7, s29  }
0x9c: {  	[tilespmem:s2], [sflag:$0xF] =	stream.linear.gather @!p1 [hbm4b:s29+s30], $0x80, $0x38;
	[tilespmem:$0x1C400] =	vst v63  }
0x9d: {  	_ =	swait.ge [sflag:s19], $0x80  }
0x9e: {  	[sflag:s19] =	ssyncset.done $0x0  }
0x9f: {  	s29 =	simm.s32 $0x100;
	s2 =	sadd.s32 @!p0 $0x280, s26;
	[sflag:s19] =	ssyncadd.s32 $0xFFFFFF80  }
0xa0: {  	[tilespmem:s20], [sflag:$0x3] =	stream.indirect.gather [hbm4b:s4+s10], $0x80, s29, s10, $0xb8;
	[tilespmem:$0x1C400] =	vst v63  }
0xa1: {  	s29 =	sand.u32 @!p0 $0xFC00, s2  }
0xa2: {  	s2 =	sand.u32 @!p0 $0x280, s2;
	s29 =	sadd.s32 @!p0 s6, s29  }
0xa3: {  	_ =	swait.ge [sflag:s21], $0x2000;
	s2 =	sor.u32 @!p0 s2, s29  }
0xa4: {  	[sflag:s21] =	ssyncset.done $0x0;
	s2 =	sshrl.u32 @!p0 s2, $0x3  }
0xa5: {  	s29 =	simm.s32 @!p0 $0x80;
	[sflag:s21] =	ssyncadd.s32 $0xFFFFE000;
	s2 =	sadd.s32 @!p0 s5, s2  }
0xa6: {  	[tilespmem:s29], [sflag:$0x6] =	stream.linear.gather @!p0 [hbm4b:s2+s16], $0x80, $0x38;
	[tilespmem:$0x1C400] =	vst v63  }
0xa7: {  	_ =	swait.ge [sflag:s22], $0x80  }
0xa8: {  	[sflag:s22] =	ssyncset.done $0x0  }
0xa9: {  	s2 =	simm.s32 @!p1 $0xC;
	[sflag:s22] =	ssyncadd.s32 $0xFFFFFF80  }
0xaa: {  	[spmem:s1] =	stream.indirect.scatter.add.f32 [tilespmem:s13], [sflag:$0xA], $0x80, s31, s10, $0xb8;
	[tilespmem:$0x1C400] =	vst v63  }
0xab: {  	s0 =	sor.u32 @!p1 $0x180, s0;
	_ =	swait.ge @!p1 [sflag:s2], $0x2000  }
0xac: {  	s0 =	sshrl.u32 @!p1 s0, $0x3;
	[sflag:s2] =	ssyncset.done @!p1 $0x0  }
0xad: {  	s0 =	sadd.s32 @!p1 s7, s0;
	[sflag:s2] =	ssyncadd.s32 @!p1 $0xFFFFE000;
	s2 =	simm.s32 @!p1 $0x380  }
0xae: {  	[tilespmem:s2], [sflag:$0x10] =	stream.linear.gather @!p1 [hbm4b:s0+s30], $0x80, $0x38;
	[tilespmem:$0x1C400] =	vst v63  }
0xaf: {  	_ =	swait.ge [sflag:s23], $0x80  }
0xb0: {  	[sflag:s23] =	ssyncset.done $0x0  }
0xb1: {  	s29 =	simm.s32 $0x180;
	[sflag:s23] =	ssyncadd.s32 $0xFFFFFF80  }
0xb2: {  	[tilespmem:s14], [sflag:$0x4] =	stream.indirect.gather [hbm4b:s4+s10], $0x80, s29, s10, $0xb8;
	[tilespmem:$0x1C400] =	vst v63  }
0xb3: {  	_ =	swait.ge [sflag:s24], $0x2000  }
0xb4: {  	[sflag:s24] =	ssyncset.done $0x0  }
0xb5: {  	s0 =	simm.s32 @p0 $0xF;
	[sflag:s24] =	ssyncadd.s32 $0xFFFFE000  }
0xb6: {  	_ =	swait.ge @p0 [sflag:s0], $0x80  }
0xb7: {  	s2 =	simm.s32 @p0 $0x300;
	[sflag:s0] =	ssyncset.done @p0 $0x0  }
0xb8: {  	s29 =	simm.s32 @p0 $0x4400;
	[sflag:s0] =	ssyncadd.s32 @p0 $0xFFFFFF80;
	s0 =	simm.s32 @p0 $0x40  }
0xb9: {  	[spmem:s1] =	stream.indirect.scatter.add.f32 @p0 [tilespmem:s29], [sflag:$0xB], $0x80, s2, s0, $0xb8;
	[tilespmem:$0x1C400] =	vst v63  }
0xba: {  	s0 =	sadd.s32 @!p0 $0x300, s26  }
0xbb: {  	s2 =	sand.u32 @!p0 $0xFC00, s0  }
0xbc: {  	s29 =	simm.s32 @p0 $0x4;
	s0 =	sand.u32 @!p0 $0x300, s0;
	s2 =	sadd.s32 @!p0 s6, s2  }
0xbd: {  	_ =	swait.ge @p0 [sflag:s29], $0x2000;
	s0 =	sor.u32 @!p0 s0, s2  }
0xbe: {  	[sflag:s29] =	ssyncset.done @p0 $0x0;
	s0 =	sshrl.u32 @!p0 s0, $0x3  }
0xbf: {  	[sflag:s29] =	ssyncadd.s32 @p0 $0xFFFFE000;
	s2 =	simm.s32 @!p0 $0x100;
	s0 =	sadd.s32 @!p0 s5, s0  }
0xc0: {  	[tilespmem:s2], [sflag:$0x7] =	stream.linear.gather @!p0 [hbm4b:s0+s16], $0x80, $0x38;
	[tilespmem:$0x1C400] =	vst v63  }
0xc1: {  	s0 =	simm.s32 @!p0 $0xF  }
0xc2: {  	_ =	swait.ge @!p0 [sflag:s0], $0x80  }
0xc3: {  	s29 =	simm.s32 @!p0 $0x4400;
	[sflag:s0] =	ssyncset.done @!p0 $0x0  }
0xc4: {  	s2 =	simm.s32 @!p0 $0x300;
	[sflag:s0] =	ssyncadd.s32 @!p0 $0xFFFFFF80;
	s0 =	simm.s32 @!p0 $0x40  }
0xc5: {  	[spmem:s1] =	stream.indirect.scatter.add.f32 @!p0 [tilespmem:s29], [sflag:$0xB], $0x80, s2, s0, $0xb8;
	[tilespmem:$0x1C400] =	vst v63  }
0xc6: {  	s2 =	simm.s32 @!p0 $0x9  }
0xc7: {  	_ =	swait.ge @!p0 [sflag:s2], $0x2000  }
0xc8: {  	[sflag:s2] =	ssyncset.done @!p0 $0x0  }
0xc9: {  	[sflag:s2] =	ssyncadd.s32 @!p0 $0xFFFFE000;
	s2 =	sadd.s32 @!p0 s7, s9;
	s9 =	simm.s32 @!p0 $0x200  }
0xca: {  	[tilespmem:s9], [sflag:$0xD] =	stream.linear.gather @!p0 [hbm4b:s2+s16], $0x80, $0x38;
	[tilespmem:$0x1C400] =	vst v63  }
0xcb: {  	s2 =	simm.s32 @!p0 $0x5  }
0xcc: {  	_ =	swait.ge @!p0 [sflag:s2], $0x80  }
0xcd: {  	[sflag:s2] =	ssyncset.done @!p0 $0x0  }
0xce: {  	[sflag:s2] =	ssyncadd.s32 @!p0 $0xFFFFFF80;
	s2 =	simm.s32 @!p0 $0x400  }
0xcf: {  	[tilespmem:s2], [sflag:$0x1] =	stream.indirect.gather @!p0 [hbm4b:s4+s0], $0x80, s16, s0, $0xb8;
	[tilespmem:$0x1C400] =	vst v63  }
0xd0: {  	s0 =	sadd.s32 @!p0 $0x380, s26  }
0xd1: {  	s2 =	sand.u32 @!p0 $0xFC00, s0  }
0xd2: {  	s9 =	simm.s32 @!p0 $0x4;
	s0 =	sand.u32 @!p0 $0x380, s0;
	s2 =	sadd.s32 @!p0 s6, s2  }
0xd3: {  	_ =	swait.ge @!p0 [sflag:s9], $0x2000;
	s0 =	sor.u32 @!p0 s0, s2  }
0xd4: {  	[sflag:s9] =	ssyncset.done @!p0 $0x0;
	s0 =	sshrl.u32 @!p0 s0, $0x3  }
0xd5: {  	[sflag:s9] =	ssyncadd.s32 @!p0 $0xFFFFE000;
	s2 =	simm.s32 @!p0 $0x180;
	s0 =	sadd.s32 @!p0 s5, s0  }
0xd6: {  	[tilespmem:s2], [sflag:$0x8] =	stream.linear.gather @!p0 [hbm4b:s0+s16], $0x80, $0x38;
	[tilespmem:$0x1C400] =	vst v63  }
.Ltmp3:
0xd7: {  	_ = 	snop;
	(pc) =	sbr.rel @p0 .LBB2_6-.Ltmp3, $4  }
0xd8: {  	_ =	swait.ge [sflag:s25], $0x80  }
0xd9: {  	[sflag:s25] =	ssyncset.done $0x0  }
0xda: {  	s30 =	simm.s32 $0x380;
	[sflag:s25] =	ssyncadd.s32 $0xFFFFFF80  }
0xdb: {  	[spmem:s1] =	stream.indirect.scatter.add.f32 [tilespmem:s14], [sflag:$0xC], $0x80, s30, s10, $0xb8;
	[tilespmem:$0x1C400] =	vst v63  }
0xdc: {  	s0 =	sadd.s32 $0x280, s26  }
0xdd: {  	s2 =	sand.u32 $0xFC00, s0  }
0xde: {  	s0 =	sand.u32 $0x280, s0;
	s2 =	sadd.s32 s6, s2  }
0xdf: {  	_ =	swait.ge [sflag:s28], $0x2000;
	s0 =	sor.u32 s0, s2  }
0xe0: {  	[sflag:s28] =	ssyncset.done $0x0;
	s0 =	sshrl.u32 s0, $0x3  }
0xe1: {  	[sflag:s28] =	ssyncadd.s32 $0xFFFFE000;
	s0 =	sadd.s32 s7, s0  }
0xe2: {  	[tilespmem:s31], [sflag:$0xE] =	stream.linear.gather [hbm4b:s0+s3], $0x80, $0x38;
	[tilespmem:$0x1C400] =	vst v63  }
.Ltmp4:
0xe3: {  	_ = 	snop;
	(pc) =	sbr.rel .LBB2_4-.Ltmp4, $4  }
0xe4: {  	_ =	swait.ge [sflag:s12], $0x80  }
0xe5: {  	[sflag:s12] =	ssyncset.done $0x0  }
0xe6: {  	s26 =	sadd.s32 $0x200, s26;
	[sflag:s12] =	ssyncadd.s32 $0xFFFFFF80  }
0xe7: {  	[tilespmem:s13], [sflag:$0x2] =	stream.indirect.gather [hbm4b:s4+s10], $0x80, s8, s10, $0xb8;
	[tilespmem:$0x1C400] =	vst v63  }
.LBB2_7:
0xe8: {  	_ =	sfence.sel $0x180000  }
0xe9: {  	[bflag:$0x0] =	sbarrier.arrive $0xFFFF  }
0xea: {  	_ =	strace $0x90000047  }
0xeb: {  	s0 =	stileid.u32;
	[bflag:$0x2] =	sbarrier.arrive $0xFFFF  }
0xec: {  	p0 =	sne.s32 s0, $0x0;
	s0 =	rddreg [dreg:$0x2]  }
0xed: {  	s0 =	sadd.s32 @!p0 $0x100000, s0  }
0xee: {  	[sflag:s0] =	ssyncadd.tile.s32 @!p0 $0x1;
	_ =	shalt  }
.Lfunc_end2:
_tile_overlayer_lowered:
.L_overlay_start_2:
0xef: {  	(tag) =	ssettag $0x2  }
0xf0: {  	s0 =	rddreg [dreg:$0x0];
	s2 =	stileid.u32  }
0xf1: {  	s1 =	rddreg [dreg:$0x1];
	p0 =	sne.s32 s2, $0x0  }
0xf2: {  	s3 =	rddreg [dreg:$0x2];
	[bflag:$0x3] =	sbarrier.arrive $0xFFFF;
	s2 =	simm.s32 @!p0 $0x1C11  }
0xf3: {  	[timem:s3], [sflag:s2] =	dma.local @!p0 [hbm:s0], s1  }
0xf4: {  	s0 =	simm.s32 @!p0 $0x11  }
0xf5: {  	_ =	swait.ge @!p0 [sflag:s0], s1  }
0xf6: {  	s1 =	ssub.s32 @!p0 $0x0, s1;
	[sflag:s0] =	ssyncset.done @!p0 $0x0  }
0xf7: {  	[sflag:s0] =	ssyncadd.s32 @!p0 s1  }
0xf8: {  	[bflag:$0x3] =	sbarrier.arrive $0xFFFF  }
0xf9: {  	_ =	shalt  }

// kernel: kernel.14.cloned.1.call-start
scs
__scs_entry_jumppad:
0x0: {  	(pc) =	sbr.rel $0x88, $3  }
0x1: {  	(tag) =	ssettag $0x0;
	lr =	simm.s32 $0x1  }
0x2: {  	[smem:$0x3F96] =	sst lr;
	_ =	strace $0xD0000000  }
0x3: {  	_ = 	snop  }
0x4: {  	_ = 	snop  }
0x5: {  	_ = 	snop  }
0x6: {  	_ = 	snop  }
0x7: {  	_ = 	snop  }
__scs_overlays_trampoline_lowered:
0x8: {  	[smem:$0x3FA5] =	sst s0  }
0x9: {  	[smem:$0x3FA6] =	sst s1  }
0xa: {  	[smem:$0x3FA7] =	sst s2  }
0xb: {  	[smem:$0x3FA8] =	sst s3  }
0xc: {  	[smem:$0x3FA9] =	sst s4  }
0xd: {  	[smem:$0x3FAA] =	sst s5  }
0xe: {  	[smem:$0x3FAB] =	sst s6  }
0xf: {  	[smem:$0x3FAC] =	sst s7  }
0x10: {  	[smem:$0x3FAD] =	sst s8  }
0x11: {  	[smem:$0x3FAE] =	sst s9;
	s0 =	simm.s32 @!p0 $0x0  }
0x12: {  	s1 =	sld [smem:$0x3F94];
	s0 =	simm.s32 @p0 $0x1  }
0x13: {  	[smem:$0x3FAF] =	sst s0;
	s0 =	simm.s32 @!p1 $0x0  }
0x14: {  	s2 =	sld [smem:$0x3F93];
	s0 =	simm.s32 @p1 $0x1  }
0x15: {  	[smem:$0x3FB0] =	sst s0;
	s0 =	simm.s32 @!p2 $0x0  }
0x16: {  	s3 =	sld [smem:$0x3FDB];
	s0 =	simm.s32 @p2 $0x1  }
0x17: {  	s4 =	simm.s32 $0x1BF5;
	[smem:$0x3FB2] =	sst s0  }
0x18: {  	s0 =	sld [smem:$0x3F95];
	_ =	swait.ge [sflag:s4], $0x0  }
0x19: {  	s7 =	sld [smem:$0x3F96]  }
0x1a: {  	s8 =	sadd.s32 $0xFFFFE003, lr  }
0x1b: {  	s9 =	sadd.s32 $0xFFFFFEF7, lr;
	s5 =	simm.s32 $0xFFFFFFFF;
	p2 =	slt.u32 s8, $0xFFFFF086  }
0x1c: {  	p1 =	slt.u32 s9, $0xF7A;
	s5 =	simm.s32 @!p2 $0x0  }
0x1d: {  	s5 =	simm.s32 @p1 $0x1;
	p0 =	seq.s32 s7, s2  }
0x1e: {  	s7 =	smul.u32 @!p0 $0xF7A, s2;
	p2 =	seq.s32 @!p0 s5, $0x0  }
0x1f: {  	s9 =	smul.u32 $0xF7A, s1;
	s8 =	simm.s32 @!p0 $0x1BF5;
	p2 =	por !p2, p0  }
0x20: {  	[sflag:s8] =	ssyncset.s32 @!p0 $0xFFFFF086;
	s6 =	sadd.s32 @!p0 s3, s7;
	s7 =	simm.s32 @!p0 $0x108  }
0x21: {  	s3 =	sadd.s32 s3, s9;
	s6 =	sadd.s32 @!p0 $0x88, s6;
	s7 =	simm.s32 @p2 $0x1082  }
0x22: {  	[simem:s7], [sflag:s8] =	dma.local @!p0 [hbm:s6], $0xF7A  }
0x23: {  	s9 =	sor.u32 $0xD0000000, s2;
	s6 =	simm.s32 $0x108;
	_ =	swait.ge @!p0 [sflag:s8], $0x0  }
0x24: {  	s3 =	sadd.s32 $0x88, s3;
	s6 =	simm.s32 @!p1 $0x1082;
	[sflag:s4] =	ssyncset.s32 $0xFFFFF086  }
0x25: {  	[simem:s6], [sflag:s4] =	dma.local [hbm:s3], $0xF7A  }
0x26: {  	[smem:$0x3F96] =	sst s1;
	(tag) =	ssettag s2;
	_ =	strace s9  }
0x27: {  	s1 =	sld [smem:$0x3FA6]  }
0x28: {  	s2 =	sld [smem:$0x3FA7]  }
0x29: {  	s4 =	sld [smem:$0x3FA9]  }
0x2a: {  	p0 =	seq.s32 s5, $0x0;
	s5 =	sld [smem:$0x3FAA]  }
0x2b: {  	s6 =	sld [smem:$0x3FAB]  }
0x2c: {  	s7 =	sld [smem:$0x3FAC]  }
0x2d: {  	s3 =	simm.s32 $0x108;
	s8 =	sld [smem:$0x3FAD]  }
0x2e: {  	s3 =	simm.s32 @!p0 $0x1082;
	s9 =	sld [smem:$0x3FAE]  }
0x2f: {  	lr =	sadd.s32 s0, s3;
	s0 =	sld [smem:$0x3FA5]  }
0x30: {  	s3 =	sld [smem:$0x3FA8]  }
0x31: {  	[smem:$0x3FB1] =	sst s10  }
0x32: {  	s10 =	sld [smem:$0x3FAF];
	_ =	sdelay $0x3  }
0x33: {  	p0 =	seq.s32 s10, $0x1;
	s10 =	sld [smem:$0x3FB1];
	_ =	sdelay $0x3  }
0x34: {  	[smem:$0x3FB1] =	sst s10  }
0x35: {  	s10 =	sld [smem:$0x3FB0];
	_ =	sdelay $0x3  }
0x36: {  	p1 =	seq.s32 s10, $0x1;
	s10 =	sld [smem:$0x3FB1];
	_ =	sdelay $0x3  }
0x37: {  	[smem:$0x3FB1] =	sst s10  }
0x38: {  	s10 =	sld [smem:$0x3FB2]  }
0x39: {  	_ = 	snop;
	(pc) =	sbr.ind lr, $3  }
0x3a: {  	_ = 	snop  }
0x3b: {  	_ = 	snop  }
0x3c: {  	p2 =	seq.s32 s10, $0x1;
	s10 =	sld [smem:$0x3FB1]  }
0x3d: {  	_ =	shalt  }
0x3e: {  	_ =	shalt  }
0x3f: {  	_ =	shalt  }
0x40: {  	_ =	shalt  }
0x41: {  	_ =	shalt  }
0x42: {  	_ =	shalt  }
0x43: {  	_ =	shalt  }
0x44: {  	_ =	shalt  }
0x45: {  	_ =	shalt  }
0x46: {  	_ =	shalt  }
0x47: {  	_ =	shalt  }
0x48: {  	_ =	shalt  }
0x49: {  	_ =	shalt  }
0x4a: {  	_ =	shalt  }
0x4b: {  	_ =	shalt  }
0x4c: {  	_ =	shalt  }
0x4d: {  	_ =	shalt  }
0x4e: {  	_ =	shalt  }
0x4f: {  	_ =	shalt  }
0x50: {  	_ =	shalt  }
0x51: {  	_ =	shalt  }
0x52: {  	_ =	shalt  }
0x53: {  	_ =	shalt  }
0x54: {  	_ =	shalt  }
0x55: {  	_ =	shalt  }
0x56: {  	_ =	shalt  }
0x57: {  	_ =	shalt  }
0x58: {  	_ =	shalt  }
0x59: {  	_ =	shalt  }
0x5a: {  	_ =	shalt  }
0x5b: {  	_ =	shalt  }
0x5c: {  	_ =	shalt  }
0x5d: {  	_ =	shalt  }
0x5e: {  	_ =	shalt  }
0x5f: {  	_ =	shalt  }
0x60: {  	_ =	shalt  }
0x61: {  	_ =	shalt  }
0x62: {  	_ =	shalt  }
0x63: {  	_ =	shalt  }
0x64: {  	_ =	shalt  }
0x65: {  	_ =	shalt  }
0x66: {  	_ =	shalt  }
0x67: {  	_ =	shalt  }
0x68: {  	_ =	shalt  }
0x69: {  	_ =	shalt  }
0x6a: {  	_ =	shalt  }
0x6b: {  	_ =	shalt  }
0x6c: {  	_ =	shalt  }
0x6d: {  	_ =	shalt  }
0x6e: {  	_ =	shalt  }
0x6f: {  	_ =	shalt  }
0x70: {  	_ =	shalt  }
0x71: {  	_ =	shalt  }
0x72: {  	_ =	shalt  }
0x73: {  	_ =	shalt  }
0x74: {  	_ =	shalt  }
0x75: {  	_ =	shalt  }
0x76: {  	_ =	shalt  }
0x77: {  	_ =	shalt  }
0x78: {  	_ =	shalt  }
0x79: {  	_ =	shalt  }
0x7a: {  	_ =	shalt  }
0x7b: {  	_ =	shalt  }
0x7c: {  	_ =	shalt  }
0x7d: {  	_ =	shalt  }
0x7e: {  	_ =	shalt  }
0x7f: {  	_ =	shalt  }
0x80: {  	_ =	shalt  }
0x81: {  	_ =	shalt  }
0x82: {  	_ =	shalt  }
0x83: {  	_ =	shalt  }
0x84: {  	_ =	shalt  }
0x85: {  	_ =	shalt  }
0x86: {  	_ =	shalt  }
0x87: {  	_ =	shalt  }
.Lfunc_end0:
.L_simem_size_0:
called_computation.1_lowered:
.L_overlay_start_0:
0x88: {  	s2 =	sld [smem:$0x3FD9]  }
0x89: {  	s3 =	sld [smem:$0x3FFE];
	_ =	sdelay $0x1  }
0x8a: {  	s1 =	srdreg.scid  }
0x8b: {  	s0 =	sand.u32 $0x1, s1  }
0x8c: {  	s16 =	sshll.u32 s0, $0xA;
	s2 =	sadd.s32 s3, s2  }
0x8d: {  	s2 =	sadd.s32 s2, s16  }
0x8e: {  	[smem:$0x3FBD] =	sst s2  }
0x8f: {  	_ = 	snop  }
0x90: {  	(tm) =	ssettm $0x1  }
0x91: {  	s17 =	sld [smem:$0x3FFB];
	_ =	sdelay $0x3  }
0x92: {  	_ =	strace s17  }
0x93: {  	s2 =	sld [smem:$0x3FFC];
	_ =	sdelay $0x3  }
0x94: {  	_ =	strace s2  }
0x95: {  	s2 =	sld [smem:$0x3FFD];
	_ =	sdelay $0x3  }
0x96: {  	_ =	strace s2  }
0x97: {  	_ =	strace $0x8FFFFFFF  }
0x98: {  	s18 =	sld [smem:$0x3FDB];
	_ =	sdelay $0x1  }
0x99: {  	s19 =	simm.s32 $_scs_section_size  }
0x9a: {  	s4 =	simm.s32 $_size__tile_overlayer_lowered;
	s5 =	simm.s32 $_tile_overlayer_lowered  }
0x9b: {  	s22 =	simm.s32 $0x1BFF;
	s21 =	sshll.u32 s5, $0x1;
	s2 =	sadd.s32 s19, s18  }
0x9c: {  	s6 =	simm.s32 $0x0;
	s20 =	sshll.u32 s4, $0x1;
	s4 =	sadd.s32 s21, s2  }
0x9d: {  	[timem:s6], [sflag:s22] =	dma.local [hbm:s4], s20  }
0x9e: {  	_ =	swait.ge [sflag:s22], s20  }
0x9f: {  	s3 =	ssub.s32 $0x0, s20;
	[sflag:s22] =	ssyncset.done $0x0  }
0xa0: {  	[sflag:s22] =	ssyncadd.s32 s3;
	_ =	sdelay $0x1  }
0xa1: {  	s23 =	simm.s32 $0x1B8B  }
0xa2: {  	_ =	swait.ge [sflag:s23], $0x1  }
0xa3: {  	[sflag:s23] =	ssyncset.done $0x0  }
0xa4: {  	s25 =	simm.s32 $0x1B8E;
	s24 =	sld [smem:$0x3FFE];
	[sflag:s23] =	ssyncadd.s32 $0xFFFFFFFF  }
0xa5: {  	s26 =	simm.s32 $execute0_lowered;
	[smem:$0x3FD2] =	sst s25  }
0xa6: {  	s4 =	sshll.u32 s26, $0x1;
	_ =	strace $0x80000049;
	[dreg:$0x1] =	wrdreg $0xFFFFFFFF  }
0xa7: {  	s28 =	simm.s32 $_size_execute0_lowered;
	s2 =	sadd.s32 s2, s4;
	[dreg:$0x0] =	wrdreg $0x0  }
0xa8: {  	s4 =	sshll.u32 s28, $0x1;
	[dreg:$0x2] =	wrdreg s2  }
0xa9: {  	[dreg:$0x3] =	wrdreg s4  }
0xaa: {  	[dreg:$0x4] =	wrdreg $0xC0  }
0xab: {  	_ =	task [dreg:s6], $0x5FFFF  }
0xac: {  	[dreg:$0x1] =	wrdreg $0xFFFFFFFF  }
0xad: {  	[dreg:$0x0] =	wrdreg $0x60  }
0xae: {  	[dreg:$0x2] =	wrdreg s24  }
0xaf: {  	[dreg:$0x3] =	wrdreg $0x84000  }
0xb0: {  	[dreg:$0x4] =	wrdreg $0x9  }
0xb1: {  	_ =	task.clear_ibuf [dreg:s6], $0x5FFFF;
	_ =	strace $0x90000049  }
0xb2: {  	s29 =	simm.s32 $0x9;
	_ =	strace $0x8000004B  }
0xb3: {  	_ =	swait.ge [sflag:s29], $0x1  }
0xb4: {  	[sflag:s29] =	ssyncadd.s32 $0xFFFFFFFF  }
0xb5: {  	_ =	strace $0x9000004B  }
0xb6: {  	_ =	sfence  }
0xb7: {  	s30 =	sld [smem:$0x0];
	_ =	sdelay $0x2  }
0xb8: {  	s31 =	sshll.u32 s1, $0xD;
	s1 =	sshrl.u32 s1, $0x2  }
0xb9: {  	s3 =	sand.u32 $0x4000, s31;
	s1 =	sadd.s32 s1, s30  }
0xba: {  	s0 =	sor.u32 s3, s0;
	s1 =	sshll.u32 s1, $0x11  }
0xbb: {  	s0 =	sor.u32 s1, s0  }
0xbc: {  	s0 =	sadd.s32 $0x8F2B, s0  }
0xbd: {  	[sflag:s0] =	ssyncadd.remote.s32 $0x1  }
0xbe: {  	_ =	sfence.sel $0xFFFF  }
0xbf: {  	[dreg:$0x0] =	wrdreg $0xFFFFFFFF;
	(pc) =	sbr.abs _section_cstart, $3  }
0xc0: {  	[dreg:$0x1] =	wrdreg $0xFFFFFFFF  }
0xc1: {  	_ =	task.clear_ibuf [dreg:s6], $0x2FFFF;
	_ =	strace $0x9FFFFFFF  }
0xc2: {  	(tm) =	ssettm $0x7FFFFFFF  }
0xc3: {  	_ =	shalt  }
tec
execute0_lowered:
.L_overlay_start_1:
0x0: {  	(tag) =	ssettag $0x1  }
0x1: {  	s0 =	rddreg [dreg:$0x0]  }
0x2: {  	s2 =	srdreg.scid;
	s11 =	stileid.u32  }
0x3: {  	s1 =	rddreg [dreg:$0x1];
	s2 =	sand.u32 $0x1, s2;
	s7 =	smul.u32 $0x14000, s11  }
0x4: {  	s3 =	simm.s32 $0x0;
	s6 =	smul.u32 $0x140000, s2;
	s5 =	sshll.u32 s2, $0x4  }
0x5: {  	[smem:$0x7FF] =	sst s3;
	s4 =	sadd.s32 $0x2BA00, s0;
	s8 =	sor.u32 s11, s5  }
0x6: {  	s2 =	ssub.s32 $0x2, s2;
	s9 =	sadd.s32 s7, s6;
	s6 =	smul.u32 $0x5000, s8  }
0x7: {  	_ =	strace $0x8000004A;
	s5 =	sadd.s32 $0x3A00, s0;
	s24 =	sshrl.u32 s2, $0x1  }
0x8: {  	s7 =	sadd.s32 $0x17A00, s0;
	s23 =	sshrl.u32 s9, $0x3;
	s25 =	sshrl.u32 s6, $0x3  }
0x9: {  	s2 =	ssub.s32 s2, s24;
	s0 =	sadd.s32 s23, s0;
	s26 =	sadd.s32 s5, s25  }
0xa: {  	s29 =	sadd.s32 s7, s25;
	s30 =	sor.u32 $0x10, s25;
	[dreg:$0x3] =	wrdreg s26  }
0xb: {  	s10 =	sor.u32 $0x20, s25;
	s0 =	sadd.s32 $0x52C00, s0;
	[dreg:$0x4] =	wrdreg s29  }
0xc: {  	s15 =	sor.u32 $0x30, s25;
	s25 =	smax.u32 s2, $0x1;
	[dreg:$0x13] =	wrdreg s0  }
0xd: {  	s12 =	sadd.s32 s5, s30;
	[dreg:$0x14] =	wrdreg s25  }
0xe: {  	s8 =	sadd.s32 s7, s30;
	[dreg:$0x5] =	wrdreg s12  }
0xf: {  	s11 =	smul.u32 $0x50000, s11;
	s13 =	sadd.s32 s5, s10;
	[dreg:$0x6] =	wrdreg s8  }
0x10: {  	s14 =	sadd.s32 s7, s10;
	[dreg:$0x7] =	wrdreg s13  }
0x11: {  	s16 =	sshrl.u32 s11, $0x2;
	s17 =	sadd.s32 s5, s15;
	[dreg:$0x8] =	wrdreg s14  }
0x12: {  	s31 =	simm.s32 $0x280;
	s26 =	sadd.s32 s16, s1;
	[dreg:$0x9] =	wrdreg s17  }
0x13: {  	s28 =	simm.s32 $0xA;
	s8 =	sadd.s32 s7, s15;
	[dreg:$0xb] =	wrdreg s26  }
0x14: {  	s11 =	simm.s32 $0x400;
	s18 =	sadd.s32 $0x2000, s26;
	[dreg:$0xa] =	wrdreg s8  }
0x15: {  	s2 =	simm.s32 $0x0;
	s19 =	sadd.s32 $0x4000, s26;
	[dreg:$0xc] =	wrdreg s18  }
0x16: {  	s10 =	simm.s32 $0x40;
	s20 =	sadd.s32 $0x6000, s26;
	[dreg:$0xd] =	wrdreg s19  }
0x17: {  	s25 =	simm.s32 $0x10;
	s21 =	sadd.s32 $0x8000, s26;
	[dreg:$0xe] =	wrdreg s20  }
0x18: {  	s22 =	sadd.s32 $0xA000, s26;
	s23 =	sadd.s32 $0xC000, s26;
	[dreg:$0xf] =	wrdreg s21  }
0x19: {  	s24 =	sadd.s32 $0xE000, s26;
	s29 =	sadd.s32 $0x10000, s26;
	[dreg:$0x10] =	wrdreg s22  }
0x1a: {  	s30 =	sadd.s32 $0x12000, s26;
	s12 =	simm.s32 $0x6;
	[dreg:$0x11] =	wrdreg s23  }
.Ltmp0:
0x1b: {  	s13 =	simm.s32 $0x2400;
	[dreg:$0x12] =	wrdreg s24;
	(pc) =	sbr.rel .LBB2_1-.Ltmp0, $4  }
0x1c: {  	s14 =	simm.s32 $0x6400;
	s15 =	simm.s32 $0x11;
	[dreg:$0x15] =	wrdreg s29  }
0x1d: {  	s17 =	simm.s32 $0x1;
	[dreg:$0x16] =	wrdreg s30;
	s18 =	simm.s32 $0xD  }
0x1e: {  	s19 =	simm.s32 $0x7;
	s20 =	simm.s32 $0x4400;
	s21 =	simm.s32 $0x2  }
0x1f: {  	v0 =	vimm.f32 $0.0e+00;
	s22 =	simm.s32 $0xE;
	s23 =	simm.s32 $0x8;
	s24 =	simm.s32 $0x3  }
.LBB2_6:
0x20: {  	s0 =	simm.s32 $0x9  }
0x21: {  	_ =	swait.ge [sflag:s0], $0x2000  }
0x22: {  	[sflag:s0] =	ssyncset.done $0x0  }
0x23: {  	[sflag:s0] =	ssyncadd.s32 $0xFFFFE000  }
0x24: {  	_ =	swait.ge [sflag:s28], $0x2000  }
0x25: {  	[sflag:s28] =	ssyncset.done $0x0  }
0x26: {  	s9 =	simm.s32 $0xB;
	[sflag:s28] =	ssyncadd.s32 $0xFFFFE000  }
0x27: {  	_ =	swait.ge [sflag:s9], $0x2000  }
0x28: {  	[sflag:s9] =	ssyncset.done $0x0  }
0x29: {  	s16 =	simm.s32 $0xC;
	[sflag:s9] =	ssyncadd.s32 $0xFFFFE000  }
0x2a: {  	_ =	swait.ge [sflag:s16], $0x2000  }
0x2b: {  	[sflag:s16] =	ssyncset.done $0x0  }
0x2c: {  	[sflag:s16] =	ssyncadd.s32 $0xFFFFE000  }
0x2d: {  	s26 =	stileid.u32;
	[bflag:$0x0] =	sbarrier.arrive $0xFFFF  }
0x2e: {  	s0 =	sshll.u32 s26, $0x6;
	s26 =	rddreg [dreg:$0xb]  }
0x2f: {  	s0 =	sor.u32 $0x1C11, s0;
	s9 =	rddreg [dreg:$0x13];
	s2 =	sshrl.u32 s26, $0x3  }
0x30: {  	[hbm:s9], [sflag:s0] =	dma.local [spmem:s2], $0x2800  }
0x31: {  	_ =	swait.ge [sflag:s15], $0x2800  }
0x32: {  	s29 =	rddreg [dreg:$0x17]  }
0x33: {  	s30 =	rddreg [dreg:$0x14];
	s2 =	sadd.s32 $0x1, s29  }
0x34: {  	p0 =	sne.s32 s2, s30  }
.Ltmp1:
0x35: {  	_ = 	snop;
	(pc) =	sbr.rel @!p0 .LBB2_7-.Ltmp1, $3  }
0x36: {  	_ =	sdelay $0x1  }
0x37: {  	[sflag:s15] =	ssyncset.done $0x0  }
0x38: {  	[sflag:s15] =	ssyncadd.s32 $0xFFFFD800  }
.LBB2_1:
0x39: {  	[dreg:$0x17] =	wrdreg s2  }
0x3a: {  	s0 =	rddreg [dreg:$0x3]  }
0x3b: {  	[tilespmem:s3], [sflag:$0x5] =	stream.linear.gather [hbm4b:s0+s3], $0x80, $0x38;
	[tilespmem:$0x1C400] =	vst v63  }
0x3c: {  	s29 =	rddreg [dreg:$0x4];
	s30 =	simm.s32 $0x200  }
0x3d: {  	[tilespmem:s30], [sflag:$0xD] =	stream.linear.gather [hbm4b:s29+s3], $0x80, $0x38;
	[tilespmem:$0x1C400] =	vst v63  }
0x3e: {  	s8 =	rddreg [dreg:$0x5];
	s2 =	simm.s32 $0x80  }
0x3f: {  	[tilespmem:s2], [sflag:$0x6] =	stream.linear.gather [hbm4b:s8+s3], $0x80, $0x38;
	[tilespmem:$0x1C400] =	vst v63  }
0x40: {  	s9 =	rddreg [dreg:$0x6]  }
0x41: {  	[tilespmem:s31], [sflag:$0xE] =	stream.linear.gather [hbm4b:s9+s3], $0x80, $0x38;
	[tilespmem:$0x1C400] =	vst v63  }
0x42: {  	s16 =	rddreg [dreg:$0x7];
	s8 =	simm.s32 $0x100  }
0x43: {  	[tilespmem:s8], [sflag:$0x7] =	stream.linear.gather [hbm4b:s16+s3], $0x80, $0x38;
	[tilespmem:$0x1C400] =	vst v63  }
0x44: {  	s29 =	rddreg [dreg:$0x8];
	s30 =	simm.s32 $0x300  }
0x45: {  	[tilespmem:s30], [sflag:$0xF] =	stream.linear.gather [hbm4b:s29+s3], $0x80, $0x38;
	[tilespmem:$0x1C400] =	vst v63  }
0x46: {  	s9 =	simm.s32 $0x180;
	s8 =	rddreg [dreg:$0x9]  }
0x47: {  	[tilespmem:s9], [sflag:$0x8] =	stream.linear.gather [hbm4b:s8+s3], $0x80, $0x38;
	[tilespmem:$0x1C400] =	vst v63  }
0x48: {  	s16 =	rddreg [dreg:$0xa];
	s29 =	simm.s32 $0x380;
	s30 =	simm.s32 $0x5  }
0x49: {  	[tilespmem:s29], [sflag:$0x10] =	stream.linear.gather [hbm4b:s16+s3], $0x80, $0x38;
	[tilespmem:$0x1C400] =	vst v63  }
0x4a: {  	_ =	swait.ge [sflag:s30], $0x80  }
0x4b: {  	[sflag:s30] =	ssyncset.done $0x0  }
0x4c: {  	[sflag:s30] =	ssyncadd.s32 $0xFFFFFF80  }
0x4d: {  	[tilespmem:s11], [sflag:$0x1] =	stream.indirect.gather [hbm4b:s4+s10], $0x80, s3, s10, $0xb8;
	[tilespmem:$0x1C400] =	vst v63  }
0x4e: {  	_ =	swait.ge [sflag:s12], $0x80  }
0x4f: {  	s8 =	simm.s32 $0x80;
	[sflag:s12] =	ssyncset.done $0x0  }
0x50: {  	s9 =	simm.s32 $0x0;
	s16 =	simm.s32 $0x200;
	[sflag:s12] =	ssyncadd.s32 $0xFFFFFF80  }
0x51: {  	[tilespmem:s13], [sflag:$0x2] =	stream.indirect.gather [hbm4b:s4+s10], $0x80, s2, s10, $0xb8;
	[tilespmem:$0x1C400] =	vst v63  }
.LBB2_2:
0x52: {  	p0 =	sne.s32 s16, $0x7E00;
	[tilespmem:s9+$0x6470] =	vst v0  }
0x53: {  	[tilespmem:s9+$0x6400] =	vst v0  }
0x54: {  	[tilespmem:s9+$0x6410] =	vst v0  }
.Ltmp2:
0x55: {  	[tilespmem:s9+$0x6420] =	vst v0;
	(pc) =	sbr.rel @p0 .LBB2_2-.Ltmp2, $4  }
0x56: {  	[tilespmem:s9+$0x6430] =	vst v0  }
0x57: {  	[tilespmem:s9+$0x6440] =	vst v0  }
0x58: {  	[tilespmem:s9+$0x6450] =	vst v0  }
0x59: {  	[tilespmem:s9+$0x6460] =	vst v0;
	s9 =	sshra.s32 s16, $0x2;
	s16 =	sadd.s32 $0x200, s16  }
0x5a: {  	[tilespmem:s9+$0x6470] =	vst v0  }
0x5b: {  	[tilespmem:s9+$0x6400] =	vst v0  }
0x5c: {  	[tilespmem:s9+$0x6410] =	vst v0  }
0x5d: {  	[tilespmem:s9+$0x6420] =	vst v0  }
0x5e: {  	[tilespmem:s9+$0x6430] =	vst v0  }
0x5f: {  	[tilespmem:s9+$0x6440] =	vst v0  }
0x60: {  	[tilespmem:s9+$0x6450] =	vst v0  }
0x61: {  	[tilespmem:s9+$0x6460] =	vst v0  }
0x62: {  	[spmem:s26] =	stream.linear.scatter [tilespmem:s14], [sflag:$0x11], $0x2000, $0x38;
	[tilespmem:$0x1C400] =	vst v63  }
0x63: {  	_ =	swait.ge [sflag:s15], $0x2000  }
0x64: {  	[sflag:s15] =	ssyncset.done $0x0  }
0x65: {  	s0 =	rddreg [dreg:$0xc];
	[sflag:s15] =	ssyncadd.s32 $0xFFFFE000  }
0x66: {  	[spmem:s0] =	stream.linear.scatter [tilespmem:s14], [sflag:$0x11], $0x2000, $0x38;
	[tilespmem:$0x1C400] =	vst v63  }
0x67: {  	_ =	swait.ge [sflag:s15], $0x2000  }
0x68: {  	[sflag:s15] =	ssyncset.done $0x0  }
0x69: {  	s29 =	rddreg [dreg:$0xd];
	[sflag:s15] =	ssyncadd.s32 $0xFFFFE000  }
0x6a: {  	[spmem:s29] =	stream.linear.scatter [tilespmem:s14], [sflag:$0x11], $0x2000, $0x38;
	[tilespmem:$0x1C400] =	vst v63  }
0x6b: {  	_ =	swait.ge [sflag:s15], $0x2000  }
0x6c: {  	[sflag:s15] =	ssyncset.done $0x0  }
0x6d: {  	s30 =	rddreg [dreg:$0xe];
	[sflag:s15] =	ssyncadd.s32 $0xFFFFE000  }
0x6e: {  	[spmem:s30] =	stream.linear.scatter [tilespmem:s14], [sflag:$0x11], $0x2000, $0x38;
	[tilespmem:$0x1C400] =	vst v63  }
0x6f: {  	_ =	swait.ge [sflag:s15], $0x2000  }
0x70: {  	[sflag:s15] =	ssyncset.done $0x0  }
0x71: {  	s2 =	rddreg [dreg:$0xf];
	[sflag:s15] =	ssyncadd.s32 $0xFFFFE000  }
0x72: {  	[spmem:s2] =	stream.linear.scatter [tilespmem:s14], [sflag:$0x11], $0x2000, $0x38;
	[tilespmem:$0x1C400] =	vst v63  }
0x73: {  	_ =	swait.ge [sflag:s15], $0x2000  }
0x74: {  	[sflag:s15] =	ssyncset.done $0x0  }
0x75: {  	s9 =	rddreg [dreg:$0x10];
	[sflag:s15] =	ssyncadd.s32 $0xFFFFE000  }
0x76: {  	[spmem:s9] =	stream.linear.scatter [tilespmem:s14], [sflag:$0x11], $0x2000, $0x38;
	[tilespmem:$0x1C400] =	vst v63  }
0x77: {  	_ =	swait.ge [sflag:s15], $0x2000  }
0x78: {  	[sflag:s15] =	ssyncset.done $0x0  }
0x79: {  	s16 =	rddreg [dreg:$0x11];
	[sflag:s15] =	ssyncadd.s32 $0xFFFFE000  }
0x7a: {  	[spmem:s16] =	stream.linear.scatter [tilespmem:s14], [sflag:$0x11], $0x2000, $0x38;
	[tilespmem:$0x1C400] =	vst v63  }
0x7b: {  	_ =	swait.ge [sflag:s15], $0x2000  }
0x7c: {  	[sflag:s15] =	ssyncset.done $0x0  }
0x7d: {  	s26 =	rddreg [dreg:$0x12];
	[sflag:s15] =	ssyncadd.s32 $0xFFFFE000  }
0x7e: {  	[spmem:s26] =	stream.linear.scatter [tilespmem:s14], [sflag:$0x11], $0x2000, $0x38;
	[tilespmem:$0x1C400] =	vst v63  }
0x7f: {  	_ =	swait.ge [sflag:s15], $0x2000  }
0x80: {  	[sflag:s15] =	ssyncset.done $0x0  }
0x81: {  	s29 =	rddreg [dreg:$0x15];
	[sflag:s15] =	ssyncadd.s32 $0xFFFFE000  }
0x82: {  	[spmem:s29] =	stream.linear.scatter [tilespmem:s14], [sflag:$0x11], $0x2000, $0x38;
	[tilespmem:$0x1C400] =	vst v63  }
0x83: {  	_ =	swait.ge [sflag:s15], $0x2000  }
0x84: {  	[sflag:s15] =	ssyncset.done $0x0  }
0x85: {  	s30 =	rddreg [dreg:$0x16];
	[sflag:s15] =	ssyncadd.s32 $0xFFFFE000  }
0x86: {  	[spmem:s30] =	stream.linear.scatter [tilespmem:s14], [sflag:$0x11], $0x2000, $0x38;
	[tilespmem:$0x1C400] =	vst v63  }
0x87: {  	_ =	swait.ge [sflag:s15], $0x2000  }
0x88: {  	[sflag:s15] =	ssyncset.done $0x0  }
0x89: {  	[sflag:s15] =	ssyncadd.s32 $0xFFFFE000  }
0x8a: {  	s26 =	simm.s32 $0x0;
	[bflag:$0x0] =	sbarrier.arrive $0xFFFF  }
.LBB2_4:
0x8b: {  	p0 =	seq.s32 s26, $0x4E00  }
0x8c: {  	s9 =	sadd.s32 @!p0 $0x200, s26  }
0x8d: {  	s16 =	sand.u32 @!p0 $0xFC00, s9  }
0x8e: {  	s9 =	sand.u32 @!p0 $0x200, s9;
	s16 =	sadd.s32 @!p0 s6, s16  }
0x8f: {  	_ =	swait.ge [sflag:s17], $0x2000;
	s9 =	sor.u32 @!p0 s9, s16  }
0x90: {  	[sflag:s17] =	ssyncset.done $0x0;
	s9 =	sshrl.u32 @!p0 s9, $0x3  }
0x91: {  	[sflag:s17] =	ssyncadd.s32 $0xFFFFE000;
	s16 =	simm.s32 @!p0 $0x0;
	s29 =	sadd.s32 @!p0 s5, s9  }
0x92: {  	[tilespmem:s16], [sflag:$0x5] =	stream.linear.gather @!p0 [hbm4b:s29+s16], $0x80, $0x38;
	[tilespmem:$0x1C400] =	vst v63  }
0x93: {  	_ =	swait.ge [sflag:s18], $0x80  }
0x94: {  	p1 =	seq.s32 s26, $0x0;
	[sflag:s18] =	ssyncset.done $0x0  }
0x95: {  	s0 =	simm.s32 $0x200;
	s29 =	sand.u32 @!p1 $0x7C00, s26;
	[sflag:s18] =	ssyncadd.s32 $0xFFFFFF80  }
0x96: {  	[spmem:s1] =	stream.indirect.scatter.add.f32 [tilespmem:s11], [sflag:$0x9], $0x80, s0, s10, $0xb8;
	[tilespmem:$0x1C400] =	vst v63  }
0x97: {  	s29 =	sadd.s32 @!p1 s6, s29;
	s0 =	sand.u32 @!p1 $0x200, s26  }
0x98: {  	s30 =	simm.s32 @!p1 $0xB;
	s0 =	sor.u32 @!p1 s29, s0  }
0x99: {  	_ =	swait.ge @!p1 [sflag:s30], $0x2000;
	s29 =	sor.u32 @!p1 $0x100, s0  }
0x9a: {  	s2 =	simm.s32 @!p1 $0x300;
	[sflag:s30] =	ssyncset.done @!p1 $0x0;
	s29 =	sshrl.u32 @!p1 s29, $0x3  }
0x9b: {  	[sflag:s30] =	ssyncadd.s32 @!p1 $0xFFFFE000;
	s30 =	simm.s32 @!p1 $0x0;
	s29 =	sadd.s32 @!p1 s7, s29  }
0x9c: {  	[tilespmem:s2], [sflag:$0xF] =	stream.linear.gather @!p1 [hbm4b:s29+s30], $0x80, $0x38;
	[tilespmem:$0x1C400] =	vst v63  }
0x9d: {  	_ =	swait.ge [sflag:s19], $0x80  }
0x9e: {  	[sflag:s19] =	ssyncset.done $0x0  }
0x9f: {  	s29 =	simm.s32 $0x100;
	s2 =	sadd.s32 @!p0 $0x280, s26;
	[sflag:s19] =	ssyncadd.s32 $0xFFFFFF80  }
0xa0: {  	[tilespmem:s20], [sflag:$0x3] =	stream.indirect.gather [hbm4b:s4+s10], $0x80, s29, s10, $0xb8;
	[tilespmem:$0x1C400] =	vst v63  }
0xa1: {  	s29 =	sand.u32 @!p0 $0xFC00, s2  }
0xa2: {  	s2 =	sand.u32 @!p0 $0x280, s2;
	s29 =	sadd.s32 @!p0 s6, s29  }
0xa3: {  	_ =	swait.ge [sflag:s21], $0x2000;
	s2 =	sor.u32 @!p0 s2, s29  }
0xa4: {  	[sflag:s21] =	ssyncset.done $0x0;
	s2 =	sshrl.u32 @!p0 s2, $0x3  }
0xa5: {  	s29 =	simm.s32 @!p0 $0x80;
	[sflag:s21] =	ssyncadd.s32 $0xFFFFE000;
	s2 =	sadd.s32 @!p0 s5, s2  }
0xa6: {  	[tilespmem:s29], [sflag:$0x6] =	stream.linear.gather @!p0 [hbm4b:s2+s16], $0x80, $0x38;
	[tilespmem:$0x1C400] =	vst v63  }
0xa7: {  	_ =	swait.ge [sflag:s22], $0x80  }
0xa8: {  	[sflag:s22] =	ssyncset.done $0x0  }
0xa9: {  	s2 =	simm.s32 @!p1 $0xC;
	[sflag:s22] =	ssyncadd.s32 $0xFFFFFF80  }
0xaa: {  	[spmem:s1] =	stream.indirect.scatter.add.f32 [tilespmem:s13], [sflag:$0xA], $0x80, s31, s10, $0xb8;
	[tilespmem:$0x1C400] =	vst v63  }
0xab: {  	s0 =	sor.u32 @!p1 $0x180, s0;
	_ =	swait.ge @!p1 [sflag:s2], $0x2000  }
0xac: {  	s0 =	sshrl.u32 @!p1 s0, $0x3;
	[sflag:s2] =	ssyncset.done @!p1 $0x0  }
0xad: {  	s0 =	sadd.s32 @!p1 s7, s0;
	[sflag:s2] =	ssyncadd.s32 @!p1 $0xFFFFE000;
	s2 =	simm.s32 @!p1 $0x380  }
0xae: {  	[tilespmem:s2], [sflag:$0x10] =	stream.linear.gather @!p1 [hbm4b:s0+s30], $0x80, $0x38;
	[tilespmem:$0x1C400] =	vst v63  }
0xaf: {  	_ =	swait.ge [sflag:s23], $0x80  }
0xb0: {  	[sflag:s23] =	ssyncset.done $0x0  }
0xb1: {  	s29 =	simm.s32 $0x180;
	[sflag:s23] =	ssyncadd.s32 $0xFFFFFF80  }
0xb2: {  	[tilespmem:s14], [sflag:$0x4] =	stream.indirect.gather [hbm4b:s4+s10], $0x80, s29, s10, $0xb8;
	[tilespmem:$0x1C400] =	vst v63  }
0xb3: {  	_ =	swait.ge [sflag:s24], $0x2000  }
0xb4: {  	[sflag:s24] =	ssyncset.done $0x0  }
0xb5: {  	s0 =	simm.s32 @p0 $0xF;
	[sflag:s24] =	ssyncadd.s32 $0xFFFFE000  }
0xb6: {  	_ =	swait.ge @p0 [sflag:s0], $0x80  }
0xb7: {  	s2 =	simm.s32 @p0 $0x300;
	[sflag:s0] =	ssyncset.done @p0 $0x0  }
0xb8: {  	s29 =	simm.s32 @p0 $0x4400;
	[sflag:s0] =	ssyncadd.s32 @p0 $0xFFFFFF80;
	s0 =	simm.s32 @p0 $0x40  }
0xb9: {  	[spmem:s1] =	stream.indirect.scatter.add.f32 @p0 [tilespmem:s29], [sflag:$0xB], $0x80, s2, s0, $0xb8;
	[tilespmem:$0x1C400] =	vst v63  }
0xba: {  	s0 =	sadd.s32 @!p0 $0x300, s26  }
0xbb: {  	s2 =	sand.u32 @!p0 $0xFC00, s0  }
0xbc: {  	s29 =	simm.s32 @p0 $0x4;
	s0 =	sand.u32 @!p0 $0x300, s0;
	s2 =	sadd.s32 @!p0 s6, s2  }
0xbd: {  	_ =	swait.ge @p0 [sflag:s29], $0x2000;
	s0 =	sor.u32 @!p0 s0, s2  }
0xbe: {  	[sflag:s29] =	ssyncset.done @p0 $0x0;
	s0 =	sshrl.u32 @!p0 s0, $0x3  }
0xbf: {  	[sflag:s29] =	ssyncadd.s32 @p0 $0xFFFFE000;
	s2 =	simm.s32 @!p0 $0x100;
	s0 =	sadd.s32 @!p0 s5, s0  }
0xc0: {  	[tilespmem:s2], [sflag:$0x7] =	stream.linear.gather @!p0 [hbm4b:s0+s16], $0x80, $0x38;
	[tilespmem:$0x1C400] =	vst v63  }
0xc1: {  	s0 =	simm.s32 @!p0 $0xF  }
0xc2: {  	_ =	swait.ge @!p0 [sflag:s0], $0x80  }
0xc3: {  	s29 =	simm.s32 @!p0 $0x4400;
	[sflag:s0] =	ssyncset.done @!p0 $0x0  }
0xc4: {  	s2 =	simm.s32 @!p0 $0x300;
	[sflag:s0] =	ssyncadd.s32 @!p0 $0xFFFFFF80;
	s0 =	simm.s32 @!p0 $0x40  }
0xc5: {  	[spmem:s1] =	stream.indirect.scatter.add.f32 @!p0 [tilespmem:s29], [sflag:$0xB], $0x80, s2, s0, $0xb8;
	[tilespmem:$0x1C400] =	vst v63  }
0xc6: {  	s2 =	simm.s32 @!p0 $0x9  }
0xc7: {  	_ =	swait.ge @!p0 [sflag:s2], $0x2000  }
0xc8: {  	[sflag:s2] =	ssyncset.done @!p0 $0x0  }
0xc9: {  	[sflag:s2] =	ssyncadd.s32 @!p0 $0xFFFFE000;
	s2 =	sadd.s32 @!p0 s7, s9;
	s9 =	simm.s32 @!p0 $0x200  }
0xca: {  	[tilespmem:s9], [sflag:$0xD] =	stream.linear.gather @!p0 [hbm4b:s2+s16], $0x80, $0x38;
	[tilespmem:$0x1C400] =	vst v63  }
0xcb: {  	s2 =	simm.s32 @!p0 $0x5  }
0xcc: {  	_ =	swait.ge @!p0 [sflag:s2], $0x80  }
0xcd: {  	[sflag:s2] =	ssyncset.done @!p0 $0x0  }
0xce: {  	[sflag:s2] =	ssyncadd.s32 @!p0 $0xFFFFFF80;
	s2 =	simm.s32 @!p0 $0x400  }
0xcf: {  	[tilespmem:s2], [sflag:$0x1] =	stream.indirect.gather @!p0 [hbm4b:s4+s0], $0x80, s16, s0, $0xb8;
	[tilespmem:$0x1C400] =	vst v63  }
0xd0: {  	s0 =	sadd.s32 @!p0 $0x380, s26  }
0xd1: {  	s2 =	sand.u32 @!p0 $0xFC00, s0  }
0xd2: {  	s9 =	simm.s32 @!p0 $0x4;
	s0 =	sand.u32 @!p0 $0x380, s0;
	s2 =	sadd.s32 @!p0 s6, s2  }
0xd3: {  	_ =	swait.ge @!p0 [sflag:s9], $0x2000;
	s0 =	sor.u32 @!p0 s0, s2  }
0xd4: {  	[sflag:s9] =	ssyncset.done @!p0 $0x0;
	s0 =	sshrl.u32 @!p0 s0, $0x3  }
0xd5: {  	[sflag:s9] =	ssyncadd.s32 @!p0 $0xFFFFE000;
	s2 =	simm.s32 @!p0 $0x180;
	s0 =	sadd.s32 @!p0 s5, s0  }
0xd6: {  	[tilespmem:s2], [sflag:$0x8] =	stream.linear.gather @!p0 [hbm4b:s0+s16], $0x80, $0x38;
	[tilespmem:$0x1C400] =	vst v63  }
.Ltmp3:
0xd7: {  	_ = 	snop;
	(pc) =	sbr.rel @p0 .LBB2_6-.Ltmp3, $4  }
0xd8: {  	_ =	swait.ge [sflag:s25], $0x80  }
0xd9: {  	[sflag:s25] =	ssyncset.done $0x0  }
0xda: {  	s30 =	simm.s32 $0x380;
	[sflag:s25] =	ssyncadd.s32 $0xFFFFFF80  }
0xdb: {  	[spmem:s1] =	stream.indirect.scatter.add.f32 [tilespmem:s14], [sflag:$0xC], $0x80, s30, s10, $0xb8;
	[tilespmem:$0x1C400] =	vst v63  }
0xdc: {  	s0 =	sadd.s32 $0x280, s26  }
0xdd: {  	s2 =	sand.u32 $0xFC00, s0  }
0xde: {  	s0 =	sand.u32 $0x280, s0;
	s2 =	sadd.s32 s6, s2  }
0xdf: {  	_ =	swait.ge [sflag:s28], $0x2000;
	s0 =	sor.u32 s0, s2  }
0xe0: {  	[sflag:s28] =	ssyncset.done $0x0;
	s0 =	sshrl.u32 s0, $0x3  }
0xe1: {  	[sflag:s28] =	ssyncadd.s32 $0xFFFFE000;
	s0 =	sadd.s32 s7, s0  }
0xe2: {  	[tilespmem:s31], [sflag:$0xE] =	stream.linear.gather [hbm4b:s0+s3], $0x80, $0x38;
	[tilespmem:$0x1C400] =	vst v63  }
.Ltmp4:
0xe3: {  	_ = 	snop;
	(pc) =	sbr.rel .LBB2_4-.Ltmp4, $4  }
0xe4: {  	_ =	swait.ge [sflag:s12], $0x80  }
0xe5: {  	[sflag:s12] =	ssyncset.done $0x0  }
0xe6: {  	s26 =	sadd.s32 $0x200, s26;
	[sflag:s12] =	ssyncadd.s32 $0xFFFFFF80  }
0xe7: {  	[tilespmem:s13], [sflag:$0x2] =	stream.indirect.gather [hbm4b:s4+s10], $0x80, s8, s10, $0xb8;
	[tilespmem:$0x1C400] =	vst v63  }
.LBB2_7:
0xe8: {  	_ =	sfence.sel $0x180000  }
0xe9: {  	[bflag:$0x0] =	sbarrier.arrive $0xFFFF  }
0xea: {  	_ =	strace $0x9000004A  }
0xeb: {  	s0 =	stileid.u32;
	[bflag:$0x2] =	sbarrier.arrive $0xFFFF  }
0xec: {  	p0 =	sne.s32 s0, $0x0;
	s0 =	rddreg [dreg:$0x2]  }
0xed: {  	s0 =	sadd.s32 @!p0 $0x100000, s0  }
0xee: {  	[sflag:s0] =	ssyncadd.tile.s32 @!p0 $0x1;
	_ =	shalt  }
.Lfunc_end2:
_tile_overlayer_lowered:
.L_overlay_start_2:
0xef: {  	(tag) =	ssettag $0x2  }
0xf0: {  	s0 =	rddreg [dreg:$0x0];
	s2 =	stileid.u32  }
0xf1: {  	s1 =	rddreg [dreg:$0x1];
	p0 =	sne.s32 s2, $0x0  }
0xf2: {  	s3 =	rddreg [dreg:$0x2];
	[bflag:$0x3] =	sbarrier.arrive $0xFFFF;
	s2 =	simm.s32 @!p0 $0x1C11  }
0xf3: {  	[timem:s3], [sflag:s2] =	dma.local @!p0 [hbm:s0], s1  }
0xf4: {  	s0 =	simm.s32 @!p0 $0x11  }
0xf5: {  	_ =	swait.ge @!p0 [sflag:s0], s1  }
0xf6: {  	s1 =	ssub.s32 @!p0 $0x0, s1;
	[sflag:s0] =	ssyncset.done @!p0 $0x0  }
0xf7: {  	[sflag:s0] =	ssyncadd.s32 @!p0 s1  }
0xf8: {  	[bflag:$0x3] =	sbarrier.arrive $0xFFFF  }
0xf9: {  	_ =	shalt  }

// kernel: kernel.17.cloned.1.call-start
scs
__scs_entry_jumppad:
0x0: {  	(pc) =	sbr.rel $0x88, $3  }
0x1: {  	(tag) =	ssettag $0x0;
	lr =	simm.s32 $0x1  }
0x2: {  	[smem:$0x3F96] =	sst lr;
	_ =	strace $0xD0000000  }
0x3: {  	_ = 	snop  }
0x4: {  	_ = 	snop  }
0x5: {  	_ = 	snop  }
0x6: {  	_ = 	snop  }
0x7: {  	_ = 	snop  }
__scs_overlays_trampoline_lowered:
0x8: {  	[smem:$0x3FA5] =	sst s0  }
0x9: {  	[smem:$0x3FA6] =	sst s1  }
0xa: {  	[smem:$0x3FA7] =	sst s2  }
0xb: {  	[smem:$0x3FA8] =	sst s3  }
0xc: {  	[smem:$0x3FA9] =	sst s4  }
0xd: {  	[smem:$0x3FAA] =	sst s5  }
0xe: {  	[smem:$0x3FAB] =	sst s6  }
0xf: {  	[smem:$0x3FAC] =	sst s7  }
0x10: {  	[smem:$0x3FAD] =	sst s8  }
0x11: {  	[smem:$0x3FAE] =	sst s9;
	s0 =	simm.s32 @!p0 $0x0  }
0x12: {  	s1 =	sld [smem:$0x3F94];
	s0 =	simm.s32 @p0 $0x1  }
0x13: {  	[smem:$0x3FAF] =	sst s0;
	s0 =	simm.s32 @!p1 $0x0  }
0x14: {  	s2 =	sld [smem:$0x3F93];
	s0 =	simm.s32 @p1 $0x1  }
0x15: {  	[smem:$0x3FB0] =	sst s0;
	s0 =	simm.s32 @!p2 $0x0  }
0x16: {  	s3 =	sld [smem:$0x3FDB];
	s0 =	simm.s32 @p2 $0x1  }
0x17: {  	s4 =	simm.s32 $0x1BF5;
	[smem:$0x3FB2] =	sst s0  }
0x18: {  	s0 =	sld [smem:$0x3F95];
	_ =	swait.ge [sflag:s4], $0x0  }
0x19: {  	s7 =	sld [smem:$0x3F96]  }
0x1a: {  	s8 =	sadd.s32 $0xFFFFE003, lr  }
0x1b: {  	s9 =	sadd.s32 $0xFFFFFEF7, lr;
	s5 =	simm.s32 $0xFFFFFFFF;
	p2 =	slt.u32 s8, $0xFFFFF086  }
0x1c: {  	p1 =	slt.u32 s9, $0xF7A;
	s5 =	simm.s32 @!p2 $0x0  }
0x1d: {  	s5 =	simm.s32 @p1 $0x1;
	p0 =	seq.s32 s7, s2  }
0x1e: {  	s7 =	smul.u32 @!p0 $0xF7A, s2;
	p2 =	seq.s32 @!p0 s5, $0x0  }
0x1f: {  	s9 =	smul.u32 $0xF7A, s1;
	s8 =	simm.s32 @!p0 $0x1BF5;
	p2 =	por !p2, p0  }
0x20: {  	[sflag:s8] =	ssyncset.s32 @!p0 $0xFFFFF086;
	s6 =	sadd.s32 @!p0 s3, s7;
	s7 =	simm.s32 @!p0 $0x108  }
0x21: {  	s3 =	sadd.s32 s3, s9;
	s6 =	sadd.s32 @!p0 $0x88, s6;
	s7 =	simm.s32 @p2 $0x1082  }
0x22: {  	[simem:s7], [sflag:s8] =	dma.local @!p0 [hbm:s6], $0xF7A  }
0x23: {  	s9 =	sor.u32 $0xD0000000, s2;
	s6 =	simm.s32 $0x108;
	_ =	swait.ge @!p0 [sflag:s8], $0x0  }
0x24: {  	s3 =	sadd.s32 $0x88, s3;
	s6 =	simm.s32 @!p1 $0x1082;
	[sflag:s4] =	ssyncset.s32 $0xFFFFF086  }
0x25: {  	[simem:s6], [sflag:s4] =	dma.local [hbm:s3], $0xF7A  }
0x26: {  	[smem:$0x3F96] =	sst s1;
	(tag) =	ssettag s2;
	_ =	strace s9  }
0x27: {  	s1 =	sld [smem:$0x3FA6]  }
0x28: {  	s2 =	sld [smem:$0x3FA7]  }
0x29: {  	s4 =	sld [smem:$0x3FA9]  }
0x2a: {  	p0 =	seq.s32 s5, $0x0;
	s5 =	sld [smem:$0x3FAA]  }
0x2b: {  	s6 =	sld [smem:$0x3FAB]  }
0x2c: {  	s7 =	sld [smem:$0x3FAC]  }
0x2d: {  	s3 =	simm.s32 $0x108;
	s8 =	sld [smem:$0x3FAD]  }
0x2e: {  	s3 =	simm.s32 @!p0 $0x1082;
	s9 =	sld [smem:$0x3FAE]  }
0x2f: {  	lr =	sadd.s32 s0, s3;
	s0 =	sld [smem:$0x3FA5]  }
0x30: {  	s3 =	sld [smem:$0x3FA8]  }
0x31: {  	[smem:$0x3FB1] =	sst s10  }
0x32: {  	s10 =	sld [smem:$0x3FAF];
	_ =	sdelay $0x3  }
0x33: {  	p0 =	seq.s32 s10, $0x1;
	s10 =	sld [smem:$0x3FB1];
	_ =	sdelay $0x3  }
0x34: {  	[smem:$0x3FB1] =	sst s10  }
0x35: {  	s10 =	sld [smem:$0x3FB0];
	_ =	sdelay $0x3  }
0x36: {  	p1 =	seq.s32 s10, $0x1;
	s10 =	sld [smem:$0x3FB1];
	_ =	sdelay $0x3  }
0x37: {  	[smem:$0x3FB1] =	sst s10  }
0x38: {  	s10 =	sld [smem:$0x3FB2]  }
0x39: {  	_ = 	snop;
	(pc) =	sbr.ind lr, $3  }
0x3a: {  	_ = 	snop  }
0x3b: {  	_ = 	snop  }
0x3c: {  	p2 =	seq.s32 s10, $0x1;
	s10 =	sld [smem:$0x3FB1]  }
0x3d: {  	_ =	shalt  }
0x3e: {  	_ =	shalt  }
0x3f: {  	_ =	shalt  }
0x40: {  	_ =	shalt  }
0x41: {  	_ =	shalt  }
0x42: {  	_ =	shalt  }
0x43: {  	_ =	shalt  }
0x44: {  	_ =	shalt  }
0x45: {  	_ =	shalt  }
0x46: {  	_ =	shalt  }
0x47: {  	_ =	shalt  }
0x48: {  	_ =	shalt  }
0x49: {  	_ =	shalt  }
0x4a: {  	_ =	shalt  }
0x4b: {  	_ =	shalt  }
0x4c: {  	_ =	shalt  }
0x4d: {  	_ =	shalt  }
0x4e: {  	_ =	shalt  }
0x4f: {  	_ =	shalt  }
0x50: {  	_ =	shalt  }
0x51: {  	_ =	shalt  }
0x52: {  	_ =	shalt  }
0x53: {  	_ =	shalt  }
0x54: {  	_ =	shalt  }
0x55: {  	_ =	shalt  }
0x56: {  	_ =	shalt  }
0x57: {  	_ =	shalt  }
0x58: {  	_ =	shalt  }
0x59: {  	_ =	shalt  }
0x5a: {  	_ =	shalt  }
0x5b: {  	_ =	shalt  }
0x5c: {  	_ =	shalt  }
0x5d: {  	_ =	shalt  }
0x5e: {  	_ =	shalt  }
0x5f: {  	_ =	shalt  }
0x60: {  	_ =	shalt  }
0x61: {  	_ =	shalt  }
0x62: {  	_ =	shalt  }
0x63: {  	_ =	shalt  }
0x64: {  	_ =	shalt  }
0x65: {  	_ =	shalt  }
0x66: {  	_ =	shalt  }
0x67: {  	_ =	shalt  }
0x68: {  	_ =	shalt  }
0x69: {  	_ =	shalt  }
0x6a: {  	_ =	shalt  }
0x6b: {  	_ =	shalt  }
0x6c: {  	_ =	shalt  }
0x6d: {  	_ =	shalt  }
0x6e: {  	_ =	shalt  }
0x6f: {  	_ =	shalt  }
0x70: {  	_ =	shalt  }
0x71: {  	_ =	shalt  }
0x72: {  	_ =	shalt  }
0x73: {  	_ =	shalt  }
0x74: {  	_ =	shalt  }
0x75: {  	_ =	shalt  }
0x76: {  	_ =	shalt  }
0x77: {  	_ =	shalt  }
0x78: {  	_ =	shalt  }
0x79: {  	_ =	shalt  }
0x7a: {  	_ =	shalt  }
0x7b: {  	_ =	shalt  }
0x7c: {  	_ =	shalt  }
0x7d: {  	_ =	shalt  }
0x7e: {  	_ =	shalt  }
0x7f: {  	_ =	shalt  }
0x80: {  	_ =	shalt  }
0x81: {  	_ =	shalt  }
0x82: {  	_ =	shalt  }
0x83: {  	_ =	shalt  }
0x84: {  	_ =	shalt  }
0x85: {  	_ =	shalt  }
0x86: {  	_ =	shalt  }
0x87: {  	_ =	shalt  }
.Lfunc_end0:
.L_simem_size_0:
called_computation.2_lowered:
.L_overlay_start_0:
0x88: {  	s2 =	sld [smem:$0x3FD9]  }
0x89: {  	s3 =	sld [smem:$0x3FFE];
	_ =	sdelay $0x1  }
0x8a: {  	s1 =	srdreg.scid  }
0x8b: {  	s0 =	sand.u32 $0x1, s1  }
0x8c: {  	s17 =	sshll.u32 s0, $0xA;
	s2 =	sadd.s32 s3, s2  }
0x8d: {  	s2 =	sadd.s32 s2, s17  }
0x8e: {  	[smem:$0x3FBD] =	sst s2  }
0x8f: {  	_ = 	snop  }
0x90: {  	s2 =	sld [smem:$0x3FC6];
	(tm) =	ssettm $0x1  }
0x91: {  	s18 =	sld [smem:$0x3FFB];
	_ =	sdelay $0x3  }
0x92: {  	_ =	strace s18  }
0x93: {  	s3 =	sld [smem:$0x3FFC];
	_ =	sdelay $0x3  }
0x94: {  	_ =	strace s3  }
0x95: {  	s3 =	sld [smem:$0x3FFD];
	_ =	sdelay $0x3  }
0x96: {  	_ =	strace s3  }
0x97: {  	_ =	strace $0x8FFFFFFF  }
0x98: {  	s19 =	sld [smem:$0x3FDB];
	_ =	sdelay $0x1  }
0x99: {  	s4 =	simm.s32 $_scs_section_size  }
0x9a: {  	s5 =	simm.s32 $_size__tile_overlayer_lowered;
	s6 =	simm.s32 $_tile_overlayer_lowered  }
0x9b: {  	s22 =	simm.s32 $0x1BFF;
	s21 =	sshll.u32 s6, $0x1;
	s3 =	sadd.s32 s4, s19  }
0x9c: {  	s7 =	simm.s32 $0x0;
	s20 =	sshll.u32 s5, $0x1;
	s5 =	sadd.s32 s21, s3  }
0x9d: {  	[timem:s7], [sflag:s22] =	dma.local [hbm:s5], s20  }
0x9e: {  	_ =	swait.ge [sflag:s22], s20  }
0x9f: {  	s4 =	ssub.s32 $0x0, s20;
	[sflag:s22] =	ssyncset.done $0x0  }
0xa0: {  	[sflag:s22] =	ssyncadd.s32 s4;
	_ =	sdelay $0x1  }
0xa1: {  	s23 =	simm.s32 $0x1B8B  }
0xa2: {  	_ =	swait.ge [sflag:s23], $0x1  }
0xa3: {  	[sflag:s23] =	ssyncset.done $0x0  }
0xa4: {  	s25 =	simm.s32 $0x1B8E;
	s24 =	sld [smem:$0x3FFE];
	[sflag:s23] =	ssyncadd.s32 $0xFFFFFFFF  }
0xa5: {  	s26 =	simm.s32 $execute0_lowered;
	[smem:$0x3FD2] =	sst s25  }
0xa6: {  	s5 =	sshll.u32 s26, $0x1;
	_ =	strace $0x8000004C;
	[dreg:$0x1] =	wrdreg $0xFFFFFFFF  }
0xa7: {  	s28 =	simm.s32 $_size_execute0_lowered;
	s3 =	sadd.s32 s3, s5;
	[dreg:$0x0] =	wrdreg $0x0  }
0xa8: {  	s5 =	sshll.u32 s28, $0x1;
	[dreg:$0x2] =	wrdreg s3  }
0xa9: {  	[dreg:$0x3] =	wrdreg s5  }
0xaa: {  	[dreg:$0x4] =	wrdreg $0xC0  }
0xab: {  	_ =	task [dreg:s7], $0x5FFFF  }
0xac: {  	[dreg:$0x1] =	wrdreg $0xFFFFFFFF  }
0xad: {  	[dreg:$0x0] =	wrdreg $0x60  }
0xae: {  	[dreg:$0x2] =	wrdreg s24  }
0xaf: {  	[dreg:$0x3] =	wrdreg s2  }
0xb0: {  	[dreg:$0x4] =	wrdreg $0x9  }
0xb1: {  	_ =	task.clear_ibuf [dreg:s7], $0x5FFFF;
	_ =	strace $0x9000004C  }
0xb2: {  	s29 =	simm.s32 $0x9;
	_ =	strace $0x8000004E  }
0xb3: {  	_ =	swait.ge [sflag:s29], $0x1  }
0xb4: {  	[sflag:s29] =	ssyncadd.s32 $0xFFFFFFFF  }
0xb5: {  	_ =	strace $0x9000004E  }
0xb6: {  	_ =	sfence  }
0xb7: {  	s30 =	sld [smem:$0x0];
	_ =	sdelay $0x2  }
0xb8: {  	s31 =	sshll.u32 s1, $0xD;
	s1 =	sshrl.u32 s1, $0x2  }
0xb9: {  	s3 =	sand.u32 $0x4000, s31;
	s1 =	sadd.s32 s1, s30  }
0xba: {  	s0 =	sor.u32 s3, s0;
	s1 =	sshll.u32 s1, $0x11  }
0xbb: {  	s0 =	sor.u32 s1, s0  }
0xbc: {  	s0 =	sadd.s32 $0x8F2B, s0  }
0xbd: {  	[sflag:s0] =	ssyncadd.remote.s32 $0x1  }
0xbe: {  	_ =	sfence.sel $0xFFFF  }
0xbf: {  	[dreg:$0x0] =	wrdreg $0xFFFFFFFF;
	(pc) =	sbr.abs _section_cstart, $3  }
0xc0: {  	[dreg:$0x1] =	wrdreg $0xFFFFFFFF  }
0xc1: {  	_ =	task.clear_ibuf [dreg:s7], $0x2FFFF;
	_ =	strace $0x9FFFFFFF  }
0xc2: {  	(tm) =	ssettm $0x7FFFFFFF  }
0xc3: {  	_ =	shalt  }
tec
execute0_lowered:
.L_overlay_start_1:
0x0: {  	(tag) =	ssettag $0x1  }
0x1: {  	s0 =	rddreg [dreg:$0x0]  }
0x2: {  	s1 =	rddreg [dreg:$0x1]  }
0x3: {  	s2 =	srdreg.scid;
	s5 =	stileid.u32  }
0x4: {  	s31 =	simm.s32 $0x9;
	s10 =	simm.s32 $0x80;
	s8 =	simm.s32 $0x1  }
0x5: {  	s30 =	simm.s32 $0x100;
	s29 =	simm.s32 $0x180;
	s9 =	simm.s32 $0x2  }
0x6: {  	s28 =	simm.s32 $0x200;
	s15 =	simm.s32 $0xC800;
	p0 =	por $0x0, $0x0  }
0x7: {  	s13 =	simm.s32 $0x7;
	s4 =	sand.u32 $0x1, s2;
	s2 =	simm.s32 $0x0  }
0x8: {  	s12 =	simm.s32 $0x8;
	s3 =	sshll.u32 s4, $0x4;
	[smem:$0x7FF] =	sst s2  }
0x9: {  	s23 =	ssub.s32 $0x2, s4;
	s3 =	sor.u32 s5, s3;
	_ =	strace $0x8000004D  }
0xa: {  	s4 =	sshrl.u32 s23, $0x1;
	s5 =	sshll.u32 s3, $0x8;
	s6 =	sshll.u32 s3, $0xB  }
0xb: {  	s7 =	smul.u32 $0x28000, s3;
	s3 =	sshll.u32 s3, $0x4;
	s5 =	sadd.s32 s5, s0  }
0xc: {  	s6 =	sadd.s32 s6, s0;
	s1 =	sadd.s32 s1, s3;
	s3 =	sadd.s32 $0x3A00, s0  }
0xd: {  	s16 =	sshrl.u32 s7, $0x3;
	[dreg:$0x3] =	wrdreg s1;
	s17 =	sadd.s32 $0xA2C00, s5  }
0xe: {  	s19 =	sadd.s32 $0x2AC00, s6;
	s1 =	ssub.s32 s23, s4;
	s7 =	simm.s32 $0x800  }
0xf: {  	s4 =	simm.s32 $0x5;
	s6 =	simm.s32 $0x4800;
	s5 =	simm.s32 $0x6  }
0x10: {  	s23 =	simm.s32 $0x400;
	s18 =	sadd.s32 s16, s0;
	[dreg:$0x4] =	wrdreg s17  }
0x11: {  	[dreg:$0x5] =	wrdreg s19;
	s1 =	smax.u32 s1, $0x1;
	s20 =	sadd.s32 $0xA8C00, s18  }
0x12: {  	p1 =	sne.s32 s1, $0x1;
	s0 =	sadd.s32 $0xFFFFFFFF, s1;
	s1 =	rddreg [dreg:$0x3]  }
0x13: {  	s17 =	simm.s32 $0x4;
	s21 =	sadd.s32 $0xA9400, s18;
	[dreg:$0x6] =	wrdreg s20  }
0x14: {  	s22 =	sadd.s32 $0xA4C00, s18;
	s24 =	sadd.s32 $0xA5400, s18;
	[dreg:$0x7] =	wrdreg s21  }
0x15: {  	s25 =	sadd.s32 $0xA5C00, s18;
	s26 =	sadd.s32 $0xA6400, s18;
	[dreg:$0x8] =	wrdreg s22  }
.Ltmp0:
0x16: {  	s19 =	sadd.s32 $0xA6C00, s18;
	[dreg:$0x9] =	wrdreg s24;
	(pc) =	sbr.rel @!p1 .LBB2_3-.Ltmp0, $4  }
0x17: {  	s16 =	sadd.s32 $0xA7400, s18;
	s14 =	sadd.s32 $0xA7C00, s18;
	[dreg:$0xa] =	wrdreg s25  }
0x18: {  	s11 =	sadd.s32 $0xA8400, s18;
	s18 =	simm.s32 $0x8800;
	[dreg:$0xb] =	wrdreg s26  }
0x19: {  	s20 =	simm.s32 $0x3;
	s26 =	simm.s32 $0x280;
	s25 =	simm.s32 $0x300  }
0x1a: {  	s24 =	simm.s32 $0x380;
	s22 =	simm.s32 $0x480;
	s21 =	simm.s32 $0x500  }
0x1b: {  	[tilespmem:s2], [sflag:$0x9] =	stream.linear.gather [hbm4b:s1+s2], $0x80, $0x38;
	[tilespmem:$0x10800] =	vst v63  }
0x1c: {  	_ =	swait.ge [sflag:s31], $0x80  }
0x1d: {  	[sflag:s31] =	ssyncset.done $0x0  }
0x1e: {  	s1 =	rddreg [dreg:$0x4];
	[sflag:s31] =	ssyncadd.s32 $0xFFFFFF80  }
0x1f: {  	[tilespmem:s10], [sflag:$0x9] =	stream.linear.gather [hbm4b:s1+s2], $0x500, $0x38;
	[tilespmem:$0x10800] =	vst v63  }
0x20: {  	_ =	swait.ge [sflag:s31], $0x500  }
0x21: {  	[sflag:s31] =	ssyncset.done $0x0  }
0x22: {  	[sflag:s31] =	ssyncadd.s32 $0xFFFFFB00  }
0x23: {  	[tilespmem:s7], [sflag:$0x1] =	stream.indirect.gather [hbm4b:s3+s10], $0x80, s2, s10, $0xb8;
	[tilespmem:$0x10800] =	vst v63  }
0x24: {  	_ =	swait.ge [sflag:s8], $0x4000  }
0x25: {  	[sflag:s8] =	ssyncset.done $0x0  }
0x26: {  	s1 =	rddreg [dreg:$0x5];
	[sflag:s8] =	ssyncadd.s32 $0xFFFFC000  }
0x27: {  	[hbm4b:s1+s2] =	stream.linear.scatter [tilespmem:s7], [sflag:$0x5], $0x4000, $0x38;
	[tilespmem:$0x10800] =	vst v63  }
0x28: {  	_ =	swait.ge [sflag:s4], $0x4000  }
0x29: {  	[sflag:s4] =	ssyncset.done $0x0  }
0x2a: {  	[sflag:s4] =	ssyncadd.s32 $0xFFFFC000  }
0x2b: {  	[tilespmem:s7], [sflag:$0x1] =	stream.indirect.gather [hbm4b:s3+s10], $0x80, s10, s10, $0xb8;
	[tilespmem:$0x10800] =	vst v63  }
0x2c: {  	_ = 	snop  }
0x2d: {  	[tilespmem:s6], [sflag:$0x2] =	stream.indirect.gather [hbm4b:s3+s10], $0x80, s30, s10, $0xb8;
	[tilespmem:$0x10800] =	vst v63  }
0x2e: {  	_ =	swait.ge [sflag:s8], $0x4000  }
0x2f: {  	[sflag:s8] =	ssyncset.done $0x0  }
0x30: {  	s1 =	rddreg [dreg:$0x8];
	[sflag:s8] =	ssyncadd.s32 $0xFFFFC000  }
0x31: {  	[hbm4b:s1+s2] =	stream.linear.scatter [tilespmem:s7], [sflag:$0x5], $0x4000, $0x38;
	[tilespmem:$0x10800] =	vst v63  }
0x32: {  	_ = 	snop  }
0x33: {  	[tilespmem:s18], [sflag:$0x3] =	stream.indirect.gather [hbm4b:s3+s10], $0x80, s29, s10, $0xb8;
	[tilespmem:$0x10800] =	vst v63  }
0x34: {  	_ =	swait.ge [sflag:s9], $0x4000  }
0x35: {  	[sflag:s9] =	ssyncset.done $0x0  }
0x36: {  	s1 =	rddreg [dreg:$0x9];
	[sflag:s9] =	ssyncadd.s32 $0xFFFFC000  }
0x37: {  	[hbm4b:s1+s2] =	stream.linear.scatter [tilespmem:s6], [sflag:$0x6], $0x4000, $0x38;
	[tilespmem:$0x10800] =	vst v63  }
0x38: {  	_ = 	snop  }
0x39: {  	[tilespmem:s15], [sflag:$0x4] =	stream.indirect.gather [hbm4b:s3+s10], $0x80, s28, s10, $0xb8;
	[tilespmem:$0x10800] =	vst v63  }
0x3a: {  	_ =	swait.ge [sflag:s20], $0x4000  }
0x3b: {  	[sflag:s20] =	ssyncset.done $0x0  }
0x3c: {  	s1 =	rddreg [dreg:$0xa];
	[sflag:s20] =	ssyncadd.s32 $0xFFFFC000  }
0x3d: {  	[hbm4b:s1+s2] =	stream.linear.scatter [tilespmem:s18], [sflag:$0x7], $0x4000, $0x38;
	[tilespmem:$0x10800] =	vst v63  }
0x3e: {  	_ =	swait.ge [sflag:s4], $0x4000  }
0x3f: {  	[sflag:s4] =	ssyncset.done $0x0  }
0x40: {  	[sflag:s4] =	ssyncadd.s32 $0xFFFFC000  }
0x41: {  	[tilespmem:s7], [sflag:$0x1] =	stream.indirect.gather [hbm4b:s3+s10], $0x80, s26, s10, $0xb8;
	[tilespmem:$0x10800] =	vst v63  }
0x42: {  	_ =	swait.ge [sflag:s17], $0x4000  }
0x43: {  	[sflag:s17] =	ssyncset.done $0x0  }
0x44: {  	s1 =	rddreg [dreg:$0xb];
	[sflag:s17] =	ssyncadd.s32 $0xFFFFC000  }
0x45: {  	[hbm4b:s1+s2] =	stream.linear.scatter [tilespmem:s15], [sflag:$0x8], $0x4000, $0x38;
	[tilespmem:$0x10800] =	vst v63  }
0x46: {  	_ =	swait.ge [sflag:s5], $0x4000  }
0x47: {  	[sflag:s5] =	ssyncset.done $0x0  }
0x48: {  	[sflag:s5] =	ssyncadd.s32 $0xFFFFC000  }
0x49: {  	[tilespmem:s6], [sflag:$0x2] =	stream.indirect.gather [hbm4b:s3+s10], $0x80, s25, s10, $0xb8;
	[tilespmem:$0x10800] =	vst v63  }
0x4a: {  	_ =	swait.ge [sflag:s8], $0x4000  }
0x4b: {  	[sflag:s8] =	ssyncset.done $0x0  }
0x4c: {  	[sflag:s8] =	ssyncadd.s32 $0xFFFFC000  }
0x4d: {  	[hbm4b:s19+s2] =	stream.linear.scatter [tilespmem:s7], [sflag:$0x5], $0x4000, $0x38;
	[tilespmem:$0x10800] =	vst v63  }
0x4e: {  	_ =	swait.ge [sflag:s13], $0x4000  }
0x4f: {  	[sflag:s13] =	ssyncset.done $0x0  }
0x50: {  	[sflag:s13] =	ssyncadd.s32 $0xFFFFC000  }
0x51: {  	[tilespmem:s18], [sflag:$0x3] =	stream.indirect.gather [hbm4b:s3+s10], $0x80, s24, s10, $0xb8;
	[tilespmem:$0x10800] =	vst v63  }
0x52: {  	_ =	swait.ge [sflag:s9], $0x4000  }
0x53: {  	[sflag:s9] =	ssyncset.done $0x0  }
0x54: {  	[sflag:s9] =	ssyncadd.s32 $0xFFFFC000  }
0x55: {  	[hbm4b:s16+s2] =	stream.linear.scatter [tilespmem:s6], [sflag:$0x6], $0x4000, $0x38;
	[tilespmem:$0x10800] =	vst v63  }
0x56: {  	_ =	swait.ge [sflag:s12], $0x4000  }
0x57: {  	[sflag:s12] =	ssyncset.done $0x0  }
0x58: {  	[sflag:s12] =	ssyncadd.s32 $0xFFFFC000  }
0x59: {  	[tilespmem:s15], [sflag:$0x4] =	stream.indirect.gather [hbm4b:s3+s10], $0x80, s23, s10, $0xb8;
	[tilespmem:$0x10800] =	vst v63  }
0x5a: {  	_ =	swait.ge [sflag:s20], $0x4000  }
0x5b: {  	[sflag:s20] =	ssyncset.done $0x0  }
0x5c: {  	[sflag:s20] =	ssyncadd.s32 $0xFFFFC000  }
0x5d: {  	[hbm4b:s14+s2] =	stream.linear.scatter [tilespmem:s18], [sflag:$0x7], $0x4000, $0x38;
	[tilespmem:$0x10800] =	vst v63  }
0x5e: {  	_ =	swait.ge [sflag:s4], $0x4000  }
0x5f: {  	[sflag:s4] =	ssyncset.done $0x0  }
0x60: {  	[sflag:s4] =	ssyncadd.s32 $0xFFFFC000  }
0x61: {  	[tilespmem:s7], [sflag:$0x1] =	stream.indirect.gather [hbm4b:s3+s10], $0x80, s22, s10, $0xb8;
	[tilespmem:$0x10800] =	vst v63  }
0x62: {  	_ =	swait.ge [sflag:s17], $0x4000  }
0x63: {  	[sflag:s17] =	ssyncset.done $0x0  }
0x64: {  	[sflag:s17] =	ssyncadd.s32 $0xFFFFC000  }
0x65: {  	[hbm4b:s11+s2] =	stream.linear.scatter [tilespmem:s15], [sflag:$0x8], $0x4000, $0x38;
	[tilespmem:$0x10800] =	vst v63  }
0x66: {  	_ =	swait.ge [sflag:s5], $0x4000  }
0x67: {  	[sflag:s5] =	ssyncset.done $0x0  }
0x68: {  	[sflag:s5] =	ssyncadd.s32 $0xFFFFC000  }
0x69: {  	[tilespmem:s6], [sflag:$0x2] =	stream.indirect.gather [hbm4b:s3+s10], $0x80, s21, s10, $0xb8;
	[tilespmem:$0x10800] =	vst v63  }
0x6a: {  	_ =	swait.ge [sflag:s8], $0x4000  }
0x6b: {  	[sflag:s8] =	ssyncset.done $0x0  }
0x6c: {  	s1 =	rddreg [dreg:$0x6];
	[sflag:s8] =	ssyncadd.s32 $0xFFFFC000  }
0x6d: {  	[hbm4b:s1+s2] =	stream.linear.scatter [tilespmem:s7], [sflag:$0x5], $0x4000, $0x38;
	[tilespmem:$0x10800] =	vst v63  }
0x6e: {  	_ =	swait.ge [sflag:s9], $0x4000  }
0x6f: {  	[sflag:s9] =	ssyncset.done $0x0  }
0x70: {  	s1 =	rddreg [dreg:$0x7];
	[sflag:s9] =	ssyncadd.s32 $0xFFFFC000  }
0x71: {  	[hbm4b:s1+s2] =	stream.linear.scatter [tilespmem:s6], [sflag:$0x6], $0x4000, $0x38;
	[tilespmem:$0x10800] =	vst v63  }
0x72: {  	_ =	swait.ge [sflag:s13], $0x4000  }
0x73: {  	[sflag:s13] =	ssyncset.done $0x0  }
0x74: {  	[sflag:s13] =	ssyncadd.s32 $0xFFFFC000  }
0x75: {  	_ =	swait.ge [sflag:s12], $0x4000  }
0x76: {  	[sflag:s12] =	ssyncset.done $0x0  }
0x77: {  	p1 =	sne.s32 s0, $0x1;
	[sflag:s12] =	ssyncadd.s32 $0xFFFFC000  }
.Ltmp1:
0x78: {  	_ =	swait.ge [sflag:s4], $0x4000;
	(pc) =	sbr.rel @!p1 .LBB2_3-.Ltmp1, $4  }
0x79: {  	[sflag:s4] =	ssyncset.done $0x0  }
0x7a: {  	[sflag:s4] =	ssyncadd.s32 $0xFFFFC000  }
0x7b: {  	s0 =	sadd.s32 $0xFFFFFFFF, s0;
	_ =	swait.ge [sflag:s5], $0x4000  }
0x7c: {  	p0 =	por $0x1, $0x1;
	s1 =	rddreg [dreg:$0x3];
	[sflag:s5] =	ssyncset.done $0x0  }
.LBB2_2:
0x7d: {  	[sflag:s5] =	ssyncadd.s32 $0xFFFFC000  }
0x7e: {  	[tilespmem:s2], [sflag:$0x9] =	stream.linear.gather [hbm4b:s1+s2], $0x80, $0x38;
	[tilespmem:$0x10800] =	vst v63  }
0x7f: {  	_ =	swait.ge [sflag:s31], $0x80  }
0x80: {  	[sflag:s31] =	ssyncset.done $0x0  }
0x81: {  	s1 =	rddreg [dreg:$0x4];
	[sflag:s31] =	ssyncadd.s32 $0xFFFFFF80  }
0x82: {  	[tilespmem:s10], [sflag:$0x9] =	stream.linear.gather [hbm4b:s1+s2], $0x500, $0x38;
	[tilespmem:$0x10800] =	vst v63  }
0x83: {  	_ =	swait.ge [sflag:s31], $0x500  }
0x84: {  	[sflag:s31] =	ssyncset.done $0x0  }
0x85: {  	[sflag:s31] =	ssyncadd.s32 $0xFFFFFB00  }
0x86: {  	[tilespmem:s7], [sflag:$0x1] =	stream.indirect.gather [hbm4b:s3+s10], $0x80, s2, s10, $0xb8;
	[tilespmem:$0x10800] =	vst v63  }
0x87: {  	_ =	swait.ge [sflag:s8], $0x4000  }
0x88: {  	[sflag:s8] =	ssyncset.done $0x0  }
0x89: {  	s1 =	rddreg [dreg:$0x5];
	[sflag:s8] =	ssyncadd.s32 $0xFFFFC000  }
0x8a: {  	[hbm4b:s1+s2] =	stream.linear.scatter [tilespmem:s7], [sflag:$0x5], $0x4000, $0x38;
	[tilespmem:$0x10800] =	vst v63  }
0x8b: {  	_ =	swait.ge [sflag:s4], $0x4000  }
0x8c: {  	[sflag:s4] =	ssyncset.done $0x0  }
0x8d: {  	[sflag:s4] =	ssyncadd.s32 $0xFFFFC000  }
0x8e: {  	[tilespmem:s7], [sflag:$0x1] =	stream.indirect.gather [hbm4b:s3+s10], $0x80, s10, s10, $0xb8;
	[tilespmem:$0x10800] =	vst v63  }
0x8f: {  	_ = 	snop  }
0x90: {  	[tilespmem:s6], [sflag:$0x2] =	stream.indirect.gather [hbm4b:s3+s10], $0x80, s30, s10, $0xb8;
	[tilespmem:$0x10800] =	vst v63  }
0x91: {  	_ =	swait.ge [sflag:s8], $0x4000  }
0x92: {  	[sflag:s8] =	ssyncset.done $0x0  }
0x93: {  	s1 =	rddreg [dreg:$0x8];
	[sflag:s8] =	ssyncadd.s32 $0xFFFFC000  }
0x94: {  	[hbm4b:s1+s2] =	stream.linear.scatter [tilespmem:s7], [sflag:$0x5], $0x4000, $0x38;
	[tilespmem:$0x10800] =	vst v63  }
0x95: {  	_ = 	snop  }
0x96: {  	[tilespmem:s18], [sflag:$0x3] =	stream.indirect.gather [hbm4b:s3+s10], $0x80, s29, s10, $0xb8;
	[tilespmem:$0x10800] =	vst v63  }
0x97: {  	_ =	swait.ge [sflag:s9], $0x4000  }
0x98: {  	[sflag:s9] =	ssyncset.done $0x0  }
0x99: {  	s1 =	rddreg [dreg:$0x9];
	[sflag:s9] =	ssyncadd.s32 $0xFFFFC000  }
0x9a: {  	[hbm4b:s1+s2] =	stream.linear.scatter [tilespmem:s6], [sflag:$0x6], $0x4000, $0x38;
	[tilespmem:$0x10800] =	vst v63  }
0x9b: {  	_ = 	snop  }
0x9c: {  	[tilespmem:s15], [sflag:$0x4] =	stream.indirect.gather [hbm4b:s3+s10], $0x80, s28, s10, $0xb8;
	[tilespmem:$0x10800] =	vst v63  }
0x9d: {  	_ =	swait.ge [sflag:s20], $0x4000  }
0x9e: {  	[sflag:s20] =	ssyncset.done $0x0  }
0x9f: {  	s1 =	rddreg [dreg:$0xa];
	[sflag:s20] =	ssyncadd.s32 $0xFFFFC000  }
0xa0: {  	[hbm4b:s1+s2] =	stream.linear.scatter [tilespmem:s18], [sflag:$0x7], $0x4000, $0x38;
	[tilespmem:$0x10800] =	vst v63  }
0xa1: {  	_ =	swait.ge [sflag:s4], $0x4000  }
0xa2: {  	[sflag:s4] =	ssyncset.done $0x0  }
0xa3: {  	[sflag:s4] =	ssyncadd.s32 $0xFFFFC000  }
0xa4: {  	[tilespmem:s7], [sflag:$0x1] =	stream.indirect.gather [hbm4b:s3+s10], $0x80, s26, s10, $0xb8;
	[tilespmem:$0x10800] =	vst v63  }
0xa5: {  	_ =	swait.ge [sflag:s17], $0x4000  }
0xa6: {  	[sflag:s17] =	ssyncset.done $0x0  }
0xa7: {  	s1 =	rddreg [dreg:$0xb];
	[sflag:s17] =	ssyncadd.s32 $0xFFFFC000  }
0xa8: {  	[hbm4b:s1+s2] =	stream.linear.scatter [tilespmem:s15], [sflag:$0x8], $0x4000, $0x38;
	[tilespmem:$0x10800] =	vst v63  }
0xa9: {  	_ =	swait.ge [sflag:s5], $0x4000  }
0xaa: {  	[sflag:s5] =	ssyncset.done $0x0  }
0xab: {  	[sflag:s5] =	ssyncadd.s32 $0xFFFFC000  }
0xac: {  	[tilespmem:s6], [sflag:$0x2] =	stream.indirect.gather [hbm4b:s3+s10], $0x80, s25, s10, $0xb8;
	[tilespmem:$0x10800] =	vst v63  }
0xad: {  	_ =	swait.ge [sflag:s8], $0x4000  }
0xae: {  	[sflag:s8] =	ssyncset.done $0x0  }
0xaf: {  	[sflag:s8] =	ssyncadd.s32 $0xFFFFC000  }
0xb0: {  	[hbm4b:s19+s2] =	stream.linear.scatter [tilespmem:s7], [sflag:$0x5], $0x4000, $0x38;
	[tilespmem:$0x10800] =	vst v63  }
0xb1: {  	_ =	swait.ge [sflag:s13], $0x4000  }
0xb2: {  	[sflag:s13] =	ssyncset.done $0x0  }
0xb3: {  	[sflag:s13] =	ssyncadd.s32 $0xFFFFC000  }
0xb4: {  	[tilespmem:s18], [sflag:$0x3] =	stream.indirect.gather [hbm4b:s3+s10], $0x80, s24, s10, $0xb8;
	[tilespmem:$0x10800] =	vst v63  }
0xb5: {  	_ =	swait.ge [sflag:s9], $0x4000  }
0xb6: {  	[sflag:s9] =	ssyncset.done $0x0  }
0xb7: {  	[sflag:s9] =	ssyncadd.s32 $0xFFFFC000  }
0xb8: {  	[hbm4b:s16+s2] =	stream.linear.scatter [tilespmem:s6], [sflag:$0x6], $0x4000, $0x38;
	[tilespmem:$0x10800] =	vst v63  }
0xb9: {  	_ =	swait.ge [sflag:s12], $0x4000  }
0xba: {  	[sflag:s12] =	ssyncset.done $0x0  }
0xbb: {  	[sflag:s12] =	ssyncadd.s32 $0xFFFFC000  }
0xbc: {  	[tilespmem:s15], [sflag:$0x4] =	stream.indirect.gather [hbm4b:s3+s10], $0x80, s23, s10, $0xb8;
	[tilespmem:$0x10800] =	vst v63  }
0xbd: {  	_ =	swait.ge [sflag:s20], $0x4000  }
0xbe: {  	[sflag:s20] =	ssyncset.done $0x0  }
0xbf: {  	[sflag:s20] =	ssyncadd.s32 $0xFFFFC000  }
0xc0: {  	[hbm4b:s14+s2] =	stream.linear.scatter [tilespmem:s18], [sflag:$0x7], $0x4000, $0x38;
	[tilespmem:$0x10800] =	vst v63  }
0xc1: {  	_ =	swait.ge [sflag:s4], $0x4000  }
0xc2: {  	[sflag:s4] =	ssyncset.done $0x0  }
0xc3: {  	[sflag:s4] =	ssyncadd.s32 $0xFFFFC000  }
0xc4: {  	[tilespmem:s7], [sflag:$0x1] =	stream.indirect.gather [hbm4b:s3+s10], $0x80, s22, s10, $0xb8;
	[tilespmem:$0x10800] =	vst v63  }
0xc5: {  	_ =	swait.ge [sflag:s17], $0x4000  }
0xc6: {  	[sflag:s17] =	ssyncset.done $0x0  }
0xc7: {  	[sflag:s17] =	ssyncadd.s32 $0xFFFFC000  }
0xc8: {  	[hbm4b:s11+s2] =	stream.linear.scatter [tilespmem:s15], [sflag:$0x8], $0x4000, $0x38;
	[tilespmem:$0x10800] =	vst v63  }
0xc9: {  	_ =	swait.ge [sflag:s5], $0x4000  }
0xca: {  	[sflag:s5] =	ssyncset.done $0x0  }
0xcb: {  	[sflag:s5] =	ssyncadd.s32 $0xFFFFC000  }
0xcc: {  	[tilespmem:s6], [sflag:$0x2] =	stream.indirect.gather [hbm4b:s3+s10], $0x80, s21, s10, $0xb8;
	[tilespmem:$0x10800] =	vst v63  }
0xcd: {  	_ =	swait.ge [sflag:s8], $0x4000  }
0xce: {  	[sflag:s8] =	ssyncset.done $0x0  }
0xcf: {  	s1 =	rddreg [dreg:$0x6];
	[sflag:s8] =	ssyncadd.s32 $0xFFFFC000  }
0xd0: {  	[hbm4b:s1+s2] =	stream.linear.scatter [tilespmem:s7], [sflag:$0x5], $0x4000, $0x38;
	[tilespmem:$0x10800] =	vst v63  }
0xd1: {  	_ =	swait.ge [sflag:s9], $0x4000  }
0xd2: {  	[sflag:s9] =	ssyncset.done $0x0  }
0xd3: {  	s1 =	rddreg [dreg:$0x7];
	[sflag:s9] =	ssyncadd.s32 $0xFFFFC000  }
0xd4: {  	[hbm4b:s1+s2] =	stream.linear.scatter [tilespmem:s6], [sflag:$0x6], $0x4000, $0x38;
	[tilespmem:$0x10800] =	vst v63  }
0xd5: {  	_ =	swait.ge [sflag:s13], $0x4000  }
0xd6: {  	[sflag:s13] =	ssyncset.done $0x0  }
0xd7: {  	[sflag:s13] =	ssyncadd.s32 $0xFFFFC000  }
0xd8: {  	_ =	swait.ge [sflag:s12], $0x4000  }
0xd9: {  	[sflag:s12] =	ssyncset.done $0x0  }
0xda: {  	p1 =	sne.s32 s0, $0x1;
	[sflag:s12] =	ssyncadd.s32 $0xFFFFC000  }
.Ltmp2:
0xdb: {  	_ =	swait.ge [sflag:s4], $0x4000;
	(pc) =	sbr.rel @p1 .LBB2_2-.Ltmp2, $4  }
0xdc: {  	[sflag:s4] =	ssyncset.done $0x0  }
0xdd: {  	[sflag:s4] =	ssyncadd.s32 $0xFFFFC000  }
0xde: {  	_ =	swait.ge [sflag:s5], $0x4000  }
0xdf: {  	s0 =	sadd.s32 $0xFFFFFFFF, s0;
	s1 =	rddreg [dreg:$0x3];
	[sflag:s5] =	ssyncset.done $0x0  }
.LBB2_3:
0xe0: {  	[sflag:s5] =	ssyncadd.s32 @p0 $0xFFFFC000  }
0xe1: {  	[tilespmem:s2], [sflag:$0x9] =	stream.linear.gather [hbm4b:s1+s2], $0x80, $0x38;
	[tilespmem:$0x10800] =	vst v63  }
0xe2: {  	_ =	swait.ge [sflag:s31], $0x80  }
0xe3: {  	[sflag:s31] =	ssyncset.done $0x0  }
0xe4: {  	s0 =	rddreg [dreg:$0x4];
	[sflag:s31] =	ssyncadd.s32 $0xFFFFFF80  }
0xe5: {  	[tilespmem:s10], [sflag:$0x9] =	stream.linear.gather [hbm4b:s0+s2], $0x500, $0x38;
	[tilespmem:$0x10800] =	vst v63  }
0xe6: {  	_ =	swait.ge [sflag:s31], $0x500  }
0xe7: {  	[sflag:s31] =	ssyncset.done $0x0  }
0xe8: {  	[sflag:s31] =	ssyncadd.s32 $0xFFFFFB00  }
0xe9: {  	[tilespmem:s7], [sflag:$0x1] =	stream.indirect.gather [hbm4b:s3+s10], $0x80, s2, s10, $0xb8;
	[tilespmem:$0x10800] =	vst v63  }
0xea: {  	_ =	swait.ge [sflag:s8], $0x4000  }
0xeb: {  	[sflag:s8] =	ssyncset.done $0x0  }
0xec: {  	s1 =	rddreg [dreg:$0x5];
	[sflag:s8] =	ssyncadd.s32 $0xFFFFC000  }
0xed: {  	[hbm4b:s1+s2] =	stream.linear.scatter [tilespmem:s7], [sflag:$0x5], $0x4000, $0x38;
	[tilespmem:$0x10800] =	vst v63  }
0xee: {  	_ =	swait.ge [sflag:s4], $0x4000  }
0xef: {  	[sflag:s4] =	ssyncset.done $0x0  }
0xf0: {  	[sflag:s4] =	ssyncadd.s32 $0xFFFFC000  }
0xf1: {  	[tilespmem:s7], [sflag:$0x1] =	stream.indirect.gather [hbm4b:s3+s10], $0x80, s10, s10, $0xb8;
	[tilespmem:$0x10800] =	vst v63  }
0xf2: {  	_ = 	snop  }
0xf3: {  	[tilespmem:s6], [sflag:$0x2] =	stream.indirect.gather [hbm4b:s3+s10], $0x80, s30, s10, $0xb8;
	[tilespmem:$0x10800] =	vst v63  }
0xf4: {  	_ =	swait.ge [sflag:s8], $0x4000  }
0xf5: {  	[sflag:s8] =	ssyncset.done $0x0  }
0xf6: {  	s30 =	rddreg [dreg:$0x8];
	[sflag:s8] =	ssyncadd.s32 $0xFFFFC000  }
0xf7: {  	[hbm4b:s30+s2] =	stream.linear.scatter [tilespmem:s7], [sflag:$0x5], $0x4000, $0x38;
	[tilespmem:$0x10800] =	vst v63  }
0xf8: {  	_ = 	snop  }
0xf9: {  	[tilespmem:s18], [sflag:$0x3] =	stream.indirect.gather [hbm4b:s3+s10], $0x80, s29, s10, $0xb8;
	[tilespmem:$0x10800] =	vst v63  }
0xfa: {  	_ =	swait.ge [sflag:s9], $0x4000  }
0xfb: {  	[sflag:s9] =	ssyncset.done $0x0  }
0xfc: {  	s31 =	rddreg [dreg:$0x9];
	[sflag:s9] =	ssyncadd.s32 $0xFFFFC000  }
0xfd: {  	[hbm4b:s31+s2] =	stream.linear.scatter [tilespmem:s6], [sflag:$0x6], $0x4000, $0x38;
	[tilespmem:$0x10800] =	vst v63  }
0xfe: {  	_ = 	snop  }
0xff: {  	[tilespmem:s15], [sflag:$0x4] =	stream.indirect.gather [hbm4b:s3+s10], $0x80, s28, s10, $0xb8;
	[tilespmem:$0x10800] =	vst v63  }
0x100: {  	_ =	swait.ge [sflag:s20], $0x4000  }
0x101: {  	[sflag:s20] =	ssyncset.done $0x0  }
0x102: {  	s1 =	rddreg [dreg:$0xa];
	[sflag:s20] =	ssyncadd.s32 $0xFFFFC000  }
0x103: {  	[hbm4b:s1+s2] =	stream.linear.scatter [tilespmem:s18], [sflag:$0x7], $0x4000, $0x38;
	[tilespmem:$0x10800] =	vst v63  }
0x104: {  	_ =	swait.ge [sflag:s4], $0x4000  }
0x105: {  	[sflag:s4] =	ssyncset.done $0x0  }
0x106: {  	[sflag:s4] =	ssyncadd.s32 $0xFFFFC000  }
0x107: {  	[tilespmem:s7], [sflag:$0x1] =	stream.indirect.gather [hbm4b:s3+s10], $0x80, s26, s10, $0xb8;
	[tilespmem:$0x10800] =	vst v63  }
0x108: {  	_ =	swait.ge [sflag:s17], $0x4000  }
0x109: {  	[sflag:s17] =	ssyncset.done $0x0  }
0x10a: {  	s28 =	rddreg [dreg:$0xb];
	[sflag:s17] =	ssyncadd.s32 $0xFFFFC000  }
0x10b: {  	[hbm4b:s28+s2] =	stream.linear.scatter [tilespmem:s15], [sflag:$0x8], $0x4000, $0x38;
	[tilespmem:$0x10800] =	vst v63  }
0x10c: {  	_ =	swait.ge [sflag:s5], $0x4000  }
0x10d: {  	[sflag:s5] =	ssyncset.done $0x0  }
0x10e: {  	[sflag:s5] =	ssyncadd.s32 $0xFFFFC000  }
0x10f: {  	[tilespmem:s6], [sflag:$0x2] =	stream.indirect.gather [hbm4b:s3+s10], $0x80, s25, s10, $0xb8;
	[tilespmem:$0x10800] =	vst v63  }
0x110: {  	_ =	swait.ge [sflag:s8], $0x4000  }
0x111: {  	[sflag:s8] =	ssyncset.done $0x0  }
0x112: {  	[sflag:s8] =	ssyncadd.s32 $0xFFFFC000  }
0x113: {  	[hbm4b:s19+s2] =	stream.linear.scatter [tilespmem:s7], [sflag:$0x5], $0x4000, $0x38;
	[tilespmem:$0x10800] =	vst v63  }
0x114: {  	_ =	swait.ge [sflag:s13], $0x4000  }
0x115: {  	[sflag:s13] =	ssyncset.done $0x0  }
0x116: {  	[sflag:s13] =	ssyncadd.s32 $0xFFFFC000  }
0x117: {  	[tilespmem:s18], [sflag:$0x3] =	stream.indirect.gather [hbm4b:s3+s10], $0x80, s24, s10, $0xb8;
	[tilespmem:$0x10800] =	vst v63  }
0x118: {  	_ =	swait.ge [sflag:s9], $0x4000  }
0x119: {  	[sflag:s9] =	ssyncset.done $0x0  }
0x11a: {  	[sflag:s9] =	ssyncadd.s32 $0xFFFFC000  }
0x11b: {  	[hbm4b:s16+s2] =	stream.linear.scatter [tilespmem:s6], [sflag:$0x6], $0x4000, $0x38;
	[tilespmem:$0x10800] =	vst v63  }
0x11c: {  	_ =	swait.ge [sflag:s12], $0x4000  }
0x11d: {  	[sflag:s12] =	ssyncset.done $0x0  }
0x11e: {  	[sflag:s12] =	ssyncadd.s32 $0xFFFFC000  }
0x11f: {  	[tilespmem:s15], [sflag:$0x4] =	stream.indirect.gather [hbm4b:s3+s10], $0x80, s23, s10, $0xb8;
	[tilespmem:$0x10800] =	vst v63  }
0x120: {  	_ =	swait.ge [sflag:s20], $0x4000  }
0x121: {  	[sflag:s20] =	ssyncset.done $0x0  }
0x122: {  	[sflag:s20] =	ssyncadd.s32 $0xFFFFC000  }
0x123: {  	[hbm4b:s14+s2] =	stream.linear.scatter [tilespmem:s18], [sflag:$0x7], $0x4000, $0x38;
	[tilespmem:$0x10800] =	vst v63  }
0x124: {  	_ =	swait.ge [sflag:s4], $0x4000  }
0x125: {  	[sflag:s4] =	ssyncset.done $0x0  }
0x126: {  	[sflag:s4] =	ssyncadd.s32 $0xFFFFC000  }
0x127: {  	[tilespmem:s7], [sflag:$0x1] =	stream.indirect.gather [hbm4b:s3+s10], $0x80, s22, s10, $0xb8;
	[tilespmem:$0x10800] =	vst v63  }
0x128: {  	_ =	swait.ge [sflag:s17], $0x4000  }
0x129: {  	[sflag:s17] =	ssyncset.done $0x0  }
0x12a: {  	[sflag:s17] =	ssyncadd.s32 $0xFFFFC000  }
0x12b: {  	[hbm4b:s11+s2] =	stream.linear.scatter [tilespmem:s15], [sflag:$0x8], $0x4000, $0x38;
	[tilespmem:$0x10800] =	vst v63  }
0x12c: {  	_ =	swait.ge [sflag:s5], $0x4000  }
0x12d: {  	[sflag:s5] =	ssyncset.done $0x0  }
0x12e: {  	[sflag:s5] =	ssyncadd.s32 $0xFFFFC000  }
0x12f: {  	[tilespmem:s6], [sflag:$0x2] =	stream.indirect.gather [hbm4b:s3+s10], $0x80, s21, s10, $0xb8;
	[tilespmem:$0x10800] =	vst v63  }
0x130: {  	_ =	swait.ge [sflag:s8], $0x4000  }
0x131: {  	[sflag:s8] =	ssyncset.done $0x0  }
0x132: {  	s29 =	rddreg [dreg:$0x6];
	[sflag:s8] =	ssyncadd.s32 $0xFFFFC000  }
0x133: {  	[hbm4b:s29+s2] =	stream.linear.scatter [tilespmem:s7], [sflag:$0x5], $0x4000, $0x38;
	[tilespmem:$0x10800] =	vst v63  }
0x134: {  	_ =	swait.ge [sflag:s9], $0x4000  }
0x135: {  	[sflag:s9] =	ssyncset.done $0x0  }
0x136: {  	s30 =	rddreg [dreg:$0x7];
	[sflag:s9] =	ssyncadd.s32 $0xFFFFC000  }
0x137: {  	[hbm4b:s30+s2] =	stream.linear.scatter [tilespmem:s6], [sflag:$0x6], $0x4000, $0x38;
	[tilespmem:$0x10800] =	vst v63  }
0x138: {  	_ =	swait.ge [sflag:s13], $0x4000  }
0x139: {  	[sflag:s13] =	ssyncset.done $0x0  }
0x13a: {  	[sflag:s13] =	ssyncadd.s32 $0xFFFFC000  }
0x13b: {  	_ =	swait.ge [sflag:s12], $0x4000  }
0x13c: {  	[sflag:s12] =	ssyncset.done $0x0  }
0x13d: {  	[sflag:s12] =	ssyncadd.s32 $0xFFFFC000  }
0x13e: {  	_ =	swait.ge [sflag:s4], $0x4000  }
0x13f: {  	[sflag:s4] =	ssyncset.done $0x0  }
0x140: {  	[sflag:s4] =	ssyncadd.s32 $0xFFFFC000  }
0x141: {  	_ =	swait.ge [sflag:s5], $0x4000  }
0x142: {  	[sflag:s5] =	ssyncset.done $0x0  }
0x143: {  	[sflag:s5] =	ssyncadd.s32 $0xFFFFC000  }
0x144: {  	_ =	sfence.sel $0x180000  }
0x145: {  	[bflag:$0x0] =	sbarrier.arrive $0xFFFF  }
0x146: {  	_ =	strace $0x9000004D  }
0x147: {  	s31 =	stileid.u32;
	[bflag:$0x2] =	sbarrier.arrive $0xFFFF  }
0x148: {  	p0 =	sne.s32 s31, $0x0;
	s0 =	rddreg [dreg:$0x2]  }
0x149: {  	s0 =	sadd.s32 @!p0 $0x100000, s0  }
0x14a: {  	[sflag:s0] =	ssyncadd.tile.s32 @!p0 $0x1;
	_ =	shalt  }
.Lfunc_end2:
_tile_overlayer_lowered:
.L_overlay_start_2:
0x14b: {  	(tag) =	ssettag $0x2  }
0x14c: {  	s0 =	rddreg [dreg:$0x0];
	s2 =	stileid.u32  }
0x14d: {  	s1 =	rddreg [dreg:$0x1];
	p0 =	sne.s32 s2, $0x0  }
0x14e: {  	s3 =	rddreg [dreg:$0x2];
	[bflag:$0x3] =	sbarrier.arrive $0xFFFF;
	s2 =	simm.s32 @!p0 $0x1C09  }
0x14f: {  	[timem:s3], [sflag:s2] =	dma.local @!p0 [hbm:s0], s1  }
0x150: {  	s0 =	simm.s32 @!p0 $0x9  }
0x151: {  	_ =	swait.ge @!p0 [sflag:s0], s1  }
0x152: {  	s1 =	ssub.s32 @!p0 $0x0, s1;
	[sflag:s0] =	ssyncset.done @!p0 $0x0  }
0x153: {  	[sflag:s0] =	ssyncadd.s32 @!p0 s1  }
0x154: {  	[bflag:$0x3] =	sbarrier.arrive $0xFFFF  }
0x155: {  	_ =	shalt  }

// kernel: kernel.20.cloned.1.call-start
scs
__scs_entry_jumppad:
0x0: {  	(pc) =	sbr.rel $0x88, $3  }
0x1: {  	(tag) =	ssettag $0x0;
	lr =	simm.s32 $0x1  }
0x2: {  	[smem:$0x3F96] =	sst lr;
	_ =	strace $0xD0000000  }
0x3: {  	_ = 	snop  }
0x4: {  	_ = 	snop  }
0x5: {  	_ = 	snop  }
0x6: {  	_ = 	snop  }
0x7: {  	_ = 	snop  }
__scs_overlays_trampoline_lowered:
0x8: {  	[smem:$0x3FA5] =	sst s0  }
0x9: {  	[smem:$0x3FA6] =	sst s1  }
0xa: {  	[smem:$0x3FA7] =	sst s2  }
0xb: {  	[smem:$0x3FA8] =	sst s3  }
0xc: {  	[smem:$0x3FA9] =	sst s4  }
0xd: {  	[smem:$0x3FAA] =	sst s5  }
0xe: {  	[smem:$0x3FAB] =	sst s6  }
0xf: {  	[smem:$0x3FAC] =	sst s7  }
0x10: {  	[smem:$0x3FAD] =	sst s8  }
0x11: {  	[smem:$0x3FAE] =	sst s9;
	s0 =	simm.s32 @!p0 $0x0  }
0x12: {  	s1 =	sld [smem:$0x3F94];
	s0 =	simm.s32 @p0 $0x1  }
0x13: {  	[smem:$0x3FAF] =	sst s0;
	s0 =	simm.s32 @!p1 $0x0  }
0x14: {  	s2 =	sld [smem:$0x3F93];
	s0 =	simm.s32 @p1 $0x1  }
0x15: {  	[smem:$0x3FB0] =	sst s0;
	s0 =	simm.s32 @!p2 $0x0  }
0x16: {  	s3 =	sld [smem:$0x3FDB];
	s0 =	simm.s32 @p2 $0x1  }
0x17: {  	s4 =	simm.s32 $0x1BF5;
	[smem:$0x3FB2] =	sst s0  }
0x18: {  	s0 =	sld [smem:$0x3F95];
	_ =	swait.ge [sflag:s4], $0x0  }
0x19: {  	s7 =	sld [smem:$0x3F96]  }
0x1a: {  	s8 =	sadd.s32 $0xFFFFE003, lr  }
0x1b: {  	s9 =	sadd.s32 $0xFFFFFEF7, lr;
	s5 =	simm.s32 $0xFFFFFFFF;
	p2 =	slt.u32 s8, $0xFFFFF086  }
0x1c: {  	p1 =	slt.u32 s9, $0xF7A;
	s5 =	simm.s32 @!p2 $0x0  }
0x1d: {  	s5 =	simm.s32 @p1 $0x1;
	p0 =	seq.s32 s7, s2  }
0x1e: {  	s7 =	smul.u32 @!p0 $0xF7A, s2;
	p2 =	seq.s32 @!p0 s5, $0x0  }
0x1f: {  	s9 =	smul.u32 $0xF7A, s1;
	s8 =	simm.s32 @!p0 $0x1BF5;
	p2 =	por !p2, p0  }
0x20: {  	[sflag:s8] =	ssyncset.s32 @!p0 $0xFFFFF086;
	s6 =	sadd.s32 @!p0 s3, s7;
	s7 =	simm.s32 @!p0 $0x108  }
0x21: {  	s3 =	sadd.s32 s3, s9;
	s6 =	sadd.s32 @!p0 $0x88, s6;
	s7 =	simm.s32 @p2 $0x1082  }
0x22: {  	[simem:s7], [sflag:s8] =	dma.local @!p0 [hbm:s6], $0xF7A  }
0x23: {  	s9 =	sor.u32 $0xD0000000, s2;
	s6 =	simm.s32 $0x108;
	_ =	swait.ge @!p0 [sflag:s8], $0x0  }
0x24: {  	s3 =	sadd.s32 $0x88, s3;
	s6 =	simm.s32 @!p1 $0x1082;
	[sflag:s4] =	ssyncset.s32 $0xFFFFF086  }
0x25: {  	[simem:s6], [sflag:s4] =	dma.local [hbm:s3], $0xF7A  }
0x26: {  	[smem:$0x3F96] =	sst s1;
	(tag) =	ssettag s2;
	_ =	strace s9  }
0x27: {  	s1 =	sld [smem:$0x3FA6]  }
0x28: {  	s2 =	sld [smem:$0x3FA7]  }
0x29: {  	s4 =	sld [smem:$0x3FA9]  }
0x2a: {  	p0 =	seq.s32 s5, $0x0;
	s5 =	sld [smem:$0x3FAA]  }
0x2b: {  	s6 =	sld [smem:$0x3FAB]  }
0x2c: {  	s7 =	sld [smem:$0x3FAC]  }
0x2d: {  	s3 =	simm.s32 $0x108;
	s8 =	sld [smem:$0x3FAD]  }
0x2e: {  	s3 =	simm.s32 @!p0 $0x1082;
	s9 =	sld [smem:$0x3FAE]  }
0x2f: {  	lr =	sadd.s32 s0, s3;
	s0 =	sld [smem:$0x3FA5]  }
0x30: {  	s3 =	sld [smem:$0x3FA8]  }
0x31: {  	[smem:$0x3FB1] =	sst s10  }
0x32: {  	s10 =	sld [smem:$0x3FAF];
	_ =	sdelay $0x3  }
0x33: {  	p0 =	seq.s32 s10, $0x1;
	s10 =	sld [smem:$0x3FB1];
	_ =	sdelay $0x3  }
0x34: {  	[smem:$0x3FB1] =	sst s10  }
0x35: {  	s10 =	sld [smem:$0x3FB0];
	_ =	sdelay $0x3  }
0x36: {  	p1 =	seq.s32 s10, $0x1;
	s10 =	sld [smem:$0x3FB1];
	_ =	sdelay $0x3  }
0x37: {  	[smem:$0x3FB1] =	sst s10  }
0x38: {  	s10 =	sld [smem:$0x3FB2]  }
0x39: {  	_ = 	snop;
	(pc) =	sbr.ind lr, $3  }
0x3a: {  	_ = 	snop  }
0x3b: {  	_ = 	snop  }
0x3c: {  	p2 =	seq.s32 s10, $0x1;
	s10 =	sld [smem:$0x3FB1]  }
0x3d: {  	_ =	shalt  }
0x3e: {  	_ =	shalt  }
0x3f: {  	_ =	shalt  }
0x40: {  	_ =	shalt  }
0x41: {  	_ =	shalt  }
0x42: {  	_ =	shalt  }
0x43: {  	_ =	shalt  }
0x44: {  	_ =	shalt  }
0x45: {  	_ =	shalt  }
0x46: {  	_ =	shalt  }
0x47: {  	_ =	shalt  }
0x48: {  	_ =	shalt  }
0x49: {  	_ =	shalt  }
0x4a: {  	_ =	shalt  }
0x4b: {  	_ =	shalt  }
0x4c: {  	_ =	shalt  }
0x4d: {  	_ =	shalt  }
0x4e: {  	_ =	shalt  }
0x4f: {  	_ =	shalt  }
0x50: {  	_ =	shalt  }
0x51: {  	_ =	shalt  }
0x52: {  	_ =	shalt  }
0x53: {  	_ =	shalt  }
0x54: {  	_ =	shalt  }
0x55: {  	_ =	shalt  }
0x56: {  	_ =	shalt  }
0x57: {  	_ =	shalt  }
0x58: {  	_ =	shalt  }
0x59: {  	_ =	shalt  }
0x5a: {  	_ =	shalt  }
0x5b: {  	_ =	shalt  }
0x5c: {  	_ =	shalt  }
0x5d: {  	_ =	shalt  }
0x5e: {  	_ =	shalt  }
0x5f: {  	_ =	shalt  }
0x60: {  	_ =	shalt  }
0x61: {  	_ =	shalt  }
0x62: {  	_ =	shalt  }
0x63: {  	_ =	shalt  }
0x64: {  	_ =	shalt  }
0x65: {  	_ =	shalt  }
0x66: {  	_ =	shalt  }
0x67: {  	_ =	shalt  }
0x68: {  	_ =	shalt  }
0x69: {  	_ =	shalt  }
0x6a: {  	_ =	shalt  }
0x6b: {  	_ =	shalt  }
0x6c: {  	_ =	shalt  }
0x6d: {  	_ =	shalt  }
0x6e: {  	_ =	shalt  }
0x6f: {  	_ =	shalt  }
0x70: {  	_ =	shalt  }
0x71: {  	_ =	shalt  }
0x72: {  	_ =	shalt  }
0x73: {  	_ =	shalt  }
0x74: {  	_ =	shalt  }
0x75: {  	_ =	shalt  }
0x76: {  	_ =	shalt  }
0x77: {  	_ =	shalt  }
0x78: {  	_ =	shalt  }
0x79: {  	_ =	shalt  }
0x7a: {  	_ =	shalt  }
0x7b: {  	_ =	shalt  }
0x7c: {  	_ =	shalt  }
0x7d: {  	_ =	shalt  }
0x7e: {  	_ =	shalt  }
0x7f: {  	_ =	shalt  }
0x80: {  	_ =	shalt  }
0x81: {  	_ =	shalt  }
0x82: {  	_ =	shalt  }
0x83: {  	_ =	shalt  }
0x84: {  	_ =	shalt  }
0x85: {  	_ =	shalt  }
0x86: {  	_ =	shalt  }
0x87: {  	_ =	shalt  }
.Lfunc_end0:
.L_simem_size_0:
called_computation.3_lowered:
.L_overlay_start_0:
0x88: {  	s2 =	sld [smem:$0x3FD9]  }
0x89: {  	s3 =	sld [smem:$0x3FFE];
	_ =	sdelay $0x1  }
0x8a: {  	s1 =	srdreg.scid  }
0x8b: {  	s0 =	sand.u32 $0x1, s1  }
0x8c: {  	s17 =	sshll.u32 s0, $0xA;
	s2 =	sadd.s32 s3, s2  }
0x8d: {  	s2 =	sadd.s32 s2, s17  }
0x8e: {  	[smem:$0x3FBD] =	sst s2  }
0x8f: {  	_ = 	snop  }
0x90: {  	s2 =	sld [smem:$0x3FC7]  }
0x91: {  	s18 =	sld [smem:$0x3FC5]  }
0x92: {  	s4 =	sld [smem:$0x3FC4];
	(tm) =	ssettm $0x1  }
0x93: {  	s5 =	sld [smem:$0x3FFB];
	_ =	sdelay $0x3  }
0x94: {  	_ =	strace s5  }
0x95: {  	s5 =	sld [smem:$0x3FFC];
	_ =	sdelay $0x3  }
0x96: {  	_ =	strace s5  }
0x97: {  	s5 =	sld [smem:$0x3FFD];
	_ =	sdelay $0x3  }
0x98: {  	_ =	strace s5  }
0x99: {  	_ =	strace $0x8FFFFFFF  }
0x9a: {  	s19 =	sld [smem:$0x3FDB];
	_ =	sdelay $0x1  }
0x9b: {  	s6 =	simm.s32 $_scs_section_size  }
0x9c: {  	s7 =	simm.s32 $_size__tile_overlayer_lowered;
	s8 =	simm.s32 $_tile_overlayer_lowered  }
0x9d: {  	s22 =	simm.s32 $0x1BFF;
	s21 =	sshll.u32 s8, $0x1;
	s5 =	sadd.s32 s6, s19  }
0x9e: {  	s9 =	simm.s32 $0x0;
	s20 =	sshll.u32 s7, $0x1;
	s7 =	sadd.s32 s21, s5  }
0x9f: {  	[timem:s9], [sflag:s22] =	dma.local [hbm:s7], s20  }
0xa0: {  	_ =	swait.ge [sflag:s22], s20  }
0xa1: {  	s6 =	ssub.s32 $0x0, s20;
	[sflag:s22] =	ssyncset.done $0x0  }
0xa2: {  	[sflag:s22] =	ssyncadd.s32 s6;
	_ =	sdelay $0x1  }
0xa3: {  	s23 =	simm.s32 $0x1B8B  }
0xa4: {  	_ =	swait.ge [sflag:s23], $0x1  }
0xa5: {  	[sflag:s23] =	ssyncset.done $0x0  }
0xa6: {  	s25 =	simm.s32 $0x1B8E;
	s24 =	sld [smem:$0x3FFE];
	[sflag:s23] =	ssyncadd.s32 $0xFFFFFFFF  }
0xa7: {  	s26 =	simm.s32 $execute0_lowered;
	[smem:$0x3FD2] =	sst s25  }
0xa8: {  	s7 =	sshll.u32 s26, $0x1;
	_ =	strace $0x8000004F;
	[dreg:$0x1] =	wrdreg $0xFFFFFFFF  }
0xa9: {  	s28 =	simm.s32 $_size_execute0_lowered;
	s5 =	sadd.s32 s5, s7;
	[dreg:$0x0] =	wrdreg $0x0  }
0xaa: {  	s7 =	sshll.u32 s28, $0x1;
	[dreg:$0x2] =	wrdreg s5  }
0xab: {  	[dreg:$0x3] =	wrdreg s7  }
0xac: {  	[dreg:$0x4] =	wrdreg $0xC0  }
0xad: {  	_ =	task [dreg:s9], $0x5FFFF  }
0xae: {  	[dreg:$0x1] =	wrdreg $0xFFFFFFFF  }
0xaf: {  	[dreg:$0x0] =	wrdreg $0x60  }
0xb0: {  	[dreg:$0x2] =	wrdreg s24  }
0xb1: {  	[dreg:$0x3] =	wrdreg s2  }
0xb2: {  	[dreg:$0x4] =	wrdreg s4  }
0xb3: {  	[dreg:$0x5] =	wrdreg s18  }
0xb4: {  	[dreg:$0x6] =	wrdreg $0x9  }
0xb5: {  	_ =	task.clear_ibuf [dreg:s9], $0x7FFFF;
	_ =	strace $0x9000004F  }
0xb6: {  	s29 =	simm.s32 $0x9;
	_ =	strace $0x80000051  }
0xb7: {  	_ =	swait.ge [sflag:s29], $0x1  }
0xb8: {  	[sflag:s29] =	ssyncadd.s32 $0xFFFFFFFF  }
0xb9: {  	_ =	strace $0x90000051  }
0xba: {  	_ =	sfence  }
0xbb: {  	s30 =	sld [smem:$0x0];
	_ =	sdelay $0x2  }
0xbc: {  	s31 =	sshll.u32 s1, $0xD;
	s1 =	sshrl.u32 s1, $0x2  }
0xbd: {  	s3 =	sand.u32 $0x4000, s31;
	s1 =	sadd.s32 s1, s30  }
0xbe: {  	s0 =	sor.u32 s3, s0;
	s1 =	sshll.u32 s1, $0x11  }
0xbf: {  	s0 =	sor.u32 s1, s0  }
0xc0: {  	s0 =	sadd.s32 $0x8F2B, s0  }
0xc1: {  	[sflag:s0] =	ssyncadd.remote.s32 $0x1  }
0xc2: {  	_ =	sfence.sel $0xFFFF  }
0xc3: {  	[dreg:$0x0] =	wrdreg $0xFFFFFFFF;
	(pc) =	sbr.abs _section_cstart, $3  }
0xc4: {  	[dreg:$0x1] =	wrdreg $0xFFFFFFFF  }
0xc5: {  	_ =	task.clear_ibuf [dreg:s9], $0x2FFFF;
	_ =	strace $0x9FFFFFFF  }
0xc6: {  	(tm) =	ssettm $0x7FFFFFFF  }
0xc7: {  	_ =	shalt  }
tec
execute0_lowered:
.L_overlay_start_1:
0x0: {  	(tag) =	ssettag $0x1  }
0x1: {  	s0 =	rddreg [dreg:$0x0]  }
0x2: {  	s1 =	srdreg.scid;
	s2 =	rddreg [dreg:$0x2]  }
0x3: {  	s7 =	rddreg [dreg:$0x3];
	s15 =	stileid.u32  }
0x4: {  	s3 =	simm.s32 $0x0;
	s29 =	simm.s32 $0xB00;
	s30 =	simm.s32 $0x80  }
0x5: {  	s31 =	simm.s32 $0xC00;
	s1 =	sand.u32 $0x1, s1;
	[smem:$0x7FF] =	sst s3  }
0x6: {  	s5 =	sadd.s32 $0x2AC00, s0;
	s10 =	sadd.s32 $0x3DC00, s0;
	s11 =	sadd.s32 $0x5DC00, s0  }
0x7: {  	s4 =	sshll.u32 s1, $0x4;
	_ =	strace $0x80000050;
	s12 =	ssub.s32 $0x2, s1  }
0x8: {  	s8 =	sor.u32 s15, s4;
	s4 =	sadd.s32 $0x3A00, s0;
	s13 =	sshrl.u32 s12, $0x1  }
0x9: {  	s6 =	smul.u32 $0x180, s8;
	s14 =	sshll.u32 s8, $0x5;
	s12 =	ssub.s32 s12, s13  }
0xa: {  	s20 =	sshll.u32 s8, $0xC;
	s8 =	smul.u32 $0x50000, s8;
	s13 =	simm.s32 $0x7  }
0xb: {  	s2 =	sadd.s32 s2, s14;
	s7 =	sadd.s32 s7, s14;
	s21 =	sadd.s32 s11, s20  }
0xc: {  	s22 =	sor.u32 $0x800, s20;
	s17 =	smax.u32 s12, $0x1;
	[dreg:$0x5] =	wrdreg s2  }
0xd: {  	s12 =	simm.s32 $0x4;
	s9 =	sadd.s32 s6, s0;
	[dreg:$0x7] =	wrdreg s7  }
0xe: {  	s6 =	sadd.s32 $0x144C00, s0;
	s0 =	sadd.s32 $0x7DC00, s0;
	[dreg:$0x8] =	wrdreg s21  }
0xf: {  	s23 =	sadd.s32 s11, s22;
	s24 =	sor.u32 $0x4000, s8;
	s25 =	sor.u32 $0x8000, s8  }
0x10: {  	s26 =	sor.u32 $0xC000, s8;
	s2 =	sadd.s32 s10, s20;
	s14 =	sadd.s32 s10, s22  }
0x11: {  	s16 =	sshrl.u32 s8, $0x3;
	[dreg:$0xe] =	wrdreg s17;
	s8 =	simm.s32 $0x6  }
0x12: {  	s10 =	simm.s32 $0xCC00;
	s11 =	simm.s32 $0x3;
	[dreg:$0x9] =	wrdreg s23  }
0x13: {  	s19 =	sadd.s32 $0x3AC00, s9;
	s28 =	sadd.s32 s0, s20;
	[dreg:$0xc] =	wrdreg s2  }
0x14: {  	s0 =	sadd.s32 s0, s22;
	[dreg:$0xd] =	wrdreg s14;
	s18 =	sadd.s32 s6, s16  }
0x15: {  	s21 =	sshrl.u32 s24, $0x3;
	s22 =	smul.u32 $0x50000, s15;
	[dreg:$0x6] =	wrdreg s19  }
0x16: {  	s23 =	sshrl.u32 s25, $0x3;
	s24 =	sshrl.u32 s26, $0x3;
	[dreg:$0xa] =	wrdreg s28  }
0x17: {  	s9 =	simm.s32 $0x8C00;
	s14 =	simm.s32 $0x8;
	[dreg:$0xb] =	wrdreg s0  }
0x18: {  	s15 =	simm.s32 $0xB80;
	[dreg:$0xf] =	wrdreg s18;
	s20 =	sadd.s32 $0x9800, s18  }
0x19: {  	s19 =	smul.u32 $0x500000, s1;
	s1 =	sadd.s32 s6, s21;
	[dreg:$0x10] =	wrdreg s20  }
0x1a: {  	s16 =	simm.s32 $0x0;
	s25 =	sadd.s32 s6, s24;
	[dreg:$0x11] =	wrdreg s1  }
0x1b: {  	s1 =	sadd.s32 s6, s23;
	[dreg:$0x13] =	wrdreg s25;
	s0 =	sadd.s32 s22, s19  }
0x1c: {  	[dreg:$0x12] =	wrdreg s1;
	s26 =	sadd.s32 $0x1C000, s0;
	s2 =	sadd.s32 $0x18000, s0  }
.Ltmp0:
0x1d: {  	s28 =	sadd.s32 $0x14000, s0;
	s18 =	sadd.s32 $0x10000, s0;
	(pc) =	sbr.rel .LBB2_1-.Ltmp0, $4  }
0x1e: {  	s0 =	simm.s32 $0x2;
	s1 =	sshrl.u32 s26, $0x3;
	s2 =	sshrl.u32 s2, $0x3  }
0x1f: {  	s7 =	sshrl.u32 s28, $0x3;
	s26 =	simm.s32 $0x9;
	s1 =	sadd.s32 s1, s6  }
0x20: {  	s17 =	sadd.s32 s2, s6;
	s19 =	sadd.s32 s7, s6;
	s2 =	simm.s32 $0x1  }
0x21: {  	s7 =	simm.s32 $0x5;
	[dreg:$0x14] =	wrdreg s1;
	s1 =	simm.s32 $0x4C00  }
.LBB2_4:
0x22: {  	_ =	swait.ge [sflag:s12], $0x4000  }
0x23: {  	[sflag:s12] =	ssyncset.done $0x0  }
0x24: {  	s20 =	rddreg [dreg:$0x10];
	[sflag:s12] =	ssyncadd.s32 $0xFFFFC000  }
0x25: {  	[hbm4b:s20+s3] =	stream.linear.scatter [tilespmem:s10], [sflag:$0x8], $0x4000, $0x38;
	[tilespmem:$0x10C00] =	vst v63  }
0x26: {  	_ =	swait.ge [sflag:s7], $0x4000  }
0x27: {  	[sflag:s7] =	ssyncset.done $0x0  }
0x28: {  	[sflag:s7] =	ssyncadd.s32 $0xFFFFC000  }
0x29: {  	_ =	swait.ge [sflag:s8], $0x4000  }
0x2a: {  	[sflag:s8] =	ssyncset.done $0x0  }
0x2b: {  	[sflag:s8] =	ssyncadd.s32 $0xFFFFC000  }
0x2c: {  	_ =	swait.ge [sflag:s13], $0x4000  }
0x2d: {  	[sflag:s13] =	ssyncset.done $0x0  }
0x2e: {  	[sflag:s13] =	ssyncadd.s32 $0xFFFFC000  }
0x2f: {  	_ =	swait.ge [sflag:s14], $0x4000  }
0x30: {  	[sflag:s14] =	ssyncset.done $0x0  }
0x31: {  	[sflag:s14] =	ssyncadd.s32 $0xFFFFC000  }
0x32: {  	s21 =	rddreg [dreg:$0x1]  }
0x33: {  	[tilespmem:s31], [sflag:$0x1] =	stream.indirect.gather [hbm4b:s21+s30], $0x80, s29, s30, $0xb8;
	[tilespmem:$0x10C00] =	vst v63  }
0x34: {  	_ = 	snop  }
0x35: {  	[tilespmem:s1], [sflag:$0x2] =	stream.indirect.gather [hbm4b:s21+s30], $0x80, s15, s30, $0xb8;
	[tilespmem:$0x10C00] =	vst v63  }
0x36: {  	_ =	swait.ge [sflag:s2], $0x4000  }
0x37: {  	[sflag:s2] =	ssyncset.done $0x0  }
0x38: {  	s22 =	rddreg [dreg:$0xa];
	[sflag:s2] =	ssyncadd.s32 $0xFFFFC000  }
0x39: {  	[hbm4b:s22+s3] =	stream.linear.scatter [tilespmem:s31], [sflag:$0x5], $0x4000, $0x38;
	[tilespmem:$0x10C00] =	vst v63  }
0x3a: {  	_ =	swait.ge [sflag:s0], $0x4000  }
0x3b: {  	[sflag:s0] =	ssyncset.done $0x0  }
0x3c: {  	s23 =	rddreg [dreg:$0xb];
	[sflag:s0] =	ssyncadd.s32 $0xFFFFC000  }
0x3d: {  	[hbm4b:s23+s3] =	stream.linear.scatter [tilespmem:s1], [sflag:$0x6], $0x4000, $0x38;
	[tilespmem:$0x10C00] =	vst v63  }
0x3e: {  	_ =	swait.ge [sflag:s7], $0x4000  }
0x3f: {  	[sflag:s7] =	ssyncset.done $0x0  }
0x40: {  	[sflag:s7] =	ssyncadd.s32 $0xFFFFC000  }
0x41: {  	_ =	swait.ge [sflag:s8], $0x4000  }
0x42: {  	[sflag:s8] =	ssyncset.done $0x0  }
0x43: {  	[sflag:s8] =	ssyncadd.s32 $0xFFFFC000  }
0x44: {  	[tilespmem:s31], [sflag:$0x1] =	stream.indirect.gather [hbm4b:s5+s30], $0x80, s29, s30, $0xb8;
	[tilespmem:$0x10C00] =	vst v63  }
0x45: {  	_ = 	snop  }
0x46: {  	[tilespmem:s1], [sflag:$0x2] =	stream.indirect.gather [hbm4b:s5+s30], $0x80, s15, s30, $0xb8;
	[tilespmem:$0x10C00] =	vst v63  }
0x47: {  	_ =	swait.ge [sflag:s2], $0x4000  }
0x48: {  	[sflag:s2] =	ssyncset.done $0x0  }
0x49: {  	s24 =	rddreg [dreg:$0xc];
	[sflag:s2] =	ssyncadd.s32 $0xFFFFC000  }
0x4a: {  	[hbm4b:s24+s3] =	stream.linear.scatter [tilespmem:s31], [sflag:$0x5], $0x4000, $0x38;
	[tilespmem:$0x10C00] =	vst v63  }
0x4b: {  	_ =	swait.ge [sflag:s0], $0x4000  }
0x4c: {  	[sflag:s0] =	ssyncset.done $0x0  }
0x4d: {  	s25 =	rddreg [dreg:$0xd];
	[sflag:s0] =	ssyncadd.s32 $0xFFFFC000  }
0x4e: {  	[hbm4b:s25+s3] =	stream.linear.scatter [tilespmem:s1], [sflag:$0x6], $0x4000, $0x38;
	[tilespmem:$0x10C00] =	vst v63  }
0x4f: {  	_ =	swait.ge [sflag:s7], $0x4000  }
0x50: {  	[sflag:s7] =	ssyncset.done $0x0  }
0x51: {  	[sflag:s7] =	ssyncadd.s32 $0xFFFFC000  }
0x52: {  	_ =	swait.ge [sflag:s8], $0x4000  }
0x53: {  	s16 =	sadd.s32 $0x1, s16;
	s28 =	rddreg [dreg:$0xe]  }
0x54: {  	p0 =	sne.s32 s16, s28  }
.Ltmp1:
0x55: {  	_ = 	snop;
	(pc) =	sbr.rel @!p0 .LBB2_5-.Ltmp1, $3  }
0x56: {  	_ =	sdelay $0x1  }
0x57: {  	[sflag:s8] =	ssyncset.done $0x0  }
0x58: {  	[sflag:s8] =	ssyncadd.s32 $0xFFFFC000  }
.LBB2_1:
0x59: {  	s20 =	rddreg [dreg:$0x5]  }
0x5a: {  	[tilespmem:s3], [sflag:$0x9] =	stream.linear.gather [hbm4b:s20+s3], $0x100, $0x38;
	[tilespmem:$0x10C00] =	vst v63  }
0x5b: {  	_ =	swait.ge [sflag:s26], $0x100  }
0x5c: {  	[sflag:s26] =	ssyncset.done $0x0  }
0x5d: {  	s21 =	simm.s32 $0x100;
	s25 =	rddreg [dreg:$0x6];
	[sflag:s26] =	ssyncadd.s32 $0xFFFFFF00  }
0x5e: {  	[tilespmem:s21], [sflag:$0x9] =	stream.linear.gather [hbm4b:s25+s3], $0xA00, $0x38;
	[tilespmem:$0x10C00] =	vst v63  }
0x5f: {  	_ =	swait.ge [sflag:s26], $0xA00  }
0x60: {  	[sflag:s26] =	ssyncset.done $0x0  }
0x61: {  	s28 =	rddreg [dreg:$0x7];
	[sflag:s26] =	ssyncadd.s32 $0xFFFFF600  }
0x62: {  	[tilespmem:s29], [sflag:$0x9] =	stream.linear.gather [hbm4b:s28+s3], $0x100, $0x38;
	[tilespmem:$0x10C00] =	vst v63  }
0x63: {  	_ =	swait.ge [sflag:s26], $0x100  }
0x64: {  	[sflag:s26] =	ssyncset.done $0x0  }
0x65: {  	[sflag:s26] =	ssyncadd.s32 $0xFFFFFF00  }
0x66: {  	[tilespmem:s31], [sflag:$0x1] =	stream.indirect.gather [hbm4b:s4+s30], $0x80, s3, s30, $0xb8;
	[tilespmem:$0x10C00] =	vst v63  }
0x67: {  	_ = 	snop  }
0x68: {  	[tilespmem:s1], [sflag:$0x2] =	stream.indirect.gather [hbm4b:s4+s30], $0x80, s30, s30, $0xb8;
	[tilespmem:$0x10C00] =	vst v63  }
0x69: {  	_ =	swait.ge [sflag:s2], $0x4000  }
0x6a: {  	[sflag:s2] =	ssyncset.done $0x0  }
0x6b: {  	s22 =	rddreg [dreg:$0x8];
	[sflag:s2] =	ssyncadd.s32 $0xFFFFC000  }
0x6c: {  	[hbm4b:s22+s3] =	stream.linear.scatter [tilespmem:s31], [sflag:$0x5], $0x4000, $0x38;
	[tilespmem:$0x10C00] =	vst v63  }
0x6d: {  	_ =	swait.ge [sflag:s0], $0x4000  }
0x6e: {  	[sflag:s0] =	ssyncset.done $0x0  }
0x6f: {  	s23 =	rddreg [dreg:$0x9];
	[sflag:s0] =	ssyncadd.s32 $0xFFFFC000  }
0x70: {  	[hbm4b:s23+s3] =	stream.linear.scatter [tilespmem:s1], [sflag:$0x6], $0x4000, $0x38;
	[tilespmem:$0x10C00] =	vst v63  }
0x71: {  	_ =	swait.ge [sflag:s7], $0x4000  }
0x72: {  	[sflag:s7] =	ssyncset.done $0x0  }
0x73: {  	[sflag:s7] =	ssyncadd.s32 $0xFFFFC000  }
0x74: {  	_ =	swait.ge [sflag:s8], $0x4000  }
0x75: {  	[sflag:s8] =	ssyncset.done $0x0  }
0x76: {  	[sflag:s8] =	ssyncadd.s32 $0xFFFFC000  }
0x77: {  	[tilespmem:s31], [sflag:$0x1] =	stream.indirect.gather [hbm4b:s4+s30], $0x80, s21, s30, $0xb8;
	[tilespmem:$0x10C00] =	vst v63  }
0x78: {  	s24 =	simm.s32 $0x180  }
0x79: {  	[tilespmem:s1], [sflag:$0x2] =	stream.indirect.gather [hbm4b:s4+s30], $0x80, s24, s30, $0xb8;
	[tilespmem:$0x10C00] =	vst v63  }
0x7a: {  	_ =	swait.ge [sflag:s2], $0x4000  }
0x7b: {  	[sflag:s2] =	ssyncset.done $0x0  }
0x7c: {  	s25 =	rddreg [dreg:$0xf];
	[sflag:s2] =	ssyncadd.s32 $0xFFFFC000  }
0x7d: {  	[hbm4b:s25+s3] =	stream.linear.scatter [tilespmem:s31], [sflag:$0x5], $0x4000, $0x38;
	[tilespmem:$0x10C00] =	vst v63  }
0x7e: {  	s28 =	simm.s32 $0x200  }
0x7f: {  	[tilespmem:s9], [sflag:$0x3] =	stream.indirect.gather [hbm4b:s4+s30], $0x80, s28, s30, $0xb8;
	[tilespmem:$0x10C00] =	vst v63  }
0x80: {  	_ =	swait.ge [sflag:s0], $0x4000  }
0x81: {  	[sflag:s0] =	ssyncset.done $0x0  }
0x82: {  	s21 =	rddreg [dreg:$0x11];
	[sflag:s0] =	ssyncadd.s32 $0xFFFFC000  }
0x83: {  	[hbm4b:s21+s3] =	stream.linear.scatter [tilespmem:s1], [sflag:$0x6], $0x4000, $0x38;
	[tilespmem:$0x10C00] =	vst v63  }
0x84: {  	s22 =	simm.s32 $0x280  }
0x85: {  	[tilespmem:s10], [sflag:$0x4] =	stream.indirect.gather [hbm4b:s4+s30], $0x80, s22, s30, $0xb8;
	[tilespmem:$0x10C00] =	vst v63  }
0x86: {  	_ =	swait.ge [sflag:s11], $0x4000  }
0x87: {  	[sflag:s11] =	ssyncset.done $0x0  }
0x88: {  	s23 =	rddreg [dreg:$0x12];
	[sflag:s11] =	ssyncadd.s32 $0xFFFFC000  }
0x89: {  	[hbm4b:s23+s3] =	stream.linear.scatter [tilespmem:s9], [sflag:$0x7], $0x4000, $0x38;
	[tilespmem:$0x10C00] =	vst v63  }
0x8a: {  	_ =	swait.ge [sflag:s7], $0x4000  }
0x8b: {  	[sflag:s7] =	ssyncset.done $0x0  }
0x8c: {  	s24 =	simm.s32 $0x300;
	[sflag:s7] =	ssyncadd.s32 $0xFFFFC000  }
0x8d: {  	[tilespmem:s31], [sflag:$0x1] =	stream.indirect.gather [hbm4b:s4+s30], $0x80, s24, s30, $0xb8;
	[tilespmem:$0x10C00] =	vst v63  }
0x8e: {  	_ =	swait.ge [sflag:s12], $0x4000  }
0x8f: {  	[sflag:s12] =	ssyncset.done $0x0  }
0x90: {  	s25 =	rddreg [dreg:$0x13];
	[sflag:s12] =	ssyncadd.s32 $0xFFFFC000  }
0x91: {  	[hbm4b:s25+s3] =	stream.linear.scatter [tilespmem:s10], [sflag:$0x8], $0x4000, $0x38;
	[tilespmem:$0x10C00] =	vst v63  }
0x92: {  	s28 =	simm.s32 $0x380;
	s21 =	simm.s32 $0x0;
	_ =	swait.ge [sflag:s8], $0x4000  }
0x93: {  	s23 =	smov.u32 s17;
	s24 =	smov.u32 s19;
	[sflag:s8] =	ssyncset.done $0x0  }
0x94: {  	s25 =	smov.u32 s18;
	s22 =	rddreg [dreg:$0x14];
	[sflag:s8] =	ssyncadd.s32 $0xFFFFC000  }
0x95: {  	[tilespmem:s1], [sflag:$0x2] =	stream.indirect.gather [hbm4b:s4+s30], $0x80, s28, s30, $0xb8;
	[tilespmem:$0x10C00] =	vst v63  }
.LBB2_2:
0x96: {  	_ =	swait.ge [sflag:s2], $0x4000  }
0x97: {  	s28 =	sshrl.u32 s25, $0x3;
	[sflag:s2] =	ssyncset.done $0x0  }
0x98: {  	s28 =	sadd.s32 s6, s28;
	[sflag:s2] =	ssyncadd.s32 $0xFFFFC000  }
0x99: {  	[hbm4b:s28+s3] =	stream.linear.scatter [tilespmem:s31], [sflag:$0x5], $0x4000, $0x38;
	[tilespmem:$0x10C00] =	vst v63  }
0x9a: {  	_ =	swait.ge [sflag:s13], $0x4000  }
0x9b: {  	s28 =	sshra.s32 s21, $0x2;
	[sflag:s13] =	ssyncset.done $0x0  }
0x9c: {  	s20 =	sadd.s32 $0x400, s28;
	[sflag:s13] =	ssyncadd.s32 $0xFFFFC000  }
0x9d: {  	[tilespmem:s9], [sflag:$0x3] =	stream.indirect.gather [hbm4b:s4+s30], $0x80, s20, s30, $0xb8;
	[tilespmem:$0x10C00] =	vst v63  }
0x9e: {  	_ =	swait.ge [sflag:s0], $0x4000  }
0x9f: {  	[sflag:s0] =	ssyncset.done $0x0  }
0xa0: {  	[sflag:s0] =	ssyncadd.s32 $0xFFFFC000  }
0xa1: {  	[hbm4b:s24+s3] =	stream.linear.scatter [tilespmem:s1], [sflag:$0x6], $0x4000, $0x38;
	[tilespmem:$0x10C00] =	vst v63  }
0xa2: {  	_ =	swait.ge [sflag:s14], $0x4000  }
0xa3: {  	[sflag:s14] =	ssyncset.done $0x0  }
0xa4: {  	p0 =	seq.s32 s21, $0x1800;
	s20 =	sadd.s32 $0x480, s28;
	[sflag:s14] =	ssyncadd.s32 $0xFFFFC000  }
0xa5: {  	[tilespmem:s10], [sflag:$0x4] =	stream.indirect.gather [hbm4b:s4+s30], $0x80, s20, s30, $0xb8;
	[tilespmem:$0x10C00] =	vst v63  }
.Ltmp2:
0xa6: {  	_ = 	snop;
	(pc) =	sbr.rel @p0 .LBB2_4-.Ltmp2, $4  }
0xa7: {  	_ =	swait.ge [sflag:s11], $0x4000  }
0xa8: {  	[sflag:s11] =	ssyncset.done $0x0  }
0xa9: {  	[sflag:s11] =	ssyncadd.s32 $0xFFFFC000  }
0xaa: {  	[hbm4b:s23+s3] =	stream.linear.scatter [tilespmem:s9], [sflag:$0x7], $0x4000, $0x38;
	[tilespmem:$0x10C00] =	vst v63  }
0xab: {  	_ =	swait.ge [sflag:s7], $0x4000  }
0xac: {  	[sflag:s7] =	ssyncset.done $0x0  }
0xad: {  	s20 =	sadd.s32 $0x500, s28;
	[sflag:s7] =	ssyncadd.s32 $0xFFFFC000  }
0xae: {  	[tilespmem:s31], [sflag:$0x1] =	stream.indirect.gather [hbm4b:s4+s30], $0x80, s20, s30, $0xb8;
	[tilespmem:$0x10C00] =	vst v63  }
0xaf: {  	_ =	swait.ge [sflag:s12], $0x4000  }
0xb0: {  	[sflag:s12] =	ssyncset.done $0x0  }
0xb1: {  	[sflag:s12] =	ssyncadd.s32 $0xFFFFC000  }
0xb2: {  	[hbm4b:s22+s3] =	stream.linear.scatter [tilespmem:s10], [sflag:$0x8], $0x4000, $0x38;
	[tilespmem:$0x10C00] =	vst v63  }
.Ltmp3:
0xb3: {  	_ = 	snop;
	(pc) =	sbr.rel .LBB2_2-.Ltmp3, $4  }
0xb4: {  	s28 =	sadd.s32 $0x580, s28;
	s21 =	sadd.s32 $0x800, s21;
	_ =	swait.ge [sflag:s8], $0x4000  }
0xb5: {  	s23 =	sadd.s32 $0x2000, s23;
	s24 =	sadd.s32 $0x2000, s24;
	[sflag:s8] =	ssyncset.done $0x0  }
0xb6: {  	s25 =	sadd.s32 $0x10000, s25;
	s22 =	sadd.s32 $0x2000, s22;
	[sflag:s8] =	ssyncadd.s32 $0xFFFFC000  }
0xb7: {  	[tilespmem:s1], [sflag:$0x2] =	stream.indirect.gather [hbm4b:s4+s30], $0x80, s28, s30, $0xb8;
	[tilespmem:$0x10C00] =	vst v63  }
.LBB2_5:
0xb8: {  	_ =	sfence.sel $0x180000  }
0xb9: {  	[bflag:$0x0] =	sbarrier.arrive $0xFFFF  }
0xba: {  	_ =	strace $0x90000050  }
0xbb: {  	s0 =	stileid.u32;
	[bflag:$0x2] =	sbarrier.arrive $0xFFFF  }
0xbc: {  	p0 =	sne.s32 s0, $0x0;
	s0 =	rddreg [dreg:$0x4]  }
0xbd: {  	s0 =	sadd.s32 @!p0 $0x100000, s0  }
0xbe: {  	[sflag:s0] =	ssyncadd.tile.s32 @!p0 $0x1;
	_ =	shalt  }
.Lfunc_end2:
_tile_overlayer_lowered:
.L_overlay_start_2:
0xbf: {  	(tag) =	ssettag $0x2  }
0xc0: {  	s0 =	rddreg [dreg:$0x0];
	s2 =	stileid.u32  }
0xc1: {  	s1 =	rddreg [dreg:$0x1];
	p0 =	sne.s32 s2, $0x0  }
0xc2: {  	s3 =	rddreg [dreg:$0x2];
	[bflag:$0x3] =	sbarrier.arrive $0xFFFF;
	s2 =	simm.s32 @!p0 $0x1C09  }
0xc3: {  	[timem:s3], [sflag:s2] =	dma.local @!p0 [hbm:s0], s1  }
0xc4: {  	s0 =	simm.s32 @!p0 $0x9  }
0xc5: {  	_ =	swait.ge @!p0 [sflag:s0], s1  }
0xc6: {  	s1 =	ssub.s32 @!p0 $0x0, s1;
	[sflag:s0] =	ssyncset.done @!p0 $0x0  }
0xc7: {  	[sflag:s0] =	ssyncadd.s32 @!p0 s1  }
0xc8: {  	[bflag:$0x3] =	sbarrier.arrive $0xFFFF  }
0xc9: {  	_ =	shalt  }

</sc_bundles>
